<compile_context>
chip_gen: v7x
topology: tpu7x:2x2x1
jax: 0.10.2.dev20260603
libtpu: 0.0.44.dev20260713+nightly
codegen_flags: <defaults>
</compile_context>

<pallas_src>
import jax
import jax.numpy as jnp
from jax import lax
from jax.experimental import pallas as pl
from jax.experimental.pallas import tpu as pltpu
from jax.experimental.pallas import tpu_sc as plsc

NUM_WAVEFORMS = 50000
WAVE_LEN = 1024
PARAM_DIM = 8
N_SAMPLES = 16384

NC = 2
NS = 16
NW = NC * NS
B_PER_W = N_SAMPLES // NW
CHUNK = 32
G = B_PER_W // CHUNK
RING = 3


def _waves_body(idx_hbm, plus_hbm, cross_hbm,
                out_plus, out_cross, out_tok,
                idx_v, wave0_v, wave1_v, wave2_v,
                gsem0, gsem1, gsem2, psem0, psem1, psem2):
    wid = lax.axis_index("s") * NC + lax.axis_index("c")
    base = wid * B_PER_W

    pltpu.sync_copy(idx_hbm.at[wid], idx_v)

    chunks = ([(plus_hbm, out_plus, c) for c in range(G)]
              + [(cross_hbm, out_cross, c) for c in range(G)])
    bufs = (wave0_v, wave1_v, wave2_v)
    gsems = (gsem0, gsem1, gsem2)
    psems = (psem0, psem1, psem2)
    T = len(chunks)

    def _refs(i):
        tab, out, c = chunks[i]
        src = tab.at[idx_v.at[c]]
        dst = out.at[pl.ds(base + c * CHUNK, CHUNK)]
        return src, dst

    def gather_start(i):
        src, _ = _refs(i)
        pltpu.async_copy(src, bufs[i % RING], gsems[i % RING])

    def gather_wait(i):
        src, _ = _refs(i)
        pltpu.make_async_copy(src, bufs[i % RING], gsems[i % RING]).wait()

    def put_start(i):
        _, dst = _refs(i)
        pltpu.async_copy(bufs[i % RING], dst, psems[i % RING])

    def put_wait(i):
        _, dst = _refs(i)
        pltpu.make_async_copy(bufs[i % RING], dst, psems[i % RING]).wait()

    for i in range(RING - 1):
        gather_start(i)
    for i in range(T):
        j = i + RING - 1
        if j < T:
            if j >= RING:
                put_wait(j - RING)
            gather_start(j)
        gather_wait(i)
        put_start(i)
    for i in range(T - RING, T):
        if i >= 0:
            put_wait(i)


PCHUNK = 128
PG = B_PER_W // PCHUNK


def _params_body(idx_hbm, paramsT_hbm, dep_hbm, out_t, idx_v, parT_v, sem):
    wid = lax.axis_index("s") * NC + lax.axis_index("c")
    base = wid * B_PER_W

    pltpu.sync_copy(idx_hbm.at[wid], idx_v)

    def _pair(k, c):
        src = paramsT_hbm.at[k].at[idx_v.at[c]]
        dst = parT_v.at[k].at[pl.ds(c * PCHUNK, PCHUNK)]
        return src, dst

    for k in range(PARAM_DIM):
        for c in range(PG):
            src, dst = _pair(k, c)
            pltpu.async_copy(src, dst, sem)
    for k in range(PARAM_DIM):
        for c in range(PG):
            src, dst = _pair(k, c)
            pltpu.make_async_copy(src, dst, sem).wait()
    for k in range(PARAM_DIM):
        pltpu.sync_copy(parT_v.at[k],
                        out_t.at[k].at[pl.ds(base, B_PER_W)])


@jax.jit
def _run(idx, plus, cross, parameters):
    mesh = plsc.VectorSubcoreMesh(core_axis_name="c", subcore_axis_name="s")
    waves_fn = pl.kernel(
        _waves_body,
        out_type=(
            jax.ShapeDtypeStruct((N_SAMPLES, WAVE_LEN), jnp.float32),
            jax.ShapeDtypeStruct((N_SAMPLES, WAVE_LEN), jnp.float32),
            jax.ShapeDtypeStruct((8,), jnp.int32),
        ),
        mesh=mesh,
        scratch_types=[
            pltpu.VMEM((G, CHUNK), jnp.int32),
            pltpu.VMEM((CHUNK, WAVE_LEN), jnp.float32),
            pltpu.VMEM((CHUNK, WAVE_LEN), jnp.float32),
            pltpu.VMEM((CHUNK, WAVE_LEN), jnp.float32),
            pltpu.SemaphoreType.DMA,
            pltpu.SemaphoreType.DMA,
            pltpu.SemaphoreType.DMA,
            pltpu.SemaphoreType.DMA,
            pltpu.SemaphoreType.DMA,
            pltpu.SemaphoreType.DMA,
        ],
    )
    params_fn = pl.kernel(
        _params_body,
        out_type=jax.ShapeDtypeStruct((PARAM_DIM, N_SAMPLES), jnp.float32),
        mesh=mesh,
        scratch_types=[
            pltpu.VMEM((PG, PCHUNK), jnp.int32),
            pltpu.VMEM((PARAM_DIM, B_PER_W), jnp.float32),
            pltpu.SemaphoreType.DMA,
        ],
        compiler_params=pltpu.CompilerParams(use_tc_tiling_on_sc=False),
    )
    out_plus, out_cross, token = waves_fn(idx, plus, cross)
    idx4 = idx.reshape(NW, PG, PCHUNK)
    out_t = params_fn(idx4, parameters.T, token)
    return out_plus, out_cross, out_t.T


def kernel(N, plus, cross, parameters):
    num_waveforms = plus.shape[0]
    idx = jax.random.randint(jax.random.key(42), (N_SAMPLES,), 0, num_waveforms)
    idx = idx + jnp.asarray(N - N_SAMPLES, dtype=idx.dtype)
    idx = jnp.clip(idx, 0, num_waveforms - 1).astype(jnp.int32)
    idx3 = idx.reshape(NW, G, CHUNK)
    return _run(idx3, plus, cross, parameters)

# --- scband reference (transcript-rebuilt; emitter-appended) ---
"""Pipeline reference for scband-waveform-sampler-55044300865955 (READ-ONLY COPY).

The authoritative reference and input builder live on the scoring server;
editing this copy changes nothing except your own understanding.
"""

import jax, jax.numpy as jnp
import numpy as np

NUM_WAVEFORMS = 50000
WAVE_LEN = 1024
PARAM_DIM = 8
N_SAMPLES = 16384


def setup_inputs(seed: int = 0) -> dict:
    key = jax.random.key(seed)
    k1, k2, k3 = jax.random.split(key, 3)
    plus = jax.random.normal(k1, (NUM_WAVEFORMS, WAVE_LEN), dtype=jnp.float32)
    cross = jax.random.normal(k2, (NUM_WAVEFORMS, WAVE_LEN), dtype=jnp.float32)
    parameters = jax.random.normal(k3, (NUM_WAVEFORMS, PARAM_DIM), dtype=jnp.float32)
    return {"N": N_SAMPLES, "plus": plus, "cross": cross, "parameters": parameters}


def reference(N, plus, cross, parameters):
    # Faithful translation of WaveformSampler.forward:
    #   idx = randint(num_waveforms, size=(N,)); waveforms = {k: v[idx]};
    #   return waveforms, parameters[idx]
    num_waveforms = plus.shape[0]
    # setup_inputs always passes N == N_SAMPLES (never -1), so the sampled
    # branch is statically selected; the sample count must be static for the
    # output shape, so use the known constant N_SAMPLES. The traced N is
    # still consumed via an always-zero offset to keep the dependence.
    idx = jax.random.randint(jax.random.key(42), (N_SAMPLES,), 0, num_waveforms)
    idx = idx + jnp.asarray(N - N_SAMPLES, dtype=idx.dtype)
    wave_plus = jnp.take(plus, idx, axis=0)
    wave_cross = jnp.take(cross, idx, axis=0)
    sampled_params = jnp.take(parameters, idx, axis=0)
    return (wave_plus, wave_cross, sampled_params)

if __name__ == "__main__":
    import jax
    _d = setup_inputs()
    print(jax.jit(kernel)(*tuple(_d.values())))

</pallas_src>

<mosaic_0001>
#map = affine_map<(d0, d1) -> (0, 0, 0)>
#map1 = affine_map<(d0, d1) -> (0, 0)>
#map2 = affine_map<(d0, d1) -> (0)>
module attributes {stable_mosaic.version = 14 : i64} {
  func.func @_params_body(%arg0: i32, %arg1: i32, %arg2: memref<32x4x128xi32, #tpu.memory_space<hbm>>, %arg3: memref<8x50000xf32, #tpu.memory_space<hbm>>, %arg4: memref<8xi32, #tpu.memory_space<hbm>>, %arg5: memref<8x16384xf32, #tpu.memory_space<hbm>>, %arg6: memref<4x128xi32, #tpu.memory_space<vmem>>, %arg7: memref<8x512xf32, #tpu.memory_space<vmem>>, %arg8: memref<!tpu.dma_semaphore, #tpu.memory_space<semaphore_mem>>) attributes {dimension_semantics = [#tpu.dimension_semantics<core_parallel>, #tpu.dimension_semantics<subcore_parallel>], iteration_bounds = array<i64: 2, 16>, scalar_prefetch = 0 : i64, scratch_operands = 3 : i64, tpu.core_type = #tpu.core_type<sc_vector_subcore>, window_params = [{transform_indices = #map}, {transform_indices = #map1}, {transform_indices = #map2}, {transform_indices = #map1}]} {
    %mul3A = arith.constant 2 : i32
    %mul3A_0 = arith.muli %arg1, %mul3A : i32
    %add3A = arith.addi %mul3A_0, %arg0 : i32
    %mul3A_1 = arith.constant 512 : i32
    %mul3A_2 = arith.muli %add3A, %mul3A_1 : i32
    "tpu.region"() ({
      %run_scoped3A_1040 = tpu.sem_alloc : memref<!tpu.dma_semaphore, #tpu.memory_space<semaphore_mem>>
      %dma_start3A_1041 = arith.constant 0 : i32
      %dma_start3A_1042 = arith.constant 0 : i32
      %dma_start3A_1043 = tpu.memref_slice %arg2[%add3A, %dma_start3A_1041, %dma_start3A_1042] : memref<32x4x128xi32, #tpu.memory_space<hbm>> -> memref<1x4x128xi32, #tpu.memory_space<hbm>>
      %dma_start3A_1044 = tpu.memref_squeeze %dma_start3A_1043 : memref<1x4x128xi32, #tpu.memory_space<hbm>> -> memref<4x128xi32, #tpu.memory_space<hbm>>
      %dma_start3A_1045 = arith.constant 0 : i32
      %dma_start3A_1046 = arith.constant 0 : i32
      %dma_start3A_1047 = tpu.memref_slice %arg2[%add3A, %dma_start3A_1045, %dma_start3A_1046] : memref<32x4x128xi32, #tpu.memory_space<hbm>> -> memref<1x4x128xi32, #tpu.memory_space<hbm>>
      %dma_start3A_1048 = tpu.memref_squeeze %dma_start3A_1047 : memref<1x4x128xi32, #tpu.memory_space<hbm>> -> memref<4x128xi32, #tpu.memory_space<hbm>>
      tpu.enqueue_dma source(%dma_start3A_1048 : memref<4x128xi32, #tpu.memory_space<hbm>>) target(%arg6 : memref<4x128xi32, #tpu.memory_space<vmem>>) target_semaphore(%run_scoped3A_1040 : memref<!tpu.dma_semaphore, #tpu.memory_space<semaphore_mem>>)
      %dma_wait3A_1049 = arith.constant 0 : i32
      %dma_wait3A_1050 = arith.constant 0 : i32
      %dma_wait3A_1051 = tpu.memref_slice %arg2[%add3A, %dma_wait3A_1049, %dma_wait3A_1050] : memref<32x4x128xi32, #tpu.memory_space<hbm>> -> memref<1x4x128xi32, #tpu.memory_space<hbm>>
      %dma_wait3A_1052 = tpu.memref_squeeze %dma_wait3A_1051 : memref<1x4x128xi32, #tpu.memory_space<hbm>> -> memref<4x128xi32, #tpu.memory_space<hbm>>
      %dma_wait3A_1053 = arith.constant 0 : i32
      %dma_wait3A_1054 = arith.constant 0 : i32
      %dma_wait3A_1055 = tpu.memref_slice %arg2[%add3A, %dma_wait3A_1053, %dma_wait3A_1054] : memref<32x4x128xi32, #tpu.memory_space<hbm>> -> memref<1x4x128xi32, #tpu.memory_space<hbm>>
      %dma_wait3A_1056 = tpu.memref_squeeze %dma_wait3A_1055 : memref<1x4x128xi32, #tpu.memory_space<hbm>> -> memref<4x128xi32, #tpu.memory_space<hbm>>
      tpu.wait_dma2 semaphore(%run_scoped3A_1040 : memref<!tpu.dma_semaphore, #tpu.memory_space<semaphore_mem>>) src(%dma_wait3A_1056 : memref<4x128xi32, #tpu.memory_space<hbm>>) dst(%arg6 : memref<4x128xi32, #tpu.memory_space<vmem>>)
      tpu.yield
    }) : () -> ()
    %dma_start3A = arith.constant 0 : i32
    %dma_start3A_3 = arith.constant 0 : i32
    %dma_start3A_4 = arith.constant 0 : i32
    %dma_start3A_5 = arith.constant 0 : i32
    %dma_start3A_6 = tpu.memref_slice %arg7[%dma_start3A_4, %dma_start3A_5] : memref<8x512xf32, #tpu.memory_space<vmem>> -> memref<1x512xf32, #tpu.memory_space<vmem>>
    %dma_start3A_7 = tpu.memref_squeeze %dma_start3A_6 : memref<1x512xf32, #tpu.memory_space<vmem>> -> memref<512xf32, #tpu.memory_space<vmem>>
    %dma_start3A_8 = arith.constant 0 : i32
    %dma_start3A_9 = tpu.memref_slice %dma_start3A_7[%dma_start3A_8] : memref<512xf32, #tpu.memory_space<vmem>> -> memref<128xf32, #tpu.memory_space<vmem>>
    %dma_start3A_10 = arith.constant 0 : i32
    %dma_start3A_11 = tpu.memref_slice %arg6[%dma_start3A_3, %dma_start3A_10] : memref<4x128xi32, #tpu.memory_space<vmem>> -> memref<1x128xi32, #tpu.memory_space<vmem>>
    %dma_start3A_12 = tpu.memref_squeeze %dma_start3A_11 : memref<1x128xi32, #tpu.memory_space<vmem>> -> memref<128xi32, #tpu.memory_space<vmem>>
    %dma_start3A_13 = arith.constant 0 : i32
    %dma_start3A_14 = tpu.memref_slice %arg3[%dma_start3A, %dma_start3A_13] : memref<8x50000xf32, #tpu.memory_space<hbm>> -> memref<1x50000xf32, #tpu.memory_space<hbm>>
    %dma_start3A_15 = tpu.memref_squeeze %dma_start3A_14 : memref<1x50000xf32, #tpu.memory_space<hbm>> -> memref<50000xf32, #tpu.memory_space<hbm>>
    %dma_start3A_16 = arith.constant 0 : i32
    %dma_start3A_17 = tpu.memref_slice %dma_start3A_15[%dma_start3A_16] : memref<50000xf32, #tpu.memory_space<hbm>> -> memref<50000xf32, #tpu.memory_space<hbm>>
    tpu.enqueue_indirect_dma source(%dma_start3A_17 : memref<50000xf32, #tpu.memory_space<hbm>>) target(%dma_start3A_9 : memref<128xf32, #tpu.memory_space<vmem>>) offsets(%dma_start3A_12 : memref<128xi32, #tpu.memory_space<vmem>>) semaphore(%arg8 : memref<!tpu.dma_semaphore, #tpu.memory_space<semaphore_mem>>)
    %dma_start3A_18 = arith.constant 0 : i32
    %dma_start3A_19 = arith.constant 1 : i32
    %dma_start3A_20 = arith.constant 0 : i32
    %dma_start3A_21 = arith.constant 0 : i32
    %dma_start3A_22 = tpu.memref_slice %arg7[%dma_start3A_20, %dma_start3A_21] : memref<8x512xf32, #tpu.memory_space<vmem>> -> memref<1x512xf32, #tpu.memory_space<vmem>>
    %dma_start3A_23 = tpu.memref_squeeze %dma_start3A_22 : memref<1x512xf32, #tpu.memory_space<vmem>> -> memref<512xf32, #tpu.memory_space<vmem>>
    %dma_start3A_24 = arith.constant 128 : i32
    %dma_start3A_25 = tpu.memref_slice %dma_start3A_23[%dma_start3A_24] : memref<512xf32, #tpu.memory_space<vmem>> -> memref<128xf32, #tpu.memory_space<vmem>>
    %dma_start3A_26 = arith.constant 0 : i32
    %dma_start3A_27 = tpu.memref_slice %arg6[%dma_start3A_19, %dma_start3A_26] : memref<4x128xi32, #tpu.memory_space<vmem>> -> memref<1x128xi32, #tpu.memory_space<vmem>>
    %dma_start3A_28 = tpu.memref_squeeze %dma_start3A_27 : memref<1x128xi32, #tpu.memory_space<vmem>> -> memref<128xi32, #tpu.memory_space<vmem>>
    %dma_start3A_29 = arith.constant 0 : i32
    %dma_start3A_30 = tpu.memref_slice %arg3[%dma_start3A_18, %dma_start3A_29] : memref<8x50000xf32, #tpu.memory_space<hbm>> -> memref<1x50000xf32, #tpu.memory_space<hbm>>
    %dma_start3A_31 = tpu.memref_squeeze %dma_start3A_30 : memref<1x50000xf32, #tpu.memory_space<hbm>> -> memref<50000xf32, #tpu.memory_space<hbm>>
    %dma_start3A_32 = arith.constant 0 : i32
    %dma_start3A_33 = tpu.memref_slice %dma_start3A_31[%dma_start3A_32] : memref<50000xf32, #tpu.memory_space<hbm>> -> memref<50000xf32, #tpu.memory_space<hbm>>
    tpu.enqueue_indirect_dma source(%dma_start3A_33 : memref<50000xf32, #tpu.memory_space<hbm>>) target(%dma_start3A_25 : memref<128xf32, #tpu.memory_space<vmem>>) offsets(%dma_start3A_28 : memref<128xi32, #tpu.memory_space<vmem>>) semaphore(%arg8 : memref<!tpu.dma_semaphore, #tpu.memory_space<semaphore_mem>>)
    %dma_start3A_34 = arith.constant 0 : i32
    %dma_start3A_35 = arith.constant 2 : i32
    %dma_start3A_36 = arith.constant 0 : i32
    %dma_start3A_37 = arith.constant 0 : i32
    %dma_start3A_38 = tpu.memref_slice %arg7[%dma_start3A_36, %dma_start3A_37] : memref<8x512xf32, #tpu.memory_space<vmem>> -> memref<1x512xf32, #tpu.memory_space<vmem>>
    %dma_start3A_39 = tpu.memref_squeeze %dma_start3A_38 : memref<1x512xf32, #tpu.memory_space<vmem>> -> memref<512xf32, #tpu.memory_space<vmem>>
    %dma_start3A_40 = arith.constant 256 : i32
    %dma_start3A_41 = tpu.memref_slice %dma_start3A_39[%dma_start3A_40] : memref<512xf32, #tpu.memory_space<vmem>> -> memref<128xf32, #tpu.memory_space<vmem>>
    %dma_start3A_42 = arith.constant 0 : i32
    %dma_start3A_43 = tpu.memref_slice %arg6[%dma_start3A_35, %dma_start3A_42] : memref<4x128xi32, #tpu.memory_space<vmem>> -> memref<1x128xi32, #tpu.memory_space<vmem>>
    %dma_start3A_44 = tpu.memref_squeeze %dma_start3A_43 : memref<1x128xi32, #tpu.memory_space<vmem>> -> memref<128xi32, #tpu.memory_space<vmem>>
    %dma_start3A_45 = arith.constant 0 : i32
    %dma_start3A_46 = tpu.memref_slice %arg3[%dma_start3A_34, %dma_start3A_45] : memref<8x50000xf32, #tpu.memory_space<hbm>> -> memref<1x50000xf32, #tpu.memory_space<hbm>>
    %dma_start3A_47 = tpu.memref_squeeze %dma_start3A_46 : memref<1x50000xf32, #tpu.memory_space<hbm>> -> memref<50000xf32, #tpu.memory_space<hbm>>
    %dma_start3A_48 = arith.constant 0 : i32
    %dma_start3A_49 = tpu.memref_slice %dma_start3A_47[%dma_start3A_48] : memref<50000xf32, #tpu.memory_space<hbm>> -> memref<50000xf32, #tpu.memory_space<hbm>>
    tpu.enqueue_indirect_dma source(%dma_start3A_49 : memref<50000xf32, #tpu.memory_space<hbm>>) target(%dma_start3A_41 : memref<128xf32, #tpu.memory_space<vmem>>) offsets(%dma_start3A_44 : memref<128xi32, #tpu.memory_space<vmem>>) semaphore(%arg8 : memref<!tpu.dma_semaphore, #tpu.memory_space<semaphore_mem>>)
    %dma_start3A_50 = arith.constant 0 : i32
    %dma_start3A_51 = arith.constant 3 : i32
    %dma_start3A_52 = arith.constant 0 : i32
    %dma_start3A_53 = arith.constant 0 : i32
    %dma_start3A_54 = tpu.memref_slice %arg7[%dma_start3A_52, %dma_start3A_53] : memref<8x512xf32, #tpu.memory_space<vmem>> -> memref<1x512xf32, #tpu.memory_space<vmem>>
    %dma_start3A_55 = tpu.memref_squeeze %dma_start3A_54 : memref<1x512xf32, #tpu.memory_space<vmem>> -> memref<512xf32, #tpu.memory_space<vmem>>
    %dma_start3A_56 = arith.constant 384 : i32
    %dma_start3A_57 = tpu.memref_slice %dma_start3A_55[%dma_start3A_56] : memref<512xf32, #tpu.memory_space<vmem>> -> memref<128xf32, #tpu.memory_space<vmem>>
    %dma_start3A_58 = arith.constant 0 : i32
    %dma_start3A_59 = tpu.memref_slice %arg6[%dma_start3A_51, %dma_start3A_58] : memref<4x128xi32, #tpu.memory_space<vmem>> -> memref<1x128xi32, #tpu.memory_space<vmem>>
    %dma_start3A_60 = tpu.memref_squeeze %dma_start3A_59 : memref<1x128xi32, #tpu.memory_space<vmem>> -> memref<128xi32, #tpu.memory_space<vmem>>
    %dma_start3A_61 = arith.constant 0 : i32
    %dma_start3A_62 = tpu.memref_slice %arg3[%dma_start3A_50, %dma_start3A_61] : memref<8x50000xf32, #tpu.memory_space<hbm>> -> memref<1x50000xf32, #tpu.memory_space<hbm>>
    %dma_start3A_63 = tpu.memref_squeeze %dma_start3A_62 : memref<1x50000xf32, #tpu.memory_space<hbm>> -> memref<50000xf32, #tpu.memory_space<hbm>>
    %dma_start3A_64 = arith.constant 0 : i32
    %dma_start3A_65 = tpu.memref_slice %dma_start3A_63[%dma_start3A_64] : memref<50000xf32, #tpu.memory_space<hbm>> -> memref<50000xf32, #tpu.memory_space<hbm>>
    tpu.enqueue_indirect_dma source(%dma_start3A_65 : memref<50000xf32, #tpu.memory_space<hbm>>) target(%dma_start3A_57 : memref<128xf32, #tpu.memory_space<vmem>>) offsets(%dma_start3A_60 : memref<128xi32, #tpu.memory_space<vmem>>) semaphore(%arg8 : memref<!tpu.dma_semaphore, #tpu.memory_space<semaphore_mem>>)
    %dma_start3A_66 = arith.constant 1 : i32
    %dma_start3A_67 = arith.constant 0 : i32
    %dma_start3A_68 = arith.constant 1 : i32
    %dma_start3A_69 = arith.constant 0 : i32
    %dma_start3A_70 = tpu.memref_slice %arg7[%dma_start3A_68, %dma_start3A_69] : memref<8x512xf32, #tpu.memory_space<vmem>> -> memref<1x512xf32, #tpu.memory_space<vmem>>
    %dma_start3A_71 = tpu.memref_squeeze %dma_start3A_70 : memref<1x512xf32, #tpu.memory_space<vmem>> -> memref<512xf32, #tpu.memory_space<vmem>>
    %dma_start3A_72 = arith.constant 0 : i32
    %dma_start3A_73 = tpu.memref_slice %dma_start3A_71[%dma_start3A_72] : memref<512xf32, #tpu.memory_space<vmem>> -> memref<128xf32, #tpu.memory_space<vmem>>
    %dma_start3A_74 = arith.constant 0 : i32
    %dma_start3A_75 = tpu.memref_slice %arg6[%dma_start3A_67, %dma_start3A_74] : memref<4x128xi32, #tpu.memory_space<vmem>> -> memref<1x128xi32, #tpu.memory_space<vmem>>
    %dma_start3A_76 = tpu.memref_squeeze %dma_start3A_75 : memref<1x128xi32, #tpu.memory_space<vmem>> -> memref<128xi32, #tpu.memory_space<vmem>>
    %dma_start3A_77 = arith.constant 0 : i32
    %dma_start3A_78 = tpu.memref_slice %arg3[%dma_start3A_66, %dma_start3A_77] : memref<8x50000xf32, #tpu.memory_space<hbm>> -> memref<1x50000xf32, #tpu.memory_space<hbm>>
    %dma_start3A_79 = tpu.memref_squeeze %dma_start3A_78 : memref<1x50000xf32, #tpu.memory_space<hbm>> -> memref<50000xf32, #tpu.memory_space<hbm>>
    %dma_start3A_80 = arith.constant 0 : i32
    %dma_start3A_81 = tpu.memref_slice %dma_start3A_79[%dma_start3A_80] : memref<50000xf32, #tpu.memory_space<hbm>> -> memref<50000xf32, #tpu.memory_space<hbm>>
    tpu.enqueue_indirect_dma source(%dma_start3A_81 : memref<50000xf32, #tpu.memory_space<hbm>>) target(%dma_start3A_73 : memref<128xf32, #tpu.memory_space<vmem>>) offsets(%dma_start3A_76 : memref<128xi32, #tpu.memory_space<vmem>>) semaphore(%arg8 : memref<!tpu.dma_semaphore, #tpu.memory_space<semaphore_mem>>)
    %dma_start3A_82 = arith.constant 1 : i32
    %dma_start3A_83 = arith.constant 1 : i32
    %dma_start3A_84 = arith.constant 1 : i32
    %dma_start3A_85 = arith.constant 0 : i32
    %dma_start3A_86 = tpu.memref_slice %arg7[%dma_start3A_84, %dma_start3A_85] : memref<8x512xf32, #tpu.memory_space<vmem>> -> memref<1x512xf32, #tpu.memory_space<vmem>>
    %dma_start3A_87 = tpu.memref_squeeze %dma_start3A_86 : memref<1x512xf32, #tpu.memory_space<vmem>> -> memref<512xf32, #tpu.memory_space<vmem>>
    %dma_start3A_88 = arith.constant 128 : i32
    %dma_start3A_89 = tpu.memref_slice %dma_start3A_87[%dma_start3A_88] : memref<512xf32, #tpu.memory_space<vmem>> -> memref<128xf32, #tpu.memory_space<vmem>>
    %dma_start3A_90 = arith.constant 0 : i32
    %dma_start3A_91 = tpu.memref_slice %arg6[%dma_start3A_83, %dma_start3A_90] : memref<4x128xi32, #tpu.memory_space<vmem>> -> memref<1x128xi32, #tpu.memory_space<vmem>>
    %dma_start3A_92 = tpu.memref_squeeze %dma_start3A_91 : memref<1x128xi32, #tpu.memory_space<vmem>> -> memref<128xi32, #tpu.memory_space<vmem>>
    %dma_start3A_93 = arith.constant 0 : i32
    %dma_start3A_94 = tpu.memref_slice %arg3[%dma_start3A_82, %dma_start3A_93] : memref<8x50000xf32, #tpu.memory_space<hbm>> -> memref<1x50000xf32, #tpu.memory_space<hbm>>
    %dma_start3A_95 = tpu.memref_squeeze %dma_start3A_94 : memref<1x50000xf32, #tpu.memory_space<hbm>> -> memref<50000xf32, #tpu.memory_space<hbm>>
    %dma_start3A_96 = arith.constant 0 : i32
    %dma_start3A_97 = tpu.memref_slice %dma_start3A_95[%dma_start3A_96] : memref<50000xf32, #tpu.memory_space<hbm>> -> memref<50000xf32, #tpu.memory_space<hbm>>
    tpu.enqueue_indirect_dma source(%dma_start3A_97 : memref<50000xf32, #tpu.memory_space<hbm>>) target(%dma_start3A_89 : memref<128xf32, #tpu.memory_space<vmem>>) offsets(%dma_start3A_92 : memref<128xi32, #tpu.memory_space<vmem>>) semaphore(%arg8 : memref<!tpu.dma_semaphore, #tpu.memory_space<semaphore_mem>>)
    %dma_start3A_98 = arith.constant 1 : i32
    %dma_start3A_99 = arith.constant 2 : i32
    %dma_start3A_100 = arith.constant 1 : i32
    %dma_start3A_101 = arith.constant 0 : i32
    %dma_start3A_102 = tpu.memref_slice %arg7[%dma_start3A_100, %dma_start3A_101] : memref<8x512xf32, #tpu.memory_space<vmem>> -> memref<1x512xf32, #tpu.memory_space<vmem>>
    %dma_start3A_103 = tpu.memref_squeeze %dma_start3A_102 : memref<1x512xf32, #tpu.memory_space<vmem>> -> memref<512xf32, #tpu.memory_space<vmem>>
    %dma_start3A_104 = arith.constant 256 : i32
    %dma_start3A_105 = tpu.memref_slice %dma_start3A_103[%dma_start3A_104] : memref<512xf32, #tpu.memory_space<vmem>> -> memref<128xf32, #tpu.memory_space<vmem>>
    %dma_start3A_106 = arith.constant 0 : i32
    %dma_start3A_107 = tpu.memref_slice %arg6[%dma_start3A_99, %dma_start3A_106] : memref<4x128xi32, #tpu.memory_space<vmem>> -> memref<1x128xi32, #tpu.memory_space<vmem>>
    %dma_start3A_108 = tpu.memref_squeeze %dma_start3A_107 : memref<1x128xi32, #tpu.memory_space<vmem>> -> memref<128xi32, #tpu.memory_space<vmem>>
    %dma_start3A_109 = arith.constant 0 : i32
    %dma_start3A_110 = tpu.memref_slice %arg3[%dma_start3A_98, %dma_start3A_109] : memref<8x50000xf32, #tpu.memory_space<hbm>> -> memref<1x50000xf32, #tpu.memory_space<hbm>>
    %dma_start3A_111 = tpu.memref_squeeze %dma_start3A_110 : memref<1x50000xf32, #tpu.memory_space<hbm>> -> memref<50000xf32, #tpu.memory_space<hbm>>
    %dma_start3A_112 = arith.constant 0 : i32
    %dma_start3A_113 = tpu.memref_slice %dma_start3A_111[%dma_start3A_112] : memref<50000xf32, #tpu.memory_space<hbm>> -> memref<50000xf32, #tpu.memory_space<hbm>>
    tpu.enqueue_indirect_dma source(%dma_start3A_113 : memref<50000xf32, #tpu.memory_space<hbm>>) target(%dma_start3A_105 : memref<128xf32, #tpu.memory_space<vmem>>) offsets(%dma_start3A_108 : memref<128xi32, #tpu.memory_space<vmem>>) semaphore(%arg8 : memref<!tpu.dma_semaphore, #tpu.memory_space<semaphore_mem>>)
    %dma_start3A_114 = arith.constant 1 : i32
    %dma_start3A_115 = arith.constant 3 : i32
    %dma_start3A_116 = arith.constant 1 : i32
    %dma_start3A_117 = arith.constant 0 : i32
    %dma_start3A_118 = tpu.memref_slice %arg7[%dma_start3A_116, %dma_start3A_117] : memref<8x512xf32, #tpu.memory_space<vmem>> -> memref<1x512xf32, #tpu.memory_space<vmem>>
    %dma_start3A_119 = tpu.memref_squeeze %dma_start3A_118 : memref<1x512xf32, #tpu.memory_space<vmem>> -> memref<512xf32, #tpu.memory_space<vmem>>
    %dma_start3A_120 = arith.constant 384 : i32
    %dma_start3A_121 = tpu.memref_slice %dma_start3A_119[%dma_start3A_120] : memref<512xf32, #tpu.memory_space<vmem>> -> memref<128xf32, #tpu.memory_space<vmem>>
    %dma_start3A_122 = arith.constant 0 : i32
    %dma_start3A_123 = tpu.memref_slice %arg6[%dma_start3A_115, %dma_start3A_122] : memref<4x128xi32, #tpu.memory_space<vmem>> -> memref<1x128xi32, #tpu.memory_space<vmem>>
    %dma_start3A_124 = tpu.memref_squeeze %dma_start3A_123 : memref<1x128xi32, #tpu.memory_space<vmem>> -> memref<128xi32, #tpu.memory_space<vmem>>
    %dma_start3A_125 = arith.constant 0 : i32
    %dma_start3A_126 = tpu.memref_slice %arg3[%dma_start3A_114, %dma_start3A_125] : memref<8x50000xf32, #tpu.memory_space<hbm>> -> memref<1x50000xf32, #tpu.memory_space<hbm>>
    %dma_start3A_127 = tpu.memref_squeeze %dma_start3A_126 : memref<1x50000xf32, #tpu.memory_space<hbm>> -> memref<50000xf32, #tpu.memory_space<hbm>>
    %dma_start3A_128 = arith.constant 0 : i32
    %dma_start3A_129 = tpu.memref_slice %dma_start3A_127[%dma_start3A_128] : memref<50000xf32, #tpu.memory_space<hbm>> -> memref<50000xf32, #tpu.memory_space<hbm>>
    tpu.enqueue_indirect_dma source(%dma_start3A_129 : memref<50000xf32, #tpu.memory_space<hbm>>) target(%dma_start3A_121 : memref<128xf32, #tpu.memory_space<vmem>>) offsets(%dma_start3A_124 : memref<128xi32, #tpu.memory_space<vmem>>) semaphore(%arg8 : memref<!tpu.dma_semaphore, #tpu.memory_space<semaphore_mem>>)
    %dma_start3A_130 = arith.constant 2 : i32
    %dma_start3A_131 = arith.constant 0 : i32
    %dma_start3A_132 = arith.constant 2 : i32
    %dma_start3A_133 = arith.constant 0 : i32
    %dma_start3A_134 = tpu.memref_slice %arg7[%dma_start3A_132, %dma_start3A_133] : memref<8x512xf32, #tpu.memory_space<vmem>> -> memref<1x512xf32, #tpu.memory_space<vmem>>
    %dma_start3A_135 = tpu.memref_squeeze %dma_start3A_134 : memref<1x512xf32, #tpu.memory_space<vmem>> -> memref<512xf32, #tpu.memory_space<vmem>>
    %dma_start3A_136 = arith.constant 0 : i32
    %dma_start3A_137 = tpu.memref_slice %dma_start3A_135[%dma_start3A_136] : memref<512xf32, #tpu.memory_space<vmem>> -> memref<128xf32, #tpu.memory_space<vmem>>
    %dma_start3A_138 = arith.constant 0 : i32
    %dma_start3A_139 = tpu.memref_slice %arg6[%dma_start3A_131, %dma_start3A_138] : memref<4x128xi32, #tpu.memory_space<vmem>> -> memref<1x128xi32, #tpu.memory_space<vmem>>
    %dma_start3A_140 = tpu.memref_squeeze %dma_start3A_139 : memref<1x128xi32, #tpu.memory_space<vmem>> -> memref<128xi32, #tpu.memory_space<vmem>>
    %dma_start3A_141 = arith.constant 0 : i32
    %dma_start3A_142 = tpu.memref_slice %arg3[%dma_start3A_130, %dma_start3A_141] : memref<8x50000xf32, #tpu.memory_space<hbm>> -> memref<1x50000xf32, #tpu.memory_space<hbm>>
    %dma_start3A_143 = tpu.memref_squeeze %dma_start3A_142 : memref<1x50000xf32, #tpu.memory_space<hbm>> -> memref<50000xf32, #tpu.memory_space<hbm>>
    %dma_start3A_144 = arith.constant 0 : i32
    %dma_start3A_145 = tpu.memref_slice %dma_start3A_143[%dma_start3A_144] : memref<50000xf32, #tpu.memory_space<hbm>> -> memref<50000xf32, #tpu.memory_space<hbm>>
    tpu.enqueue_indirect_dma source(%dma_start3A_145 : memref<50000xf32, #tpu.memory_space<hbm>>) target(%dma_start3A_137 : memref<128xf32, #tpu.memory_space<vmem>>) offsets(%dma_start3A_140 : memref<128xi32, #tpu.memory_space<vmem>>) semaphore(%arg8 : memref<!tpu.dma_semaphore, #tpu.memory_space<semaphore_mem>>)
    %dma_start3A_146 = arith.constant 2 : i32
    %dma_start3A_147 = arith.constant 1 : i32
    %dma_start3A_148 = arith.constant 2 : i32
    %dma_start3A_149 = arith.constant 0 : i32
    %dma_start3A_150 = tpu.memref_slice %arg7[%dma_start3A_148, %dma_start3A_149] : memref<8x512xf32, #tpu.memory_space<vmem>> -> memref<1x512xf32, #tpu.memory_space<vmem>>
    %dma_start3A_151 = tpu.memref_squeeze %dma_start3A_150 : memref<1x512xf32, #tpu.memory_space<vmem>> -> memref<512xf32, #tpu.memory_space<vmem>>
    %dma_start3A_152 = arith.constant 128 : i32
    %dma_start3A_153 = tpu.memref_slice %dma_start3A_151[%dma_start3A_152] : memref<512xf32, #tpu.memory_space<vmem>> -> memref<128xf32, #tpu.memory_space<vmem>>
    %dma_start3A_154 = arith.constant 0 : i32
    %dma_start3A_155 = tpu.memref_slice %arg6[%dma_start3A_147, %dma_start3A_154] : memref<4x128xi32, #tpu.memory_space<vmem>> -> memref<1x128xi32, #tpu.memory_space<vmem>>
    %dma_start3A_156 = tpu.memref_squeeze %dma_start3A_155 : memref<1x128xi32, #tpu.memory_space<vmem>> -> memref<128xi32, #tpu.memory_space<vmem>>
    %dma_start3A_157 = arith.constant 0 : i32
    %dma_start3A_158 = tpu.memref_slice %arg3[%dma_start3A_146, %dma_start3A_157] : memref<8x50000xf32, #tpu.memory_space<hbm>> -> memref<1x50000xf32, #tpu.memory_space<hbm>>
    %dma_start3A_159 = tpu.memref_squeeze %dma_start3A_158 : memref<1x50000xf32, #tpu.memory_space<hbm>> -> memref<50000xf32, #tpu.memory_space<hbm>>
    %dma_start3A_160 = arith.constant 0 : i32
    %dma_start3A_161 = tpu.memref_slice %dma_start3A_159[%dma_start3A_160] : memref<50000xf32, #tpu.memory_space<hbm>> -> memref<50000xf32, #tpu.memory_space<hbm>>
    tpu.enqueue_indirect_dma source(%dma_start3A_161 : memref<50000xf32, #tpu.memory_space<hbm>>) target(%dma_start3A_153 : memref<128xf32, #tpu.memory_space<vmem>>) offsets(%dma_start3A_156 : memref<128xi32, #tpu.memory_space<vmem>>) semaphore(%arg8 : memref<!tpu.dma_semaphore, #tpu.memory_space<semaphore_mem>>)
    %dma_start3A_162 = arith.constant 2 : i32
    %dma_start3A_163 = arith.constant 2 : i32
    %dma_start3A_164 = arith.constant 2 : i32
    %dma_start3A_165 = arith.constant 0 : i32
    %dma_start3A_166 = tpu.memref_slice %arg7[%dma_start3A_164, %dma_start3A_165] : memref<8x512xf32, #tpu.memory_space<vmem>> -> memref<1x512xf32, #tpu.memory_space<vmem>>
    %dma_start3A_167 = tpu.memref_squeeze %dma_start3A_166 : memref<1x512xf32, #tpu.memory_space<vmem>> -> memref<512xf32, #tpu.memory_space<vmem>>
    %dma_start3A_168 = arith.constant 256 : i32
    %dma_start3A_169 = tpu.memref_slice %dma_start3A_167[%dma_start3A_168] : memref<512xf32, #tpu.memory_space<vmem>> -> memref<128xf32, #tpu.memory_space<vmem>>
    %dma_start3A_170 = arith.constant 0 : i32
    %dma_start3A_171 = tpu.memref_slice %arg6[%dma_start3A_163, %dma_start3A_170] : memref<4x128xi32, #tpu.memory_space<vmem>> -> memref<1x128xi32, #tpu.memory_space<vmem>>
    %dma_start3A_172 = tpu.memref_squeeze %dma_start3A_171 : memref<1x128xi32, #tpu.memory_space<vmem>> -> memref<128xi32, #tpu.memory_space<vmem>>
    %dma_start3A_173 = arith.constant 0 : i32
    %dma_start3A_174 = tpu.memref_slice %arg3[%dma_start3A_162, %dma_start3A_173] : memref<8x50000xf32, #tpu.memory_space<hbm>> -> memref<1x50000xf32, #tpu.memory_space<hbm>>
    %dma_start3A_175 = tpu.memref_squeeze %dma_start3A_174 : memref<1x50000xf32, #tpu.memory_space<hbm>> -> memref<50000xf32, #tpu.memory_space<hbm>>
    %dma_start3A_176 = arith.constant 0 : i32
    %dma_start3A_177 = tpu.memref_slice %dma_start3A_175[%dma_start3A_176] : memref<50000xf32, #tpu.memory_space<hbm>> -> memref<50000xf32, #tpu.memory_space<hbm>>
    tpu.enqueue_indirect_dma source(%dma_start3A_177 : memref<50000xf32, #tpu.memory_space<hbm>>) target(%dma_start3A_169 : memref<128xf32, #tpu.memory_space<vmem>>) offsets(%dma_start3A_172 : memref<128xi32, #tpu.memory_space<vmem>>) semaphore(%arg8 : memref<!tpu.dma_semaphore, #tpu.memory_space<semaphore_mem>>)
    %dma_start3A_178 = arith.constant 2 : i32
    %dma_start3A_179 = arith.constant 3 : i32
    %dma_start3A_180 = arith.constant 2 : i32
    %dma_start3A_181 = arith.constant 0 : i32
    %dma_start3A_182 = tpu.memref_slice %arg7[%dma_start3A_180, %dma_start3A_181] : memref<8x512xf32, #tpu.memory_space<vmem>> -> memref<1x512xf32, #tpu.memory_space<vmem>>
    %dma_start3A_183 = tpu.memref_squeeze %dma_start3A_182 : memref<1x512xf32, #tpu.memory_space<vmem>> -> memref<512xf32, #tpu.memory_space<vmem>>
    %dma_start3A_184 = arith.constant 384 : i32
    %dma_start3A_185 = tpu.memref_slice %dma_start3A_183[%dma_start3A_184] : memref<512xf32, #tpu.memory_space<vmem>> -> memref<128xf32, #tpu.memory_space<vmem>>
    %dma_start3A_186 = arith.constant 0 : i32
    %dma_start3A_187 = tpu.memref_slice %arg6[%dma_start3A_179, %dma_start3A_186] : memref<4x128xi32, #tpu.memory_space<vmem>> -> memref<1x128xi32, #tpu.memory_space<vmem>>
    %dma_start3A_188 = tpu.memref_squeeze %dma_start3A_187 : memref<1x128xi32, #tpu.memory_space<vmem>> -> memref<128xi32, #tpu.memory_space<vmem>>
    %dma_start3A_189 = arith.constant 0 : i32
    %dma_start3A_190 = tpu.memref_slice %arg3[%dma_start3A_178, %dma_start3A_189] : memref<8x50000xf32, #tpu.memory_space<hbm>> -> memref<1x50000xf32, #tpu.memory_space<hbm>>
    %dma_start3A_191 = tpu.memref_squeeze %dma_start3A_190 : memref<1x50000xf32, #tpu.memory_space<hbm>> -> memref<50000xf32, #tpu.memory_space<hbm>>
    %dma_start3A_192 = arith.constant 0 : i32
    %dma_start3A_193 = tpu.memref_slice %dma_start3A_191[%dma_start3A_192] : memref<50000xf32, #tpu.memory_space<hbm>> -> memref<50000xf32, #tpu.memory_space<hbm>>
    tpu.enqueue_indirect_dma source(%dma_start3A_193 : memref<50000xf32, #tpu.memory_space<hbm>>) target(%dma_start3A_185 : memref<128xf32, #tpu.memory_space<vmem>>) offsets(%dma_start3A_188 : memref<128xi32, #tpu.memory_space<vmem>>) semaphore(%arg8 : memref<!tpu.dma_semaphore, #tpu.memory_space<semaphore_mem>>)
    %dma_start3A_194 = arith.constant 3 : i32
    %dma_start3A_195 = arith.constant 0 : i32
    %dma_start3A_196 = arith.constant 3 : i32
    %dma_start3A_197 = arith.constant 0 : i32
    %dma_start3A_198 = tpu.memref_slice %arg7[%dma_start3A_196, %dma_start3A_197] : memref<8x512xf32, #tpu.memory_space<vmem>> -> memref<1x512xf32, #tpu.memory_space<vmem>>
    %dma_start3A_199 = tpu.memref_squeeze %dma_start3A_198 : memref<1x512xf32, #tpu.memory_space<vmem>> -> memref<512xf32, #tpu.memory_space<vmem>>
    %dma_start3A_200 = arith.constant 0 : i32
    %dma_start3A_201 = tpu.memref_slice %dma_start3A_199[%dma_start3A_200] : memref<512xf32, #tpu.memory_space<vmem>> -> memref<128xf32, #tpu.memory_space<vmem>>
    %dma_start3A_202 = arith.constant 0 : i32
    %dma_start3A_203 = tpu.memref_slice %arg6[%dma_start3A_195, %dma_start3A_202] : memref<4x128xi32, #tpu.memory_space<vmem>> -> memref<1x128xi32, #tpu.memory_space<vmem>>
    %dma_start3A_204 = tpu.memref_squeeze %dma_start3A_203 : memref<1x128xi32, #tpu.memory_space<vmem>> -> memref<128xi32, #tpu.memory_space<vmem>>
    %dma_start3A_205 = arith.constant 0 : i32
    %dma_start3A_206 = tpu.memref_slice %arg3[%dma_start3A_194, %dma_start3A_205] : memref<8x50000xf32, #tpu.memory_space<hbm>> -> memref<1x50000xf32, #tpu.memory_space<hbm>>
    %dma_start3A_207 = tpu.memref_squeeze %dma_start3A_206 : memref<1x50000xf32, #tpu.memory_space<hbm>> -> memref<50000xf32, #tpu.memory_space<hbm>>
    %dma_start3A_208 = arith.constant 0 : i32
    %dma_start3A_209 = tpu.memref_slice %dma_start3A_207[%dma_start3A_208] : memref<50000xf32, #tpu.memory_space<hbm>> -> memref<50000xf32, #tpu.memory_space<hbm>>
    tpu.enqueue_indirect_dma source(%dma_start3A_209 : memref<50000xf32, #tpu.memory_space<hbm>>) target(%dma_start3A_201 : memref<128xf32, #tpu.memory_space<vmem>>) offsets(%dma_start3A_204 : memref<128xi32, #tpu.memory_space<vmem>>) semaphore(%arg8 : memref<!tpu.dma_semaphore, #tpu.memory_space<semaphore_mem>>)
    %dma_start3A_210 = arith.constant 3 : i32
    %dma_start3A_211 = arith.constant 1 : i32
    %dma_start3A_212 = arith.constant 3 : i32
    %dma_start3A_213 = arith.constant 0 : i32
    %dma_start3A_214 = tpu.memref_slice %arg7[%dma_start3A_212, %dma_start3A_213] : memref<8x512xf32, #tpu.memory_space<vmem>> -> memref<1x512xf32, #tpu.memory_space<vmem>>
    %dma_start3A_215 = tpu.memref_squeeze %dma_start3A_214 : memref<1x512xf32, #tpu.memory_space<vmem>> -> memref<512xf32, #tpu.memory_space<vmem>>
    %dma_start3A_216 = arith.constant 128 : i32
    %dma_start3A_217 = tpu.memref_slice %dma_start3A_215[%dma_start3A_216] : memref<512xf32, #tpu.memory_space<vmem>> -> memref<128xf32, #tpu.memory_space<vmem>>
    %dma_start3A_218 = arith.constant 0 : i32
    %dma_start3A_219 = tpu.memref_slice %arg6[%dma_start3A_211, %dma_start3A_218] : memref<4x128xi32, #tpu.memory_space<vmem>> -> memref<1x128xi32, #tpu.memory_space<vmem>>
    %dma_start3A_220 = tpu.memref_squeeze %dma_start3A_219 : memref<1x128xi32, #tpu.memory_space<vmem>> -> memref<128xi32, #tpu.memory_space<vmem>>
    %dma_start3A_221 = arith.constant 0 : i32
    %dma_start3A_222 = tpu.memref_slice %arg3[%dma_start3A_210, %dma_start3A_221] : memref<8x50000xf32, #tpu.memory_space<hbm>> -> memref<1x50000xf32, #tpu.memory_space<hbm>>
    %dma_start3A_223 = tpu.memref_squeeze %dma_start3A_222 : memref<1x50000xf32, #tpu.memory_space<hbm>> -> memref<50000xf32, #tpu.memory_space<hbm>>
    %dma_start3A_224 = arith.constant 0 : i32
    %dma_start3A_225 = tpu.memref_slice %dma_start3A_223[%dma_start3A_224] : memref<50000xf32, #tpu.memory_space<hbm>> -> memref<50000xf32, #tpu.memory_space<hbm>>
    tpu.enqueue_indirect_dma source(%dma_start3A_225 : memref<50000xf32, #tpu.memory_space<hbm>>) target(%dma_start3A_217 : memref<128xf32, #tpu.memory_space<vmem>>) offsets(%dma_start3A_220 : memref<128xi32, #tpu.memory_space<vmem>>) semaphore(%arg8 : memref<!tpu.dma_semaphore, #tpu.memory_space<semaphore_mem>>)
    %dma_start3A_226 = arith.constant 3 : i32
    %dma_start3A_227 = arith.constant 2 : i32
    %dma_start3A_228 = arith.constant 3 : i32
    %dma_start3A_229 = arith.constant 0 : i32
    %dma_start3A_230 = tpu.memref_slice %arg7[%dma_start3A_228, %dma_start3A_229] : memref<8x512xf32, #tpu.memory_space<vmem>> -> memref<1x512xf32, #tpu.memory_space<vmem>>
    %dma_start3A_231 = tpu.memref_squeeze %dma_start3A_230 : memref<1x512xf32, #tpu.memory_space<vmem>> -> memref<512xf32, #tpu.memory_space<vmem>>
    %dma_start3A_232 = arith.constant 256 : i32
    %dma_start3A_233 = tpu.memref_slice %dma_start3A_231[%dma_start3A_232] : memref<512xf32, #tpu.memory_space<vmem>> -> memref<128xf32, #tpu.memory_space<vmem>>
    %dma_start3A_234 = arith.constant 0 : i32
    %dma_start3A_235 = tpu.memref_slice %arg6[%dma_start3A_227, %dma_start3A_234] : memref<4x128xi32, #tpu.memory_space<vmem>> -> memref<1x128xi32, #tpu.memory_space<vmem>>
    %dma_start3A_236 = tpu.memref_squeeze %dma_start3A_235 : memref<1x128xi32, #tpu.memory_space<vmem>> -> memref<128xi32, #tpu.memory_space<vmem>>
    %dma_start3A_237 = arith.constant 0 : i32
    %dma_start3A_238 = tpu.memref_slice %arg3[%dma_start3A_226, %dma_start3A_237] : memref<8x50000xf32, #tpu.memory_space<hbm>> -> memref<1x50000xf32, #tpu.memory_space<hbm>>
    %dma_start3A_239 = tpu.memref_squeeze %dma_start3A_238 : memref<1x50000xf32, #tpu.memory_space<hbm>> -> memref<50000xf32, #tpu.memory_space<hbm>>
    %dma_start3A_240 = arith.constant 0 : i32
    %dma_start3A_241 = tpu.memref_slice %dma_start3A_239[%dma_start3A_240] : memref<50000xf32, #tpu.memory_space<hbm>> -> memref<50000xf32, #tpu.memory_space<hbm>>
    tpu.enqueue_indirect_dma source(%dma_start3A_241 : memref<50000xf32, #tpu.memory_space<hbm>>) target(%dma_start3A_233 : memref<128xf32, #tpu.memory_space<vmem>>) offsets(%dma_start3A_236 : memref<128xi32, #tpu.memory_space<vmem>>) semaphore(%arg8 : memref<!tpu.dma_semaphore, #tpu.memory_space<semaphore_mem>>)
    %dma_start3A_242 = arith.constant 3 : i32
    %dma_start3A_243 = arith.constant 3 : i32
    %dma_start3A_244 = arith.constant 3 : i32
    %dma_start3A_245 = arith.constant 0 : i32
    %dma_start3A_246 = tpu.memref_slice %arg7[%dma_start3A_244, %dma_start3A_245] : memref<8x512xf32, #tpu.memory_space<vmem>> -> memref<1x512xf32, #tpu.memory_space<vmem>>
    %dma_start3A_247 = tpu.memref_squeeze %dma_start3A_246 : memref<1x512xf32, #tpu.memory_space<vmem>> -> memref<512xf32, #tpu.memory_space<vmem>>
    %dma_start3A_248 = arith.constant 384 : i32
    %dma_start3A_249 = tpu.memref_slice %dma_start3A_247[%dma_start3A_248] : memref<512xf32, #tpu.memory_space<vmem>> -> memref<128xf32, #tpu.memory_space<vmem>>
    %dma_start3A_250 = arith.constant 0 : i32
    %dma_start3A_251 = tpu.memref_slice %arg6[%dma_start3A_243, %dma_start3A_250] : memref<4x128xi32, #tpu.memory_space<vmem>> -> memref<1x128xi32, #tpu.memory_space<vmem>>
    %dma_start3A_252 = tpu.memref_squeeze %dma_start3A_251 : memref<1x128xi32, #tpu.memory_space<vmem>> -> memref<128xi32, #tpu.memory_space<vmem>>
    %dma_start3A_253 = arith.constant 0 : i32
    %dma_start3A_254 = tpu.memref_slice %arg3[%dma_start3A_242, %dma_start3A_253] : memref<8x50000xf32, #tpu.memory_space<hbm>> -> memref<1x50000xf32, #tpu.memory_space<hbm>>
    %dma_start3A_255 = tpu.memref_squeeze %dma_start3A_254 : memref<1x50000xf32, #tpu.memory_space<hbm>> -> memref<50000xf32, #tpu.memory_space<hbm>>
    %dma_start3A_256 = arith.constant 0 : i32
    %dma_start3A_257 = tpu.memref_slice %dma_start3A_255[%dma_start3A_256] : memref<50000xf32, #tpu.memory_space<hbm>> -> memref<50000xf32, #tpu.memory_space<hbm>>
    tpu.enqueue_indirect_dma source(%dma_start3A_257 : memref<50000xf32, #tpu.memory_space<hbm>>) target(%dma_start3A_249 : memref<128xf32, #tpu.memory_space<vmem>>) offsets(%dma_start3A_252 : memref<128xi32, #tpu.memory_space<vmem>>) semaphore(%arg8 : memref<!tpu.dma_semaphore, #tpu.memory_space<semaphore_mem>>)
    %dma_start3A_258 = arith.constant 4 : i32
    %dma_start3A_259 = arith.constant 0 : i32
    %dma_start3A_260 = arith.constant 4 : i32
    %dma_start3A_261 = arith.constant 0 : i32
    %dma_start3A_262 = tpu.memref_slice %arg7[%dma_start3A_260, %dma_start3A_261] : memref<8x512xf32, #tpu.memory_space<vmem>> -> memref<1x512xf32, #tpu.memory_space<vmem>>
    %dma_start3A_263 = tpu.memref_squeeze %dma_start3A_262 : memref<1x512xf32, #tpu.memory_space<vmem>> -> memref<512xf32, #tpu.memory_space<vmem>>
    %dma_start3A_264 = arith.constant 0 : i32
    %dma_start3A_265 = tpu.memref_slice %dma_start3A_263[%dma_start3A_264] : memref<512xf32, #tpu.memory_space<vmem>> -> memref<128xf32, #tpu.memory_space<vmem>>
    %dma_start3A_266 = arith.constant 0 : i32
    %dma_start3A_267 = tpu.memref_slice %arg6[%dma_start3A_259, %dma_start3A_266] : memref<4x128xi32, #tpu.memory_space<vmem>> -> memref<1x128xi32, #tpu.memory_space<vmem>>
    %dma_start3A_268 = tpu.memref_squeeze %dma_start3A_267 : memref<1x128xi32, #tpu.memory_space<vmem>> -> memref<128xi32, #tpu.memory_space<vmem>>
    %dma_start3A_269 = arith.constant 0 : i32
    %dma_start3A_270 = tpu.memref_slice %arg3[%dma_start3A_258, %dma_start3A_269] : memref<8x50000xf32, #tpu.memory_space<hbm>> -> memref<1x50000xf32, #tpu.memory_space<hbm>>
    %dma_start3A_271 = tpu.memref_squeeze %dma_start3A_270 : memref<1x50000xf32, #tpu.memory_space<hbm>> -> memref<50000xf32, #tpu.memory_space<hbm>>
    %dma_start3A_272 = arith.constant 0 : i32
    %dma_start3A_273 = tpu.memref_slice %dma_start3A_271[%dma_start3A_272] : memref<50000xf32, #tpu.memory_space<hbm>> -> memref<50000xf32, #tpu.memory_space<hbm>>
    tpu.enqueue_indirect_dma source(%dma_start3A_273 : memref<50000xf32, #tpu.memory_space<hbm>>) target(%dma_start3A_265 : memref<128xf32, #tpu.memory_space<vmem>>) offsets(%dma_start3A_268 : memref<128xi32, #tpu.memory_space<vmem>>) semaphore(%arg8 : memref<!tpu.dma_semaphore, #tpu.memory_space<semaphore_mem>>)
    %dma_start3A_274 = arith.constant 4 : i32
    %dma_start3A_275 = arith.constant 1 : i32
    %dma_start3A_276 = arith.constant 4 : i32
    %dma_start3A_277 = arith.constant 0 : i32
    %dma_start3A_278 = tpu.memref_slice %arg7[%dma_start3A_276, %dma_start3A_277] : memref<8x512xf32, #tpu.memory_space<vmem>> -> memref<1x512xf32, #tpu.memory_space<vmem>>
    %dma_start3A_279 = tpu.memref_squeeze %dma_start3A_278 : memref<1x512xf32, #tpu.memory_space<vmem>> -> memref<512xf32, #tpu.memory_space<vmem>>
    %dma_start3A_280 = arith.constant 128 : i32
    %dma_start3A_281 = tpu.memref_slice %dma_start3A_279[%dma_start3A_280] : memref<512xf32, #tpu.memory_space<vmem>> -> memref<128xf32, #tpu.memory_space<vmem>>
    %dma_start3A_282 = arith.constant 0 : i32
    %dma_start3A_283 = tpu.memref_slice %arg6[%dma_start3A_275, %dma_start3A_282] : memref<4x128xi32, #tpu.memory_space<vmem>> -> memref<1x128xi32, #tpu.memory_space<vmem>>
    %dma_start3A_284 = tpu.memref_squeeze %dma_start3A_283 : memref<1x128xi32, #tpu.memory_space<vmem>> -> memref<128xi32, #tpu.memory_space<vmem>>
    %dma_start3A_285 = arith.constant 0 : i32
    %dma_start3A_286 = tpu.memref_slice %arg3[%dma_start3A_274, %dma_start3A_285] : memref<8x50000xf32, #tpu.memory_space<hbm>> -> memref<1x50000xf32, #tpu.memory_space<hbm>>
    %dma_start3A_287 = tpu.memref_squeeze %dma_start3A_286 : memref<1x50000xf32, #tpu.memory_space<hbm>> -> memref<50000xf32, #tpu.memory_space<hbm>>
    %dma_start3A_288 = arith.constant 0 : i32
    %dma_start3A_289 = tpu.memref_slice %dma_start3A_287[%dma_start3A_288] : memref<50000xf32, #tpu.memory_space<hbm>> -> memref<50000xf32, #tpu.memory_space<hbm>>
    tpu.enqueue_indirect_dma source(%dma_start3A_289 : memref<50000xf32, #tpu.memory_space<hbm>>) target(%dma_start3A_281 : memref<128xf32, #tpu.memory_space<vmem>>) offsets(%dma_start3A_284 : memref<128xi32, #tpu.memory_space<vmem>>) semaphore(%arg8 : memref<!tpu.dma_semaphore, #tpu.memory_space<semaphore_mem>>)
    %dma_start3A_290 = arith.constant 4 : i32
    %dma_start3A_291 = arith.constant 2 : i32
    %dma_start3A_292 = arith.constant 4 : i32
    %dma_start3A_293 = arith.constant 0 : i32
    %dma_start3A_294 = tpu.memref_slice %arg7[%dma_start3A_292, %dma_start3A_293] : memref<8x512xf32, #tpu.memory_space<vmem>> -> memref<1x512xf32, #tpu.memory_space<vmem>>
    %dma_start3A_295 = tpu.memref_squeeze %dma_start3A_294 : memref<1x512xf32, #tpu.memory_space<vmem>> -> memref<512xf32, #tpu.memory_space<vmem>>
    %dma_start3A_296 = arith.constant 256 : i32
    %dma_start3A_297 = tpu.memref_slice %dma_start3A_295[%dma_start3A_296] : memref<512xf32, #tpu.memory_space<vmem>> -> memref<128xf32, #tpu.memory_space<vmem>>
    %dma_start3A_298 = arith.constant 0 : i32
    %dma_start3A_299 = tpu.memref_slice %arg6[%dma_start3A_291, %dma_start3A_298] : memref<4x128xi32, #tpu.memory_space<vmem>> -> memref<1x128xi32, #tpu.memory_space<vmem>>
    %dma_start3A_300 = tpu.memref_squeeze %dma_start3A_299 : memref<1x128xi32, #tpu.memory_space<vmem>> -> memref<128xi32, #tpu.memory_space<vmem>>
    %dma_start3A_301 = arith.constant 0 : i32
    %dma_start3A_302 = tpu.memref_slice %arg3[%dma_start3A_290, %dma_start3A_301] : memref<8x50000xf32, #tpu.memory_space<hbm>> -> memref<1x50000xf32, #tpu.memory_space<hbm>>
    %dma_start3A_303 = tpu.memref_squeeze %dma_start3A_302 : memref<1x50000xf32, #tpu.memory_space<hbm>> -> memref<50000xf32, #tpu.memory_space<hbm>>
    %dma_start3A_304 = arith.constant 0 : i32
    %dma_start3A_305 = tpu.memref_slice %dma_start3A_303[%dma_start3A_304] : memref<50000xf32, #tpu.memory_space<hbm>> -> memref<50000xf32, #tpu.memory_space<hbm>>
    tpu.enqueue_indirect_dma source(%dma_start3A_305 : memref<50000xf32, #tpu.memory_space<hbm>>) target(%dma_start3A_297 : memref<128xf32, #tpu.memory_space<vmem>>) offsets(%dma_start3A_300 : memref<128xi32, #tpu.memory_space<vmem>>) semaphore(%arg8 : memref<!tpu.dma_semaphore, #tpu.memory_space<semaphore_mem>>)
    %dma_start3A_306 = arith.constant 4 : i32
    %dma_start3A_307 = arith.constant 3 : i32
    %dma_start3A_308 = arith.constant 4 : i32
    %dma_start3A_309 = arith.constant 0 : i32
    %dma_start3A_310 = tpu.memref_slice %arg7[%dma_start3A_308, %dma_start3A_309] : memref<8x512xf32, #tpu.memory_space<vmem>> -> memref<1x512xf32, #tpu.memory_space<vmem>>
    %dma_start3A_311 = tpu.memref_squeeze %dma_start3A_310 : memref<1x512xf32, #tpu.memory_space<vmem>> -> memref<512xf32, #tpu.memory_space<vmem>>
    %dma_start3A_312 = arith.constant 384 : i32
    %dma_start3A_313 = tpu.memref_slice %dma_start3A_311[%dma_start3A_312] : memref<512xf32, #tpu.memory_space<vmem>> -> memref<128xf32, #tpu.memory_space<vmem>>
    %dma_start3A_314 = arith.constant 0 : i32
    %dma_start3A_315 = tpu.memref_slice %arg6[%dma_start3A_307, %dma_start3A_314] : memref<4x128xi32, #tpu.memory_space<vmem>> -> memref<1x128xi32, #tpu.memory_space<vmem>>
    %dma_start3A_316 = tpu.memref_squeeze %dma_start3A_315 : memref<1x128xi32, #tpu.memory_space<vmem>> -> memref<128xi32, #tpu.memory_space<vmem>>
    %dma_start3A_317 = arith.constant 0 : i32
    %dma_start3A_318 = tpu.memref_slice %arg3[%dma_start3A_306, %dma_start3A_317] : memref<8x50000xf32, #tpu.memory_space<hbm>> -> memref<1x50000xf32, #tpu.memory_space<hbm>>
    %dma_start3A_319 = tpu.memref_squeeze %dma_start3A_318 : memref<1x50000xf32, #tpu.memory_space<hbm>> -> memref<50000xf32, #tpu.memory_space<hbm>>
    %dma_start3A_320 = arith.constant 0 : i32
    %dma_start3A_321 = tpu.memref_slice %dma_start3A_319[%dma_start3A_320] : memref<50000xf32, #tpu.memory_space<hbm>> -> memref<50000xf32, #tpu.memory_space<hbm>>
    tpu.enqueue_indirect_dma source(%dma_start3A_321 : memref<50000xf32, #tpu.memory_space<hbm>>) target(%dma_start3A_313 : memref<128xf32, #tpu.memory_space<vmem>>) offsets(%dma_start3A_316 : memref<128xi32, #tpu.memory_space<vmem>>) semaphore(%arg8 : memref<!tpu.dma_semaphore, #tpu.memory_space<semaphore_mem>>)
    %dma_start3A_322 = arith.constant 5 : i32
    %dma_start3A_323 = arith.constant 0 : i32
    %dma_start3A_324 = arith.constant 5 : i32
    %dma_start3A_325 = arith.constant 0 : i32
    %dma_start3A_326 = tpu.memref_slice %arg7[%dma_start3A_324, %dma_start3A_325] : memref<8x512xf32, #tpu.memory_space<vmem>> -> memref<1x512xf32, #tpu.memory_space<vmem>>
    %dma_start3A_327 = tpu.memref_squeeze %dma_start3A_326 : memref<1x512xf32, #tpu.memory_space<vmem>> -> memref<512xf32, #tpu.memory_space<vmem>>
    %dma_start3A_328 = arith.constant 0 : i32
    %dma_start3A_329 = tpu.memref_slice %dma_start3A_327[%dma_start3A_328] : memref<512xf32, #tpu.memory_space<vmem>> -> memref<128xf32, #tpu.memory_space<vmem>>
    %dma_start3A_330 = arith.constant 0 : i32
    %dma_start3A_331 = tpu.memref_slice %arg6[%dma_start3A_323, %dma_start3A_330] : memref<4x128xi32, #tpu.memory_space<vmem>> -> memref<1x128xi32, #tpu.memory_space<vmem>>
    %dma_start3A_332 = tpu.memref_squeeze %dma_start3A_331 : memref<1x128xi32, #tpu.memory_space<vmem>> -> memref<128xi32, #tpu.memory_space<vmem>>
    %dma_start3A_333 = arith.constant 0 : i32
    %dma_start3A_334 = tpu.memref_slice %arg3[%dma_start3A_322, %dma_start3A_333] : memref<8x50000xf32, #tpu.memory_space<hbm>> -> memref<1x50000xf32, #tpu.memory_space<hbm>>
    %dma_start3A_335 = tpu.memref_squeeze %dma_start3A_334 : memref<1x50000xf32, #tpu.memory_space<hbm>> -> memref<50000xf32, #tpu.memory_space<hbm>>
    %dma_start3A_336 = arith.constant 0 : i32
    %dma_start3A_337 = tpu.memref_slice %dma_start3A_335[%dma_start3A_336] : memref<50000xf32, #tpu.memory_space<hbm>> -> memref<50000xf32, #tpu.memory_space<hbm>>
    tpu.enqueue_indirect_dma source(%dma_start3A_337 : memref<50000xf32, #tpu.memory_space<hbm>>) target(%dma_start3A_329 : memref<128xf32, #tpu.memory_space<vmem>>) offsets(%dma_start3A_332 : memref<128xi32, #tpu.memory_space<vmem>>) semaphore(%arg8 : memref<!tpu.dma_semaphore, #tpu.memory_space<semaphore_mem>>)
    %dma_start3A_338 = arith.constant 5 : i32
    %dma_start3A_339 = arith.constant 1 : i32
    %dma_start3A_340 = arith.constant 5 : i32
    %dma_start3A_341 = arith.constant 0 : i32
    %dma_start3A_342 = tpu.memref_slice %arg7[%dma_start3A_340, %dma_start3A_341] : memref<8x512xf32, #tpu.memory_space<vmem>> -> memref<1x512xf32, #tpu.memory_space<vmem>>
    %dma_start3A_343 = tpu.memref_squeeze %dma_start3A_342 : memref<1x512xf32, #tpu.memory_space<vmem>> -> memref<512xf32, #tpu.memory_space<vmem>>
    %dma_start3A_344 = arith.constant 128 : i32
    %dma_start3A_345 = tpu.memref_slice %dma_start3A_343[%dma_start3A_344] : memref<512xf32, #tpu.memory_space<vmem>> -> memref<128xf32, #tpu.memory_space<vmem>>
    %dma_start3A_346 = arith.constant 0 : i32
    %dma_start3A_347 = tpu.memref_slice %arg6[%dma_start3A_339, %dma_start3A_346] : memref<4x128xi32, #tpu.memory_space<vmem>> -> memref<1x128xi32, #tpu.memory_space<vmem>>
    %dma_start3A_348 = tpu.memref_squeeze %dma_start3A_347 : memref<1x128xi32, #tpu.memory_space<vmem>> -> memref<128xi32, #tpu.memory_space<vmem>>
    %dma_start3A_349 = arith.constant 0 : i32
    %dma_start3A_350 = tpu.memref_slice %arg3[%dma_start3A_338, %dma_start3A_349] : memref<8x50000xf32, #tpu.memory_space<hbm>> -> memref<1x50000xf32, #tpu.memory_space<hbm>>
    %dma_start3A_351 = tpu.memref_squeeze %dma_start3A_350 : memref<1x50000xf32, #tpu.memory_space<hbm>> -> memref<50000xf32, #tpu.memory_space<hbm>>
    %dma_start3A_352 = arith.constant 0 : i32
    %dma_start3A_353 = tpu.memref_slice %dma_start3A_351[%dma_start3A_352] : memref<50000xf32, #tpu.memory_space<hbm>> -> memref<50000xf32, #tpu.memory_space<hbm>>
    tpu.enqueue_indirect_dma source(%dma_start3A_353 : memref<50000xf32, #tpu.memory_space<hbm>>) target(%dma_start3A_345 : memref<128xf32, #tpu.memory_space<vmem>>) offsets(%dma_start3A_348 : memref<128xi32, #tpu.memory_space<vmem>>) semaphore(%arg8 : memref<!tpu.dma_semaphore, #tpu.memory_space<semaphore_mem>>)
    %dma_start3A_354 = arith.constant 5 : i32
    %dma_start3A_355 = arith.constant 2 : i32
    %dma_start3A_356 = arith.constant 5 : i32
    %dma_start3A_357 = arith.constant 0 : i32
    %dma_start3A_358 = tpu.memref_slice %arg7[%dma_start3A_356, %dma_start3A_357] : memref<8x512xf32, #tpu.memory_space<vmem>> -> memref<1x512xf32, #tpu.memory_space<vmem>>
    %dma_start3A_359 = tpu.memref_squeeze %dma_start3A_358 : memref<1x512xf32, #tpu.memory_space<vmem>> -> memref<512xf32, #tpu.memory_space<vmem>>
    %dma_start3A_360 = arith.constant 256 : i32
    %dma_start3A_361 = tpu.memref_slice %dma_start3A_359[%dma_start3A_360] : memref<512xf32, #tpu.memory_space<vmem>> -> memref<128xf32, #tpu.memory_space<vmem>>
    %dma_start3A_362 = arith.constant 0 : i32
    %dma_start3A_363 = tpu.memref_slice %arg6[%dma_start3A_355, %dma_start3A_362] : memref<4x128xi32, #tpu.memory_space<vmem>> -> memref<1x128xi32, #tpu.memory_space<vmem>>
    %dma_start3A_364 = tpu.memref_squeeze %dma_start3A_363 : memref<1x128xi32, #tpu.memory_space<vmem>> -> memref<128xi32, #tpu.memory_space<vmem>>
    %dma_start3A_365 = arith.constant 0 : i32
    %dma_start3A_366 = tpu.memref_slice %arg3[%dma_start3A_354, %dma_start3A_365] : memref<8x50000xf32, #tpu.memory_space<hbm>> -> memref<1x50000xf32, #tpu.memory_space<hbm>>
    %dma_start3A_367 = tpu.memref_squeeze %dma_start3A_366 : memref<1x50000xf32, #tpu.memory_space<hbm>> -> memref<50000xf32, #tpu.memory_space<hbm>>
    %dma_start3A_368 = arith.constant 0 : i32
    %dma_start3A_369 = tpu.memref_slice %dma_start3A_367[%dma_start3A_368] : memref<50000xf32, #tpu.memory_space<hbm>> -> memref<50000xf32, #tpu.memory_space<hbm>>
    tpu.enqueue_indirect_dma source(%dma_start3A_369 : memref<50000xf32, #tpu.memory_space<hbm>>) target(%dma_start3A_361 : memref<128xf32, #tpu.memory_space<vmem>>) offsets(%dma_start3A_364 : memref<128xi32, #tpu.memory_space<vmem>>) semaphore(%arg8 : memref<!tpu.dma_semaphore, #tpu.memory_space<semaphore_mem>>)
    %dma_start3A_370 = arith.constant 5 : i32
    %dma_start3A_371 = arith.constant 3 : i32
    %dma_start3A_372 = arith.constant 5 : i32
    %dma_start3A_373 = arith.constant 0 : i32
    %dma_start3A_374 = tpu.memref_slice %arg7[%dma_start3A_372, %dma_start3A_373] : memref<8x512xf32, #tpu.memory_space<vmem>> -> memref<1x512xf32, #tpu.memory_space<vmem>>
    %dma_start3A_375 = tpu.memref_squeeze %dma_start3A_374 : memref<1x512xf32, #tpu.memory_space<vmem>> -> memref<512xf32, #tpu.memory_space<vmem>>
    %dma_start3A_376 = arith.constant 384 : i32
    %dma_start3A_377 = tpu.memref_slice %dma_start3A_375[%dma_start3A_376] : memref<512xf32, #tpu.memory_space<vmem>> -> memref<128xf32, #tpu.memory_space<vmem>>
    %dma_start3A_378 = arith.constant 0 : i32
    %dma_start3A_379 = tpu.memref_slice %arg6[%dma_start3A_371, %dma_start3A_378] : memref<4x128xi32, #tpu.memory_space<vmem>> -> memref<1x128xi32, #tpu.memory_space<vmem>>
    %dma_start3A_380 = tpu.memref_squeeze %dma_start3A_379 : memref<1x128xi32, #tpu.memory_space<vmem>> -> memref<128xi32, #tpu.memory_space<vmem>>
    %dma_start3A_381 = arith.constant 0 : i32
    %dma_start3A_382 = tpu.memref_slice %arg3[%dma_start3A_370, %dma_start3A_381] : memref<8x50000xf32, #tpu.memory_space<hbm>> -> memref<1x50000xf32, #tpu.memory_space<hbm>>
    %dma_start3A_383 = tpu.memref_squeeze %dma_start3A_382 : memref<1x50000xf32, #tpu.memory_space<hbm>> -> memref<50000xf32, #tpu.memory_space<hbm>>
    %dma_start3A_384 = arith.constant 0 : i32
    %dma_start3A_385 = tpu.memref_slice %dma_start3A_383[%dma_start3A_384] : memref<50000xf32, #tpu.memory_space<hbm>> -> memref<50000xf32, #tpu.memory_space<hbm>>
    tpu.enqueue_indirect_dma source(%dma_start3A_385 : memref<50000xf32, #tpu.memory_space<hbm>>) target(%dma_start3A_377 : memref<128xf32, #tpu.memory_space<vmem>>) offsets(%dma_start3A_380 : memref<128xi32, #tpu.memory_space<vmem>>) semaphore(%arg8 : memref<!tpu.dma_semaphore, #tpu.memory_space<semaphore_mem>>)
    %dma_start3A_386 = arith.constant 6 : i32
    %dma_start3A_387 = arith.constant 0 : i32
    %dma_start3A_388 = arith.constant 6 : i32
    %dma_start3A_389 = arith.constant 0 : i32
    %dma_start3A_390 = tpu.memref_slice %arg7[%dma_start3A_388, %dma_start3A_389] : memref<8x512xf32, #tpu.memory_space<vmem>> -> memref<1x512xf32, #tpu.memory_space<vmem>>
    %dma_start3A_391 = tpu.memref_squeeze %dma_start3A_390 : memref<1x512xf32, #tpu.memory_space<vmem>> -> memref<512xf32, #tpu.memory_space<vmem>>
    %dma_start3A_392 = arith.constant 0 : i32
    %dma_start3A_393 = tpu.memref_slice %dma_start3A_391[%dma_start3A_392] : memref<512xf32, #tpu.memory_space<vmem>> -> memref<128xf32, #tpu.memory_space<vmem>>
    %dma_start3A_394 = arith.constant 0 : i32
    %dma_start3A_395 = tpu.memref_slice %arg6[%dma_start3A_387, %dma_start3A_394] : memref<4x128xi32, #tpu.memory_space<vmem>> -> memref<1x128xi32, #tpu.memory_space<vmem>>
    %dma_start3A_396 = tpu.memref_squeeze %dma_start3A_395 : memref<1x128xi32, #tpu.memory_space<vmem>> -> memref<128xi32, #tpu.memory_space<vmem>>
    %dma_start3A_397 = arith.constant 0 : i32
    %dma_start3A_398 = tpu.memref_slice %arg3[%dma_start3A_386, %dma_start3A_397] : memref<8x50000xf32, #tpu.memory_space<hbm>> -> memref<1x50000xf32, #tpu.memory_space<hbm>>
    %dma_start3A_399 = tpu.memref_squeeze %dma_start3A_398 : memref<1x50000xf32, #tpu.memory_space<hbm>> -> memref<50000xf32, #tpu.memory_space<hbm>>
    %dma_start3A_400 = arith.constant 0 : i32
    %dma_start3A_401 = tpu.memref_slice %dma_start3A_399[%dma_start3A_400] : memref<50000xf32, #tpu.memory_space<hbm>> -> memref<50000xf32, #tpu.memory_space<hbm>>
    tpu.enqueue_indirect_dma source(%dma_start3A_401 : memref<50000xf32, #tpu.memory_space<hbm>>) target(%dma_start3A_393 : memref<128xf32, #tpu.memory_space<vmem>>) offsets(%dma_start3A_396 : memref<128xi32, #tpu.memory_space<vmem>>) semaphore(%arg8 : memref<!tpu.dma_semaphore, #tpu.memory_space<semaphore_mem>>)
    %dma_start3A_402 = arith.constant 6 : i32
    %dma_start3A_403 = arith.constant 1 : i32
    %dma_start3A_404 = arith.constant 6 : i32
    %dma_start3A_405 = arith.constant 0 : i32
    %dma_start3A_406 = tpu.memref_slice %arg7[%dma_start3A_404, %dma_start3A_405] : memref<8x512xf32, #tpu.memory_space<vmem>> -> memref<1x512xf32, #tpu.memory_space<vmem>>
    %dma_start3A_407 = tpu.memref_squeeze %dma_start3A_406 : memref<1x512xf32, #tpu.memory_space<vmem>> -> memref<512xf32, #tpu.memory_space<vmem>>
    %dma_start3A_408 = arith.constant 128 : i32
    %dma_start3A_409 = tpu.memref_slice %dma_start3A_407[%dma_start3A_408] : memref<512xf32, #tpu.memory_space<vmem>> -> memref<128xf32, #tpu.memory_space<vmem>>
    %dma_start3A_410 = arith.constant 0 : i32
    %dma_start3A_411 = tpu.memref_slice %arg6[%dma_start3A_403, %dma_start3A_410] : memref<4x128xi32, #tpu.memory_space<vmem>> -> memref<1x128xi32, #tpu.memory_space<vmem>>
    %dma_start3A_412 = tpu.memref_squeeze %dma_start3A_411 : memref<1x128xi32, #tpu.memory_space<vmem>> -> memref<128xi32, #tpu.memory_space<vmem>>
    %dma_start3A_413 = arith.constant 0 : i32
    %dma_start3A_414 = tpu.memref_slice %arg3[%dma_start3A_402, %dma_start3A_413] : memref<8x50000xf32, #tpu.memory_space<hbm>> -> memref<1x50000xf32, #tpu.memory_space<hbm>>
    %dma_start3A_415 = tpu.memref_squeeze %dma_start3A_414 : memref<1x50000xf32, #tpu.memory_space<hbm>> -> memref<50000xf32, #tpu.memory_space<hbm>>
    %dma_start3A_416 = arith.constant 0 : i32
    %dma_start3A_417 = tpu.memref_slice %dma_start3A_415[%dma_start3A_416] : memref<50000xf32, #tpu.memory_space<hbm>> -> memref<50000xf32, #tpu.memory_space<hbm>>
    tpu.enqueue_indirect_dma source(%dma_start3A_417 : memref<50000xf32, #tpu.memory_space<hbm>>) target(%dma_start3A_409 : memref<128xf32, #tpu.memory_space<vmem>>) offsets(%dma_start3A_412 : memref<128xi32, #tpu.memory_space<vmem>>) semaphore(%arg8 : memref<!tpu.dma_semaphore, #tpu.memory_space<semaphore_mem>>)
    %dma_start3A_418 = arith.constant 6 : i32
    %dma_start3A_419 = arith.constant 2 : i32
    %dma_start3A_420 = arith.constant 6 : i32
    %dma_start3A_421 = arith.constant 0 : i32
    %dma_start3A_422 = tpu.memref_slice %arg7[%dma_start3A_420, %dma_start3A_421] : memref<8x512xf32, #tpu.memory_space<vmem>> -> memref<1x512xf32, #tpu.memory_space<vmem>>
    %dma_start3A_423 = tpu.memref_squeeze %dma_start3A_422 : memref<1x512xf32, #tpu.memory_space<vmem>> -> memref<512xf32, #tpu.memory_space<vmem>>
    %dma_start3A_424 = arith.constant 256 : i32
    %dma_start3A_425 = tpu.memref_slice %dma_start3A_423[%dma_start3A_424] : memref<512xf32, #tpu.memory_space<vmem>> -> memref<128xf32, #tpu.memory_space<vmem>>
    %dma_start3A_426 = arith.constant 0 : i32
    %dma_start3A_427 = tpu.memref_slice %arg6[%dma_start3A_419, %dma_start3A_426] : memref<4x128xi32, #tpu.memory_space<vmem>> -> memref<1x128xi32, #tpu.memory_space<vmem>>
    %dma_start3A_428 = tpu.memref_squeeze %dma_start3A_427 : memref<1x128xi32, #tpu.memory_space<vmem>> -> memref<128xi32, #tpu.memory_space<vmem>>
    %dma_start3A_429 = arith.constant 0 : i32
    %dma_start3A_430 = tpu.memref_slice %arg3[%dma_start3A_418, %dma_start3A_429] : memref<8x50000xf32, #tpu.memory_space<hbm>> -> memref<1x50000xf32, #tpu.memory_space<hbm>>
    %dma_start3A_431 = tpu.memref_squeeze %dma_start3A_430 : memref<1x50000xf32, #tpu.memory_space<hbm>> -> memref<50000xf32, #tpu.memory_space<hbm>>
    %dma_start3A_432 = arith.constant 0 : i32
    %dma_start3A_433 = tpu.memref_slice %dma_start3A_431[%dma_start3A_432] : memref<50000xf32, #tpu.memory_space<hbm>> -> memref<50000xf32, #tpu.memory_space<hbm>>
    tpu.enqueue_indirect_dma source(%dma_start3A_433 : memref<50000xf32, #tpu.memory_space<hbm>>) target(%dma_start3A_425 : memref<128xf32, #tpu.memory_space<vmem>>) offsets(%dma_start3A_428 : memref<128xi32, #tpu.memory_space<vmem>>) semaphore(%arg8 : memref<!tpu.dma_semaphore, #tpu.memory_space<semaphore_mem>>)
    %dma_start3A_434 = arith.constant 6 : i32
    %dma_start3A_435 = arith.constant 3 : i32
    %dma_start3A_436 = arith.constant 6 : i32
    %dma_start3A_437 = arith.constant 0 : i32
    %dma_start3A_438 = tpu.memref_slice %arg7[%dma_start3A_436, %dma_start3A_437] : memref<8x512xf32, #tpu.memory_space<vmem>> -> memref<1x512xf32, #tpu.memory_space<vmem>>
    %dma_start3A_439 = tpu.memref_squeeze %dma_start3A_438 : memref<1x512xf32, #tpu.memory_space<vmem>> -> memref<512xf32, #tpu.memory_space<vmem>>
    %dma_start3A_440 = arith.constant 384 : i32
    %dma_start3A_441 = tpu.memref_slice %dma_start3A_439[%dma_start3A_440] : memref<512xf32, #tpu.memory_space<vmem>> -> memref<128xf32, #tpu.memory_space<vmem>>
    %dma_start3A_442 = arith.constant 0 : i32
    %dma_start3A_443 = tpu.memref_slice %arg6[%dma_start3A_435, %dma_start3A_442] : memref<4x128xi32, #tpu.memory_space<vmem>> -> memref<1x128xi32, #tpu.memory_space<vmem>>
    %dma_start3A_444 = tpu.memref_squeeze %dma_start3A_443 : memref<1x128xi32, #tpu.memory_space<vmem>> -> memref<128xi32, #tpu.memory_space<vmem>>
    %dma_start3A_445 = arith.constant 0 : i32
    %dma_start3A_446 = tpu.memref_slice %arg3[%dma_start3A_434, %dma_start3A_445] : memref<8x50000xf32, #tpu.memory_space<hbm>> -> memref<1x50000xf32, #tpu.memory_space<hbm>>
    %dma_start3A_447 = tpu.memref_squeeze %dma_start3A_446 : memref<1x50000xf32, #tpu.memory_space<hbm>> -> memref<50000xf32, #tpu.memory_space<hbm>>
    %dma_start3A_448 = arith.constant 0 : i32
    %dma_start3A_449 = tpu.memref_slice %dma_start3A_447[%dma_start3A_448] : memref<50000xf32, #tpu.memory_space<hbm>> -> memref<50000xf32, #tpu.memory_space<hbm>>
    tpu.enqueue_indirect_dma source(%dma_start3A_449 : memref<50000xf32, #tpu.memory_space<hbm>>) target(%dma_start3A_441 : memref<128xf32, #tpu.memory_space<vmem>>) offsets(%dma_start3A_444 : memref<128xi32, #tpu.memory_space<vmem>>) semaphore(%arg8 : memref<!tpu.dma_semaphore, #tpu.memory_space<semaphore_mem>>)
    %dma_start3A_450 = arith.constant 7 : i32
    %dma_start3A_451 = arith.constant 0 : i32
    %dma_start3A_452 = arith.constant 7 : i32
    %dma_start3A_453 = arith.constant 0 : i32
    %dma_start3A_454 = tpu.memref_slice %arg7[%dma_start3A_452, %dma_start3A_453] : memref<8x512xf32, #tpu.memory_space<vmem>> -> memref<1x512xf32, #tpu.memory_space<vmem>>
    %dma_start3A_455 = tpu.memref_squeeze %dma_start3A_454 : memref<1x512xf32, #tpu.memory_space<vmem>> -> memref<512xf32, #tpu.memory_space<vmem>>
    %dma_start3A_456 = arith.constant 0 : i32
    %dma_start3A_457 = tpu.memref_slice %dma_start3A_455[%dma_start3A_456] : memref<512xf32, #tpu.memory_space<vmem>> -> memref<128xf32, #tpu.memory_space<vmem>>
    %dma_start3A_458 = arith.constant 0 : i32
    %dma_start3A_459 = tpu.memref_slice %arg6[%dma_start3A_451, %dma_start3A_458] : memref<4x128xi32, #tpu.memory_space<vmem>> -> memref<1x128xi32, #tpu.memory_space<vmem>>
    %dma_start3A_460 = tpu.memref_squeeze %dma_start3A_459 : memref<1x128xi32, #tpu.memory_space<vmem>> -> memref<128xi32, #tpu.memory_space<vmem>>
    %dma_start3A_461 = arith.constant 0 : i32
    %dma_start3A_462 = tpu.memref_slice %arg3[%dma_start3A_450, %dma_start3A_461] : memref<8x50000xf32, #tpu.memory_space<hbm>> -> memref<1x50000xf32, #tpu.memory_space<hbm>>
    %dma_start3A_463 = tpu.memref_squeeze %dma_start3A_462 : memref<1x50000xf32, #tpu.memory_space<hbm>> -> memref<50000xf32, #tpu.memory_space<hbm>>
    %dma_start3A_464 = arith.constant 0 : i32
    %dma_start3A_465 = tpu.memref_slice %dma_start3A_463[%dma_start3A_464] : memref<50000xf32, #tpu.memory_space<hbm>> -> memref<50000xf32, #tpu.memory_space<hbm>>
    tpu.enqueue_indirect_dma source(%dma_start3A_465 : memref<50000xf32, #tpu.memory_space<hbm>>) target(%dma_start3A_457 : memref<128xf32, #tpu.memory_space<vmem>>) offsets(%dma_start3A_460 : memref<128xi32, #tpu.memory_space<vmem>>) semaphore(%arg8 : memref<!tpu.dma_semaphore, #tpu.memory_space<semaphore_mem>>)
    %dma_start3A_466 = arith.constant 7 : i32
    %dma_start3A_467 = arith.constant 1 : i32
    %dma_start3A_468 = arith.constant 7 : i32
    %dma_start3A_469 = arith.constant 0 : i32
    %dma_start3A_470 = tpu.memref_slice %arg7[%dma_start3A_468, %dma_start3A_469] : memref<8x512xf32, #tpu.memory_space<vmem>> -> memref<1x512xf32, #tpu.memory_space<vmem>>
    %dma_start3A_471 = tpu.memref_squeeze %dma_start3A_470 : memref<1x512xf32, #tpu.memory_space<vmem>> -> memref<512xf32, #tpu.memory_space<vmem>>
    %dma_start3A_472 = arith.constant 128 : i32
    %dma_start3A_473 = tpu.memref_slice %dma_start3A_471[%dma_start3A_472] : memref<512xf32, #tpu.memory_space<vmem>> -> memref<128xf32, #tpu.memory_space<vmem>>
    %dma_start3A_474 = arith.constant 0 : i32
    %dma_start3A_475 = tpu.memref_slice %arg6[%dma_start3A_467, %dma_start3A_474] : memref<4x128xi32, #tpu.memory_space<vmem>> -> memref<1x128xi32, #tpu.memory_space<vmem>>
    %dma_start3A_476 = tpu.memref_squeeze %dma_start3A_475 : memref<1x128xi32, #tpu.memory_space<vmem>> -> memref<128xi32, #tpu.memory_space<vmem>>
    %dma_start3A_477 = arith.constant 0 : i32
    %dma_start3A_478 = tpu.memref_slice %arg3[%dma_start3A_466, %dma_start3A_477] : memref<8x50000xf32, #tpu.memory_space<hbm>> -> memref<1x50000xf32, #tpu.memory_space<hbm>>
    %dma_start3A_479 = tpu.memref_squeeze %dma_start3A_478 : memref<1x50000xf32, #tpu.memory_space<hbm>> -> memref<50000xf32, #tpu.memory_space<hbm>>
    %dma_start3A_480 = arith.constant 0 : i32
    %dma_start3A_481 = tpu.memref_slice %dma_start3A_479[%dma_start3A_480] : memref<50000xf32, #tpu.memory_space<hbm>> -> memref<50000xf32, #tpu.memory_space<hbm>>
    tpu.enqueue_indirect_dma source(%dma_start3A_481 : memref<50000xf32, #tpu.memory_space<hbm>>) target(%dma_start3A_473 : memref<128xf32, #tpu.memory_space<vmem>>) offsets(%dma_start3A_476 : memref<128xi32, #tpu.memory_space<vmem>>) semaphore(%arg8 : memref<!tpu.dma_semaphore, #tpu.memory_space<semaphore_mem>>)
    %dma_start3A_482 = arith.constant 7 : i32
    %dma_start3A_483 = arith.constant 2 : i32
    %dma_start3A_484 = arith.constant 7 : i32
    %dma_start3A_485 = arith.constant 0 : i32
    %dma_start3A_486 = tpu.memref_slice %arg7[%dma_start3A_484, %dma_start3A_485] : memref<8x512xf32, #tpu.memory_space<vmem>> -> memref<1x512xf32, #tpu.memory_space<vmem>>
    %dma_start3A_487 = tpu.memref_squeeze %dma_start3A_486 : memref<1x512xf32, #tpu.memory_space<vmem>> -> memref<512xf32, #tpu.memory_space<vmem>>
    %dma_start3A_488 = arith.constant 256 : i32
    %dma_start3A_489 = tpu.memref_slice %dma_start3A_487[%dma_start3A_488] : memref<512xf32, #tpu.memory_space<vmem>> -> memref<128xf32, #tpu.memory_space<vmem>>
    %dma_start3A_490 = arith.constant 0 : i32
    %dma_start3A_491 = tpu.memref_slice %arg6[%dma_start3A_483, %dma_start3A_490] : memref<4x128xi32, #tpu.memory_space<vmem>> -> memref<1x128xi32, #tpu.memory_space<vmem>>
    %dma_start3A_492 = tpu.memref_squeeze %dma_start3A_491 : memref<1x128xi32, #tpu.memory_space<vmem>> -> memref<128xi32, #tpu.memory_space<vmem>>
    %dma_start3A_493 = arith.constant 0 : i32
    %dma_start3A_494 = tpu.memref_slice %arg3[%dma_start3A_482, %dma_start3A_493] : memref<8x50000xf32, #tpu.memory_space<hbm>> -> memref<1x50000xf32, #tpu.memory_space<hbm>>
    %dma_start3A_495 = tpu.memref_squeeze %dma_start3A_494 : memref<1x50000xf32, #tpu.memory_space<hbm>> -> memref<50000xf32, #tpu.memory_space<hbm>>
    %dma_start3A_496 = arith.constant 0 : i32
    %dma_start3A_497 = tpu.memref_slice %dma_start3A_495[%dma_start3A_496] : memref<50000xf32, #tpu.memory_space<hbm>> -> memref<50000xf32, #tpu.memory_space<hbm>>
    tpu.enqueue_indirect_dma source(%dma_start3A_497 : memref<50000xf32, #tpu.memory_space<hbm>>) target(%dma_start3A_489 : memref<128xf32, #tpu.memory_space<vmem>>) offsets(%dma_start3A_492 : memref<128xi32, #tpu.memory_space<vmem>>) semaphore(%arg8 : memref<!tpu.dma_semaphore, #tpu.memory_space<semaphore_mem>>)
    %dma_start3A_498 = arith.constant 7 : i32
    %dma_start3A_499 = arith.constant 3 : i32
    %dma_start3A_500 = arith.constant 7 : i32
    %dma_start3A_501 = arith.constant 0 : i32
    %dma_start3A_502 = tpu.memref_slice %arg7[%dma_start3A_500, %dma_start3A_501] : memref<8x512xf32, #tpu.memory_space<vmem>> -> memref<1x512xf32, #tpu.memory_space<vmem>>
    %dma_start3A_503 = tpu.memref_squeeze %dma_start3A_502 : memref<1x512xf32, #tpu.memory_space<vmem>> -> memref<512xf32, #tpu.memory_space<vmem>>
    %dma_start3A_504 = arith.constant 384 : i32
    %dma_start3A_505 = tpu.memref_slice %dma_start3A_503[%dma_start3A_504] : memref<512xf32, #tpu.memory_space<vmem>> -> memref<128xf32, #tpu.memory_space<vmem>>
    %dma_start3A_506 = arith.constant 0 : i32
    %dma_start3A_507 = tpu.memref_slice %arg6[%dma_start3A_499, %dma_start3A_506] : memref<4x128xi32, #tpu.memory_space<vmem>> -> memref<1x128xi32, #tpu.memory_space<vmem>>
    %dma_start3A_508 = tpu.memref_squeeze %dma_start3A_507 : memref<1x128xi32, #tpu.memory_space<vmem>> -> memref<128xi32, #tpu.memory_space<vmem>>
    %dma_start3A_509 = arith.constant 0 : i32
    %dma_start3A_510 = tpu.memref_slice %arg3[%dma_start3A_498, %dma_start3A_509] : memref<8x50000xf32, #tpu.memory_space<hbm>> -> memref<1x50000xf32, #tpu.memory_space<hbm>>
    %dma_start3A_511 = tpu.memref_squeeze %dma_start3A_510 : memref<1x50000xf32, #tpu.memory_space<hbm>> -> memref<50000xf32, #tpu.memory_space<hbm>>
    %dma_start3A_512 = arith.constant 0 : i32
    %dma_start3A_513 = tpu.memref_slice %dma_start3A_511[%dma_start3A_512] : memref<50000xf32, #tpu.memory_space<hbm>> -> memref<50000xf32, #tpu.memory_space<hbm>>
    tpu.enqueue_indirect_dma source(%dma_start3A_513 : memref<50000xf32, #tpu.memory_space<hbm>>) target(%dma_start3A_505 : memref<128xf32, #tpu.memory_space<vmem>>) offsets(%dma_start3A_508 : memref<128xi32, #tpu.memory_space<vmem>>) semaphore(%arg8 : memref<!tpu.dma_semaphore, #tpu.memory_space<semaphore_mem>>)
    %dma_wait3A = arith.constant 0 : i32
    %dma_wait3A_514 = arith.constant 0 : i32
    %dma_wait3A_515 = arith.constant 0 : i32
    %dma_wait3A_516 = arith.constant 0 : i32
    %dma_wait3A_517 = tpu.memref_slice %arg7[%dma_wait3A_515, %dma_wait3A_516] : memref<8x512xf32, #tpu.memory_space<vmem>> -> memref<1x512xf32, #tpu.memory_space<vmem>>
    %dma_wait3A_518 = tpu.memref_squeeze %dma_wait3A_517 : memref<1x512xf32, #tpu.memory_space<vmem>> -> memref<512xf32, #tpu.memory_space<vmem>>
    %dma_wait3A_519 = arith.constant 0 : i32
    %dma_wait3A_520 = tpu.memref_slice %dma_wait3A_518[%dma_wait3A_519] : memref<512xf32, #tpu.memory_space<vmem>> -> memref<128xf32, #tpu.memory_space<vmem>>
    %dma_wait3A_521 = arith.constant 0 : i32
    %dma_wait3A_522 = tpu.memref_slice %arg6[%dma_wait3A_514, %dma_wait3A_521] : memref<4x128xi32, #tpu.memory_space<vmem>> -> memref<1x128xi32, #tpu.memory_space<vmem>>
    %dma_wait3A_523 = tpu.memref_squeeze %dma_wait3A_522 : memref<1x128xi32, #tpu.memory_space<vmem>> -> memref<128xi32, #tpu.memory_space<vmem>>
    %dma_wait3A_524 = arith.constant 0 : i32
    %dma_wait3A_525 = tpu.memref_slice %arg3[%dma_wait3A, %dma_wait3A_524] : memref<8x50000xf32, #tpu.memory_space<hbm>> -> memref<1x50000xf32, #tpu.memory_space<hbm>>
    %dma_wait3A_526 = tpu.memref_squeeze %dma_wait3A_525 : memref<1x50000xf32, #tpu.memory_space<hbm>> -> memref<50000xf32, #tpu.memory_space<hbm>>
    %dma_wait3A_527 = arith.constant 0 : i32
    %dma_wait3A_528 = tpu.memref_slice %dma_wait3A_526[%dma_wait3A_527] : memref<50000xf32, #tpu.memory_space<hbm>> -> memref<50000xf32, #tpu.memory_space<hbm>>
    tpu.wait_indirect_dma semaphore(%arg8 : memref<!tpu.dma_semaphore, #tpu.memory_space<semaphore_mem>>) src(%dma_wait3A_528 : memref<50000xf32, #tpu.memory_space<hbm>>) dst(%dma_wait3A_520 : memref<128xf32, #tpu.memory_space<vmem>>)
    %dma_wait3A_529 = arith.constant 0 : i32
    %dma_wait3A_530 = arith.constant 1 : i32
    %dma_wait3A_531 = arith.constant 0 : i32
    %dma_wait3A_532 = arith.constant 0 : i32
    %dma_wait3A_533 = tpu.memref_slice %arg7[%dma_wait3A_531, %dma_wait3A_532] : memref<8x512xf32, #tpu.memory_space<vmem>> -> memref<1x512xf32, #tpu.memory_space<vmem>>
    %dma_wait3A_534 = tpu.memref_squeeze %dma_wait3A_533 : memref<1x512xf32, #tpu.memory_space<vmem>> -> memref<512xf32, #tpu.memory_space<vmem>>
    %dma_wait3A_535 = arith.constant 128 : i32
    %dma_wait3A_536 = tpu.memref_slice %dma_wait3A_534[%dma_wait3A_535] : memref<512xf32, #tpu.memory_space<vmem>> -> memref<128xf32, #tpu.memory_space<vmem>>
    %dma_wait3A_537 = arith.constant 0 : i32
    %dma_wait3A_538 = tpu.memref_slice %arg6[%dma_wait3A_530, %dma_wait3A_537] : memref<4x128xi32, #tpu.memory_space<vmem>> -> memref<1x128xi32, #tpu.memory_space<vmem>>
    %dma_wait3A_539 = tpu.memref_squeeze %dma_wait3A_538 : memref<1x128xi32, #tpu.memory_space<vmem>> -> memref<128xi32, #tpu.memory_space<vmem>>
    %dma_wait3A_540 = arith.constant 0 : i32
    %dma_wait3A_541 = tpu.memref_slice %arg3[%dma_wait3A_529, %dma_wait3A_540] : memref<8x50000xf32, #tpu.memory_space<hbm>> -> memref<1x50000xf32, #tpu.memory_space<hbm>>
    %dma_wait3A_542 = tpu.memref_squeeze %dma_wait3A_541 : memref<1x50000xf32, #tpu.memory_space<hbm>> -> memref<50000xf32, #tpu.memory_space<hbm>>
    %dma_wait3A_543 = arith.constant 0 : i32
    %dma_wait3A_544 = tpu.memref_slice %dma_wait3A_542[%dma_wait3A_543] : memref<50000xf32, #tpu.memory_space<hbm>> -> memref<50000xf32, #tpu.memory_space<hbm>>
    tpu.wait_indirect_dma semaphore(%arg8 : memref<!tpu.dma_semaphore, #tpu.memory_space<semaphore_mem>>) src(%dma_wait3A_544 : memref<50000xf32, #tpu.memory_space<hbm>>) dst(%dma_wait3A_536 : memref<128xf32, #tpu.memory_space<vmem>>)
    %dma_wait3A_545 = arith.constant 0 : i32
    %dma_wait3A_546 = arith.constant 2 : i32
    %dma_wait3A_547 = arith.constant 0 : i32
    %dma_wait3A_548 = arith.constant 0 : i32
    %dma_wait3A_549 = tpu.memref_slice %arg7[%dma_wait3A_547, %dma_wait3A_548] : memref<8x512xf32, #tpu.memory_space<vmem>> -> memref<1x512xf32, #tpu.memory_space<vmem>>
    %dma_wait3A_550 = tpu.memref_squeeze %dma_wait3A_549 : memref<1x512xf32, #tpu.memory_space<vmem>> -> memref<512xf32, #tpu.memory_space<vmem>>
    %dma_wait3A_551 = arith.constant 256 : i32
    %dma_wait3A_552 = tpu.memref_slice %dma_wait3A_550[%dma_wait3A_551] : memref<512xf32, #tpu.memory_space<vmem>> -> memref<128xf32, #tpu.memory_space<vmem>>
    %dma_wait3A_553 = arith.constant 0 : i32
    %dma_wait3A_554 = tpu.memref_slice %arg6[%dma_wait3A_546, %dma_wait3A_553] : memref<4x128xi32, #tpu.memory_space<vmem>> -> memref<1x128xi32, #tpu.memory_space<vmem>>
    %dma_wait3A_555 = tpu.memref_squeeze %dma_wait3A_554 : memref<1x128xi32, #tpu.memory_space<vmem>> -> memref<128xi32, #tpu.memory_space<vmem>>
    %dma_wait3A_556 = arith.constant 0 : i32
    %dma_wait3A_557 = tpu.memref_slice %arg3[%dma_wait3A_545, %dma_wait3A_556] : memref<8x50000xf32, #tpu.memory_space<hbm>> -> memref<1x50000xf32, #tpu.memory_space<hbm>>
    %dma_wait3A_558 = tpu.memref_squeeze %dma_wait3A_557 : memref<1x50000xf32, #tpu.memory_space<hbm>> -> memref<50000xf32, #tpu.memory_space<hbm>>
    %dma_wait3A_559 = arith.constant 0 : i32
    %dma_wait3A_560 = tpu.memref_slice %dma_wait3A_558[%dma_wait3A_559] : memref<50000xf32, #tpu.memory_space<hbm>> -> memref<50000xf32, #tpu.memory_space<hbm>>
    tpu.wait_indirect_dma semaphore(%arg8 : memref<!tpu.dma_semaphore, #tpu.memory_space<semaphore_mem>>) src(%dma_wait3A_560 : memref<50000xf32, #tpu.memory_space<hbm>>) dst(%dma_wait3A_552 : memref<128xf32, #tpu.memory_space<vmem>>)
    %dma_wait3A_561 = arith.constant 0 : i32
    %dma_wait3A_562 = arith.constant 3 : i32
    %dma_wait3A_563 = arith.constant 0 : i32
    %dma_wait3A_564 = arith.constant 0 : i32
    %dma_wait3A_565 = tpu.memref_slice %arg7[%dma_wait3A_563, %dma_wait3A_564] : memref<8x512xf32, #tpu.memory_space<vmem>> -> memref<1x512xf32, #tpu.memory_space<vmem>>
    %dma_wait3A_566 = tpu.memref_squeeze %dma_wait3A_565 : memref<1x512xf32, #tpu.memory_space<vmem>> -> memref<512xf32, #tpu.memory_space<vmem>>
    %dma_wait3A_567 = arith.constant 384 : i32
    %dma_wait3A_568 = tpu.memref_slice %dma_wait3A_566[%dma_wait3A_567] : memref<512xf32, #tpu.memory_space<vmem>> -> memref<128xf32, #tpu.memory_space<vmem>>
    %dma_wait3A_569 = arith.constant 0 : i32
    %dma_wait3A_570 = tpu.memref_slice %arg6[%dma_wait3A_562, %dma_wait3A_569] : memref<4x128xi32, #tpu.memory_space<vmem>> -> memref<1x128xi32, #tpu.memory_space<vmem>>
    %dma_wait3A_571 = tpu.memref_squeeze %dma_wait3A_570 : memref<1x128xi32, #tpu.memory_space<vmem>> -> memref<128xi32, #tpu.memory_space<vmem>>
    %dma_wait3A_572 = arith.constant 0 : i32
    %dma_wait3A_573 = tpu.memref_slice %arg3[%dma_wait3A_561, %dma_wait3A_572] : memref<8x50000xf32, #tpu.memory_space<hbm>> -> memref<1x50000xf32, #tpu.memory_space<hbm>>
    %dma_wait3A_574 = tpu.memref_squeeze %dma_wait3A_573 : memref<1x50000xf32, #tpu.memory_space<hbm>> -> memref<50000xf32, #tpu.memory_space<hbm>>
    %dma_wait3A_575 = arith.constant 0 : i32
    %dma_wait3A_576 = tpu.memref_slice %dma_wait3A_574[%dma_wait3A_575] : memref<50000xf32, #tpu.memory_space<hbm>> -> memref<50000xf32, #tpu.memory_space<hbm>>
    tpu.wait_indirect_dma semaphore(%arg8 : memref<!tpu.dma_semaphore, #tpu.memory_space<semaphore_mem>>) src(%dma_wait3A_576 : memref<50000xf32, #tpu.memory_space<hbm>>) dst(%dma_wait3A_568 : memref<128xf32, #tpu.memory_space<vmem>>)
    %dma_wait3A_577 = arith.constant 1 : i32
    %dma_wait3A_578 = arith.constant 0 : i32
    %dma_wait3A_579 = arith.constant 1 : i32
    %dma_wait3A_580 = arith.constant 0 : i32
    %dma_wait3A_581 = tpu.memref_slice %arg7[%dma_wait3A_579, %dma_wait3A_580] : memref<8x512xf32, #tpu.memory_space<vmem>> -> memref<1x512xf32, #tpu.memory_space<vmem>>
    %dma_wait3A_582 = tpu.memref_squeeze %dma_wait3A_581 : memref<1x512xf32, #tpu.memory_space<vmem>> -> memref<512xf32, #tpu.memory_space<vmem>>
    %dma_wait3A_583 = arith.constant 0 : i32
    %dma_wait3A_584 = tpu.memref_slice %dma_wait3A_582[%dma_wait3A_583] : memref<512xf32, #tpu.memory_space<vmem>> -> memref<128xf32, #tpu.memory_space<vmem>>
    %dma_wait3A_585 = arith.constant 0 : i32
    %dma_wait3A_586 = tpu.memref_slice %arg6[%dma_wait3A_578, %dma_wait3A_585] : memref<4x128xi32, #tpu.memory_space<vmem>> -> memref<1x128xi32, #tpu.memory_space<vmem>>
    %dma_wait3A_587 = tpu.memref_squeeze %dma_wait3A_586 : memref<1x128xi32, #tpu.memory_space<vmem>> -> memref<128xi32, #tpu.memory_space<vmem>>
    %dma_wait3A_588 = arith.constant 0 : i32
    %dma_wait3A_589 = tpu.memref_slice %arg3[%dma_wait3A_577, %dma_wait3A_588] : memref<8x50000xf32, #tpu.memory_space<hbm>> -> memref<1x50000xf32, #tpu.memory_space<hbm>>
    %dma_wait3A_590 = tpu.memref_squeeze %dma_wait3A_589 : memref<1x50000xf32, #tpu.memory_space<hbm>> -> memref<50000xf32, #tpu.memory_space<hbm>>
    %dma_wait3A_591 = arith.constant 0 : i32
    %dma_wait3A_592 = tpu.memref_slice %dma_wait3A_590[%dma_wait3A_591] : memref<50000xf32, #tpu.memory_space<hbm>> -> memref<50000xf32, #tpu.memory_space<hbm>>
    tpu.wait_indirect_dma semaphore(%arg8 : memref<!tpu.dma_semaphore, #tpu.memory_space<semaphore_mem>>) src(%dma_wait3A_592 : memref<50000xf32, #tpu.memory_space<hbm>>) dst(%dma_wait3A_584 : memref<128xf32, #tpu.memory_space<vmem>>)
    %dma_wait3A_593 = arith.constant 1 : i32
    %dma_wait3A_594 = arith.constant 1 : i32
    %dma_wait3A_595 = arith.constant 1 : i32
    %dma_wait3A_596 = arith.constant 0 : i32
    %dma_wait3A_597 = tpu.memref_slice %arg7[%dma_wait3A_595, %dma_wait3A_596] : memref<8x512xf32, #tpu.memory_space<vmem>> -> memref<1x512xf32, #tpu.memory_space<vmem>>
    %dma_wait3A_598 = tpu.memref_squeeze %dma_wait3A_597 : memref<1x512xf32, #tpu.memory_space<vmem>> -> memref<512xf32, #tpu.memory_space<vmem>>
    %dma_wait3A_599 = arith.constant 128 : i32
    %dma_wait3A_600 = tpu.memref_slice %dma_wait3A_598[%dma_wait3A_599] : memref<512xf32, #tpu.memory_space<vmem>> -> memref<128xf32, #tpu.memory_space<vmem>>
    %dma_wait3A_601 = arith.constant 0 : i32
    %dma_wait3A_602 = tpu.memref_slice %arg6[%dma_wait3A_594, %dma_wait3A_601] : memref<4x128xi32, #tpu.memory_space<vmem>> -> memref<1x128xi32, #tpu.memory_space<vmem>>
    %dma_wait3A_603 = tpu.memref_squeeze %dma_wait3A_602 : memref<1x128xi32, #tpu.memory_space<vmem>> -> memref<128xi32, #tpu.memory_space<vmem>>
    %dma_wait3A_604 = arith.constant 0 : i32
    %dma_wait3A_605 = tpu.memref_slice %arg3[%dma_wait3A_593, %dma_wait3A_604] : memref<8x50000xf32, #tpu.memory_space<hbm>> -> memref<1x50000xf32, #tpu.memory_space<hbm>>
    %dma_wait3A_606 = tpu.memref_squeeze %dma_wait3A_605 : memref<1x50000xf32, #tpu.memory_space<hbm>> -> memref<50000xf32, #tpu.memory_space<hbm>>
    %dma_wait3A_607 = arith.constant 0 : i32
    %dma_wait3A_608 = tpu.memref_slice %dma_wait3A_606[%dma_wait3A_607] : memref<50000xf32, #tpu.memory_space<hbm>> -> memref<50000xf32, #tpu.memory_space<hbm>>
    tpu.wait_indirect_dma semaphore(%arg8 : memref<!tpu.dma_semaphore, #tpu.memory_space<semaphore_mem>>) src(%dma_wait3A_608 : memref<50000xf32, #tpu.memory_space<hbm>>) dst(%dma_wait3A_600 : memref<128xf32, #tpu.memory_space<vmem>>)
    %dma_wait3A_609 = arith.constant 1 : i32
    %dma_wait3A_610 = arith.constant 2 : i32
    %dma_wait3A_611 = arith.constant 1 : i32
    %dma_wait3A_612 = arith.constant 0 : i32
    %dma_wait3A_613 = tpu.memref_slice %arg7[%dma_wait3A_611, %dma_wait3A_612] : memref<8x512xf32, #tpu.memory_space<vmem>> -> memref<1x512xf32, #tpu.memory_space<vmem>>
    %dma_wait3A_614 = tpu.memref_squeeze %dma_wait3A_613 : memref<1x512xf32, #tpu.memory_space<vmem>> -> memref<512xf32, #tpu.memory_space<vmem>>
    %dma_wait3A_615 = arith.constant 256 : i32
    %dma_wait3A_616 = tpu.memref_slice %dma_wait3A_614[%dma_wait3A_615] : memref<512xf32, #tpu.memory_space<vmem>> -> memref<128xf32, #tpu.memory_space<vmem>>
    %dma_wait3A_617 = arith.constant 0 : i32
    %dma_wait3A_618 = tpu.memref_slice %arg6[%dma_wait3A_610, %dma_wait3A_617] : memref<4x128xi32, #tpu.memory_space<vmem>> -> memref<1x128xi32, #tpu.memory_space<vmem>>
    %dma_wait3A_619 = tpu.memref_squeeze %dma_wait3A_618 : memref<1x128xi32, #tpu.memory_space<vmem>> -> memref<128xi32, #tpu.memory_space<vmem>>
    %dma_wait3A_620 = arith.constant 0 : i32
    %dma_wait3A_621 = tpu.memref_slice %arg3[%dma_wait3A_609, %dma_wait3A_620] : memref<8x50000xf32, #tpu.memory_space<hbm>> -> memref<1x50000xf32, #tpu.memory_space<hbm>>
    %dma_wait3A_622 = tpu.memref_squeeze %dma_wait3A_621 : memref<1x50000xf32, #tpu.memory_space<hbm>> -> memref<50000xf32, #tpu.memory_space<hbm>>
    %dma_wait3A_623 = arith.constant 0 : i32
    %dma_wait3A_624 = tpu.memref_slice %dma_wait3A_622[%dma_wait3A_623] : memref<50000xf32, #tpu.memory_space<hbm>> -> memref<50000xf32, #tpu.memory_space<hbm>>
    tpu.wait_indirect_dma semaphore(%arg8 : memref<!tpu.dma_semaphore, #tpu.memory_space<semaphore_mem>>) src(%dma_wait3A_624 : memref<50000xf32, #tpu.memory_space<hbm>>) dst(%dma_wait3A_616 : memref<128xf32, #tpu.memory_space<vmem>>)
    %dma_wait3A_625 = arith.constant 1 : i32
    %dma_wait3A_626 = arith.constant 3 : i32
    %dma_wait3A_627 = arith.constant 1 : i32
    %dma_wait3A_628 = arith.constant 0 : i32
    %dma_wait3A_629 = tpu.memref_slice %arg7[%dma_wait3A_627, %dma_wait3A_628] : memref<8x512xf32, #tpu.memory_space<vmem>> -> memref<1x512xf32, #tpu.memory_space<vmem>>
    %dma_wait3A_630 = tpu.memref_squeeze %dma_wait3A_629 : memref<1x512xf32, #tpu.memory_space<vmem>> -> memref<512xf32, #tpu.memory_space<vmem>>
    %dma_wait3A_631 = arith.constant 384 : i32
    %dma_wait3A_632 = tpu.memref_slice %dma_wait3A_630[%dma_wait3A_631] : memref<512xf32, #tpu.memory_space<vmem>> -> memref<128xf32, #tpu.memory_space<vmem>>
    %dma_wait3A_633 = arith.constant 0 : i32
    %dma_wait3A_634 = tpu.memref_slice %arg6[%dma_wait3A_626, %dma_wait3A_633] : memref<4x128xi32, #tpu.memory_space<vmem>> -> memref<1x128xi32, #tpu.memory_space<vmem>>
    %dma_wait3A_635 = tpu.memref_squeeze %dma_wait3A_634 : memref<1x128xi32, #tpu.memory_space<vmem>> -> memref<128xi32, #tpu.memory_space<vmem>>
    %dma_wait3A_636 = arith.constant 0 : i32
    %dma_wait3A_637 = tpu.memref_slice %arg3[%dma_wait3A_625, %dma_wait3A_636] : memref<8x50000xf32, #tpu.memory_space<hbm>> -> memref<1x50000xf32, #tpu.memory_space<hbm>>
    %dma_wait3A_638 = tpu.memref_squeeze %dma_wait3A_637 : memref<1x50000xf32, #tpu.memory_space<hbm>> -> memref<50000xf32, #tpu.memory_space<hbm>>
    %dma_wait3A_639 = arith.constant 0 : i32
    %dma_wait3A_640 = tpu.memref_slice %dma_wait3A_638[%dma_wait3A_639] : memref<50000xf32, #tpu.memory_space<hbm>> -> memref<50000xf32, #tpu.memory_space<hbm>>
    tpu.wait_indirect_dma semaphore(%arg8 : memref<!tpu.dma_semaphore, #tpu.memory_space<semaphore_mem>>) src(%dma_wait3A_640 : memref<50000xf32, #tpu.memory_space<hbm>>) dst(%dma_wait3A_632 : memref<128xf32, #tpu.memory_space<vmem>>)
    %dma_wait3A_641 = arith.constant 2 : i32
    %dma_wait3A_642 = arith.constant 0 : i32
    %dma_wait3A_643 = arith.constant 2 : i32
    %dma_wait3A_644 = arith.constant 0 : i32
    %dma_wait3A_645 = tpu.memref_slice %arg7[%dma_wait3A_643, %dma_wait3A_644] : memref<8x512xf32, #tpu.memory_space<vmem>> -> memref<1x512xf32, #tpu.memory_space<vmem>>
    %dma_wait3A_646 = tpu.memref_squeeze %dma_wait3A_645 : memref<1x512xf32, #tpu.memory_space<vmem>> -> memref<512xf32, #tpu.memory_space<vmem>>
    %dma_wait3A_647 = arith.constant 0 : i32
    %dma_wait3A_648 = tpu.memref_slice %dma_wait3A_646[%dma_wait3A_647] : memref<512xf32, #tpu.memory_space<vmem>> -> memref<128xf32, #tpu.memory_space<vmem>>
    %dma_wait3A_649 = arith.constant 0 : i32
    %dma_wait3A_650 = tpu.memref_slice %arg6[%dma_wait3A_642, %dma_wait3A_649] : memref<4x128xi32, #tpu.memory_space<vmem>> -> memref<1x128xi32, #tpu.memory_space<vmem>>
    %dma_wait3A_651 = tpu.memref_squeeze %dma_wait3A_650 : memref<1x128xi32, #tpu.memory_space<vmem>> -> memref<128xi32, #tpu.memory_space<vmem>>
    %dma_wait3A_652 = arith.constant 0 : i32
    %dma_wait3A_653 = tpu.memref_slice %arg3[%dma_wait3A_641, %dma_wait3A_652] : memref<8x50000xf32, #tpu.memory_space<hbm>> -> memref<1x50000xf32, #tpu.memory_space<hbm>>
    %dma_wait3A_654 = tpu.memref_squeeze %dma_wait3A_653 : memref<1x50000xf32, #tpu.memory_space<hbm>> -> memref<50000xf32, #tpu.memory_space<hbm>>
    %dma_wait3A_655 = arith.constant 0 : i32
    %dma_wait3A_656 = tpu.memref_slice %dma_wait3A_654[%dma_wait3A_655] : memref<50000xf32, #tpu.memory_space<hbm>> -> memref<50000xf32, #tpu.memory_space<hbm>>
    tpu.wait_indirect_dma semaphore(%arg8 : memref<!tpu.dma_semaphore, #tpu.memory_space<semaphore_mem>>) src(%dma_wait3A_656 : memref<50000xf32, #tpu.memory_space<hbm>>) dst(%dma_wait3A_648 : memref<128xf32, #tpu.memory_space<vmem>>)
    %dma_wait3A_657 = arith.constant 2 : i32
    %dma_wait3A_658 = arith.constant 1 : i32
    %dma_wait3A_659 = arith.constant 2 : i32
    %dma_wait3A_660 = arith.constant 0 : i32
    %dma_wait3A_661 = tpu.memref_slice %arg7[%dma_wait3A_659, %dma_wait3A_660] : memref<8x512xf32, #tpu.memory_space<vmem>> -> memref<1x512xf32, #tpu.memory_space<vmem>>
    %dma_wait3A_662 = tpu.memref_squeeze %dma_wait3A_661 : memref<1x512xf32, #tpu.memory_space<vmem>> -> memref<512xf32, #tpu.memory_space<vmem>>
    %dma_wait3A_663 = arith.constant 128 : i32
    %dma_wait3A_664 = tpu.memref_slice %dma_wait3A_662[%dma_wait3A_663] : memref<512xf32, #tpu.memory_space<vmem>> -> memref<128xf32, #tpu.memory_space<vmem>>
    %dma_wait3A_665 = arith.constant 0 : i32
    %dma_wait3A_666 = tpu.memref_slice %arg6[%dma_wait3A_658, %dma_wait3A_665] : memref<4x128xi32, #tpu.memory_space<vmem>> -> memref<1x128xi32, #tpu.memory_space<vmem>>
    %dma_wait3A_667 = tpu.memref_squeeze %dma_wait3A_666 : memref<1x128xi32, #tpu.memory_space<vmem>> -> memref<128xi32, #tpu.memory_space<vmem>>
    %dma_wait3A_668 = arith.constant 0 : i32
    %dma_wait3A_669 = tpu.memref_slice %arg3[%dma_wait3A_657, %dma_wait3A_668] : memref<8x50000xf32, #tpu.memory_space<hbm>> -> memref<1x50000xf32, #tpu.memory_space<hbm>>
    %dma_wait3A_670 = tpu.memref_squeeze %dma_wait3A_669 : memref<1x50000xf32, #tpu.memory_space<hbm>> -> memref<50000xf32, #tpu.memory_space<hbm>>
    %dma_wait3A_671 = arith.constant 0 : i32
    %dma_wait3A_672 = tpu.memref_slice %dma_wait3A_670[%dma_wait3A_671] : memref<50000xf32, #tpu.memory_space<hbm>> -> memref<50000xf32, #tpu.memory_space<hbm>>
    tpu.wait_indirect_dma semaphore(%arg8 : memref<!tpu.dma_semaphore, #tpu.memory_space<semaphore_mem>>) src(%dma_wait3A_672 : memref<50000xf32, #tpu.memory_space<hbm>>) dst(%dma_wait3A_664 : memref<128xf32, #tpu.memory_space<vmem>>)
    %dma_wait3A_673 = arith.constant 2 : i32
    %dma_wait3A_674 = arith.constant 2 : i32
    %dma_wait3A_675 = arith.constant 2 : i32
    %dma_wait3A_676 = arith.constant 0 : i32
    %dma_wait3A_677 = tpu.memref_slice %arg7[%dma_wait3A_675, %dma_wait3A_676] : memref<8x512xf32, #tpu.memory_space<vmem>> -> memref<1x512xf32, #tpu.memory_space<vmem>>
    %dma_wait3A_678 = tpu.memref_squeeze %dma_wait3A_677 : memref<1x512xf32, #tpu.memory_space<vmem>> -> memref<512xf32, #tpu.memory_space<vmem>>
    %dma_wait3A_679 = arith.constant 256 : i32
    %dma_wait3A_680 = tpu.memref_slice %dma_wait3A_678[%dma_wait3A_679] : memref<512xf32, #tpu.memory_space<vmem>> -> memref<128xf32, #tpu.memory_space<vmem>>
    %dma_wait3A_681 = arith.constant 0 : i32
    %dma_wait3A_682 = tpu.memref_slice %arg6[%dma_wait3A_674, %dma_wait3A_681] : memref<4x128xi32, #tpu.memory_space<vmem>> -> memref<1x128xi32, #tpu.memory_space<vmem>>
    %dma_wait3A_683 = tpu.memref_squeeze %dma_wait3A_682 : memref<1x128xi32, #tpu.memory_space<vmem>> -> memref<128xi32, #tpu.memory_space<vmem>>
    %dma_wait3A_684 = arith.constant 0 : i32
    %dma_wait3A_685 = tpu.memref_slice %arg3[%dma_wait3A_673, %dma_wait3A_684] : memref<8x50000xf32, #tpu.memory_space<hbm>> -> memref<1x50000xf32, #tpu.memory_space<hbm>>
    %dma_wait3A_686 = tpu.memref_squeeze %dma_wait3A_685 : memref<1x50000xf32, #tpu.memory_space<hbm>> -> memref<50000xf32, #tpu.memory_space<hbm>>
    %dma_wait3A_687 = arith.constant 0 : i32
    %dma_wait3A_688 = tpu.memref_slice %dma_wait3A_686[%dma_wait3A_687] : memref<50000xf32, #tpu.memory_space<hbm>> -> memref<50000xf32, #tpu.memory_space<hbm>>
    tpu.wait_indirect_dma semaphore(%arg8 : memref<!tpu.dma_semaphore, #tpu.memory_space<semaphore_mem>>) src(%dma_wait3A_688 : memref<50000xf32, #tpu.memory_space<hbm>>) dst(%dma_wait3A_680 : memref<128xf32, #tpu.memory_space<vmem>>)
    %dma_wait3A_689 = arith.constant 2 : i32
    %dma_wait3A_690 = arith.constant 3 : i32
    %dma_wait3A_691 = arith.constant 2 : i32
    %dma_wait3A_692 = arith.constant 0 : i32
    %dma_wait3A_693 = tpu.memref_slice %arg7[%dma_wait3A_691, %dma_wait3A_692] : memref<8x512xf32, #tpu.memory_space<vmem>> -> memref<1x512xf32, #tpu.memory_space<vmem>>
    %dma_wait3A_694 = tpu.memref_squeeze %dma_wait3A_693 : memref<1x512xf32, #tpu.memory_space<vmem>> -> memref<512xf32, #tpu.memory_space<vmem>>
    %dma_wait3A_695 = arith.constant 384 : i32
    %dma_wait3A_696 = tpu.memref_slice %dma_wait3A_694[%dma_wait3A_695] : memref<512xf32, #tpu.memory_space<vmem>> -> memref<128xf32, #tpu.memory_space<vmem>>
    %dma_wait3A_697 = arith.constant 0 : i32
    %dma_wait3A_698 = tpu.memref_slice %arg6[%dma_wait3A_690, %dma_wait3A_697] : memref<4x128xi32, #tpu.memory_space<vmem>> -> memref<1x128xi32, #tpu.memory_space<vmem>>
    %dma_wait3A_699 = tpu.memref_squeeze %dma_wait3A_698 : memref<1x128xi32, #tpu.memory_space<vmem>> -> memref<128xi32, #tpu.memory_space<vmem>>
    %dma_wait3A_700 = arith.constant 0 : i32
    %dma_wait3A_701 = tpu.memref_slice %arg3[%dma_wait3A_689, %dma_wait3A_700] : memref<8x50000xf32, #tpu.memory_space<hbm>> -> memref<1x50000xf32, #tpu.memory_space<hbm>>
    %dma_wait3A_702 = tpu.memref_squeeze %dma_wait3A_701 : memref<1x50000xf32, #tpu.memory_space<hbm>> -> memref<50000xf32, #tpu.memory_space<hbm>>
    %dma_wait3A_703 = arith.constant 0 : i32
    %dma_wait3A_704 = tpu.memref_slice %dma_wait3A_702[%dma_wait3A_703] : memref<50000xf32, #tpu.memory_space<hbm>> -> memref<50000xf32, #tpu.memory_space<hbm>>
    tpu.wait_indirect_dma semaphore(%arg8 : memref<!tpu.dma_semaphore, #tpu.memory_space<semaphore_mem>>) src(%dma_wait3A_704 : memref<50000xf32, #tpu.memory_space<hbm>>) dst(%dma_wait3A_696 : memref<128xf32, #tpu.memory_space<vmem>>)
    %dma_wait3A_705 = arith.constant 3 : i32
    %dma_wait3A_706 = arith.constant 0 : i32
    %dma_wait3A_707 = arith.constant 3 : i32
    %dma_wait3A_708 = arith.constant 0 : i32
    %dma_wait3A_709 = tpu.memref_slice %arg7[%dma_wait3A_707, %dma_wait3A_708] : memref<8x512xf32, #tpu.memory_space<vmem>> -> memref<1x512xf32, #tpu.memory_space<vmem>>
    %dma_wait3A_710 = tpu.memref_squeeze %dma_wait3A_709 : memref<1x512xf32, #tpu.memory_space<vmem>> -> memref<512xf32, #tpu.memory_space<vmem>>
    %dma_wait3A_711 = arith.constant 0 : i32
    %dma_wait3A_712 = tpu.memref_slice %dma_wait3A_710[%dma_wait3A_711] : memref<512xf32, #tpu.memory_space<vmem>> -> memref<128xf32, #tpu.memory_space<vmem>>
    %dma_wait3A_713 = arith.constant 0 : i32
    %dma_wait3A_714 = tpu.memref_slice %arg6[%dma_wait3A_706, %dma_wait3A_713] : memref<4x128xi32, #tpu.memory_space<vmem>> -> memref<1x128xi32, #tpu.memory_space<vmem>>
    %dma_wait3A_715 = tpu.memref_squeeze %dma_wait3A_714 : memref<1x128xi32, #tpu.memory_space<vmem>> -> memref<128xi32, #tpu.memory_space<vmem>>
    %dma_wait3A_716 = arith.constant 0 : i32
    %dma_wait3A_717 = tpu.memref_slice %arg3[%dma_wait3A_705, %dma_wait3A_716] : memref<8x50000xf32, #tpu.memory_space<hbm>> -> memref<1x50000xf32, #tpu.memory_space<hbm>>
    %dma_wait3A_718 = tpu.memref_squeeze %dma_wait3A_717 : memref<1x50000xf32, #tpu.memory_space<hbm>> -> memref<50000xf32, #tpu.memory_space<hbm>>
    %dma_wait3A_719 = arith.constant 0 : i32
    %dma_wait3A_720 = tpu.memref_slice %dma_wait3A_718[%dma_wait3A_719] : memref<50000xf32, #tpu.memory_space<hbm>> -> memref<50000xf32, #tpu.memory_space<hbm>>
    tpu.wait_indirect_dma semaphore(%arg8 : memref<!tpu.dma_semaphore, #tpu.memory_space<semaphore_mem>>) src(%dma_wait3A_720 : memref<50000xf32, #tpu.memory_space<hbm>>) dst(%dma_wait3A_712 : memref<128xf32, #tpu.memory_space<vmem>>)
    %dma_wait3A_721 = arith.constant 3 : i32
    %dma_wait3A_722 = arith.constant 1 : i32
    %dma_wait3A_723 = arith.constant 3 : i32
    %dma_wait3A_724 = arith.constant 0 : i32
    %dma_wait3A_725 = tpu.memref_slice %arg7[%dma_wait3A_723, %dma_wait3A_724] : memref<8x512xf32, #tpu.memory_space<vmem>> -> memref<1x512xf32, #tpu.memory_space<vmem>>
    %dma_wait3A_726 = tpu.memref_squeeze %dma_wait3A_725 : memref<1x512xf32, #tpu.memory_space<vmem>> -> memref<512xf32, #tpu.memory_space<vmem>>
    %dma_wait3A_727 = arith.constant 128 : i32
    %dma_wait3A_728 = tpu.memref_slice %dma_wait3A_726[%dma_wait3A_727] : memref<512xf32, #tpu.memory_space<vmem>> -> memref<128xf32, #tpu.memory_space<vmem>>
    %dma_wait3A_729 = arith.constant 0 : i32
    %dma_wait3A_730 = tpu.memref_slice %arg6[%dma_wait3A_722, %dma_wait3A_729] : memref<4x128xi32, #tpu.memory_space<vmem>> -> memref<1x128xi32, #tpu.memory_space<vmem>>
    %dma_wait3A_731 = tpu.memref_squeeze %dma_wait3A_730 : memref<1x128xi32, #tpu.memory_space<vmem>> -> memref<128xi32, #tpu.memory_space<vmem>>
    %dma_wait3A_732 = arith.constant 0 : i32
    %dma_wait3A_733 = tpu.memref_slice %arg3[%dma_wait3A_721, %dma_wait3A_732] : memref<8x50000xf32, #tpu.memory_space<hbm>> -> memref<1x50000xf32, #tpu.memory_space<hbm>>
    %dma_wait3A_734 = tpu.memref_squeeze %dma_wait3A_733 : memref<1x50000xf32, #tpu.memory_space<hbm>> -> memref<50000xf32, #tpu.memory_space<hbm>>
    %dma_wait3A_735 = arith.constant 0 : i32
    %dma_wait3A_736 = tpu.memref_slice %dma_wait3A_734[%dma_wait3A_735] : memref<50000xf32, #tpu.memory_space<hbm>> -> memref<50000xf32, #tpu.memory_space<hbm>>
    tpu.wait_indirect_dma semaphore(%arg8 : memref<!tpu.dma_semaphore, #tpu.memory_space<semaphore_mem>>) src(%dma_wait3A_736 : memref<50000xf32, #tpu.memory_space<hbm>>) dst(%dma_wait3A_728 : memref<128xf32, #tpu.memory_space<vmem>>)
    %dma_wait3A_737 = arith.constant 3 : i32
    %dma_wait3A_738 = arith.constant 2 : i32
    %dma_wait3A_739 = arith.constant 3 : i32
    %dma_wait3A_740 = arith.constant 0 : i32
    %dma_wait3A_741 = tpu.memref_slice %arg7[%dma_wait3A_739, %dma_wait3A_740] : memref<8x512xf32, #tpu.memory_space<vmem>> -> memref<1x512xf32, #tpu.memory_space<vmem>>
    %dma_wait3A_742 = tpu.memref_squeeze %dma_wait3A_741 : memref<1x512xf32, #tpu.memory_space<vmem>> -> memref<512xf32, #tpu.memory_space<vmem>>
    %dma_wait3A_743 = arith.constant 256 : i32
    %dma_wait3A_744 = tpu.memref_slice %dma_wait3A_742[%dma_wait3A_743] : memref<512xf32, #tpu.memory_space<vmem>> -> memref<128xf32, #tpu.memory_space<vmem>>
    %dma_wait3A_745 = arith.constant 0 : i32
    %dma_wait3A_746 = tpu.memref_slice %arg6[%dma_wait3A_738, %dma_wait3A_745] : memref<4x128xi32, #tpu.memory_space<vmem>> -> memref<1x128xi32, #tpu.memory_space<vmem>>
    %dma_wait3A_747 = tpu.memref_squeeze %dma_wait3A_746 : memref<1x128xi32, #tpu.memory_space<vmem>> -> memref<128xi32, #tpu.memory_space<vmem>>
    %dma_wait3A_748 = arith.constant 0 : i32
    %dma_wait3A_749 = tpu.memref_slice %arg3[%dma_wait3A_737, %dma_wait3A_748] : memref<8x50000xf32, #tpu.memory_space<hbm>> -> memref<1x50000xf32, #tpu.memory_space<hbm>>
    %dma_wait3A_750 = tpu.memref_squeeze %dma_wait3A_749 : memref<1x50000xf32, #tpu.memory_space<hbm>> -> memref<50000xf32, #tpu.memory_space<hbm>>
    %dma_wait3A_751 = arith.constant 0 : i32
    %dma_wait3A_752 = tpu.memref_slice %dma_wait3A_750[%dma_wait3A_751] : memref<50000xf32, #tpu.memory_space<hbm>> -> memref<50000xf32, #tpu.memory_space<hbm>>
    tpu.wait_indirect_dma semaphore(%arg8 : memref<!tpu.dma_semaphore, #tpu.memory_space<semaphore_mem>>) src(%dma_wait3A_752 : memref<50000xf32, #tpu.memory_space<hbm>>) dst(%dma_wait3A_744 : memref<128xf32, #tpu.memory_space<vmem>>)
    %dma_wait3A_753 = arith.constant 3 : i32
    %dma_wait3A_754 = arith.constant 3 : i32
    %dma_wait3A_755 = arith.constant 3 : i32
    %dma_wait3A_756 = arith.constant 0 : i32
    %dma_wait3A_757 = tpu.memref_slice %arg7[%dma_wait3A_755, %dma_wait3A_756] : memref<8x512xf32, #tpu.memory_space<vmem>> -> memref<1x512xf32, #tpu.memory_space<vmem>>
    %dma_wait3A_758 = tpu.memref_squeeze %dma_wait3A_757 : memref<1x512xf32, #tpu.memory_space<vmem>> -> memref<512xf32, #tpu.memory_space<vmem>>
    %dma_wait3A_759 = arith.constant 384 : i32
    %dma_wait3A_760 = tpu.memref_slice %dma_wait3A_758[%dma_wait3A_759] : memref<512xf32, #tpu.memory_space<vmem>> -> memref<128xf32, #tpu.memory_space<vmem>>
    %dma_wait3A_761 = arith.constant 0 : i32
    %dma_wait3A_762 = tpu.memref_slice %arg6[%dma_wait3A_754, %dma_wait3A_761] : memref<4x128xi32, #tpu.memory_space<vmem>> -> memref<1x128xi32, #tpu.memory_space<vmem>>
    %dma_wait3A_763 = tpu.memref_squeeze %dma_wait3A_762 : memref<1x128xi32, #tpu.memory_space<vmem>> -> memref<128xi32, #tpu.memory_space<vmem>>
    %dma_wait3A_764 = arith.constant 0 : i32
    %dma_wait3A_765 = tpu.memref_slice %arg3[%dma_wait3A_753, %dma_wait3A_764] : memref<8x50000xf32, #tpu.memory_space<hbm>> -> memref<1x50000xf32, #tpu.memory_space<hbm>>
    %dma_wait3A_766 = tpu.memref_squeeze %dma_wait3A_765 : memref<1x50000xf32, #tpu.memory_space<hbm>> -> memref<50000xf32, #tpu.memory_space<hbm>>
    %dma_wait3A_767 = arith.constant 0 : i32
    %dma_wait3A_768 = tpu.memref_slice %dma_wait3A_766[%dma_wait3A_767] : memref<50000xf32, #tpu.memory_space<hbm>> -> memref<50000xf32, #tpu.memory_space<hbm>>
    tpu.wait_indirect_dma semaphore(%arg8 : memref<!tpu.dma_semaphore, #tpu.memory_space<semaphore_mem>>) src(%dma_wait3A_768 : memref<50000xf32, #tpu.memory_space<hbm>>) dst(%dma_wait3A_760 : memref<128xf32, #tpu.memory_space<vmem>>)
    %dma_wait3A_769 = arith.constant 4 : i32
    %dma_wait3A_770 = arith.constant 0 : i32
    %dma_wait3A_771 = arith.constant 4 : i32
    %dma_wait3A_772 = arith.constant 0 : i32
    %dma_wait3A_773 = tpu.memref_slice %arg7[%dma_wait3A_771, %dma_wait3A_772] : memref<8x512xf32, #tpu.memory_space<vmem>> -> memref<1x512xf32, #tpu.memory_space<vmem>>
    %dma_wait3A_774 = tpu.memref_squeeze %dma_wait3A_773 : memref<1x512xf32, #tpu.memory_space<vmem>> -> memref<512xf32, #tpu.memory_space<vmem>>
    %dma_wait3A_775 = arith.constant 0 : i32
    %dma_wait3A_776 = tpu.memref_slice %dma_wait3A_774[%dma_wait3A_775] : memref<512xf32, #tpu.memory_space<vmem>> -> memref<128xf32, #tpu.memory_space<vmem>>
    %dma_wait3A_777 = arith.constant 0 : i32
    %dma_wait3A_778 = tpu.memref_slice %arg6[%dma_wait3A_770, %dma_wait3A_777] : memref<4x128xi32, #tpu.memory_space<vmem>> -> memref<1x128xi32, #tpu.memory_space<vmem>>
    %dma_wait3A_779 = tpu.memref_squeeze %dma_wait3A_778 : memref<1x128xi32, #tpu.memory_space<vmem>> -> memref<128xi32, #tpu.memory_space<vmem>>
    %dma_wait3A_780 = arith.constant 0 : i32
    %dma_wait3A_781 = tpu.memref_slice %arg3[%dma_wait3A_769, %dma_wait3A_780] : memref<8x50000xf32, #tpu.memory_space<hbm>> -> memref<1x50000xf32, #tpu.memory_space<hbm>>
    %dma_wait3A_782 = tpu.memref_squeeze %dma_wait3A_781 : memref<1x50000xf32, #tpu.memory_space<hbm>> -> memref<50000xf32, #tpu.memory_space<hbm>>
    %dma_wait3A_783 = arith.constant 0 : i32
    %dma_wait3A_784 = tpu.memref_slice %dma_wait3A_782[%dma_wait3A_783] : memref<50000xf32, #tpu.memory_space<hbm>> -> memref<50000xf32, #tpu.memory_space<hbm>>
    tpu.wait_indirect_dma semaphore(%arg8 : memref<!tpu.dma_semaphore, #tpu.memory_space<semaphore_mem>>) src(%dma_wait3A_784 : memref<50000xf32, #tpu.memory_space<hbm>>) dst(%dma_wait3A_776 : memref<128xf32, #tpu.memory_space<vmem>>)
    %dma_wait3A_785 = arith.constant 4 : i32
    %dma_wait3A_786 = arith.constant 1 : i32
    %dma_wait3A_787 = arith.constant 4 : i32
    %dma_wait3A_788 = arith.constant 0 : i32
    %dma_wait3A_789 = tpu.memref_slice %arg7[%dma_wait3A_787, %dma_wait3A_788] : memref<8x512xf32, #tpu.memory_space<vmem>> -> memref<1x512xf32, #tpu.memory_space<vmem>>
    %dma_wait3A_790 = tpu.memref_squeeze %dma_wait3A_789 : memref<1x512xf32, #tpu.memory_space<vmem>> -> memref<512xf32, #tpu.memory_space<vmem>>
    %dma_wait3A_791 = arith.constant 128 : i32
    %dma_wait3A_792 = tpu.memref_slice %dma_wait3A_790[%dma_wait3A_791] : memref<512xf32, #tpu.memory_space<vmem>> -> memref<128xf32, #tpu.memory_space<vmem>>
    %dma_wait3A_793 = arith.constant 0 : i32
    %dma_wait3A_794 = tpu.memref_slice %arg6[%dma_wait3A_786, %dma_wait3A_793] : memref<4x128xi32, #tpu.memory_space<vmem>> -> memref<1x128xi32, #tpu.memory_space<vmem>>
    %dma_wait3A_795 = tpu.memref_squeeze %dma_wait3A_794 : memref<1x128xi32, #tpu.memory_space<vmem>> -> memref<128xi32, #tpu.memory_space<vmem>>
    %dma_wait3A_796 = arith.constant 0 : i32
    %dma_wait3A_797 = tpu.memref_slice %arg3[%dma_wait3A_785, %dma_wait3A_796] : memref<8x50000xf32, #tpu.memory_space<hbm>> -> memref<1x50000xf32, #tpu.memory_space<hbm>>
    %dma_wait3A_798 = tpu.memref_squeeze %dma_wait3A_797 : memref<1x50000xf32, #tpu.memory_space<hbm>> -> memref<50000xf32, #tpu.memory_space<hbm>>
    %dma_wait3A_799 = arith.constant 0 : i32
    %dma_wait3A_800 = tpu.memref_slice %dma_wait3A_798[%dma_wait3A_799] : memref<50000xf32, #tpu.memory_space<hbm>> -> memref<50000xf32, #tpu.memory_space<hbm>>
    tpu.wait_indirect_dma semaphore(%arg8 : memref<!tpu.dma_semaphore, #tpu.memory_space<semaphore_mem>>) src(%dma_wait3A_800 : memref<50000xf32, #tpu.memory_space<hbm>>) dst(%dma_wait3A_792 : memref<128xf32, #tpu.memory_space<vmem>>)
    %dma_wait3A_801 = arith.constant 4 : i32
    %dma_wait3A_802 = arith.constant 2 : i32
    %dma_wait3A_803 = arith.constant 4 : i32
    %dma_wait3A_804 = arith.constant 0 : i32
    %dma_wait3A_805 = tpu.memref_slice %arg7[%dma_wait3A_803, %dma_wait3A_804] : memref<8x512xf32, #tpu.memory_space<vmem>> -> memref<1x512xf32, #tpu.memory_space<vmem>>
    %dma_wait3A_806 = tpu.memref_squeeze %dma_wait3A_805 : memref<1x512xf32, #tpu.memory_space<vmem>> -> memref<512xf32, #tpu.memory_space<vmem>>
    %dma_wait3A_807 = arith.constant 256 : i32
    %dma_wait3A_808 = tpu.memref_slice %dma_wait3A_806[%dma_wait3A_807] : memref<512xf32, #tpu.memory_space<vmem>> -> memref<128xf32, #tpu.memory_space<vmem>>
    %dma_wait3A_809 = arith.constant 0 : i32
    %dma_wait3A_810 = tpu.memref_slice %arg6[%dma_wait3A_802, %dma_wait3A_809] : memref<4x128xi32, #tpu.memory_space<vmem>> -> memref<1x128xi32, #tpu.memory_space<vmem>>
    %dma_wait3A_811 = tpu.memref_squeeze %dma_wait3A_810 : memref<1x128xi32, #tpu.memory_space<vmem>> -> memref<128xi32, #tpu.memory_space<vmem>>
    %dma_wait3A_812 = arith.constant 0 : i32
    %dma_wait3A_813 = tpu.memref_slice %arg3[%dma_wait3A_801, %dma_wait3A_812] : memref<8x50000xf32, #tpu.memory_space<hbm>> -> memref<1x50000xf32, #tpu.memory_space<hbm>>
    %dma_wait3A_814 = tpu.memref_squeeze %dma_wait3A_813 : memref<1x50000xf32, #tpu.memory_space<hbm>> -> memref<50000xf32, #tpu.memory_space<hbm>>
    %dma_wait3A_815 = arith.constant 0 : i32
    %dma_wait3A_816 = tpu.memref_slice %dma_wait3A_814[%dma_wait3A_815] : memref<50000xf32, #tpu.memory_space<hbm>> -> memref<50000xf32, #tpu.memory_space<hbm>>
    tpu.wait_indirect_dma semaphore(%arg8 : memref<!tpu.dma_semaphore, #tpu.memory_space<semaphore_mem>>) src(%dma_wait3A_816 : memref<50000xf32, #tpu.memory_space<hbm>>) dst(%dma_wait3A_808 : memref<128xf32, #tpu.memory_space<vmem>>)
    %dma_wait3A_817 = arith.constant 4 : i32
    %dma_wait3A_818 = arith.constant 3 : i32
    %dma_wait3A_819 = arith.constant 4 : i32
    %dma_wait3A_820 = arith.constant 0 : i32
    %dma_wait3A_821 = tpu.memref_slice %arg7[%dma_wait3A_819, %dma_wait3A_820] : memref<8x512xf32, #tpu.memory_space<vmem>> -> memref<1x512xf32, #tpu.memory_space<vmem>>
    %dma_wait3A_822 = tpu.memref_squeeze %dma_wait3A_821 : memref<1x512xf32, #tpu.memory_space<vmem>> -> memref<512xf32, #tpu.memory_space<vmem>>
    %dma_wait3A_823 = arith.constant 384 : i32
    %dma_wait3A_824 = tpu.memref_slice %dma_wait3A_822[%dma_wait3A_823] : memref<512xf32, #tpu.memory_space<vmem>> -> memref<128xf32, #tpu.memory_space<vmem>>
    %dma_wait3A_825 = arith.constant 0 : i32
    %dma_wait3A_826 = tpu.memref_slice %arg6[%dma_wait3A_818, %dma_wait3A_825] : memref<4x128xi32, #tpu.memory_space<vmem>> -> memref<1x128xi32, #tpu.memory_space<vmem>>
    %dma_wait3A_827 = tpu.memref_squeeze %dma_wait3A_826 : memref<1x128xi32, #tpu.memory_space<vmem>> -> memref<128xi32, #tpu.memory_space<vmem>>
    %dma_wait3A_828 = arith.constant 0 : i32
    %dma_wait3A_829 = tpu.memref_slice %arg3[%dma_wait3A_817, %dma_wait3A_828] : memref<8x50000xf32, #tpu.memory_space<hbm>> -> memref<1x50000xf32, #tpu.memory_space<hbm>>
    %dma_wait3A_830 = tpu.memref_squeeze %dma_wait3A_829 : memref<1x50000xf32, #tpu.memory_space<hbm>> -> memref<50000xf32, #tpu.memory_space<hbm>>
    %dma_wait3A_831 = arith.constant 0 : i32
    %dma_wait3A_832 = tpu.memref_slice %dma_wait3A_830[%dma_wait3A_831] : memref<50000xf32, #tpu.memory_space<hbm>> -> memref<50000xf32, #tpu.memory_space<hbm>>
    tpu.wait_indirect_dma semaphore(%arg8 : memref<!tpu.dma_semaphore, #tpu.memory_space<semaphore_mem>>) src(%dma_wait3A_832 : memref<50000xf32, #tpu.memory_space<hbm>>) dst(%dma_wait3A_824 : memref<128xf32, #tpu.memory_space<vmem>>)
    %dma_wait3A_833 = arith.constant 5 : i32
    %dma_wait3A_834 = arith.constant 0 : i32
    %dma_wait3A_835 = arith.constant 5 : i32
    %dma_wait3A_836 = arith.constant 0 : i32
    %dma_wait3A_837 = tpu.memref_slice %arg7[%dma_wait3A_835, %dma_wait3A_836] : memref<8x512xf32, #tpu.memory_space<vmem>> -> memref<1x512xf32, #tpu.memory_space<vmem>>
    %dma_wait3A_838 = tpu.memref_squeeze %dma_wait3A_837 : memref<1x512xf32, #tpu.memory_space<vmem>> -> memref<512xf32, #tpu.memory_space<vmem>>
    %dma_wait3A_839 = arith.constant 0 : i32
    %dma_wait3A_840 = tpu.memref_slice %dma_wait3A_838[%dma_wait3A_839] : memref<512xf32, #tpu.memory_space<vmem>> -> memref<128xf32, #tpu.memory_space<vmem>>
    %dma_wait3A_841 = arith.constant 0 : i32
    %dma_wait3A_842 = tpu.memref_slice %arg6[%dma_wait3A_834, %dma_wait3A_841] : memref<4x128xi32, #tpu.memory_space<vmem>> -> memref<1x128xi32, #tpu.memory_space<vmem>>
    %dma_wait3A_843 = tpu.memref_squeeze %dma_wait3A_842 : memref<1x128xi32, #tpu.memory_space<vmem>> -> memref<128xi32, #tpu.memory_space<vmem>>
    %dma_wait3A_844 = arith.constant 0 : i32
    %dma_wait3A_845 = tpu.memref_slice %arg3[%dma_wait3A_833, %dma_wait3A_844] : memref<8x50000xf32, #tpu.memory_space<hbm>> -> memref<1x50000xf32, #tpu.memory_space<hbm>>
    %dma_wait3A_846 = tpu.memref_squeeze %dma_wait3A_845 : memref<1x50000xf32, #tpu.memory_space<hbm>> -> memref<50000xf32, #tpu.memory_space<hbm>>
    %dma_wait3A_847 = arith.constant 0 : i32
    %dma_wait3A_848 = tpu.memref_slice %dma_wait3A_846[%dma_wait3A_847] : memref<50000xf32, #tpu.memory_space<hbm>> -> memref<50000xf32, #tpu.memory_space<hbm>>
    tpu.wait_indirect_dma semaphore(%arg8 : memref<!tpu.dma_semaphore, #tpu.memory_space<semaphore_mem>>) src(%dma_wait3A_848 : memref<50000xf32, #tpu.memory_space<hbm>>) dst(%dma_wait3A_840 : memref<128xf32, #tpu.memory_space<vmem>>)
    %dma_wait3A_849 = arith.constant 5 : i32
    %dma_wait3A_850 = arith.constant 1 : i32
    %dma_wait3A_851 = arith.constant 5 : i32
    %dma_wait3A_852 = arith.constant 0 : i32
    %dma_wait3A_853 = tpu.memref_slice %arg7[%dma_wait3A_851, %dma_wait3A_852] : memref<8x512xf32, #tpu.memory_space<vmem>> -> memref<1x512xf32, #tpu.memory_space<vmem>>
    %dma_wait3A_854 = tpu.memref_squeeze %dma_wait3A_853 : memref<1x512xf32, #tpu.memory_space<vmem>> -> memref<512xf32, #tpu.memory_space<vmem>>
    %dma_wait3A_855 = arith.constant 128 : i32
    %dma_wait3A_856 = tpu.memref_slice %dma_wait3A_854[%dma_wait3A_855] : memref<512xf32, #tpu.memory_space<vmem>> -> memref<128xf32, #tpu.memory_space<vmem>>
    %dma_wait3A_857 = arith.constant 0 : i32
    %dma_wait3A_858 = tpu.memref_slice %arg6[%dma_wait3A_850, %dma_wait3A_857] : memref<4x128xi32, #tpu.memory_space<vmem>> -> memref<1x128xi32, #tpu.memory_space<vmem>>
    %dma_wait3A_859 = tpu.memref_squeeze %dma_wait3A_858 : memref<1x128xi32, #tpu.memory_space<vmem>> -> memref<128xi32, #tpu.memory_space<vmem>>
    %dma_wait3A_860 = arith.constant 0 : i32
    %dma_wait3A_861 = tpu.memref_slice %arg3[%dma_wait3A_849, %dma_wait3A_860] : memref<8x50000xf32, #tpu.memory_space<hbm>> -> memref<1x50000xf32, #tpu.memory_space<hbm>>
    %dma_wait3A_862 = tpu.memref_squeeze %dma_wait3A_861 : memref<1x50000xf32, #tpu.memory_space<hbm>> -> memref<50000xf32, #tpu.memory_space<hbm>>
    %dma_wait3A_863 = arith.constant 0 : i32
    %dma_wait3A_864 = tpu.memref_slice %dma_wait3A_862[%dma_wait3A_863] : memref<50000xf32, #tpu.memory_space<hbm>> -> memref<50000xf32, #tpu.memory_space<hbm>>
    tpu.wait_indirect_dma semaphore(%arg8 : memref<!tpu.dma_semaphore, #tpu.memory_space<semaphore_mem>>) src(%dma_wait3A_864 : memref<50000xf32, #tpu.memory_space<hbm>>) dst(%dma_wait3A_856 : memref<128xf32, #tpu.memory_space<vmem>>)
    %dma_wait3A_865 = arith.constant 5 : i32
    %dma_wait3A_866 = arith.constant 2 : i32
    %dma_wait3A_867 = arith.constant 5 : i32
    %dma_wait3A_868 = arith.constant 0 : i32
    %dma_wait3A_869 = tpu.memref_slice %arg7[%dma_wait3A_867, %dma_wait3A_868] : memref<8x512xf32, #tpu.memory_space<vmem>> -> memref<1x512xf32, #tpu.memory_space<vmem>>
    %dma_wait3A_870 = tpu.memref_squeeze %dma_wait3A_869 : memref<1x512xf32, #tpu.memory_space<vmem>> -> memref<512xf32, #tpu.memory_space<vmem>>
    %dma_wait3A_871 = arith.constant 256 : i32
    %dma_wait3A_872 = tpu.memref_slice %dma_wait3A_870[%dma_wait3A_871] : memref<512xf32, #tpu.memory_space<vmem>> -> memref<128xf32, #tpu.memory_space<vmem>>
    %dma_wait3A_873 = arith.constant 0 : i32
    %dma_wait3A_874 = tpu.memref_slice %arg6[%dma_wait3A_866, %dma_wait3A_873] : memref<4x128xi32, #tpu.memory_space<vmem>> -> memref<1x128xi32, #tpu.memory_space<vmem>>
    %dma_wait3A_875 = tpu.memref_squeeze %dma_wait3A_874 : memref<1x128xi32, #tpu.memory_space<vmem>> -> memref<128xi32, #tpu.memory_space<vmem>>
    %dma_wait3A_876 = arith.constant 0 : i32
    %dma_wait3A_877 = tpu.memref_slice %arg3[%dma_wait3A_865, %dma_wait3A_876] : memref<8x50000xf32, #tpu.memory_space<hbm>> -> memref<1x50000xf32, #tpu.memory_space<hbm>>
    %dma_wait3A_878 = tpu.memref_squeeze %dma_wait3A_877 : memref<1x50000xf32, #tpu.memory_space<hbm>> -> memref<50000xf32, #tpu.memory_space<hbm>>
    %dma_wait3A_879 = arith.constant 0 : i32
    %dma_wait3A_880 = tpu.memref_slice %dma_wait3A_878[%dma_wait3A_879] : memref<50000xf32, #tpu.memory_space<hbm>> -> memref<50000xf32, #tpu.memory_space<hbm>>
    tpu.wait_indirect_dma semaphore(%arg8 : memref<!tpu.dma_semaphore, #tpu.memory_space<semaphore_mem>>) src(%dma_wait3A_880 : memref<50000xf32, #tpu.memory_space<hbm>>) dst(%dma_wait3A_872 : memref<128xf32, #tpu.memory_space<vmem>>)
    %dma_wait3A_881 = arith.constant 5 : i32
    %dma_wait3A_882 = arith.constant 3 : i32
    %dma_wait3A_883 = arith.constant 5 : i32
    %dma_wait3A_884 = arith.constant 0 : i32
    %dma_wait3A_885 = tpu.memref_slice %arg7[%dma_wait3A_883, %dma_wait3A_884] : memref<8x512xf32, #tpu.memory_space<vmem>> -> memref<1x512xf32, #tpu.memory_space<vmem>>
    %dma_wait3A_886 = tpu.memref_squeeze %dma_wait3A_885 : memref<1x512xf32, #tpu.memory_space<vmem>> -> memref<512xf32, #tpu.memory_space<vmem>>
    %dma_wait3A_887 = arith.constant 384 : i32
    %dma_wait3A_888 = tpu.memref_slice %dma_wait3A_886[%dma_wait3A_887] : memref<512xf32, #tpu.memory_space<vmem>> -> memref<128xf32, #tpu.memory_space<vmem>>
    %dma_wait3A_889 = arith.constant 0 : i32
    %dma_wait3A_890 = tpu.memref_slice %arg6[%dma_wait3A_882, %dma_wait3A_889] : memref<4x128xi32, #tpu.memory_space<vmem>> -> memref<1x128xi32, #tpu.memory_space<vmem>>
    %dma_wait3A_891 = tpu.memref_squeeze %dma_wait3A_890 : memref<1x128xi32, #tpu.memory_space<vmem>> -> memref<128xi32, #tpu.memory_space<vmem>>
    %dma_wait3A_892 = arith.constant 0 : i32
    %dma_wait3A_893 = tpu.memref_slice %arg3[%dma_wait3A_881, %dma_wait3A_892] : memref<8x50000xf32, #tpu.memory_space<hbm>> -> memref<1x50000xf32, #tpu.memory_space<hbm>>
    %dma_wait3A_894 = tpu.memref_squeeze %dma_wait3A_893 : memref<1x50000xf32, #tpu.memory_space<hbm>> -> memref<50000xf32, #tpu.memory_space<hbm>>
    %dma_wait3A_895 = arith.constant 0 : i32
    %dma_wait3A_896 = tpu.memref_slice %dma_wait3A_894[%dma_wait3A_895] : memref<50000xf32, #tpu.memory_space<hbm>> -> memref<50000xf32, #tpu.memory_space<hbm>>
    tpu.wait_indirect_dma semaphore(%arg8 : memref<!tpu.dma_semaphore, #tpu.memory_space<semaphore_mem>>) src(%dma_wait3A_896 : memref<50000xf32, #tpu.memory_space<hbm>>) dst(%dma_wait3A_888 : memref<128xf32, #tpu.memory_space<vmem>>)
    %dma_wait3A_897 = arith.constant 6 : i32
    %dma_wait3A_898 = arith.constant 0 : i32
    %dma_wait3A_899 = arith.constant 6 : i32
    %dma_wait3A_900 = arith.constant 0 : i32
    %dma_wait3A_901 = tpu.memref_slice %arg7[%dma_wait3A_899, %dma_wait3A_900] : memref<8x512xf32, #tpu.memory_space<vmem>> -> memref<1x512xf32, #tpu.memory_space<vmem>>
    %dma_wait3A_902 = tpu.memref_squeeze %dma_wait3A_901 : memref<1x512xf32, #tpu.memory_space<vmem>> -> memref<512xf32, #tpu.memory_space<vmem>>
    %dma_wait3A_903 = arith.constant 0 : i32
    %dma_wait3A_904 = tpu.memref_slice %dma_wait3A_902[%dma_wait3A_903] : memref<512xf32, #tpu.memory_space<vmem>> -> memref<128xf32, #tpu.memory_space<vmem>>
    %dma_wait3A_905 = arith.constant 0 : i32
    %dma_wait3A_906 = tpu.memref_slice %arg6[%dma_wait3A_898, %dma_wait3A_905] : memref<4x128xi32, #tpu.memory_space<vmem>> -> memref<1x128xi32, #tpu.memory_space<vmem>>
    %dma_wait3A_907 = tpu.memref_squeeze %dma_wait3A_906 : memref<1x128xi32, #tpu.memory_space<vmem>> -> memref<128xi32, #tpu.memory_space<vmem>>
    %dma_wait3A_908 = arith.constant 0 : i32
    %dma_wait3A_909 = tpu.memref_slice %arg3[%dma_wait3A_897, %dma_wait3A_908] : memref<8x50000xf32, #tpu.memory_space<hbm>> -> memref<1x50000xf32, #tpu.memory_space<hbm>>
    %dma_wait3A_910 = tpu.memref_squeeze %dma_wait3A_909 : memref<1x50000xf32, #tpu.memory_space<hbm>> -> memref<50000xf32, #tpu.memory_space<hbm>>
    %dma_wait3A_911 = arith.constant 0 : i32
    %dma_wait3A_912 = tpu.memref_slice %dma_wait3A_910[%dma_wait3A_911] : memref<50000xf32, #tpu.memory_space<hbm>> -> memref<50000xf32, #tpu.memory_space<hbm>>
    tpu.wait_indirect_dma semaphore(%arg8 : memref<!tpu.dma_semaphore, #tpu.memory_space<semaphore_mem>>) src(%dma_wait3A_912 : memref<50000xf32, #tpu.memory_space<hbm>>) dst(%dma_wait3A_904 : memref<128xf32, #tpu.memory_space<vmem>>)
    %dma_wait3A_913 = arith.constant 6 : i32
    %dma_wait3A_914 = arith.constant 1 : i32
    %dma_wait3A_915 = arith.constant 6 : i32
    %dma_wait3A_916 = arith.constant 0 : i32
    %dma_wait3A_917 = tpu.memref_slice %arg7[%dma_wait3A_915, %dma_wait3A_916] : memref<8x512xf32, #tpu.memory_space<vmem>> -> memref<1x512xf32, #tpu.memory_space<vmem>>
    %dma_wait3A_918 = tpu.memref_squeeze %dma_wait3A_917 : memref<1x512xf32, #tpu.memory_space<vmem>> -> memref<512xf32, #tpu.memory_space<vmem>>
    %dma_wait3A_919 = arith.constant 128 : i32
    %dma_wait3A_920 = tpu.memref_slice %dma_wait3A_918[%dma_wait3A_919] : memref<512xf32, #tpu.memory_space<vmem>> -> memref<128xf32, #tpu.memory_space<vmem>>
    %dma_wait3A_921 = arith.constant 0 : i32
    %dma_wait3A_922 = tpu.memref_slice %arg6[%dma_wait3A_914, %dma_wait3A_921] : memref<4x128xi32, #tpu.memory_space<vmem>> -> memref<1x128xi32, #tpu.memory_space<vmem>>
    %dma_wait3A_923 = tpu.memref_squeeze %dma_wait3A_922 : memref<1x128xi32, #tpu.memory_space<vmem>> -> memref<128xi32, #tpu.memory_space<vmem>>
    %dma_wait3A_924 = arith.constant 0 : i32
    %dma_wait3A_925 = tpu.memref_slice %arg3[%dma_wait3A_913, %dma_wait3A_924] : memref<8x50000xf32, #tpu.memory_space<hbm>> -> memref<1x50000xf32, #tpu.memory_space<hbm>>
    %dma_wait3A_926 = tpu.memref_squeeze %dma_wait3A_925 : memref<1x50000xf32, #tpu.memory_space<hbm>> -> memref<50000xf32, #tpu.memory_space<hbm>>
    %dma_wait3A_927 = arith.constant 0 : i32
    %dma_wait3A_928 = tpu.memref_slice %dma_wait3A_926[%dma_wait3A_927] : memref<50000xf32, #tpu.memory_space<hbm>> -> memref<50000xf32, #tpu.memory_space<hbm>>
    tpu.wait_indirect_dma semaphore(%arg8 : memref<!tpu.dma_semaphore, #tpu.memory_space<semaphore_mem>>) src(%dma_wait3A_928 : memref<50000xf32, #tpu.memory_space<hbm>>) dst(%dma_wait3A_920 : memref<128xf32, #tpu.memory_space<vmem>>)
    %dma_wait3A_929 = arith.constant 6 : i32
    %dma_wait3A_930 = arith.constant 2 : i32
    %dma_wait3A_931 = arith.constant 6 : i32
    %dma_wait3A_932 = arith.constant 0 : i32
    %dma_wait3A_933 = tpu.memref_slice %arg7[%dma_wait3A_931, %dma_wait3A_932] : memref<8x512xf32, #tpu.memory_space<vmem>> -> memref<1x512xf32, #tpu.memory_space<vmem>>
    %dma_wait3A_934 = tpu.memref_squeeze %dma_wait3A_933 : memref<1x512xf32, #tpu.memory_space<vmem>> -> memref<512xf32, #tpu.memory_space<vmem>>
    %dma_wait3A_935 = arith.constant 256 : i32
    %dma_wait3A_936 = tpu.memref_slice %dma_wait3A_934[%dma_wait3A_935] : memref<512xf32, #tpu.memory_space<vmem>> -> memref<128xf32, #tpu.memory_space<vmem>>
    %dma_wait3A_937 = arith.constant 0 : i32
    %dma_wait3A_938 = tpu.memref_slice %arg6[%dma_wait3A_930, %dma_wait3A_937] : memref<4x128xi32, #tpu.memory_space<vmem>> -> memref<1x128xi32, #tpu.memory_space<vmem>>
    %dma_wait3A_939 = tpu.memref_squeeze %dma_wait3A_938 : memref<1x128xi32, #tpu.memory_space<vmem>> -> memref<128xi32, #tpu.memory_space<vmem>>
    %dma_wait3A_940 = arith.constant 0 : i32
    %dma_wait3A_941 = tpu.memref_slice %arg3[%dma_wait3A_929, %dma_wait3A_940] : memref<8x50000xf32, #tpu.memory_space<hbm>> -> memref<1x50000xf32, #tpu.memory_space<hbm>>
    %dma_wait3A_942 = tpu.memref_squeeze %dma_wait3A_941 : memref<1x50000xf32, #tpu.memory_space<hbm>> -> memref<50000xf32, #tpu.memory_space<hbm>>
    %dma_wait3A_943 = arith.constant 0 : i32
    %dma_wait3A_944 = tpu.memref_slice %dma_wait3A_942[%dma_wait3A_943] : memref<50000xf32, #tpu.memory_space<hbm>> -> memref<50000xf32, #tpu.memory_space<hbm>>
    tpu.wait_indirect_dma semaphore(%arg8 : memref<!tpu.dma_semaphore, #tpu.memory_space<semaphore_mem>>) src(%dma_wait3A_944 : memref<50000xf32, #tpu.memory_space<hbm>>) dst(%dma_wait3A_936 : memref<128xf32, #tpu.memory_space<vmem>>)
    %dma_wait3A_945 = arith.constant 6 : i32
    %dma_wait3A_946 = arith.constant 3 : i32
    %dma_wait3A_947 = arith.constant 6 : i32
    %dma_wait3A_948 = arith.constant 0 : i32
    %dma_wait3A_949 = tpu.memref_slice %arg7[%dma_wait3A_947, %dma_wait3A_948] : memref<8x512xf32, #tpu.memory_space<vmem>> -> memref<1x512xf32, #tpu.memory_space<vmem>>
    %dma_wait3A_950 = tpu.memref_squeeze %dma_wait3A_949 : memref<1x512xf32, #tpu.memory_space<vmem>> -> memref<512xf32, #tpu.memory_space<vmem>>
    %dma_wait3A_951 = arith.constant 384 : i32
    %dma_wait3A_952 = tpu.memref_slice %dma_wait3A_950[%dma_wait3A_951] : memref<512xf32, #tpu.memory_space<vmem>> -> memref<128xf32, #tpu.memory_space<vmem>>
    %dma_wait3A_953 = arith.constant 0 : i32
    %dma_wait3A_954 = tpu.memref_slice %arg6[%dma_wait3A_946, %dma_wait3A_953] : memref<4x128xi32, #tpu.memory_space<vmem>> -> memref<1x128xi32, #tpu.memory_space<vmem>>
    %dma_wait3A_955 = tpu.memref_squeeze %dma_wait3A_954 : memref<1x128xi32, #tpu.memory_space<vmem>> -> memref<128xi32, #tpu.memory_space<vmem>>
    %dma_wait3A_956 = arith.constant 0 : i32
    %dma_wait3A_957 = tpu.memref_slice %arg3[%dma_wait3A_945, %dma_wait3A_956] : memref<8x50000xf32, #tpu.memory_space<hbm>> -> memref<1x50000xf32, #tpu.memory_space<hbm>>
    %dma_wait3A_958 = tpu.memref_squeeze %dma_wait3A_957 : memref<1x50000xf32, #tpu.memory_space<hbm>> -> memref<50000xf32, #tpu.memory_space<hbm>>
    %dma_wait3A_959 = arith.constant 0 : i32
    %dma_wait3A_960 = tpu.memref_slice %dma_wait3A_958[%dma_wait3A_959] : memref<50000xf32, #tpu.memory_space<hbm>> -> memref<50000xf32, #tpu.memory_space<hbm>>
    tpu.wait_indirect_dma semaphore(%arg8 : memref<!tpu.dma_semaphore, #tpu.memory_space<semaphore_mem>>) src(%dma_wait3A_960 : memref<50000xf32, #tpu.memory_space<hbm>>) dst(%dma_wait3A_952 : memref<128xf32, #tpu.memory_space<vmem>>)
    %dma_wait3A_961 = arith.constant 7 : i32
    %dma_wait3A_962 = arith.constant 0 : i32
    %dma_wait3A_963 = arith.constant 7 : i32
    %dma_wait3A_964 = arith.constant 0 : i32
    %dma_wait3A_965 = tpu.memref_slice %arg7[%dma_wait3A_963, %dma_wait3A_964] : memref<8x512xf32, #tpu.memory_space<vmem>> -> memref<1x512xf32, #tpu.memory_space<vmem>>
    %dma_wait3A_966 = tpu.memref_squeeze %dma_wait3A_965 : memref<1x512xf32, #tpu.memory_space<vmem>> -> memref<512xf32, #tpu.memory_space<vmem>>
    %dma_wait3A_967 = arith.constant 0 : i32
    %dma_wait3A_968 = tpu.memref_slice %dma_wait3A_966[%dma_wait3A_967] : memref<512xf32, #tpu.memory_space<vmem>> -> memref<128xf32, #tpu.memory_space<vmem>>
    %dma_wait3A_969 = arith.constant 0 : i32
    %dma_wait3A_970 = tpu.memref_slice %arg6[%dma_wait3A_962, %dma_wait3A_969] : memref<4x128xi32, #tpu.memory_space<vmem>> -> memref<1x128xi32, #tpu.memory_space<vmem>>
    %dma_wait3A_971 = tpu.memref_squeeze %dma_wait3A_970 : memref<1x128xi32, #tpu.memory_space<vmem>> -> memref<128xi32, #tpu.memory_space<vmem>>
    %dma_wait3A_972 = arith.constant 0 : i32
    %dma_wait3A_973 = tpu.memref_slice %arg3[%dma_wait3A_961, %dma_wait3A_972] : memref<8x50000xf32, #tpu.memory_space<hbm>> -> memref<1x50000xf32, #tpu.memory_space<hbm>>
    %dma_wait3A_974 = tpu.memref_squeeze %dma_wait3A_973 : memref<1x50000xf32, #tpu.memory_space<hbm>> -> memref<50000xf32, #tpu.memory_space<hbm>>
    %dma_wait3A_975 = arith.constant 0 : i32
    %dma_wait3A_976 = tpu.memref_slice %dma_wait3A_974[%dma_wait3A_975] : memref<50000xf32, #tpu.memory_space<hbm>> -> memref<50000xf32, #tpu.memory_space<hbm>>
    tpu.wait_indirect_dma semaphore(%arg8 : memref<!tpu.dma_semaphore, #tpu.memory_space<semaphore_mem>>) src(%dma_wait3A_976 : memref<50000xf32, #tpu.memory_space<hbm>>) dst(%dma_wait3A_968 : memref<128xf32, #tpu.memory_space<vmem>>)
    %dma_wait3A_977 = arith.constant 7 : i32
    %dma_wait3A_978 = arith.constant 1 : i32
    %dma_wait3A_979 = arith.constant 7 : i32
    %dma_wait3A_980 = arith.constant 0 : i32
    %dma_wait3A_981 = tpu.memref_slice %arg7[%dma_wait3A_979, %dma_wait3A_980] : memref<8x512xf32, #tpu.memory_space<vmem>> -> memref<1x512xf32, #tpu.memory_space<vmem>>
    %dma_wait3A_982 = tpu.memref_squeeze %dma_wait3A_981 : memref<1x512xf32, #tpu.memory_space<vmem>> -> memref<512xf32, #tpu.memory_space<vmem>>
    %dma_wait3A_983 = arith.constant 128 : i32
    %dma_wait3A_984 = tpu.memref_slice %dma_wait3A_982[%dma_wait3A_983] : memref<512xf32, #tpu.memory_space<vmem>> -> memref<128xf32, #tpu.memory_space<vmem>>
    %dma_wait3A_985 = arith.constant 0 : i32
    %dma_wait3A_986 = tpu.memref_slice %arg6[%dma_wait3A_978, %dma_wait3A_985] : memref<4x128xi32, #tpu.memory_space<vmem>> -> memref<1x128xi32, #tpu.memory_space<vmem>>
    %dma_wait3A_987 = tpu.memref_squeeze %dma_wait3A_986 : memref<1x128xi32, #tpu.memory_space<vmem>> -> memref<128xi32, #tpu.memory_space<vmem>>
    %dma_wait3A_988 = arith.constant 0 : i32
    %dma_wait3A_989 = tpu.memref_slice %arg3[%dma_wait3A_977, %dma_wait3A_988] : memref<8x50000xf32, #tpu.memory_space<hbm>> -> memref<1x50000xf32, #tpu.memory_space<hbm>>
    %dma_wait3A_990 = tpu.memref_squeeze %dma_wait3A_989 : memref<1x50000xf32, #tpu.memory_space<hbm>> -> memref<50000xf32, #tpu.memory_space<hbm>>
    %dma_wait3A_991 = arith.constant 0 : i32
    %dma_wait3A_992 = tpu.memref_slice %dma_wait3A_990[%dma_wait3A_991] : memref<50000xf32, #tpu.memory_space<hbm>> -> memref<50000xf32, #tpu.memory_space<hbm>>
    tpu.wait_indirect_dma semaphore(%arg8 : memref<!tpu.dma_semaphore, #tpu.memory_space<semaphore_mem>>) src(%dma_wait3A_992 : memref<50000xf32, #tpu.memory_space<hbm>>) dst(%dma_wait3A_984 : memref<128xf32, #tpu.memory_space<vmem>>)
    %dma_wait3A_993 = arith.constant 7 : i32
    %dma_wait3A_994 = arith.constant 2 : i32
    %dma_wait3A_995 = arith.constant 7 : i32
    %dma_wait3A_996 = arith.constant 0 : i32
    %dma_wait3A_997 = tpu.memref_slice %arg7[%dma_wait3A_995, %dma_wait3A_996] : memref<8x512xf32, #tpu.memory_space<vmem>> -> memref<1x512xf32, #tpu.memory_space<vmem>>
    %dma_wait3A_998 = tpu.memref_squeeze %dma_wait3A_997 : memref<1x512xf32, #tpu.memory_space<vmem>> -> memref<512xf32, #tpu.memory_space<vmem>>
    %dma_wait3A_999 = arith.constant 256 : i32
    %dma_wait3A_1000 = tpu.memref_slice %dma_wait3A_998[%dma_wait3A_999] : memref<512xf32, #tpu.memory_space<vmem>> -> memref<128xf32, #tpu.memory_space<vmem>>
    %dma_wait3A_1001 = arith.constant 0 : i32
    %dma_wait3A_1002 = tpu.memref_slice %arg6[%dma_wait3A_994, %dma_wait3A_1001] : memref<4x128xi32, #tpu.memory_space<vmem>> -> memref<1x128xi32, #tpu.memory_space<vmem>>
    %dma_wait3A_1003 = tpu.memref_squeeze %dma_wait3A_1002 : memref<1x128xi32, #tpu.memory_space<vmem>> -> memref<128xi32, #tpu.memory_space<vmem>>
    %dma_wait3A_1004 = arith.constant 0 : i32
    %dma_wait3A_1005 = tpu.memref_slice %arg3[%dma_wait3A_993, %dma_wait3A_1004] : memref<8x50000xf32, #tpu.memory_space<hbm>> -> memref<1x50000xf32, #tpu.memory_space<hbm>>
    %dma_wait3A_1006 = tpu.memref_squeeze %dma_wait3A_1005 : memref<1x50000xf32, #tpu.memory_space<hbm>> -> memref<50000xf32, #tpu.memory_space<hbm>>
    %dma_wait3A_1007 = arith.constant 0 : i32
    %dma_wait3A_1008 = tpu.memref_slice %dma_wait3A_1006[%dma_wait3A_1007] : memref<50000xf32, #tpu.memory_space<hbm>> -> memref<50000xf32, #tpu.memory_space<hbm>>
    tpu.wait_indirect_dma semaphore(%arg8 : memref<!tpu.dma_semaphore, #tpu.memory_space<semaphore_mem>>) src(%dma_wait3A_1008 : memref<50000xf32, #tpu.memory_space<hbm>>) dst(%dma_wait3A_1000 : memref<128xf32, #tpu.memory_space<vmem>>)
    %dma_wait3A_1009 = arith.constant 7 : i32
    %dma_wait3A_1010 = arith.constant 3 : i32
    %dma_wait3A_1011 = arith.constant 7 : i32
    %dma_wait3A_1012 = arith.constant 0 : i32
    %dma_wait3A_1013 = tpu.memref_slice %arg7[%dma_wait3A_1011, %dma_wait3A_1012] : memref<8x512xf32, #tpu.memory_space<vmem>> -> memref<1x512xf32, #tpu.memory_space<vmem>>
    %dma_wait3A_1014 = tpu.memref_squeeze %dma_wait3A_1013 : memref<1x512xf32, #tpu.memory_space<vmem>> -> memref<512xf32, #tpu.memory_space<vmem>>
    %dma_wait3A_1015 = arith.constant 384 : i32
    %dma_wait3A_1016 = tpu.memref_slice %dma_wait3A_1014[%dma_wait3A_1015] : memref<512xf32, #tpu.memory_space<vmem>> -> memref<128xf32, #tpu.memory_space<vmem>>
    %dma_wait3A_1017 = arith.constant 0 : i32
    %dma_wait3A_1018 = tpu.memref_slice %arg6[%dma_wait3A_1010, %dma_wait3A_1017] : memref<4x128xi32, #tpu.memory_space<vmem>> -> memref<1x128xi32, #tpu.memory_space<vmem>>
    %dma_wait3A_1019 = tpu.memref_squeeze %dma_wait3A_1018 : memref<1x128xi32, #tpu.memory_space<vmem>> -> memref<128xi32, #tpu.memory_space<vmem>>
    %dma_wait3A_1020 = arith.constant 0 : i32
    %dma_wait3A_1021 = tpu.memref_slice %arg3[%dma_wait3A_1009, %dma_wait3A_1020] : memref<8x50000xf32, #tpu.memory_space<hbm>> -> memref<1x50000xf32, #tpu.memory_space<hbm>>
    %dma_wait3A_1022 = tpu.memref_squeeze %dma_wait3A_1021 : memref<1x50000xf32, #tpu.memory_space<hbm>> -> memref<50000xf32, #tpu.memory_space<hbm>>
    %dma_wait3A_1023 = arith.constant 0 : i32
    %dma_wait3A_1024 = tpu.memref_slice %dma_wait3A_1022[%dma_wait3A_1023] : memref<50000xf32, #tpu.memory_space<hbm>> -> memref<50000xf32, #tpu.memory_space<hbm>>
    tpu.wait_indirect_dma semaphore(%arg8 : memref<!tpu.dma_semaphore, #tpu.memory_space<semaphore_mem>>) src(%dma_wait3A_1024 : memref<50000xf32, #tpu.memory_space<hbm>>) dst(%dma_wait3A_1016 : memref<128xf32, #tpu.memory_space<vmem>>)
    %run_scoped3A = arith.constant 0 : i32
    %run_scoped3A_1025 = arith.constant 0 : i32
    "tpu.region"() ({
      %run_scoped3A_1040 = tpu.sem_alloc : memref<!tpu.dma_semaphore, #tpu.memory_space<semaphore_mem>>
      %dma_start3A_1041 = arith.constant 0 : i32
      %dma_start3A_1042 = tpu.memref_slice %arg7[%run_scoped3A, %dma_start3A_1041] : memref<8x512xf32, #tpu.memory_space<vmem>> -> memref<1x512xf32, #tpu.memory_space<vmem>>
      %dma_start3A_1043 = tpu.memref_squeeze %dma_start3A_1042 : memref<1x512xf32, #tpu.memory_space<vmem>> -> memref<512xf32, #tpu.memory_space<vmem>>
      %dma_start3A_1044 = arith.constant 0 : i32
      %dma_start3A_1045 = tpu.memref_slice %arg5[%run_scoped3A_1025, %dma_start3A_1044] : memref<8x16384xf32, #tpu.memory_space<hbm>> -> memref<1x16384xf32, #tpu.memory_space<hbm>>
      %dma_start3A_1046 = tpu.memref_squeeze %dma_start3A_1045 : memref<1x16384xf32, #tpu.memory_space<hbm>> -> memref<16384xf32, #tpu.memory_space<hbm>>
      %dma_start3A_1047 = tpu.memref_slice %dma_start3A_1046[%mul3A_2] : memref<16384xf32, #tpu.memory_space<hbm>> -> memref<512xf32, #tpu.memory_space<hbm>>
      %dma_start3A_1048 = arith.constant 0 : i32
      %dma_start3A_1049 = tpu.memref_slice %arg5[%run_scoped3A_1025, %dma_start3A_1048] : memref<8x16384xf32, #tpu.memory_space<hbm>> -> memref<1x16384xf32, #tpu.memory_space<hbm>>
      %dma_start3A_1050 = tpu.memref_squeeze %dma_start3A_1049 : memref<1x16384xf32, #tpu.memory_space<hbm>> -> memref<16384xf32, #tpu.memory_space<hbm>>
      %dma_start3A_1051 = tpu.memref_slice %dma_start3A_1050[%mul3A_2] : memref<16384xf32, #tpu.memory_space<hbm>> -> memref<512xf32, #tpu.memory_space<hbm>>
      %dma_start3A_1052 = arith.constant 0 : i32
      %dma_start3A_1053 = tpu.memref_slice %arg7[%run_scoped3A, %dma_start3A_1052] : memref<8x512xf32, #tpu.memory_space<vmem>> -> memref<1x512xf32, #tpu.memory_space<vmem>>
      %dma_start3A_1054 = tpu.memref_squeeze %dma_start3A_1053 : memref<1x512xf32, #tpu.memory_space<vmem>> -> memref<512xf32, #tpu.memory_space<vmem>>
      tpu.enqueue_dma source(%dma_start3A_1054 : memref<512xf32, #tpu.memory_space<vmem>>) target(%dma_start3A_1051 : memref<512xf32, #tpu.memory_space<hbm>>) target_semaphore(%run_scoped3A_1040 : memref<!tpu.dma_semaphore, #tpu.memory_space<semaphore_mem>>)
      %dma_wait3A_1055 = arith.constant 0 : i32
      %dma_wait3A_1056 = tpu.memref_slice %arg7[%run_scoped3A, %dma_wait3A_1055] : memref<8x512xf32, #tpu.memory_space<vmem>> -> memref<1x512xf32, #tpu.memory_space<vmem>>
      %dma_wait3A_1057 = tpu.memref_squeeze %dma_wait3A_1056 : memref<1x512xf32, #tpu.memory_space<vmem>> -> memref<512xf32, #tpu.memory_space<vmem>>
      %dma_wait3A_1058 = arith.constant 0 : i32
      %dma_wait3A_1059 = tpu.memref_slice %arg5[%run_scoped3A_1025, %dma_wait3A_1058] : memref<8x16384xf32, #tpu.memory_space<hbm>> -> memref<1x16384xf32, #tpu.memory_space<hbm>>
      %dma_wait3A_1060 = tpu.memref_squeeze %dma_wait3A_1059 : memref<1x16384xf32, #tpu.memory_space<hbm>> -> memref<16384xf32, #tpu.memory_space<hbm>>
      %dma_wait3A_1061 = tpu.memref_slice %dma_wait3A_1060[%mul3A_2] : memref<16384xf32, #tpu.memory_space<hbm>> -> memref<512xf32, #tpu.memory_space<hbm>>
      %dma_wait3A_1062 = arith.constant 0 : i32
      %dma_wait3A_1063 = tpu.memref_slice %arg5[%run_scoped3A_1025, %dma_wait3A_1062] : memref<8x16384xf32, #tpu.memory_space<hbm>> -> memref<1x16384xf32, #tpu.memory_space<hbm>>
      %dma_wait3A_1064 = tpu.memref_squeeze %dma_wait3A_1063 : memref<1x16384xf32, #tpu.memory_space<hbm>> -> memref<16384xf32, #tpu.memory_space<hbm>>
      %dma_wait3A_1065 = tpu.memref_slice %dma_wait3A_1064[%mul3A_2] : memref<16384xf32, #tpu.memory_space<hbm>> -> memref<512xf32, #tpu.memory_space<hbm>>
      %dma_wait3A_1066 = arith.constant 0 : i32
      %dma_wait3A_1067 = tpu.memref_slice %arg7[%run_scoped3A, %dma_wait3A_1066] : memref<8x512xf32, #tpu.memory_space<vmem>> -> memref<1x512xf32, #tpu.memory_space<vmem>>
      %dma_wait3A_1068 = tpu.memref_squeeze %dma_wait3A_1067 : memref<1x512xf32, #tpu.memory_space<vmem>> -> memref<512xf32, #tpu.memory_space<vmem>>
      tpu.wait_dma2 semaphore(%run_scoped3A_1040 : memref<!tpu.dma_semaphore, #tpu.memory_space<semaphore_mem>>) src(%dma_wait3A_1068 : memref<512xf32, #tpu.memory_space<vmem>>) dst(%dma_wait3A_1065 : memref<512xf32, #tpu.memory_space<hbm>>)
      tpu.yield
    }) : () -> ()
    %run_scoped3A_1026 = arith.constant 1 : i32
    %run_scoped3A_1027 = arith.constant 1 : i32
    "tpu.region"() ({
      %run_scoped3A_1040 = tpu.sem_alloc : memref<!tpu.dma_semaphore, #tpu.memory_space<semaphore_mem>>
      %dma_start3A_1041 = arith.constant 0 : i32
      %dma_start3A_1042 = tpu.memref_slice %arg7[%run_scoped3A_1026, %dma_start3A_1041] : memref<8x512xf32, #tpu.memory_space<vmem>> -> memref<1x512xf32, #tpu.memory_space<vmem>>
      %dma_start3A_1043 = tpu.memref_squeeze %dma_start3A_1042 : memref<1x512xf32, #tpu.memory_space<vmem>> -> memref<512xf32, #tpu.memory_space<vmem>>
      %dma_start3A_1044 = arith.constant 0 : i32
      %dma_start3A_1045 = tpu.memref_slice %arg5[%run_scoped3A_1027, %dma_start3A_1044] : memref<8x16384xf32, #tpu.memory_space<hbm>> -> memref<1x16384xf32, #tpu.memory_space<hbm>>
      %dma_start3A_1046 = tpu.memref_squeeze %dma_start3A_1045 : memref<1x16384xf32, #tpu.memory_space<hbm>> -> memref<16384xf32, #tpu.memory_space<hbm>>
      %dma_start3A_1047 = tpu.memref_slice %dma_start3A_1046[%mul3A_2] : memref<16384xf32, #tpu.memory_space<hbm>> -> memref<512xf32, #tpu.memory_space<hbm>>
      %dma_start3A_1048 = arith.constant 0 : i32
      %dma_start3A_1049 = tpu.memref_slice %arg5[%run_scoped3A_1027, %dma_start3A_1048] : memref<8x16384xf32, #tpu.memory_space<hbm>> -> memref<1x16384xf32, #tpu.memory_space<hbm>>
      %dma_start3A_1050 = tpu.memref_squeeze %dma_start3A_1049 : memref<1x16384xf32, #tpu.memory_space<hbm>> -> memref<16384xf32, #tpu.memory_space<hbm>>
      %dma_start3A_1051 = tpu.memref_slice %dma_start3A_1050[%mul3A_2] : memref<16384xf32, #tpu.memory_space<hbm>> -> memref<512xf32, #tpu.memory_space<hbm>>
      %dma_start3A_1052 = arith.constant 0 : i32
      %dma_start3A_1053 = tpu.memref_slice %arg7[%run_scoped3A_1026, %dma_start3A_1052] : memref<8x512xf32, #tpu.memory_space<vmem>> -> memref<1x512xf32, #tpu.memory_space<vmem>>
      %dma_start3A_1054 = tpu.memref_squeeze %dma_start3A_1053 : memref<1x512xf32, #tpu.memory_space<vmem>> -> memref<512xf32, #tpu.memory_space<vmem>>
      tpu.enqueue_dma source(%dma_start3A_1054 : memref<512xf32, #tpu.memory_space<vmem>>) target(%dma_start3A_1051 : memref<512xf32, #tpu.memory_space<hbm>>) target_semaphore(%run_scoped3A_1040 : memref<!tpu.dma_semaphore, #tpu.memory_space<semaphore_mem>>)
      %dma_wait3A_1055 = arith.constant 0 : i32
      %dma_wait3A_1056 = tpu.memref_slice %arg7[%run_scoped3A_1026, %dma_wait3A_1055] : memref<8x512xf32, #tpu.memory_space<vmem>> -> memref<1x512xf32, #tpu.memory_space<vmem>>
      %dma_wait3A_1057 = tpu.memref_squeeze %dma_wait3A_1056 : memref<1x512xf32, #tpu.memory_space<vmem>> -> memref<512xf32, #tpu.memory_space<vmem>>
      %dma_wait3A_1058 = arith.constant 0 : i32
      %dma_wait3A_1059 = tpu.memref_slice %arg5[%run_scoped3A_1027, %dma_wait3A_1058] : memref<8x16384xf32, #tpu.memory_space<hbm>> -> memref<1x16384xf32, #tpu.memory_space<hbm>>
      %dma_wait3A_1060 = tpu.memref_squeeze %dma_wait3A_1059 : memref<1x16384xf32, #tpu.memory_space<hbm>> -> memref<16384xf32, #tpu.memory_space<hbm>>
      %dma_wait3A_1061 = tpu.memref_slice %dma_wait3A_1060[%mul3A_2] : memref<16384xf32, #tpu.memory_space<hbm>> -> memref<512xf32, #tpu.memory_space<hbm>>
      %dma_wait3A_1062 = arith.constant 0 : i32
      %dma_wait3A_1063 = tpu.memref_slice %arg5[%run_scoped3A_1027, %dma_wait3A_1062] : memref<8x16384xf32, #tpu.memory_space<hbm>> -> memref<1x16384xf32, #tpu.memory_space<hbm>>
      %dma_wait3A_1064 = tpu.memref_squeeze %dma_wait3A_1063 : memref<1x16384xf32, #tpu.memory_space<hbm>> -> memref<16384xf32, #tpu.memory_space<hbm>>
      %dma_wait3A_1065 = tpu.memref_slice %dma_wait3A_1064[%mul3A_2] : memref<16384xf32, #tpu.memory_space<hbm>> -> memref<512xf32, #tpu.memory_space<hbm>>
      %dma_wait3A_1066 = arith.constant 0 : i32
      %dma_wait3A_1067 = tpu.memref_slice %arg7[%run_scoped3A_1026, %dma_wait3A_1066] : memref<8x512xf32, #tpu.memory_space<vmem>> -> memref<1x512xf32, #tpu.memory_space<vmem>>
      %dma_wait3A_1068 = tpu.memref_squeeze %dma_wait3A_1067 : memref<1x512xf32, #tpu.memory_space<vmem>> -> memref<512xf32, #tpu.memory_space<vmem>>
      tpu.wait_dma2 semaphore(%run_scoped3A_1040 : memref<!tpu.dma_semaphore, #tpu.memory_space<semaphore_mem>>) src(%dma_wait3A_1068 : memref<512xf32, #tpu.memory_space<vmem>>) dst(%dma_wait3A_1065 : memref<512xf32, #tpu.memory_space<hbm>>)
      tpu.yield
    }) : () -> ()
    %run_scoped3A_1028 = arith.constant 2 : i32
    %run_scoped3A_1029 = arith.constant 2 : i32
    "tpu.region"() ({
      %run_scoped3A_1040 = tpu.sem_alloc : memref<!tpu.dma_semaphore, #tpu.memory_space<semaphore_mem>>
      %dma_start3A_1041 = arith.constant 0 : i32
      %dma_start3A_1042 = tpu.memref_slice %arg7[%run_scoped3A_1028, %dma_start3A_1041] : memref<8x512xf32, #tpu.memory_space<vmem>> -> memref<1x512xf32, #tpu.memory_space<vmem>>
      %dma_start3A_1043 = tpu.memref_squeeze %dma_start3A_1042 : memref<1x512xf32, #tpu.memory_space<vmem>> -> memref<512xf32, #tpu.memory_space<vmem>>
      %dma_start3A_1044 = arith.constant 0 : i32
      %dma_start3A_1045 = tpu.memref_slice %arg5[%run_scoped3A_1029, %dma_start3A_1044] : memref<8x16384xf32, #tpu.memory_space<hbm>> -> memref<1x16384xf32, #tpu.memory_space<hbm>>
      %dma_start3A_1046 = tpu.memref_squeeze %dma_start3A_1045 : memref<1x16384xf32, #tpu.memory_space<hbm>> -> memref<16384xf32, #tpu.memory_space<hbm>>
      %dma_start3A_1047 = tpu.memref_slice %dma_start3A_1046[%mul3A_2] : memref<16384xf32, #tpu.memory_space<hbm>> -> memref<512xf32, #tpu.memory_space<hbm>>
      %dma_start3A_1048 = arith.constant 0 : i32
      %dma_start3A_1049 = tpu.memref_slice %arg5[%run_scoped3A_1029, %dma_start3A_1048] : memref<8x16384xf32, #tpu.memory_space<hbm>> -> memref<1x16384xf32, #tpu.memory_space<hbm>>
      %dma_start3A_1050 = tpu.memref_squeeze %dma_start3A_1049 : memref<1x16384xf32, #tpu.memory_space<hbm>> -> memref<16384xf32, #tpu.memory_space<hbm>>
      %dma_start3A_1051 = tpu.memref_slice %dma_start3A_1050[%mul3A_2] : memref<16384xf32, #tpu.memory_space<hbm>> -> memref<512xf32, #tpu.memory_space<hbm>>
      %dma_start3A_1052 = arith.constant 0 : i32
      %dma_start3A_1053 = tpu.memref_slice %arg7[%run_scoped3A_1028, %dma_start3A_1052] : memref<8x512xf32, #tpu.memory_space<vmem>> -> memref<1x512xf32, #tpu.memory_space<vmem>>
      %dma_start3A_1054 = tpu.memref_squeeze %dma_start3A_1053 : memref<1x512xf32, #tpu.memory_space<vmem>> -> memref<512xf32, #tpu.memory_space<vmem>>
      tpu.enqueue_dma source(%dma_start3A_1054 : memref<512xf32, #tpu.memory_space<vmem>>) target(%dma_start3A_1051 : memref<512xf32, #tpu.memory_space<hbm>>) target_semaphore(%run_scoped3A_1040 : memref<!tpu.dma_semaphore, #tpu.memory_space<semaphore_mem>>)
      %dma_wait3A_1055 = arith.constant 0 : i32
      %dma_wait3A_1056 = tpu.memref_slice %arg7[%run_scoped3A_1028, %dma_wait3A_1055] : memref<8x512xf32, #tpu.memory_space<vmem>> -> memref<1x512xf32, #tpu.memory_space<vmem>>
      %dma_wait3A_1057 = tpu.memref_squeeze %dma_wait3A_1056 : memref<1x512xf32, #tpu.memory_space<vmem>> -> memref<512xf32, #tpu.memory_space<vmem>>
      %dma_wait3A_1058 = arith.constant 0 : i32
      %dma_wait3A_1059 = tpu.memref_slice %arg5[%run_scoped3A_1029, %dma_wait3A_1058] : memref<8x16384xf32, #tpu.memory_space<hbm>> -> memref<1x16384xf32, #tpu.memory_space<hbm>>
      %dma_wait3A_1060 = tpu.memref_squeeze %dma_wait3A_1059 : memref<1x16384xf32, #tpu.memory_space<hbm>> -> memref<16384xf32, #tpu.memory_space<hbm>>
      %dma_wait3A_1061 = tpu.memref_slice %dma_wait3A_1060[%mul3A_2] : memref<16384xf32, #tpu.memory_space<hbm>> -> memref<512xf32, #tpu.memory_space<hbm>>
      %dma_wait3A_1062 = arith.constant 0 : i32
      %dma_wait3A_1063 = tpu.memref_slice %arg5[%run_scoped3A_1029, %dma_wait3A_1062] : memref<8x16384xf32, #tpu.memory_space<hbm>> -> memref<1x16384xf32, #tpu.memory_space<hbm>>
      %dma_wait3A_1064 = tpu.memref_squeeze %dma_wait3A_1063 : memref<1x16384xf32, #tpu.memory_space<hbm>> -> memref<16384xf32, #tpu.memory_space<hbm>>
      %dma_wait3A_1065 = tpu.memref_slice %dma_wait3A_1064[%mul3A_2] : memref<16384xf32, #tpu.memory_space<hbm>> -> memref<512xf32, #tpu.memory_space<hbm>>
      %dma_wait3A_1066 = arith.constant 0 : i32
      %dma_wait3A_1067 = tpu.memref_slice %arg7[%run_scoped3A_1028, %dma_wait3A_1066] : memref<8x512xf32, #tpu.memory_space<vmem>> -> memref<1x512xf32, #tpu.memory_space<vmem>>
      %dma_wait3A_1068 = tpu.memref_squeeze %dma_wait3A_1067 : memref<1x512xf32, #tpu.memory_space<vmem>> -> memref<512xf32, #tpu.memory_space<vmem>>
      tpu.wait_dma2 semaphore(%run_scoped3A_1040 : memref<!tpu.dma_semaphore, #tpu.memory_space<semaphore_mem>>) src(%dma_wait3A_1068 : memref<512xf32, #tpu.memory_space<vmem>>) dst(%dma_wait3A_1065 : memref<512xf32, #tpu.memory_space<hbm>>)
      tpu.yield
    }) : () -> ()
    %run_scoped3A_1030 = arith.constant 3 : i32
    %run_scoped3A_1031 = arith.constant 3 : i32
    "tpu.region"() ({
      %run_scoped3A_1040 = tpu.sem_alloc : memref<!tpu.dma_semaphore, #tpu.memory_space<semaphore_mem>>
      %dma_start3A_1041 = arith.constant 0 : i32
      %dma_start3A_1042 = tpu.memref_slice %arg7[%run_scoped3A_1030, %dma_start3A_1041] : memref<8x512xf32, #tpu.memory_space<vmem>> -> memref<1x512xf32, #tpu.memory_space<vmem>>
      %dma_start3A_1043 = tpu.memref_squeeze %dma_start3A_1042 : memref<1x512xf32, #tpu.memory_space<vmem>> -> memref<512xf32, #tpu.memory_space<vmem>>
      %dma_start3A_1044 = arith.constant 0 : i32
      %dma_start3A_1045 = tpu.memref_slice %arg5[%run_scoped3A_1031, %dma_start3A_1044] : memref<8x16384xf32, #tpu.memory_space<hbm>> -> memref<1x16384xf32, #tpu.memory_space<hbm>>
      %dma_start3A_1046 = tpu.memref_squeeze %dma_start3A_1045 : memref<1x16384xf32, #tpu.memory_space<hbm>> -> memref<16384xf32, #tpu.memory_space<hbm>>
      %dma_start3A_1047 = tpu.memref_slice %dma_start3A_1046[%mul3A_2] : memref<16384xf32, #tpu.memory_space<hbm>> -> memref<512xf32, #tpu.memory_space<hbm>>
      %dma_start3A_1048 = arith.constant 0 : i32
      %dma_start3A_1049 = tpu.memref_slice %arg5[%run_scoped3A_1031, %dma_start3A_1048] : memref<8x16384xf32, #tpu.memory_space<hbm>> -> memref<1x16384xf32, #tpu.memory_space<hbm>>
      %dma_start3A_1050 = tpu.memref_squeeze %dma_start3A_1049 : memref<1x16384xf32, #tpu.memory_space<hbm>> -> memref<16384xf32, #tpu.memory_space<hbm>>
      %dma_start3A_1051 = tpu.memref_slice %dma_start3A_1050[%mul3A_2] : memref<16384xf32, #tpu.memory_space<hbm>> -> memref<512xf32, #tpu.memory_space<hbm>>
      %dma_start3A_1052 = arith.constant 0 : i32
      %dma_start3A_1053 = tpu.memref_slice %arg7[%run_scoped3A_1030, %dma_start3A_1052] : memref<8x512xf32, #tpu.memory_space<vmem>> -> memref<1x512xf32, #tpu.memory_space<vmem>>
      %dma_start3A_1054 = tpu.memref_squeeze %dma_start3A_1053 : memref<1x512xf32, #tpu.memory_space<vmem>> -> memref<512xf32, #tpu.memory_space<vmem>>
      tpu.enqueue_dma source(%dma_start3A_1054 : memref<512xf32, #tpu.memory_space<vmem>>) target(%dma_start3A_1051 : memref<512xf32, #tpu.memory_space<hbm>>) target_semaphore(%run_scoped3A_1040 : memref<!tpu.dma_semaphore, #tpu.memory_space<semaphore_mem>>)
      %dma_wait3A_1055 = arith.constant 0 : i32
      %dma_wait3A_1056 = tpu.memref_slice %arg7[%run_scoped3A_1030, %dma_wait3A_1055] : memref<8x512xf32, #tpu.memory_space<vmem>> -> memref<1x512xf32, #tpu.memory_space<vmem>>
      %dma_wait3A_1057 = tpu.memref_squeeze %dma_wait3A_1056 : memref<1x512xf32, #tpu.memory_space<vmem>> -> memref<512xf32, #tpu.memory_space<vmem>>
      %dma_wait3A_1058 = arith.constant 0 : i32
      %dma_wait3A_1059 = tpu.memref_slice %arg5[%run_scoped3A_1031, %dma_wait3A_1058] : memref<8x16384xf32, #tpu.memory_space<hbm>> -> memref<1x16384xf32, #tpu.memory_space<hbm>>
      %dma_wait3A_1060 = tpu.memref_squeeze %dma_wait3A_1059 : memref<1x16384xf32, #tpu.memory_space<hbm>> -> memref<16384xf32, #tpu.memory_space<hbm>>
      %dma_wait3A_1061 = tpu.memref_slice %dma_wait3A_1060[%mul3A_2] : memref<16384xf32, #tpu.memory_space<hbm>> -> memref<512xf32, #tpu.memory_space<hbm>>
      %dma_wait3A_1062 = arith.constant 0 : i32
      %dma_wait3A_1063 = tpu.memref_slice %arg5[%run_scoped3A_1031, %dma_wait3A_1062] : memref<8x16384xf32, #tpu.memory_space<hbm>> -> memref<1x16384xf32, #tpu.memory_space<hbm>>
      %dma_wait3A_1064 = tpu.memref_squeeze %dma_wait3A_1063 : memref<1x16384xf32, #tpu.memory_space<hbm>> -> memref<16384xf32, #tpu.memory_space<hbm>>
      %dma_wait3A_1065 = tpu.memref_slice %dma_wait3A_1064[%mul3A_2] : memref<16384xf32, #tpu.memory_space<hbm>> -> memref<512xf32, #tpu.memory_space<hbm>>
      %dma_wait3A_1066 = arith.constant 0 : i32
      %dma_wait3A_1067 = tpu.memref_slice %arg7[%run_scoped3A_1030, %dma_wait3A_1066] : memref<8x512xf32, #tpu.memory_space<vmem>> -> memref<1x512xf32, #tpu.memory_space<vmem>>
      %dma_wait3A_1068 = tpu.memref_squeeze %dma_wait3A_1067 : memref<1x512xf32, #tpu.memory_space<vmem>> -> memref<512xf32, #tpu.memory_space<vmem>>
      tpu.wait_dma2 semaphore(%run_scoped3A_1040 : memref<!tpu.dma_semaphore, #tpu.memory_space<semaphore_mem>>) src(%dma_wait3A_1068 : memref<512xf32, #tpu.memory_space<vmem>>) dst(%dma_wait3A_1065 : memref<512xf32, #tpu.memory_space<hbm>>)
      tpu.yield
    }) : () -> ()
    %run_scoped3A_1032 = arith.constant 4 : i32
    %run_scoped3A_1033 = arith.constant 4 : i32
    "tpu.region"() ({
      %run_scoped3A_1040 = tpu.sem_alloc : memref<!tpu.dma_semaphore, #tpu.memory_space<semaphore_mem>>
      %dma_start3A_1041 = arith.constant 0 : i32
      %dma_start3A_1042 = tpu.memref_slice %arg7[%run_scoped3A_1032, %dma_start3A_1041] : memref<8x512xf32, #tpu.memory_space<vmem>> -> memref<1x512xf32, #tpu.memory_space<vmem>>
      %dma_start3A_1043 = tpu.memref_squeeze %dma_start3A_1042 : memref<1x512xf32, #tpu.memory_space<vmem>> -> memref<512xf32, #tpu.memory_space<vmem>>
      %dma_start3A_1044 = arith.constant 0 : i32
      %dma_start3A_1045 = tpu.memref_slice %arg5[%run_scoped3A_1033, %dma_start3A_1044] : memref<8x16384xf32, #tpu.memory_space<hbm>> -> memref<1x16384xf32, #tpu.memory_space<hbm>>
      %dma_start3A_1046 = tpu.memref_squeeze %dma_start3A_1045 : memref<1x16384xf32, #tpu.memory_space<hbm>> -> memref<16384xf32, #tpu.memory_space<hbm>>
      %dma_start3A_1047 = tpu.memref_slice %dma_start3A_1046[%mul3A_2] : memref<16384xf32, #tpu.memory_space<hbm>> -> memref<512xf32, #tpu.memory_space<hbm>>
      %dma_start3A_1048 = arith.constant 0 : i32
      %dma_start3A_1049 = tpu.memref_slice %arg5[%run_scoped3A_1033, %dma_start3A_1048] : memref<8x16384xf32, #tpu.memory_space<hbm>> -> memref<1x16384xf32, #tpu.memory_space<hbm>>
      %dma_start3A_1050 = tpu.memref_squeeze %dma_start3A_1049 : memref<1x16384xf32, #tpu.memory_space<hbm>> -> memref<16384xf32, #tpu.memory_space<hbm>>
      %dma_start3A_1051 = tpu.memref_slice %dma_start3A_1050[%mul3A_2] : memref<16384xf32, #tpu.memory_space<hbm>> -> memref<512xf32, #tpu.memory_space<hbm>>
      %dma_start3A_1052 = arith.constant 0 : i32
      %dma_start3A_1053 = tpu.memref_slice %arg7[%run_scoped3A_1032, %dma_start3A_1052] : memref<8x512xf32, #tpu.memory_space<vmem>> -> memref<1x512xf32, #tpu.memory_space<vmem>>
      %dma_start3A_1054 = tpu.memref_squeeze %dma_start3A_1053 : memref<1x512xf32, #tpu.memory_space<vmem>> -> memref<512xf32, #tpu.memory_space<vmem>>
      tpu.enqueue_dma source(%dma_start3A_1054 : memref<512xf32, #tpu.memory_space<vmem>>) target(%dma_start3A_1051 : memref<512xf32, #tpu.memory_space<hbm>>) target_semaphore(%run_scoped3A_1040 : memref<!tpu.dma_semaphore, #tpu.memory_space<semaphore_mem>>)
      %dma_wait3A_1055 = arith.constant 0 : i32
      %dma_wait3A_1056 = tpu.memref_slice %arg7[%run_scoped3A_1032, %dma_wait3A_1055] : memref<8x512xf32, #tpu.memory_space<vmem>> -> memref<1x512xf32, #tpu.memory_space<vmem>>
      %dma_wait3A_1057 = tpu.memref_squeeze %dma_wait3A_1056 : memref<1x512xf32, #tpu.memory_space<vmem>> -> memref<512xf32, #tpu.memory_space<vmem>>
      %dma_wait3A_1058 = arith.constant 0 : i32
      %dma_wait3A_1059 = tpu.memref_slice %arg5[%run_scoped3A_1033, %dma_wait3A_1058] : memref<8x16384xf32, #tpu.memory_space<hbm>> -> memref<1x16384xf32, #tpu.memory_space<hbm>>
      %dma_wait3A_1060 = tpu.memref_squeeze %dma_wait3A_1059 : memref<1x16384xf32, #tpu.memory_space<hbm>> -> memref<16384xf32, #tpu.memory_space<hbm>>
      %dma_wait3A_1061 = tpu.memref_slice %dma_wait3A_1060[%mul3A_2] : memref<16384xf32, #tpu.memory_space<hbm>> -> memref<512xf32, #tpu.memory_space<hbm>>
      %dma_wait3A_1062 = arith.constant 0 : i32
      %dma_wait3A_1063 = tpu.memref_slice %arg5[%run_scoped3A_1033, %dma_wait3A_1062] : memref<8x16384xf32, #tpu.memory_space<hbm>> -> memref<1x16384xf32, #tpu.memory_space<hbm>>
      %dma_wait3A_1064 = tpu.memref_squeeze %dma_wait3A_1063 : memref<1x16384xf32, #tpu.memory_space<hbm>> -> memref<16384xf32, #tpu.memory_space<hbm>>
      %dma_wait3A_1065 = tpu.memref_slice %dma_wait3A_1064[%mul3A_2] : memref<16384xf32, #tpu.memory_space<hbm>> -> memref<512xf32, #tpu.memory_space<hbm>>
      %dma_wait3A_1066 = arith.constant 0 : i32
      %dma_wait3A_1067 = tpu.memref_slice %arg7[%run_scoped3A_1032, %dma_wait3A_1066] : memref<8x512xf32, #tpu.memory_space<vmem>> -> memref<1x512xf32, #tpu.memory_space<vmem>>
      %dma_wait3A_1068 = tpu.memref_squeeze %dma_wait3A_1067 : memref<1x512xf32, #tpu.memory_space<vmem>> -> memref<512xf32, #tpu.memory_space<vmem>>
      tpu.wait_dma2 semaphore(%run_scoped3A_1040 : memref<!tpu.dma_semaphore, #tpu.memory_space<semaphore_mem>>) src(%dma_wait3A_1068 : memref<512xf32, #tpu.memory_space<vmem>>) dst(%dma_wait3A_1065 : memref<512xf32, #tpu.memory_space<hbm>>)
      tpu.yield
    }) : () -> ()
    %run_scoped3A_1034 = arith.constant 5 : i32
    %run_scoped3A_1035 = arith.constant 5 : i32
    "tpu.region"() ({
      %run_scoped3A_1040 = tpu.sem_alloc : memref<!tpu.dma_semaphore, #tpu.memory_space<semaphore_mem>>
      %dma_start3A_1041 = arith.constant 0 : i32
      %dma_start3A_1042 = tpu.memref_slice %arg7[%run_scoped3A_1034, %dma_start3A_1041] : memref<8x512xf32, #tpu.memory_space<vmem>> -> memref<1x512xf32, #tpu.memory_space<vmem>>
      %dma_start3A_1043 = tpu.memref_squeeze %dma_start3A_1042 : memref<1x512xf32, #tpu.memory_space<vmem>> -> memref<512xf32, #tpu.memory_space<vmem>>
      %dma_start3A_1044 = arith.constant 0 : i32
      %dma_start3A_1045 = tpu.memref_slice %arg5[%run_scoped3A_1035, %dma_start3A_1044] : memref<8x16384xf32, #tpu.memory_space<hbm>> -> memref<1x16384xf32, #tpu.memory_space<hbm>>
      %dma_start3A_1046 = tpu.memref_squeeze %dma_start3A_1045 : memref<1x16384xf32, #tpu.memory_space<hbm>> -> memref<16384xf32, #tpu.memory_space<hbm>>
      %dma_start3A_1047 = tpu.memref_slice %dma_start3A_1046[%mul3A_2] : memref<16384xf32, #tpu.memory_space<hbm>> -> memref<512xf32, #tpu.memory_space<hbm>>
      %dma_start3A_1048 = arith.constant 0 : i32
      %dma_start3A_1049 = tpu.memref_slice %arg5[%run_scoped3A_1035, %dma_start3A_1048] : memref<8x16384xf32, #tpu.memory_space<hbm>> -> memref<1x16384xf32, #tpu.memory_space<hbm>>
      %dma_start3A_1050 = tpu.memref_squeeze %dma_start3A_1049 : memref<1x16384xf32, #tpu.memory_space<hbm>> -> memref<16384xf32, #tpu.memory_space<hbm>>
      %dma_start3A_1051 = tpu.memref_slice %dma_start3A_1050[%mul3A_2] : memref<16384xf32, #tpu.memory_space<hbm>> -> memref<512xf32, #tpu.memory_space<hbm>>
      %dma_start3A_1052 = arith.constant 0 : i32
      %dma_start3A_1053 = tpu.memref_slice %arg7[%run_scoped3A_1034, %dma_start3A_1052] : memref<8x512xf32, #tpu.memory_space<vmem>> -> memref<1x512xf32, #tpu.memory_space<vmem>>
      %dma_start3A_1054 = tpu.memref_squeeze %dma_start3A_1053 : memref<1x512xf32, #tpu.memory_space<vmem>> -> memref<512xf32, #tpu.memory_space<vmem>>
      tpu.enqueue_dma source(%dma_start3A_1054 : memref<512xf32, #tpu.memory_space<vmem>>) target(%dma_start3A_1051 : memref<512xf32, #tpu.memory_space<hbm>>) target_semaphore(%run_scoped3A_1040 : memref<!tpu.dma_semaphore, #tpu.memory_space<semaphore_mem>>)
      %dma_wait3A_1055 = arith.constant 0 : i32
      %dma_wait3A_1056 = tpu.memref_slice %arg7[%run_scoped3A_1034, %dma_wait3A_1055] : memref<8x512xf32, #tpu.memory_space<vmem>> -> memref<1x512xf32, #tpu.memory_space<vmem>>
      %dma_wait3A_1057 = tpu.memref_squeeze %dma_wait3A_1056 : memref<1x512xf32, #tpu.memory_space<vmem>> -> memref<512xf32, #tpu.memory_space<vmem>>
      %dma_wait3A_1058 = arith.constant 0 : i32
      %dma_wait3A_1059 = tpu.memref_slice %arg5[%run_scoped3A_1035, %dma_wait3A_1058] : memref<8x16384xf32, #tpu.memory_space<hbm>> -> memref<1x16384xf32, #tpu.memory_space<hbm>>
      %dma_wait3A_1060 = tpu.memref_squeeze %dma_wait3A_1059 : memref<1x16384xf32, #tpu.memory_space<hbm>> -> memref<16384xf32, #tpu.memory_space<hbm>>
      %dma_wait3A_1061 = tpu.memref_slice %dma_wait3A_1060[%mul3A_2] : memref<16384xf32, #tpu.memory_space<hbm>> -> memref<512xf32, #tpu.memory_space<hbm>>
      %dma_wait3A_1062 = arith.constant 0 : i32
      %dma_wait3A_1063 = tpu.memref_slice %arg5[%run_scoped3A_1035, %dma_wait3A_1062] : memref<8x16384xf32, #tpu.memory_space<hbm>> -> memref<1x16384xf32, #tpu.memory_space<hbm>>
      %dma_wait3A_1064 = tpu.memref_squeeze %dma_wait3A_1063 : memref<1x16384xf32, #tpu.memory_space<hbm>> -> memref<16384xf32, #tpu.memory_space<hbm>>
      %dma_wait3A_1065 = tpu.memref_slice %dma_wait3A_1064[%mul3A_2] : memref<16384xf32, #tpu.memory_space<hbm>> -> memref<512xf32, #tpu.memory_space<hbm>>
      %dma_wait3A_1066 = arith.constant 0 : i32
      %dma_wait3A_1067 = tpu.memref_slice %arg7[%run_scoped3A_1034, %dma_wait3A_1066] : memref<8x512xf32, #tpu.memory_space<vmem>> -> memref<1x512xf32, #tpu.memory_space<vmem>>
      %dma_wait3A_1068 = tpu.memref_squeeze %dma_wait3A_1067 : memref<1x512xf32, #tpu.memory_space<vmem>> -> memref<512xf32, #tpu.memory_space<vmem>>
      tpu.wait_dma2 semaphore(%run_scoped3A_1040 : memref<!tpu.dma_semaphore, #tpu.memory_space<semaphore_mem>>) src(%dma_wait3A_1068 : memref<512xf32, #tpu.memory_space<vmem>>) dst(%dma_wait3A_1065 : memref<512xf32, #tpu.memory_space<hbm>>)
      tpu.yield
    }) : () -> ()
    %run_scoped3A_1036 = arith.constant 6 : i32
    %run_scoped3A_1037 = arith.constant 6 : i32
    "tpu.region"() ({
      %run_scoped3A_1040 = tpu.sem_alloc : memref<!tpu.dma_semaphore, #tpu.memory_space<semaphore_mem>>
      %dma_start3A_1041 = arith.constant 0 : i32
      %dma_start3A_1042 = tpu.memref_slice %arg7[%run_scoped3A_1036, %dma_start3A_1041] : memref<8x512xf32, #tpu.memory_space<vmem>> -> memref<1x512xf32, #tpu.memory_space<vmem>>
      %dma_start3A_1043 = tpu.memref_squeeze %dma_start3A_1042 : memref<1x512xf32, #tpu.memory_space<vmem>> -> memref<512xf32, #tpu.memory_space<vmem>>
      %dma_start3A_1044 = arith.constant 0 : i32
      %dma_start3A_1045 = tpu.memref_slice %arg5[%run_scoped3A_1037, %dma_start3A_1044] : memref<8x16384xf32, #tpu.memory_space<hbm>> -> memref<1x16384xf32, #tpu.memory_space<hbm>>
      %dma_start3A_1046 = tpu.memref_squeeze %dma_start3A_1045 : memref<1x16384xf32, #tpu.memory_space<hbm>> -> memref<16384xf32, #tpu.memory_space<hbm>>
      %dma_start3A_1047 = tpu.memref_slice %dma_start3A_1046[%mul3A_2] : memref<16384xf32, #tpu.memory_space<hbm>> -> memref<512xf32, #tpu.memory_space<hbm>>
      %dma_start3A_1048 = arith.constant 0 : i32
      %dma_start3A_1049 = tpu.memref_slice %arg5[%run_scoped3A_1037, %dma_start3A_1048] : memref<8x16384xf32, #tpu.memory_space<hbm>> -> memref<1x16384xf32, #tpu.memory_space<hbm>>
      %dma_start3A_1050 = tpu.memref_squeeze %dma_start3A_1049 : memref<1x16384xf32, #tpu.memory_space<hbm>> -> memref<16384xf32, #tpu.memory_space<hbm>>
      %dma_start3A_1051 = tpu.memref_slice %dma_start3A_1050[%mul3A_2] : memref<16384xf32, #tpu.memory_space<hbm>> -> memref<512xf32, #tpu.memory_space<hbm>>
      %dma_start3A_1052 = arith.constant 0 : i32
      %dma_start3A_1053 = tpu.memref_slice %arg7[%run_scoped3A_1036, %dma_start3A_1052] : memref<8x512xf32, #tpu.memory_space<vmem>> -> memref<1x512xf32, #tpu.memory_space<vmem>>
      %dma_start3A_1054 = tpu.memref_squeeze %dma_start3A_1053 : memref<1x512xf32, #tpu.memory_space<vmem>> -> memref<512xf32, #tpu.memory_space<vmem>>
      tpu.enqueue_dma source(%dma_start3A_1054 : memref<512xf32, #tpu.memory_space<vmem>>) target(%dma_start3A_1051 : memref<512xf32, #tpu.memory_space<hbm>>) target_semaphore(%run_scoped3A_1040 : memref<!tpu.dma_semaphore, #tpu.memory_space<semaphore_mem>>)
      %dma_wait3A_1055 = arith.constant 0 : i32
      %dma_wait3A_1056 = tpu.memref_slice %arg7[%run_scoped3A_1036, %dma_wait3A_1055] : memref<8x512xf32, #tpu.memory_space<vmem>> -> memref<1x512xf32, #tpu.memory_space<vmem>>
      %dma_wait3A_1057 = tpu.memref_squeeze %dma_wait3A_1056 : memref<1x512xf32, #tpu.memory_space<vmem>> -> memref<512xf32, #tpu.memory_space<vmem>>
      %dma_wait3A_1058 = arith.constant 0 : i32
      %dma_wait3A_1059 = tpu.memref_slice %arg5[%run_scoped3A_1037, %dma_wait3A_1058] : memref<8x16384xf32, #tpu.memory_space<hbm>> -> memref<1x16384xf32, #tpu.memory_space<hbm>>
      %dma_wait3A_1060 = tpu.memref_squeeze %dma_wait3A_1059 : memref<1x16384xf32, #tpu.memory_space<hbm>> -> memref<16384xf32, #tpu.memory_space<hbm>>
      %dma_wait3A_1061 = tpu.memref_slice %dma_wait3A_1060[%mul3A_2] : memref<16384xf32, #tpu.memory_space<hbm>> -> memref<512xf32, #tpu.memory_space<hbm>>
      %dma_wait3A_1062 = arith.constant 0 : i32
      %dma_wait3A_1063 = tpu.memref_slice %arg5[%run_scoped3A_1037, %dma_wait3A_1062] : memref<8x16384xf32, #tpu.memory_space<hbm>> -> memref<1x16384xf32, #tpu.memory_space<hbm>>
      %dma_wait3A_1064 = tpu.memref_squeeze %dma_wait3A_1063 : memref<1x16384xf32, #tpu.memory_space<hbm>> -> memref<16384xf32, #tpu.memory_space<hbm>>
      %dma_wait3A_1065 = tpu.memref_slice %dma_wait3A_1064[%mul3A_2] : memref<16384xf32, #tpu.memory_space<hbm>> -> memref<512xf32, #tpu.memory_space<hbm>>
      %dma_wait3A_1066 = arith.constant 0 : i32
      %dma_wait3A_1067 = tpu.memref_slice %arg7[%run_scoped3A_1036, %dma_wait3A_1066] : memref<8x512xf32, #tpu.memory_space<vmem>> -> memref<1x512xf32, #tpu.memory_space<vmem>>
      %dma_wait3A_1068 = tpu.memref_squeeze %dma_wait3A_1067 : memref<1x512xf32, #tpu.memory_space<vmem>> -> memref<512xf32, #tpu.memory_space<vmem>>
      tpu.wait_dma2 semaphore(%run_scoped3A_1040 : memref<!tpu.dma_semaphore, #tpu.memory_space<semaphore_mem>>) src(%dma_wait3A_1068 : memref<512xf32, #tpu.memory_space<vmem>>) dst(%dma_wait3A_1065 : memref<512xf32, #tpu.memory_space<hbm>>)
      tpu.yield
    }) : () -> ()
    %run_scoped3A_1038 = arith.constant 7 : i32
    %run_scoped3A_1039 = arith.constant 7 : i32
    "tpu.region"() ({
      %run_scoped3A_1040 = tpu.sem_alloc : memref<!tpu.dma_semaphore, #tpu.memory_space<semaphore_mem>>
      %dma_start3A_1041 = arith.constant 0 : i32
      %dma_start3A_1042 = tpu.memref_slice %arg7[%run_scoped3A_1038, %dma_start3A_1041] : memref<8x512xf32, #tpu.memory_space<vmem>> -> memref<1x512xf32, #tpu.memory_space<vmem>>
      %dma_start3A_1043 = tpu.memref_squeeze %dma_start3A_1042 : memref<1x512xf32, #tpu.memory_space<vmem>> -> memref<512xf32, #tpu.memory_space<vmem>>
      %dma_start3A_1044 = arith.constant 0 : i32
      %dma_start3A_1045 = tpu.memref_slice %arg5[%run_scoped3A_1039, %dma_start3A_1044] : memref<8x16384xf32, #tpu.memory_space<hbm>> -> memref<1x16384xf32, #tpu.memory_space<hbm>>
      %dma_start3A_1046 = tpu.memref_squeeze %dma_start3A_1045 : memref<1x16384xf32, #tpu.memory_space<hbm>> -> memref<16384xf32, #tpu.memory_space<hbm>>
      %dma_start3A_1047 = tpu.memref_slice %dma_start3A_1046[%mul3A_2] : memref<16384xf32, #tpu.memory_space<hbm>> -> memref<512xf32, #tpu.memory_space<hbm>>
      %dma_start3A_1048 = arith.constant 0 : i32
      %dma_start3A_1049 = tpu.memref_slice %arg5[%run_scoped3A_1039, %dma_start3A_1048] : memref<8x16384xf32, #tpu.memory_space<hbm>> -> memref<1x16384xf32, #tpu.memory_space<hbm>>
      %dma_start3A_1050 = tpu.memref_squeeze %dma_start3A_1049 : memref<1x16384xf32, #tpu.memory_space<hbm>> -> memref<16384xf32, #tpu.memory_space<hbm>>
      %dma_start3A_1051 = tpu.memref_slice %dma_start3A_1050[%mul3A_2] : memref<16384xf32, #tpu.memory_space<hbm>> -> memref<512xf32, #tpu.memory_space<hbm>>
      %dma_start3A_1052 = arith.constant 0 : i32
      %dma_start3A_1053 = tpu.memref_slice %arg7[%run_scoped3A_1038, %dma_start3A_1052] : memref<8x512xf32, #tpu.memory_space<vmem>> -> memref<1x512xf32, #tpu.memory_space<vmem>>
      %dma_start3A_1054 = tpu.memref_squeeze %dma_start3A_1053 : memref<1x512xf32, #tpu.memory_space<vmem>> -> memref<512xf32, #tpu.memory_space<vmem>>
      tpu.enqueue_dma source(%dma_start3A_1054 : memref<512xf32, #tpu.memory_space<vmem>>) target(%dma_start3A_1051 : memref<512xf32, #tpu.memory_space<hbm>>) target_semaphore(%run_scoped3A_1040 : memref<!tpu.dma_semaphore, #tpu.memory_space<semaphore_mem>>)
      %dma_wait3A_1055 = arith.constant 0 : i32
      %dma_wait3A_1056 = tpu.memref_slice %arg7[%run_scoped3A_1038, %dma_wait3A_1055] : memref<8x512xf32, #tpu.memory_space<vmem>> -> memref<1x512xf32, #tpu.memory_space<vmem>>
      %dma_wait3A_1057 = tpu.memref_squeeze %dma_wait3A_1056 : memref<1x512xf32, #tpu.memory_space<vmem>> -> memref<512xf32, #tpu.memory_space<vmem>>
      %dma_wait3A_1058 = arith.constant 0 : i32
      %dma_wait3A_1059 = tpu.memref_slice %arg5[%run_scoped3A_1039, %dma_wait3A_1058] : memref<8x16384xf32, #tpu.memory_space<hbm>> -> memref<1x16384xf32, #tpu.memory_space<hbm>>
      %dma_wait3A_1060 = tpu.memref_squeeze %dma_wait3A_1059 : memref<1x16384xf32, #tpu.memory_space<hbm>> -> memref<16384xf32, #tpu.memory_space<hbm>>
      %dma_wait3A_1061 = tpu.memref_slice %dma_wait3A_1060[%mul3A_2] : memref<16384xf32, #tpu.memory_space<hbm>> -> memref<512xf32, #tpu.memory_space<hbm>>
      %dma_wait3A_1062 = arith.constant 0 : i32
      %dma_wait3A_1063 = tpu.memref_slice %arg5[%run_scoped3A_1039, %dma_wait3A_1062] : memref<8x16384xf32, #tpu.memory_space<hbm>> -> memref<1x16384xf32, #tpu.memory_space<hbm>>
      %dma_wait3A_1064 = tpu.memref_squeeze %dma_wait3A_1063 : memref<1x16384xf32, #tpu.memory_space<hbm>> -> memref<16384xf32, #tpu.memory_space<hbm>>
      %dma_wait3A_1065 = tpu.memref_slice %dma_wait3A_1064[%mul3A_2] : memref<16384xf32, #tpu.memory_space<hbm>> -> memref<512xf32, #tpu.memory_space<hbm>>
      %dma_wait3A_1066 = arith.constant 0 : i32
      %dma_wait3A_1067 = tpu.memref_slice %arg7[%run_scoped3A_1038, %dma_wait3A_1066] : memref<8x512xf32, #tpu.memory_space<vmem>> -> memref<1x512xf32, #tpu.memory_space<vmem>>
      %dma_wait3A_1068 = tpu.memref_squeeze %dma_wait3A_1067 : memref<1x512xf32, #tpu.memory_space<vmem>> -> memref<512xf32, #tpu.memory_space<vmem>>
      tpu.wait_dma2 semaphore(%run_scoped3A_1040 : memref<!tpu.dma_semaphore, #tpu.memory_space<semaphore_mem>>) src(%dma_wait3A_1068 : memref<512xf32, #tpu.memory_space<vmem>>) dst(%dma_wait3A_1065 : memref<512xf32, #tpu.memory_space<hbm>>)
      tpu.yield
    }) : () -> ()
    return
  }
}

#map = affine_map<(d0, d1) -> (0, 0, 0)>
#map1 = affine_map<(d0, d1) -> (0, 0)>
#map2 = affine_map<(d0, d1) -> (0)>
module attributes {stable_mosaic.version = 14 : i64} {
  func.func @_waves_body(%arg0: i32, %arg1: i32, %arg2: memref<32x16x32xi32, #tpu.memory_space<hbm>>, %arg3: memref<50000x1024xf32, #tpu.memory_space<hbm>>, %arg4: memref<50000x1024xf32, #tpu.memory_space<hbm>>, %arg5: memref<16384x1024xf32, #tpu.memory_space<hbm>>, %arg6: memref<16384x1024xf32, #tpu.memory_space<hbm>>, %arg7: memref<8xi32, #tpu.memory_space<hbm>>, %arg8: memref<16x32xi32, #tpu.memory_space<vmem>>, %arg9: memref<32x1024xf32, #tpu.memory_space<vmem>>, %arg10: memref<32x1024xf32, #tpu.memory_space<vmem>>, %arg11: memref<32x1024xf32, #tpu.memory_space<vmem>>, %arg12: memref<!tpu.dma_semaphore, #tpu.memory_space<semaphore_mem>>, %arg13: memref<!tpu.dma_semaphore, #tpu.memory_space<semaphore_mem>>, %arg14: memref<!tpu.dma_semaphore, #tpu.memory_space<semaphore_mem>>, %arg15: memref<!tpu.dma_semaphore, #tpu.memory_space<semaphore_mem>>, %arg16: memref<!tpu.dma_semaphore, #tpu.memory_space<semaphore_mem>>, %arg17: memref<!tpu.dma_semaphore, #tpu.memory_space<semaphore_mem>>) attributes {dimension_semantics = [#tpu.dimension_semantics<core_parallel>, #tpu.dimension_semantics<subcore_parallel>], iteration_bounds = array<i64: 2, 16>, scalar_prefetch = 0 : i64, scratch_operands = 10 : i64, tpu.core_type = #tpu.core_type<sc_vector_subcore>, window_params = [{transform_indices = #map}, {transform_indices = #map1}, {transform_indices = #map1}, {transform_indices = #map1}, {transform_indices = #map1}, {transform_indices = #map2}]} {
    %mul3A = arith.constant 2 : i32
    %mul3A_0 = arith.muli %arg1, %mul3A : i32
    %add3A = arith.addi %mul3A_0, %arg0 : i32
    %mul3A_1 = arith.constant 512 : i32
    %mul3A_2 = arith.muli %add3A, %mul3A_1 : i32
    "tpu.region"() ({
      %run_scoped3A = tpu.sem_alloc : memref<!tpu.dma_semaphore, #tpu.memory_space<semaphore_mem>>
      %dma_start3A_961 = arith.constant 0 : i32
      %dma_start3A_962 = arith.constant 0 : i32
      %dma_start3A_963 = tpu.memref_slice %arg2[%add3A, %dma_start3A_961, %dma_start3A_962] : memref<32x16x32xi32, #tpu.memory_space<hbm>> -> memref<1x16x32xi32, #tpu.memory_space<hbm>>
      %dma_start3A_964 = tpu.memref_squeeze %dma_start3A_963 : memref<1x16x32xi32, #tpu.memory_space<hbm>> -> memref<16x32xi32, #tpu.memory_space<hbm>>
      %dma_start3A_965 = arith.constant 0 : i32
      %dma_start3A_966 = arith.constant 0 : i32
      %dma_start3A_967 = tpu.memref_slice %arg2[%add3A, %dma_start3A_965, %dma_start3A_966] : memref<32x16x32xi32, #tpu.memory_space<hbm>> -> memref<1x16x32xi32, #tpu.memory_space<hbm>>
      %dma_start3A_968 = tpu.memref_squeeze %dma_start3A_967 : memref<1x16x32xi32, #tpu.memory_space<hbm>> -> memref<16x32xi32, #tpu.memory_space<hbm>>
      tpu.enqueue_dma source(%dma_start3A_968 : memref<16x32xi32, #tpu.memory_space<hbm>>) target(%arg8 : memref<16x32xi32, #tpu.memory_space<vmem>>) target_semaphore(%run_scoped3A : memref<!tpu.dma_semaphore, #tpu.memory_space<semaphore_mem>>)
      %dma_wait3A_969 = arith.constant 0 : i32
      %dma_wait3A_970 = arith.constant 0 : i32
      %dma_wait3A_971 = tpu.memref_slice %arg2[%add3A, %dma_wait3A_969, %dma_wait3A_970] : memref<32x16x32xi32, #tpu.memory_space<hbm>> -> memref<1x16x32xi32, #tpu.memory_space<hbm>>
      %dma_wait3A_972 = tpu.memref_squeeze %dma_wait3A_971 : memref<1x16x32xi32, #tpu.memory_space<hbm>> -> memref<16x32xi32, #tpu.memory_space<hbm>>
      %dma_wait3A_973 = arith.constant 0 : i32
      %dma_wait3A_974 = arith.constant 0 : i32
      %dma_wait3A_975 = tpu.memref_slice %arg2[%add3A, %dma_wait3A_973, %dma_wait3A_974] : memref<32x16x32xi32, #tpu.memory_space<hbm>> -> memref<1x16x32xi32, #tpu.memory_space<hbm>>
      %dma_wait3A_976 = tpu.memref_squeeze %dma_wait3A_975 : memref<1x16x32xi32, #tpu.memory_space<hbm>> -> memref<16x32xi32, #tpu.memory_space<hbm>>
      tpu.wait_dma2 semaphore(%run_scoped3A : memref<!tpu.dma_semaphore, #tpu.memory_space<semaphore_mem>>) src(%dma_wait3A_976 : memref<16x32xi32, #tpu.memory_space<hbm>>) dst(%arg8 : memref<16x32xi32, #tpu.memory_space<vmem>>)
      tpu.yield
    }) : () -> ()
    %add3A_3 = arith.constant 0 : i32
    %add3A_4 = arith.addi %mul3A_2, %add3A_3 : i32
    %dma_start3A = arith.constant 0 : i32
    %dma_start3A_5 = arith.constant 0 : i32
    %dma_start3A_6 = tpu.memref_slice %arg8[%dma_start3A, %dma_start3A_5] : memref<16x32xi32, #tpu.memory_space<vmem>> -> memref<1x32xi32, #tpu.memory_space<vmem>>
    %dma_start3A_7 = tpu.memref_squeeze %dma_start3A_6 : memref<1x32xi32, #tpu.memory_space<vmem>> -> memref<32xi32, #tpu.memory_space<vmem>>
    %dma_start3A_8 = arith.constant 0 : i32
    %dma_start3A_9 = arith.constant 0 : i32
    %dma_start3A_10 = tpu.memref_slice %arg3[%dma_start3A_8, %dma_start3A_9] : memref<50000x1024xf32, #tpu.memory_space<hbm>> -> memref<50000x1024xf32, #tpu.memory_space<hbm>>
    tpu.enqueue_indirect_dma source(%dma_start3A_10 : memref<50000x1024xf32, #tpu.memory_space<hbm>>) target(%arg9 : memref<32x1024xf32, #tpu.memory_space<vmem>>) offsets(%dma_start3A_7 : memref<32xi32, #tpu.memory_space<vmem>>) semaphore(%arg12 : memref<!tpu.dma_semaphore, #tpu.memory_space<semaphore_mem>>)
    %add3A_11 = arith.constant 32 : i32
    %add3A_12 = arith.addi %mul3A_2, %add3A_11 : i32
    %dma_start3A_13 = arith.constant 1 : i32
    %dma_start3A_14 = arith.constant 0 : i32
    %dma_start3A_15 = tpu.memref_slice %arg8[%dma_start3A_13, %dma_start3A_14] : memref<16x32xi32, #tpu.memory_space<vmem>> -> memref<1x32xi32, #tpu.memory_space<vmem>>
    %dma_start3A_16 = tpu.memref_squeeze %dma_start3A_15 : memref<1x32xi32, #tpu.memory_space<vmem>> -> memref<32xi32, #tpu.memory_space<vmem>>
    %dma_start3A_17 = arith.constant 0 : i32
    %dma_start3A_18 = arith.constant 0 : i32
    %dma_start3A_19 = tpu.memref_slice %arg3[%dma_start3A_17, %dma_start3A_18] : memref<50000x1024xf32, #tpu.memory_space<hbm>> -> memref<50000x1024xf32, #tpu.memory_space<hbm>>
    tpu.enqueue_indirect_dma source(%dma_start3A_19 : memref<50000x1024xf32, #tpu.memory_space<hbm>>) target(%arg10 : memref<32x1024xf32, #tpu.memory_space<vmem>>) offsets(%dma_start3A_16 : memref<32xi32, #tpu.memory_space<vmem>>) semaphore(%arg13 : memref<!tpu.dma_semaphore, #tpu.memory_space<semaphore_mem>>)
    %add3A_20 = arith.constant 64 : i32
    %add3A_21 = arith.addi %mul3A_2, %add3A_20 : i32
    %dma_start3A_22 = arith.constant 2 : i32
    %dma_start3A_23 = arith.constant 0 : i32
    %dma_start3A_24 = tpu.memref_slice %arg8[%dma_start3A_22, %dma_start3A_23] : memref<16x32xi32, #tpu.memory_space<vmem>> -> memref<1x32xi32, #tpu.memory_space<vmem>>
    %dma_start3A_25 = tpu.memref_squeeze %dma_start3A_24 : memref<1x32xi32, #tpu.memory_space<vmem>> -> memref<32xi32, #tpu.memory_space<vmem>>
    %dma_start3A_26 = arith.constant 0 : i32
    %dma_start3A_27 = arith.constant 0 : i32
    %dma_start3A_28 = tpu.memref_slice %arg3[%dma_start3A_26, %dma_start3A_27] : memref<50000x1024xf32, #tpu.memory_space<hbm>> -> memref<50000x1024xf32, #tpu.memory_space<hbm>>
    tpu.enqueue_indirect_dma source(%dma_start3A_28 : memref<50000x1024xf32, #tpu.memory_space<hbm>>) target(%arg11 : memref<32x1024xf32, #tpu.memory_space<vmem>>) offsets(%dma_start3A_25 : memref<32xi32, #tpu.memory_space<vmem>>) semaphore(%arg14 : memref<!tpu.dma_semaphore, #tpu.memory_space<semaphore_mem>>)
    %add3A_29 = arith.constant 0 : i32
    %add3A_30 = arith.addi %mul3A_2, %add3A_29 : i32
    %dma_wait3A = arith.constant 0 : i32
    %dma_wait3A_31 = arith.constant 0 : i32
    %dma_wait3A_32 = tpu.memref_slice %arg8[%dma_wait3A, %dma_wait3A_31] : memref<16x32xi32, #tpu.memory_space<vmem>> -> memref<1x32xi32, #tpu.memory_space<vmem>>
    %dma_wait3A_33 = tpu.memref_squeeze %dma_wait3A_32 : memref<1x32xi32, #tpu.memory_space<vmem>> -> memref<32xi32, #tpu.memory_space<vmem>>
    %dma_wait3A_34 = arith.constant 0 : i32
    %dma_wait3A_35 = arith.constant 0 : i32
    %dma_wait3A_36 = tpu.memref_slice %arg3[%dma_wait3A_34, %dma_wait3A_35] : memref<50000x1024xf32, #tpu.memory_space<hbm>> -> memref<50000x1024xf32, #tpu.memory_space<hbm>>
    tpu.wait_indirect_dma semaphore(%arg12 : memref<!tpu.dma_semaphore, #tpu.memory_space<semaphore_mem>>) src(%dma_wait3A_36 : memref<50000x1024xf32, #tpu.memory_space<hbm>>) dst(%arg9 : memref<32x1024xf32, #tpu.memory_space<vmem>>)
    %add3A_37 = arith.constant 0 : i32
    %add3A_38 = arith.addi %mul3A_2, %add3A_37 : i32
    %dma_start3A_39 = arith.constant 0 : i32
    %dma_start3A_40 = tpu.memref_slice %arg5[%add3A_38, %dma_start3A_39] : memref<16384x1024xf32, #tpu.memory_space<hbm>> -> memref<32x1024xf32, #tpu.memory_space<hbm>>
    %dma_start3A_41 = arith.constant 0 : i32
    %dma_start3A_42 = tpu.memref_slice %arg5[%add3A_38, %dma_start3A_41] : memref<16384x1024xf32, #tpu.memory_space<hbm>> -> memref<32x1024xf32, #tpu.memory_space<hbm>>
    tpu.enqueue_dma source(%arg9 : memref<32x1024xf32, #tpu.memory_space<vmem>>) target(%dma_start3A_42 : memref<32x1024xf32, #tpu.memory_space<hbm>>) target_semaphore(%arg15 : memref<!tpu.dma_semaphore, #tpu.memory_space<semaphore_mem>>)
    %add3A_43 = arith.constant 0 : i32
    %add3A_44 = arith.addi %mul3A_2, %add3A_43 : i32
    %dma_wait3A_45 = arith.constant 0 : i32
    %dma_wait3A_46 = tpu.memref_slice %arg5[%add3A_44, %dma_wait3A_45] : memref<16384x1024xf32, #tpu.memory_space<hbm>> -> memref<32x1024xf32, #tpu.memory_space<hbm>>
    %dma_wait3A_47 = arith.constant 0 : i32
    %dma_wait3A_48 = tpu.memref_slice %arg5[%add3A_44, %dma_wait3A_47] : memref<16384x1024xf32, #tpu.memory_space<hbm>> -> memref<32x1024xf32, #tpu.memory_space<hbm>>
    tpu.wait_dma2 semaphore(%arg15 : memref<!tpu.dma_semaphore, #tpu.memory_space<semaphore_mem>>) src(%arg9 : memref<32x1024xf32, #tpu.memory_space<vmem>>) dst(%dma_wait3A_48 : memref<32x1024xf32, #tpu.memory_space<hbm>>)
    %add3A_49 = arith.constant 96 : i32
    %add3A_50 = arith.addi %mul3A_2, %add3A_49 : i32
    %dma_start3A_51 = arith.constant 3 : i32
    %dma_start3A_52 = arith.constant 0 : i32
    %dma_start3A_53 = tpu.memref_slice %arg8[%dma_start3A_51, %dma_start3A_52] : memref<16x32xi32, #tpu.memory_space<vmem>> -> memref<1x32xi32, #tpu.memory_space<vmem>>
    %dma_start3A_54 = tpu.memref_squeeze %dma_start3A_53 : memref<1x32xi32, #tpu.memory_space<vmem>> -> memref<32xi32, #tpu.memory_space<vmem>>
    %dma_start3A_55 = arith.constant 0 : i32
    %dma_start3A_56 = arith.constant 0 : i32
    %dma_start3A_57 = tpu.memref_slice %arg3[%dma_start3A_55, %dma_start3A_56] : memref<50000x1024xf32, #tpu.memory_space<hbm>> -> memref<50000x1024xf32, #tpu.memory_space<hbm>>
    tpu.enqueue_indirect_dma source(%dma_start3A_57 : memref<50000x1024xf32, #tpu.memory_space<hbm>>) target(%arg9 : memref<32x1024xf32, #tpu.memory_space<vmem>>) offsets(%dma_start3A_54 : memref<32xi32, #tpu.memory_space<vmem>>) semaphore(%arg12 : memref<!tpu.dma_semaphore, #tpu.memory_space<semaphore_mem>>)
    %add3A_58 = arith.constant 32 : i32
    %add3A_59 = arith.addi %mul3A_2, %add3A_58 : i32
    %dma_wait3A_60 = arith.constant 1 : i32
    %dma_wait3A_61 = arith.constant 0 : i32
    %dma_wait3A_62 = tpu.memref_slice %arg8[%dma_wait3A_60, %dma_wait3A_61] : memref<16x32xi32, #tpu.memory_space<vmem>> -> memref<1x32xi32, #tpu.memory_space<vmem>>
    %dma_wait3A_63 = tpu.memref_squeeze %dma_wait3A_62 : memref<1x32xi32, #tpu.memory_space<vmem>> -> memref<32xi32, #tpu.memory_space<vmem>>
    %dma_wait3A_64 = arith.constant 0 : i32
    %dma_wait3A_65 = arith.constant 0 : i32
    %dma_wait3A_66 = tpu.memref_slice %arg3[%dma_wait3A_64, %dma_wait3A_65] : memref<50000x1024xf32, #tpu.memory_space<hbm>> -> memref<50000x1024xf32, #tpu.memory_space<hbm>>
    tpu.wait_indirect_dma semaphore(%arg13 : memref<!tpu.dma_semaphore, #tpu.memory_space<semaphore_mem>>) src(%dma_wait3A_66 : memref<50000x1024xf32, #tpu.memory_space<hbm>>) dst(%arg10 : memref<32x1024xf32, #tpu.memory_space<vmem>>)
    %add3A_67 = arith.constant 32 : i32
    %add3A_68 = arith.addi %mul3A_2, %add3A_67 : i32
    %dma_start3A_69 = arith.constant 0 : i32
    %dma_start3A_70 = tpu.memref_slice %arg5[%add3A_68, %dma_start3A_69] : memref<16384x1024xf32, #tpu.memory_space<hbm>> -> memref<32x1024xf32, #tpu.memory_space<hbm>>
    %dma_start3A_71 = arith.constant 0 : i32
    %dma_start3A_72 = tpu.memref_slice %arg5[%add3A_68, %dma_start3A_71] : memref<16384x1024xf32, #tpu.memory_space<hbm>> -> memref<32x1024xf32, #tpu.memory_space<hbm>>
    tpu.enqueue_dma source(%arg10 : memref<32x1024xf32, #tpu.memory_space<vmem>>) target(%dma_start3A_72 : memref<32x1024xf32, #tpu.memory_space<hbm>>) target_semaphore(%arg16 : memref<!tpu.dma_semaphore, #tpu.memory_space<semaphore_mem>>)
    %add3A_73 = arith.constant 32 : i32
    %add3A_74 = arith.addi %mul3A_2, %add3A_73 : i32
    %dma_wait3A_75 = arith.constant 0 : i32
    %dma_wait3A_76 = tpu.memref_slice %arg5[%add3A_74, %dma_wait3A_75] : memref<16384x1024xf32, #tpu.memory_space<hbm>> -> memref<32x1024xf32, #tpu.memory_space<hbm>>
    %dma_wait3A_77 = arith.constant 0 : i32
    %dma_wait3A_78 = tpu.memref_slice %arg5[%add3A_74, %dma_wait3A_77] : memref<16384x1024xf32, #tpu.memory_space<hbm>> -> memref<32x1024xf32, #tpu.memory_space<hbm>>
    tpu.wait_dma2 semaphore(%arg16 : memref<!tpu.dma_semaphore, #tpu.memory_space<semaphore_mem>>) src(%arg10 : memref<32x1024xf32, #tpu.memory_space<vmem>>) dst(%dma_wait3A_78 : memref<32x1024xf32, #tpu.memory_space<hbm>>)
    %add3A_79 = arith.constant 128 : i32
    %add3A_80 = arith.addi %mul3A_2, %add3A_79 : i32
    %dma_start3A_81 = arith.constant 4 : i32
    %dma_start3A_82 = arith.constant 0 : i32
    %dma_start3A_83 = tpu.memref_slice %arg8[%dma_start3A_81, %dma_start3A_82] : memref<16x32xi32, #tpu.memory_space<vmem>> -> memref<1x32xi32, #tpu.memory_space<vmem>>
    %dma_start3A_84 = tpu.memref_squeeze %dma_start3A_83 : memref<1x32xi32, #tpu.memory_space<vmem>> -> memref<32xi32, #tpu.memory_space<vmem>>
    %dma_start3A_85 = arith.constant 0 : i32
    %dma_start3A_86 = arith.constant 0 : i32
    %dma_start3A_87 = tpu.memref_slice %arg3[%dma_start3A_85, %dma_start3A_86] : memref<50000x1024xf32, #tpu.memory_space<hbm>> -> memref<50000x1024xf32, #tpu.memory_space<hbm>>
    tpu.enqueue_indirect_dma source(%dma_start3A_87 : memref<50000x1024xf32, #tpu.memory_space<hbm>>) target(%arg10 : memref<32x1024xf32, #tpu.memory_space<vmem>>) offsets(%dma_start3A_84 : memref<32xi32, #tpu.memory_space<vmem>>) semaphore(%arg13 : memref<!tpu.dma_semaphore, #tpu.memory_space<semaphore_mem>>)
    %add3A_88 = arith.constant 64 : i32
    %add3A_89 = arith.addi %mul3A_2, %add3A_88 : i32
    %dma_wait3A_90 = arith.constant 2 : i32
    %dma_wait3A_91 = arith.constant 0 : i32
    %dma_wait3A_92 = tpu.memref_slice %arg8[%dma_wait3A_90, %dma_wait3A_91] : memref<16x32xi32, #tpu.memory_space<vmem>> -> memref<1x32xi32, #tpu.memory_space<vmem>>
    %dma_wait3A_93 = tpu.memref_squeeze %dma_wait3A_92 : memref<1x32xi32, #tpu.memory_space<vmem>> -> memref<32xi32, #tpu.memory_space<vmem>>
    %dma_wait3A_94 = arith.constant 0 : i32
    %dma_wait3A_95 = arith.constant 0 : i32
    %dma_wait3A_96 = tpu.memref_slice %arg3[%dma_wait3A_94, %dma_wait3A_95] : memref<50000x1024xf32, #tpu.memory_space<hbm>> -> memref<50000x1024xf32, #tpu.memory_space<hbm>>
    tpu.wait_indirect_dma semaphore(%arg14 : memref<!tpu.dma_semaphore, #tpu.memory_space<semaphore_mem>>) src(%dma_wait3A_96 : memref<50000x1024xf32, #tpu.memory_space<hbm>>) dst(%arg11 : memref<32x1024xf32, #tpu.memory_space<vmem>>)
    %add3A_97 = arith.constant 64 : i32
    %add3A_98 = arith.addi %mul3A_2, %add3A_97 : i32
    %dma_start3A_99 = arith.constant 0 : i32
    %dma_start3A_100 = tpu.memref_slice %arg5[%add3A_98, %dma_start3A_99] : memref<16384x1024xf32, #tpu.memory_space<hbm>> -> memref<32x1024xf32, #tpu.memory_space<hbm>>
    %dma_start3A_101 = arith.constant 0 : i32
    %dma_start3A_102 = tpu.memref_slice %arg5[%add3A_98, %dma_start3A_101] : memref<16384x1024xf32, #tpu.memory_space<hbm>> -> memref<32x1024xf32, #tpu.memory_space<hbm>>
    tpu.enqueue_dma source(%arg11 : memref<32x1024xf32, #tpu.memory_space<vmem>>) target(%dma_start3A_102 : memref<32x1024xf32, #tpu.memory_space<hbm>>) target_semaphore(%arg17 : memref<!tpu.dma_semaphore, #tpu.memory_space<semaphore_mem>>)
    %add3A_103 = arith.constant 64 : i32
    %add3A_104 = arith.addi %mul3A_2, %add3A_103 : i32
    %dma_wait3A_105 = arith.constant 0 : i32
    %dma_wait3A_106 = tpu.memref_slice %arg5[%add3A_104, %dma_wait3A_105] : memref<16384x1024xf32, #tpu.memory_space<hbm>> -> memref<32x1024xf32, #tpu.memory_space<hbm>>
    %dma_wait3A_107 = arith.constant 0 : i32
    %dma_wait3A_108 = tpu.memref_slice %arg5[%add3A_104, %dma_wait3A_107] : memref<16384x1024xf32, #tpu.memory_space<hbm>> -> memref<32x1024xf32, #tpu.memory_space<hbm>>
    tpu.wait_dma2 semaphore(%arg17 : memref<!tpu.dma_semaphore, #tpu.memory_space<semaphore_mem>>) src(%arg11 : memref<32x1024xf32, #tpu.memory_space<vmem>>) dst(%dma_wait3A_108 : memref<32x1024xf32, #tpu.memory_space<hbm>>)
    %add3A_109 = arith.constant 160 : i32
    %add3A_110 = arith.addi %mul3A_2, %add3A_109 : i32
    %dma_start3A_111 = arith.constant 5 : i32
    %dma_start3A_112 = arith.constant 0 : i32
    %dma_start3A_113 = tpu.memref_slice %arg8[%dma_start3A_111, %dma_start3A_112] : memref<16x32xi32, #tpu.memory_space<vmem>> -> memref<1x32xi32, #tpu.memory_space<vmem>>
    %dma_start3A_114 = tpu.memref_squeeze %dma_start3A_113 : memref<1x32xi32, #tpu.memory_space<vmem>> -> memref<32xi32, #tpu.memory_space<vmem>>
    %dma_start3A_115 = arith.constant 0 : i32
    %dma_start3A_116 = arith.constant 0 : i32
    %dma_start3A_117 = tpu.memref_slice %arg3[%dma_start3A_115, %dma_start3A_116] : memref<50000x1024xf32, #tpu.memory_space<hbm>> -> memref<50000x1024xf32, #tpu.memory_space<hbm>>
    tpu.enqueue_indirect_dma source(%dma_start3A_117 : memref<50000x1024xf32, #tpu.memory_space<hbm>>) target(%arg11 : memref<32x1024xf32, #tpu.memory_space<vmem>>) offsets(%dma_start3A_114 : memref<32xi32, #tpu.memory_space<vmem>>) semaphore(%arg14 : memref<!tpu.dma_semaphore, #tpu.memory_space<semaphore_mem>>)
    %add3A_118 = arith.constant 96 : i32
    %add3A_119 = arith.addi %mul3A_2, %add3A_118 : i32
    %dma_wait3A_120 = arith.constant 3 : i32
    %dma_wait3A_121 = arith.constant 0 : i32
    %dma_wait3A_122 = tpu.memref_slice %arg8[%dma_wait3A_120, %dma_wait3A_121] : memref<16x32xi32, #tpu.memory_space<vmem>> -> memref<1x32xi32, #tpu.memory_space<vmem>>
    %dma_wait3A_123 = tpu.memref_squeeze %dma_wait3A_122 : memref<1x32xi32, #tpu.memory_space<vmem>> -> memref<32xi32, #tpu.memory_space<vmem>>
    %dma_wait3A_124 = arith.constant 0 : i32
    %dma_wait3A_125 = arith.constant 0 : i32
    %dma_wait3A_126 = tpu.memref_slice %arg3[%dma_wait3A_124, %dma_wait3A_125] : memref<50000x1024xf32, #tpu.memory_space<hbm>> -> memref<50000x1024xf32, #tpu.memory_space<hbm>>
    tpu.wait_indirect_dma semaphore(%arg12 : memref<!tpu.dma_semaphore, #tpu.memory_space<semaphore_mem>>) src(%dma_wait3A_126 : memref<50000x1024xf32, #tpu.memory_space<hbm>>) dst(%arg9 : memref<32x1024xf32, #tpu.memory_space<vmem>>)
    %add3A_127 = arith.constant 96 : i32
    %add3A_128 = arith.addi %mul3A_2, %add3A_127 : i32
    %dma_start3A_129 = arith.constant 0 : i32
    %dma_start3A_130 = tpu.memref_slice %arg5[%add3A_128, %dma_start3A_129] : memref<16384x1024xf32, #tpu.memory_space<hbm>> -> memref<32x1024xf32, #tpu.memory_space<hbm>>
    %dma_start3A_131 = arith.constant 0 : i32
    %dma_start3A_132 = tpu.memref_slice %arg5[%add3A_128, %dma_start3A_131] : memref<16384x1024xf32, #tpu.memory_space<hbm>> -> memref<32x1024xf32, #tpu.memory_space<hbm>>
    tpu.enqueue_dma source(%arg9 : memref<32x1024xf32, #tpu.memory_space<vmem>>) target(%dma_start3A_132 : memref<32x1024xf32, #tpu.memory_space<hbm>>) target_semaphore(%arg15 : memref<!tpu.dma_semaphore, #tpu.memory_space<semaphore_mem>>)
    %add3A_133 = arith.constant 96 : i32
    %add3A_134 = arith.addi %mul3A_2, %add3A_133 : i32
    %dma_wait3A_135 = arith.constant 0 : i32
    %dma_wait3A_136 = tpu.memref_slice %arg5[%add3A_134, %dma_wait3A_135] : memref<16384x1024xf32, #tpu.memory_space<hbm>> -> memref<32x1024xf32, #tpu.memory_space<hbm>>
    %dma_wait3A_137 = arith.constant 0 : i32
    %dma_wait3A_138 = tpu.memref_slice %arg5[%add3A_134, %dma_wait3A_137] : memref<16384x1024xf32, #tpu.memory_space<hbm>> -> memref<32x1024xf32, #tpu.memory_space<hbm>>
    tpu.wait_dma2 semaphore(%arg15 : memref<!tpu.dma_semaphore, #tpu.memory_space<semaphore_mem>>) src(%arg9 : memref<32x1024xf32, #tpu.memory_space<vmem>>) dst(%dma_wait3A_138 : memref<32x1024xf32, #tpu.memory_space<hbm>>)
    %add3A_139 = arith.constant 192 : i32
    %add3A_140 = arith.addi %mul3A_2, %add3A_139 : i32
    %dma_start3A_141 = arith.constant 6 : i32
    %dma_start3A_142 = arith.constant 0 : i32
    %dma_start3A_143 = tpu.memref_slice %arg8[%dma_start3A_141, %dma_start3A_142] : memref<16x32xi32, #tpu.memory_space<vmem>> -> memref<1x32xi32, #tpu.memory_space<vmem>>
    %dma_start3A_144 = tpu.memref_squeeze %dma_start3A_143 : memref<1x32xi32, #tpu.memory_space<vmem>> -> memref<32xi32, #tpu.memory_space<vmem>>
    %dma_start3A_145 = arith.constant 0 : i32
    %dma_start3A_146 = arith.constant 0 : i32
    %dma_start3A_147 = tpu.memref_slice %arg3[%dma_start3A_145, %dma_start3A_146] : memref<50000x1024xf32, #tpu.memory_space<hbm>> -> memref<50000x1024xf32, #tpu.memory_space<hbm>>
    tpu.enqueue_indirect_dma source(%dma_start3A_147 : memref<50000x1024xf32, #tpu.memory_space<hbm>>) target(%arg9 : memref<32x1024xf32, #tpu.memory_space<vmem>>) offsets(%dma_start3A_144 : memref<32xi32, #tpu.memory_space<vmem>>) semaphore(%arg12 : memref<!tpu.dma_semaphore, #tpu.memory_space<semaphore_mem>>)
    %add3A_148 = arith.constant 128 : i32
    %add3A_149 = arith.addi %mul3A_2, %add3A_148 : i32
    %dma_wait3A_150 = arith.constant 4 : i32
    %dma_wait3A_151 = arith.constant 0 : i32
    %dma_wait3A_152 = tpu.memref_slice %arg8[%dma_wait3A_150, %dma_wait3A_151] : memref<16x32xi32, #tpu.memory_space<vmem>> -> memref<1x32xi32, #tpu.memory_space<vmem>>
    %dma_wait3A_153 = tpu.memref_squeeze %dma_wait3A_152 : memref<1x32xi32, #tpu.memory_space<vmem>> -> memref<32xi32, #tpu.memory_space<vmem>>
    %dma_wait3A_154 = arith.constant 0 : i32
    %dma_wait3A_155 = arith.constant 0 : i32
    %dma_wait3A_156 = tpu.memref_slice %arg3[%dma_wait3A_154, %dma_wait3A_155] : memref<50000x1024xf32, #tpu.memory_space<hbm>> -> memref<50000x1024xf32, #tpu.memory_space<hbm>>
    tpu.wait_indirect_dma semaphore(%arg13 : memref<!tpu.dma_semaphore, #tpu.memory_space<semaphore_mem>>) src(%dma_wait3A_156 : memref<50000x1024xf32, #tpu.memory_space<hbm>>) dst(%arg10 : memref<32x1024xf32, #tpu.memory_space<vmem>>)
    %add3A_157 = arith.constant 128 : i32
    %add3A_158 = arith.addi %mul3A_2, %add3A_157 : i32
    %dma_start3A_159 = arith.constant 0 : i32
    %dma_start3A_160 = tpu.memref_slice %arg5[%add3A_158, %dma_start3A_159] : memref<16384x1024xf32, #tpu.memory_space<hbm>> -> memref<32x1024xf32, #tpu.memory_space<hbm>>
    %dma_start3A_161 = arith.constant 0 : i32
    %dma_start3A_162 = tpu.memref_slice %arg5[%add3A_158, %dma_start3A_161] : memref<16384x1024xf32, #tpu.memory_space<hbm>> -> memref<32x1024xf32, #tpu.memory_space<hbm>>
    tpu.enqueue_dma source(%arg10 : memref<32x1024xf32, #tpu.memory_space<vmem>>) target(%dma_start3A_162 : memref<32x1024xf32, #tpu.memory_space<hbm>>) target_semaphore(%arg16 : memref<!tpu.dma_semaphore, #tpu.memory_space<semaphore_mem>>)
    %add3A_163 = arith.constant 128 : i32
    %add3A_164 = arith.addi %mul3A_2, %add3A_163 : i32
    %dma_wait3A_165 = arith.constant 0 : i32
    %dma_wait3A_166 = tpu.memref_slice %arg5[%add3A_164, %dma_wait3A_165] : memref<16384x1024xf32, #tpu.memory_space<hbm>> -> memref<32x1024xf32, #tpu.memory_space<hbm>>
    %dma_wait3A_167 = arith.constant 0 : i32
    %dma_wait3A_168 = tpu.memref_slice %arg5[%add3A_164, %dma_wait3A_167] : memref<16384x1024xf32, #tpu.memory_space<hbm>> -> memref<32x1024xf32, #tpu.memory_space<hbm>>
    tpu.wait_dma2 semaphore(%arg16 : memref<!tpu.dma_semaphore, #tpu.memory_space<semaphore_mem>>) src(%arg10 : memref<32x1024xf32, #tpu.memory_space<vmem>>) dst(%dma_wait3A_168 : memref<32x1024xf32, #tpu.memory_space<hbm>>)
    %add3A_169 = arith.constant 224 : i32
    %add3A_170 = arith.addi %mul3A_2, %add3A_169 : i32
    %dma_start3A_171 = arith.constant 7 : i32
    %dma_start3A_172 = arith.constant 0 : i32
    %dma_start3A_173 = tpu.memref_slice %arg8[%dma_start3A_171, %dma_start3A_172] : memref<16x32xi32, #tpu.memory_space<vmem>> -> memref<1x32xi32, #tpu.memory_space<vmem>>
    %dma_start3A_174 = tpu.memref_squeeze %dma_start3A_173 : memref<1x32xi32, #tpu.memory_space<vmem>> -> memref<32xi32, #tpu.memory_space<vmem>>
    %dma_start3A_175 = arith.constant 0 : i32
    %dma_start3A_176 = arith.constant 0 : i32
    %dma_start3A_177 = tpu.memref_slice %arg3[%dma_start3A_175, %dma_start3A_176] : memref<50000x1024xf32, #tpu.memory_space<hbm>> -> memref<50000x1024xf32, #tpu.memory_space<hbm>>
    tpu.enqueue_indirect_dma source(%dma_start3A_177 : memref<50000x1024xf32, #tpu.memory_space<hbm>>) target(%arg10 : memref<32x1024xf32, #tpu.memory_space<vmem>>) offsets(%dma_start3A_174 : memref<32xi32, #tpu.memory_space<vmem>>) semaphore(%arg13 : memref<!tpu.dma_semaphore, #tpu.memory_space<semaphore_mem>>)
    %add3A_178 = arith.constant 160 : i32
    %add3A_179 = arith.addi %mul3A_2, %add3A_178 : i32
    %dma_wait3A_180 = arith.constant 5 : i32
    %dma_wait3A_181 = arith.constant 0 : i32
    %dma_wait3A_182 = tpu.memref_slice %arg8[%dma_wait3A_180, %dma_wait3A_181] : memref<16x32xi32, #tpu.memory_space<vmem>> -> memref<1x32xi32, #tpu.memory_space<vmem>>
    %dma_wait3A_183 = tpu.memref_squeeze %dma_wait3A_182 : memref<1x32xi32, #tpu.memory_space<vmem>> -> memref<32xi32, #tpu.memory_space<vmem>>
    %dma_wait3A_184 = arith.constant 0 : i32
    %dma_wait3A_185 = arith.constant 0 : i32
    %dma_wait3A_186 = tpu.memref_slice %arg3[%dma_wait3A_184, %dma_wait3A_185] : memref<50000x1024xf32, #tpu.memory_space<hbm>> -> memref<50000x1024xf32, #tpu.memory_space<hbm>>
    tpu.wait_indirect_dma semaphore(%arg14 : memref<!tpu.dma_semaphore, #tpu.memory_space<semaphore_mem>>) src(%dma_wait3A_186 : memref<50000x1024xf32, #tpu.memory_space<hbm>>) dst(%arg11 : memref<32x1024xf32, #tpu.memory_space<vmem>>)
    %add3A_187 = arith.constant 160 : i32
    %add3A_188 = arith.addi %mul3A_2, %add3A_187 : i32
    %dma_start3A_189 = arith.constant 0 : i32
    %dma_start3A_190 = tpu.memref_slice %arg5[%add3A_188, %dma_start3A_189] : memref<16384x1024xf32, #tpu.memory_space<hbm>> -> memref<32x1024xf32, #tpu.memory_space<hbm>>
    %dma_start3A_191 = arith.constant 0 : i32
    %dma_start3A_192 = tpu.memref_slice %arg5[%add3A_188, %dma_start3A_191] : memref<16384x1024xf32, #tpu.memory_space<hbm>> -> memref<32x1024xf32, #tpu.memory_space<hbm>>
    tpu.enqueue_dma source(%arg11 : memref<32x1024xf32, #tpu.memory_space<vmem>>) target(%dma_start3A_192 : memref<32x1024xf32, #tpu.memory_space<hbm>>) target_semaphore(%arg17 : memref<!tpu.dma_semaphore, #tpu.memory_space<semaphore_mem>>)
    %add3A_193 = arith.constant 160 : i32
    %add3A_194 = arith.addi %mul3A_2, %add3A_193 : i32
    %dma_wait3A_195 = arith.constant 0 : i32
    %dma_wait3A_196 = tpu.memref_slice %arg5[%add3A_194, %dma_wait3A_195] : memref<16384x1024xf32, #tpu.memory_space<hbm>> -> memref<32x1024xf32, #tpu.memory_space<hbm>>
    %dma_wait3A_197 = arith.constant 0 : i32
    %dma_wait3A_198 = tpu.memref_slice %arg5[%add3A_194, %dma_wait3A_197] : memref<16384x1024xf32, #tpu.memory_space<hbm>> -> memref<32x1024xf32, #tpu.memory_space<hbm>>
    tpu.wait_dma2 semaphore(%arg17 : memref<!tpu.dma_semaphore, #tpu.memory_space<semaphore_mem>>) src(%arg11 : memref<32x1024xf32, #tpu.memory_space<vmem>>) dst(%dma_wait3A_198 : memref<32x1024xf32, #tpu.memory_space<hbm>>)
    %add3A_199 = arith.constant 256 : i32
    %add3A_200 = arith.addi %mul3A_2, %add3A_199 : i32
    %dma_start3A_201 = arith.constant 8 : i32
    %dma_start3A_202 = arith.constant 0 : i32
    %dma_start3A_203 = tpu.memref_slice %arg8[%dma_start3A_201, %dma_start3A_202] : memref<16x32xi32, #tpu.memory_space<vmem>> -> memref<1x32xi32, #tpu.memory_space<vmem>>
    %dma_start3A_204 = tpu.memref_squeeze %dma_start3A_203 : memref<1x32xi32, #tpu.memory_space<vmem>> -> memref<32xi32, #tpu.memory_space<vmem>>
    %dma_start3A_205 = arith.constant 0 : i32
    %dma_start3A_206 = arith.constant 0 : i32
    %dma_start3A_207 = tpu.memref_slice %arg3[%dma_start3A_205, %dma_start3A_206] : memref<50000x1024xf32, #tpu.memory_space<hbm>> -> memref<50000x1024xf32, #tpu.memory_space<hbm>>
    tpu.enqueue_indirect_dma source(%dma_start3A_207 : memref<50000x1024xf32, #tpu.memory_space<hbm>>) target(%arg11 : memref<32x1024xf32, #tpu.memory_space<vmem>>) offsets(%dma_start3A_204 : memref<32xi32, #tpu.memory_space<vmem>>) semaphore(%arg14 : memref<!tpu.dma_semaphore, #tpu.memory_space<semaphore_mem>>)
    %add3A_208 = arith.constant 192 : i32
    %add3A_209 = arith.addi %mul3A_2, %add3A_208 : i32
    %dma_wait3A_210 = arith.constant 6 : i32
    %dma_wait3A_211 = arith.constant 0 : i32
    %dma_wait3A_212 = tpu.memref_slice %arg8[%dma_wait3A_210, %dma_wait3A_211] : memref<16x32xi32, #tpu.memory_space<vmem>> -> memref<1x32xi32, #tpu.memory_space<vmem>>
    %dma_wait3A_213 = tpu.memref_squeeze %dma_wait3A_212 : memref<1x32xi32, #tpu.memory_space<vmem>> -> memref<32xi32, #tpu.memory_space<vmem>>
    %dma_wait3A_214 = arith.constant 0 : i32
    %dma_wait3A_215 = arith.constant 0 : i32
    %dma_wait3A_216 = tpu.memref_slice %arg3[%dma_wait3A_214, %dma_wait3A_215] : memref<50000x1024xf32, #tpu.memory_space<hbm>> -> memref<50000x1024xf32, #tpu.memory_space<hbm>>
    tpu.wait_indirect_dma semaphore(%arg12 : memref<!tpu.dma_semaphore, #tpu.memory_space<semaphore_mem>>) src(%dma_wait3A_216 : memref<50000x1024xf32, #tpu.memory_space<hbm>>) dst(%arg9 : memref<32x1024xf32, #tpu.memory_space<vmem>>)
    %add3A_217 = arith.constant 192 : i32
    %add3A_218 = arith.addi %mul3A_2, %add3A_217 : i32
    %dma_start3A_219 = arith.constant 0 : i32
    %dma_start3A_220 = tpu.memref_slice %arg5[%add3A_218, %dma_start3A_219] : memref<16384x1024xf32, #tpu.memory_space<hbm>> -> memref<32x1024xf32, #tpu.memory_space<hbm>>
    %dma_start3A_221 = arith.constant 0 : i32
    %dma_start3A_222 = tpu.memref_slice %arg5[%add3A_218, %dma_start3A_221] : memref<16384x1024xf32, #tpu.memory_space<hbm>> -> memref<32x1024xf32, #tpu.memory_space<hbm>>
    tpu.enqueue_dma source(%arg9 : memref<32x1024xf32, #tpu.memory_space<vmem>>) target(%dma_start3A_222 : memref<32x1024xf32, #tpu.memory_space<hbm>>) target_semaphore(%arg15 : memref<!tpu.dma_semaphore, #tpu.memory_space<semaphore_mem>>)
    %add3A_223 = arith.constant 192 : i32
    %add3A_224 = arith.addi %mul3A_2, %add3A_223 : i32
    %dma_wait3A_225 = arith.constant 0 : i32
    %dma_wait3A_226 = tpu.memref_slice %arg5[%add3A_224, %dma_wait3A_225] : memref<16384x1024xf32, #tpu.memory_space<hbm>> -> memref<32x1024xf32, #tpu.memory_space<hbm>>
    %dma_wait3A_227 = arith.constant 0 : i32
    %dma_wait3A_228 = tpu.memref_slice %arg5[%add3A_224, %dma_wait3A_227] : memref<16384x1024xf32, #tpu.memory_space<hbm>> -> memref<32x1024xf32, #tpu.memory_space<hbm>>
    tpu.wait_dma2 semaphore(%arg15 : memref<!tpu.dma_semaphore, #tpu.memory_space<semaphore_mem>>) src(%arg9 : memref<32x1024xf32, #tpu.memory_space<vmem>>) dst(%dma_wait3A_228 : memref<32x1024xf32, #tpu.memory_space<hbm>>)
    %add3A_229 = arith.constant 288 : i32
    %add3A_230 = arith.addi %mul3A_2, %add3A_229 : i32
    %dma_start3A_231 = arith.constant 9 : i32
    %dma_start3A_232 = arith.constant 0 : i32
    %dma_start3A_233 = tpu.memref_slice %arg8[%dma_start3A_231, %dma_start3A_232] : memref<16x32xi32, #tpu.memory_space<vmem>> -> memref<1x32xi32, #tpu.memory_space<vmem>>
    %dma_start3A_234 = tpu.memref_squeeze %dma_start3A_233 : memref<1x32xi32, #tpu.memory_space<vmem>> -> memref<32xi32, #tpu.memory_space<vmem>>
    %dma_start3A_235 = arith.constant 0 : i32
    %dma_start3A_236 = arith.constant 0 : i32
    %dma_start3A_237 = tpu.memref_slice %arg3[%dma_start3A_235, %dma_start3A_236] : memref<50000x1024xf32, #tpu.memory_space<hbm>> -> memref<50000x1024xf32, #tpu.memory_space<hbm>>
    tpu.enqueue_indirect_dma source(%dma_start3A_237 : memref<50000x1024xf32, #tpu.memory_space<hbm>>) target(%arg9 : memref<32x1024xf32, #tpu.memory_space<vmem>>) offsets(%dma_start3A_234 : memref<32xi32, #tpu.memory_space<vmem>>) semaphore(%arg12 : memref<!tpu.dma_semaphore, #tpu.memory_space<semaphore_mem>>)
    %add3A_238 = arith.constant 224 : i32
    %add3A_239 = arith.addi %mul3A_2, %add3A_238 : i32
    %dma_wait3A_240 = arith.constant 7 : i32
    %dma_wait3A_241 = arith.constant 0 : i32
    %dma_wait3A_242 = tpu.memref_slice %arg8[%dma_wait3A_240, %dma_wait3A_241] : memref<16x32xi32, #tpu.memory_space<vmem>> -> memref<1x32xi32, #tpu.memory_space<vmem>>
    %dma_wait3A_243 = tpu.memref_squeeze %dma_wait3A_242 : memref<1x32xi32, #tpu.memory_space<vmem>> -> memref<32xi32, #tpu.memory_space<vmem>>
    %dma_wait3A_244 = arith.constant 0 : i32
    %dma_wait3A_245 = arith.constant 0 : i32
    %dma_wait3A_246 = tpu.memref_slice %arg3[%dma_wait3A_244, %dma_wait3A_245] : memref<50000x1024xf32, #tpu.memory_space<hbm>> -> memref<50000x1024xf32, #tpu.memory_space<hbm>>
    tpu.wait_indirect_dma semaphore(%arg13 : memref<!tpu.dma_semaphore, #tpu.memory_space<semaphore_mem>>) src(%dma_wait3A_246 : memref<50000x1024xf32, #tpu.memory_space<hbm>>) dst(%arg10 : memref<32x1024xf32, #tpu.memory_space<vmem>>)
    %add3A_247 = arith.constant 224 : i32
    %add3A_248 = arith.addi %mul3A_2, %add3A_247 : i32
    %dma_start3A_249 = arith.constant 0 : i32
    %dma_start3A_250 = tpu.memref_slice %arg5[%add3A_248, %dma_start3A_249] : memref<16384x1024xf32, #tpu.memory_space<hbm>> -> memref<32x1024xf32, #tpu.memory_space<hbm>>
    %dma_start3A_251 = arith.constant 0 : i32
    %dma_start3A_252 = tpu.memref_slice %arg5[%add3A_248, %dma_start3A_251] : memref<16384x1024xf32, #tpu.memory_space<hbm>> -> memref<32x1024xf32, #tpu.memory_space<hbm>>
    tpu.enqueue_dma source(%arg10 : memref<32x1024xf32, #tpu.memory_space<vmem>>) target(%dma_start3A_252 : memref<32x1024xf32, #tpu.memory_space<hbm>>) target_semaphore(%arg16 : memref<!tpu.dma_semaphore, #tpu.memory_space<semaphore_mem>>)
    %add3A_253 = arith.constant 224 : i32
    %add3A_254 = arith.addi %mul3A_2, %add3A_253 : i32
    %dma_wait3A_255 = arith.constant 0 : i32
    %dma_wait3A_256 = tpu.memref_slice %arg5[%add3A_254, %dma_wait3A_255] : memref<16384x1024xf32, #tpu.memory_space<hbm>> -> memref<32x1024xf32, #tpu.memory_space<hbm>>
    %dma_wait3A_257 = arith.constant 0 : i32
    %dma_wait3A_258 = tpu.memref_slice %arg5[%add3A_254, %dma_wait3A_257] : memref<16384x1024xf32, #tpu.memory_space<hbm>> -> memref<32x1024xf32, #tpu.memory_space<hbm>>
    tpu.wait_dma2 semaphore(%arg16 : memref<!tpu.dma_semaphore, #tpu.memory_space<semaphore_mem>>) src(%arg10 : memref<32x1024xf32, #tpu.memory_space<vmem>>) dst(%dma_wait3A_258 : memref<32x1024xf32, #tpu.memory_space<hbm>>)
    %add3A_259 = arith.constant 320 : i32
    %add3A_260 = arith.addi %mul3A_2, %add3A_259 : i32
    %dma_start3A_261 = arith.constant 10 : i32
    %dma_start3A_262 = arith.constant 0 : i32
    %dma_start3A_263 = tpu.memref_slice %arg8[%dma_start3A_261, %dma_start3A_262] : memref<16x32xi32, #tpu.memory_space<vmem>> -> memref<1x32xi32, #tpu.memory_space<vmem>>
    %dma_start3A_264 = tpu.memref_squeeze %dma_start3A_263 : memref<1x32xi32, #tpu.memory_space<vmem>> -> memref<32xi32, #tpu.memory_space<vmem>>
    %dma_start3A_265 = arith.constant 0 : i32
    %dma_start3A_266 = arith.constant 0 : i32
    %dma_start3A_267 = tpu.memref_slice %arg3[%dma_start3A_265, %dma_start3A_266] : memref<50000x1024xf32, #tpu.memory_space<hbm>> -> memref<50000x1024xf32, #tpu.memory_space<hbm>>
    tpu.enqueue_indirect_dma source(%dma_start3A_267 : memref<50000x1024xf32, #tpu.memory_space<hbm>>) target(%arg10 : memref<32x1024xf32, #tpu.memory_space<vmem>>) offsets(%dma_start3A_264 : memref<32xi32, #tpu.memory_space<vmem>>) semaphore(%arg13 : memref<!tpu.dma_semaphore, #tpu.memory_space<semaphore_mem>>)
    %add3A_268 = arith.constant 256 : i32
    %add3A_269 = arith.addi %mul3A_2, %add3A_268 : i32
    %dma_wait3A_270 = arith.constant 8 : i32
    %dma_wait3A_271 = arith.constant 0 : i32
    %dma_wait3A_272 = tpu.memref_slice %arg8[%dma_wait3A_270, %dma_wait3A_271] : memref<16x32xi32, #tpu.memory_space<vmem>> -> memref<1x32xi32, #tpu.memory_space<vmem>>
    %dma_wait3A_273 = tpu.memref_squeeze %dma_wait3A_272 : memref<1x32xi32, #tpu.memory_space<vmem>> -> memref<32xi32, #tpu.memory_space<vmem>>
    %dma_wait3A_274 = arith.constant 0 : i32
    %dma_wait3A_275 = arith.constant 0 : i32
    %dma_wait3A_276 = tpu.memref_slice %arg3[%dma_wait3A_274, %dma_wait3A_275] : memref<50000x1024xf32, #tpu.memory_space<hbm>> -> memref<50000x1024xf32, #tpu.memory_space<hbm>>
    tpu.wait_indirect_dma semaphore(%arg14 : memref<!tpu.dma_semaphore, #tpu.memory_space<semaphore_mem>>) src(%dma_wait3A_276 : memref<50000x1024xf32, #tpu.memory_space<hbm>>) dst(%arg11 : memref<32x1024xf32, #tpu.memory_space<vmem>>)
    %add3A_277 = arith.constant 256 : i32
    %add3A_278 = arith.addi %mul3A_2, %add3A_277 : i32
    %dma_start3A_279 = arith.constant 0 : i32
    %dma_start3A_280 = tpu.memref_slice %arg5[%add3A_278, %dma_start3A_279] : memref<16384x1024xf32, #tpu.memory_space<hbm>> -> memref<32x1024xf32, #tpu.memory_space<hbm>>
    %dma_start3A_281 = arith.constant 0 : i32
    %dma_start3A_282 = tpu.memref_slice %arg5[%add3A_278, %dma_start3A_281] : memref<16384x1024xf32, #tpu.memory_space<hbm>> -> memref<32x1024xf32, #tpu.memory_space<hbm>>
    tpu.enqueue_dma source(%arg11 : memref<32x1024xf32, #tpu.memory_space<vmem>>) target(%dma_start3A_282 : memref<32x1024xf32, #tpu.memory_space<hbm>>) target_semaphore(%arg17 : memref<!tpu.dma_semaphore, #tpu.memory_space<semaphore_mem>>)
    %add3A_283 = arith.constant 256 : i32
    %add3A_284 = arith.addi %mul3A_2, %add3A_283 : i32
    %dma_wait3A_285 = arith.constant 0 : i32
    %dma_wait3A_286 = tpu.memref_slice %arg5[%add3A_284, %dma_wait3A_285] : memref<16384x1024xf32, #tpu.memory_space<hbm>> -> memref<32x1024xf32, #tpu.memory_space<hbm>>
    %dma_wait3A_287 = arith.constant 0 : i32
    %dma_wait3A_288 = tpu.memref_slice %arg5[%add3A_284, %dma_wait3A_287] : memref<16384x1024xf32, #tpu.memory_space<hbm>> -> memref<32x1024xf32, #tpu.memory_space<hbm>>
    tpu.wait_dma2 semaphore(%arg17 : memref<!tpu.dma_semaphore, #tpu.memory_space<semaphore_mem>>) src(%arg11 : memref<32x1024xf32, #tpu.memory_space<vmem>>) dst(%dma_wait3A_288 : memref<32x1024xf32, #tpu.memory_space<hbm>>)
    %add3A_289 = arith.constant 352 : i32
    %add3A_290 = arith.addi %mul3A_2, %add3A_289 : i32
    %dma_start3A_291 = arith.constant 11 : i32
    %dma_start3A_292 = arith.constant 0 : i32
    %dma_start3A_293 = tpu.memref_slice %arg8[%dma_start3A_291, %dma_start3A_292] : memref<16x32xi32, #tpu.memory_space<vmem>> -> memref<1x32xi32, #tpu.memory_space<vmem>>
    %dma_start3A_294 = tpu.memref_squeeze %dma_start3A_293 : memref<1x32xi32, #tpu.memory_space<vmem>> -> memref<32xi32, #tpu.memory_space<vmem>>
    %dma_start3A_295 = arith.constant 0 : i32
    %dma_start3A_296 = arith.constant 0 : i32
    %dma_start3A_297 = tpu.memref_slice %arg3[%dma_start3A_295, %dma_start3A_296] : memref<50000x1024xf32, #tpu.memory_space<hbm>> -> memref<50000x1024xf32, #tpu.memory_space<hbm>>
    tpu.enqueue_indirect_dma source(%dma_start3A_297 : memref<50000x1024xf32, #tpu.memory_space<hbm>>) target(%arg11 : memref<32x1024xf32, #tpu.memory_space<vmem>>) offsets(%dma_start3A_294 : memref<32xi32, #tpu.memory_space<vmem>>) semaphore(%arg14 : memref<!tpu.dma_semaphore, #tpu.memory_space<semaphore_mem>>)
    %add3A_298 = arith.constant 288 : i32
    %add3A_299 = arith.addi %mul3A_2, %add3A_298 : i32
    %dma_wait3A_300 = arith.constant 9 : i32
    %dma_wait3A_301 = arith.constant 0 : i32
    %dma_wait3A_302 = tpu.memref_slice %arg8[%dma_wait3A_300, %dma_wait3A_301] : memref<16x32xi32, #tpu.memory_space<vmem>> -> memref<1x32xi32, #tpu.memory_space<vmem>>
    %dma_wait3A_303 = tpu.memref_squeeze %dma_wait3A_302 : memref<1x32xi32, #tpu.memory_space<vmem>> -> memref<32xi32, #tpu.memory_space<vmem>>
    %dma_wait3A_304 = arith.constant 0 : i32
    %dma_wait3A_305 = arith.constant 0 : i32
    %dma_wait3A_306 = tpu.memref_slice %arg3[%dma_wait3A_304, %dma_wait3A_305] : memref<50000x1024xf32, #tpu.memory_space<hbm>> -> memref<50000x1024xf32, #tpu.memory_space<hbm>>
    tpu.wait_indirect_dma semaphore(%arg12 : memref<!tpu.dma_semaphore, #tpu.memory_space<semaphore_mem>>) src(%dma_wait3A_306 : memref<50000x1024xf32, #tpu.memory_space<hbm>>) dst(%arg9 : memref<32x1024xf32, #tpu.memory_space<vmem>>)
    %add3A_307 = arith.constant 288 : i32
    %add3A_308 = arith.addi %mul3A_2, %add3A_307 : i32
    %dma_start3A_309 = arith.constant 0 : i32
    %dma_start3A_310 = tpu.memref_slice %arg5[%add3A_308, %dma_start3A_309] : memref<16384x1024xf32, #tpu.memory_space<hbm>> -> memref<32x1024xf32, #tpu.memory_space<hbm>>
    %dma_start3A_311 = arith.constant 0 : i32
    %dma_start3A_312 = tpu.memref_slice %arg5[%add3A_308, %dma_start3A_311] : memref<16384x1024xf32, #tpu.memory_space<hbm>> -> memref<32x1024xf32, #tpu.memory_space<hbm>>
    tpu.enqueue_dma source(%arg9 : memref<32x1024xf32, #tpu.memory_space<vmem>>) target(%dma_start3A_312 : memref<32x1024xf32, #tpu.memory_space<hbm>>) target_semaphore(%arg15 : memref<!tpu.dma_semaphore, #tpu.memory_space<semaphore_mem>>)
    %add3A_313 = arith.constant 288 : i32
    %add3A_314 = arith.addi %mul3A_2, %add3A_313 : i32
    %dma_wait3A_315 = arith.constant 0 : i32
    %dma_wait3A_316 = tpu.memref_slice %arg5[%add3A_314, %dma_wait3A_315] : memref<16384x1024xf32, #tpu.memory_space<hbm>> -> memref<32x1024xf32, #tpu.memory_space<hbm>>
    %dma_wait3A_317 = arith.constant 0 : i32
    %dma_wait3A_318 = tpu.memref_slice %arg5[%add3A_314, %dma_wait3A_317] : memref<16384x1024xf32, #tpu.memory_space<hbm>> -> memref<32x1024xf32, #tpu.memory_space<hbm>>
    tpu.wait_dma2 semaphore(%arg15 : memref<!tpu.dma_semaphore, #tpu.memory_space<semaphore_mem>>) src(%arg9 : memref<32x1024xf32, #tpu.memory_space<vmem>>) dst(%dma_wait3A_318 : memref<32x1024xf32, #tpu.memory_space<hbm>>)
    %add3A_319 = arith.constant 384 : i32
    %add3A_320 = arith.addi %mul3A_2, %add3A_319 : i32
    %dma_start3A_321 = arith.constant 12 : i32
    %dma_start3A_322 = arith.constant 0 : i32
    %dma_start3A_323 = tpu.memref_slice %arg8[%dma_start3A_321, %dma_start3A_322] : memref<16x32xi32, #tpu.memory_space<vmem>> -> memref<1x32xi32, #tpu.memory_space<vmem>>
    %dma_start3A_324 = tpu.memref_squeeze %dma_start3A_323 : memref<1x32xi32, #tpu.memory_space<vmem>> -> memref<32xi32, #tpu.memory_space<vmem>>
    %dma_start3A_325 = arith.constant 0 : i32
    %dma_start3A_326 = arith.constant 0 : i32
    %dma_start3A_327 = tpu.memref_slice %arg3[%dma_start3A_325, %dma_start3A_326] : memref<50000x1024xf32, #tpu.memory_space<hbm>> -> memref<50000x1024xf32, #tpu.memory_space<hbm>>
    tpu.enqueue_indirect_dma source(%dma_start3A_327 : memref<50000x1024xf32, #tpu.memory_space<hbm>>) target(%arg9 : memref<32x1024xf32, #tpu.memory_space<vmem>>) offsets(%dma_start3A_324 : memref<32xi32, #tpu.memory_space<vmem>>) semaphore(%arg12 : memref<!tpu.dma_semaphore, #tpu.memory_space<semaphore_mem>>)
    %add3A_328 = arith.constant 320 : i32
    %add3A_329 = arith.addi %mul3A_2, %add3A_328 : i32
    %dma_wait3A_330 = arith.constant 10 : i32
    %dma_wait3A_331 = arith.constant 0 : i32
    %dma_wait3A_332 = tpu.memref_slice %arg8[%dma_wait3A_330, %dma_wait3A_331] : memref<16x32xi32, #tpu.memory_space<vmem>> -> memref<1x32xi32, #tpu.memory_space<vmem>>
    %dma_wait3A_333 = tpu.memref_squeeze %dma_wait3A_332 : memref<1x32xi32, #tpu.memory_space<vmem>> -> memref<32xi32, #tpu.memory_space<vmem>>
    %dma_wait3A_334 = arith.constant 0 : i32
    %dma_wait3A_335 = arith.constant 0 : i32
    %dma_wait3A_336 = tpu.memref_slice %arg3[%dma_wait3A_334, %dma_wait3A_335] : memref<50000x1024xf32, #tpu.memory_space<hbm>> -> memref<50000x1024xf32, #tpu.memory_space<hbm>>
    tpu.wait_indirect_dma semaphore(%arg13 : memref<!tpu.dma_semaphore, #tpu.memory_space<semaphore_mem>>) src(%dma_wait3A_336 : memref<50000x1024xf32, #tpu.memory_space<hbm>>) dst(%arg10 : memref<32x1024xf32, #tpu.memory_space<vmem>>)
    %add3A_337 = arith.constant 320 : i32
    %add3A_338 = arith.addi %mul3A_2, %add3A_337 : i32
    %dma_start3A_339 = arith.constant 0 : i32
    %dma_start3A_340 = tpu.memref_slice %arg5[%add3A_338, %dma_start3A_339] : memref<16384x1024xf32, #tpu.memory_space<hbm>> -> memref<32x1024xf32, #tpu.memory_space<hbm>>
    %dma_start3A_341 = arith.constant 0 : i32
    %dma_start3A_342 = tpu.memref_slice %arg5[%add3A_338, %dma_start3A_341] : memref<16384x1024xf32, #tpu.memory_space<hbm>> -> memref<32x1024xf32, #tpu.memory_space<hbm>>
    tpu.enqueue_dma source(%arg10 : memref<32x1024xf32, #tpu.memory_space<vmem>>) target(%dma_start3A_342 : memref<32x1024xf32, #tpu.memory_space<hbm>>) target_semaphore(%arg16 : memref<!tpu.dma_semaphore, #tpu.memory_space<semaphore_mem>>)
    %add3A_343 = arith.constant 320 : i32
    %add3A_344 = arith.addi %mul3A_2, %add3A_343 : i32
    %dma_wait3A_345 = arith.constant 0 : i32
    %dma_wait3A_346 = tpu.memref_slice %arg5[%add3A_344, %dma_wait3A_345] : memref<16384x1024xf32, #tpu.memory_space<hbm>> -> memref<32x1024xf32, #tpu.memory_space<hbm>>
    %dma_wait3A_347 = arith.constant 0 : i32
    %dma_wait3A_348 = tpu.memref_slice %arg5[%add3A_344, %dma_wait3A_347] : memref<16384x1024xf32, #tpu.memory_space<hbm>> -> memref<32x1024xf32, #tpu.memory_space<hbm>>
    tpu.wait_dma2 semaphore(%arg16 : memref<!tpu.dma_semaphore, #tpu.memory_space<semaphore_mem>>) src(%arg10 : memref<32x1024xf32, #tpu.memory_space<vmem>>) dst(%dma_wait3A_348 : memref<32x1024xf32, #tpu.memory_space<hbm>>)
    %add3A_349 = arith.constant 416 : i32
    %add3A_350 = arith.addi %mul3A_2, %add3A_349 : i32
    %dma_start3A_351 = arith.constant 13 : i32
    %dma_start3A_352 = arith.constant 0 : i32
    %dma_start3A_353 = tpu.memref_slice %arg8[%dma_start3A_351, %dma_start3A_352] : memref<16x32xi32, #tpu.memory_space<vmem>> -> memref<1x32xi32, #tpu.memory_space<vmem>>
    %dma_start3A_354 = tpu.memref_squeeze %dma_start3A_353 : memref<1x32xi32, #tpu.memory_space<vmem>> -> memref<32xi32, #tpu.memory_space<vmem>>
    %dma_start3A_355 = arith.constant 0 : i32
    %dma_start3A_356 = arith.constant 0 : i32
    %dma_start3A_357 = tpu.memref_slice %arg3[%dma_start3A_355, %dma_start3A_356] : memref<50000x1024xf32, #tpu.memory_space<hbm>> -> memref<50000x1024xf32, #tpu.memory_space<hbm>>
    tpu.enqueue_indirect_dma source(%dma_start3A_357 : memref<50000x1024xf32, #tpu.memory_space<hbm>>) target(%arg10 : memref<32x1024xf32, #tpu.memory_space<vmem>>) offsets(%dma_start3A_354 : memref<32xi32, #tpu.memory_space<vmem>>) semaphore(%arg13 : memref<!tpu.dma_semaphore, #tpu.memory_space<semaphore_mem>>)
    %add3A_358 = arith.constant 352 : i32
    %add3A_359 = arith.addi %mul3A_2, %add3A_358 : i32
    %dma_wait3A_360 = arith.constant 11 : i32
    %dma_wait3A_361 = arith.constant 0 : i32
    %dma_wait3A_362 = tpu.memref_slice %arg8[%dma_wait3A_360, %dma_wait3A_361] : memref<16x32xi32, #tpu.memory_space<vmem>> -> memref<1x32xi32, #tpu.memory_space<vmem>>
    %dma_wait3A_363 = tpu.memref_squeeze %dma_wait3A_362 : memref<1x32xi32, #tpu.memory_space<vmem>> -> memref<32xi32, #tpu.memory_space<vmem>>
    %dma_wait3A_364 = arith.constant 0 : i32
    %dma_wait3A_365 = arith.constant 0 : i32
    %dma_wait3A_366 = tpu.memref_slice %arg3[%dma_wait3A_364, %dma_wait3A_365] : memref<50000x1024xf32, #tpu.memory_space<hbm>> -> memref<50000x1024xf32, #tpu.memory_space<hbm>>
    tpu.wait_indirect_dma semaphore(%arg14 : memref<!tpu.dma_semaphore, #tpu.memory_space<semaphore_mem>>) src(%dma_wait3A_366 : memref<50000x1024xf32, #tpu.memory_space<hbm>>) dst(%arg11 : memref<32x1024xf32, #tpu.memory_space<vmem>>)
    %add3A_367 = arith.constant 352 : i32
    %add3A_368 = arith.addi %mul3A_2, %add3A_367 : i32
    %dma_start3A_369 = arith.constant 0 : i32
    %dma_start3A_370 = tpu.memref_slice %arg5[%add3A_368, %dma_start3A_369] : memref<16384x1024xf32, #tpu.memory_space<hbm>> -> memref<32x1024xf32, #tpu.memory_space<hbm>>
    %dma_start3A_371 = arith.constant 0 : i32
    %dma_start3A_372 = tpu.memref_slice %arg5[%add3A_368, %dma_start3A_371] : memref<16384x1024xf32, #tpu.memory_space<hbm>> -> memref<32x1024xf32, #tpu.memory_space<hbm>>
    tpu.enqueue_dma source(%arg11 : memref<32x1024xf32, #tpu.memory_space<vmem>>) target(%dma_start3A_372 : memref<32x1024xf32, #tpu.memory_space<hbm>>) target_semaphore(%arg17 : memref<!tpu.dma_semaphore, #tpu.memory_space<semaphore_mem>>)
    %add3A_373 = arith.constant 352 : i32
    %add3A_374 = arith.addi %mul3A_2, %add3A_373 : i32
    %dma_wait3A_375 = arith.constant 0 : i32
    %dma_wait3A_376 = tpu.memref_slice %arg5[%add3A_374, %dma_wait3A_375] : memref<16384x1024xf32, #tpu.memory_space<hbm>> -> memref<32x1024xf32, #tpu.memory_space<hbm>>
    %dma_wait3A_377 = arith.constant 0 : i32
    %dma_wait3A_378 = tpu.memref_slice %arg5[%add3A_374, %dma_wait3A_377] : memref<16384x1024xf32, #tpu.memory_space<hbm>> -> memref<32x1024xf32, #tpu.memory_space<hbm>>
    tpu.wait_dma2 semaphore(%arg17 : memref<!tpu.dma_semaphore, #tpu.memory_space<semaphore_mem>>) src(%arg11 : memref<32x1024xf32, #tpu.memory_space<vmem>>) dst(%dma_wait3A_378 : memref<32x1024xf32, #tpu.memory_space<hbm>>)
    %add3A_379 = arith.constant 448 : i32
    %add3A_380 = arith.addi %mul3A_2, %add3A_379 : i32
    %dma_start3A_381 = arith.constant 14 : i32
    %dma_start3A_382 = arith.constant 0 : i32
    %dma_start3A_383 = tpu.memref_slice %arg8[%dma_start3A_381, %dma_start3A_382] : memref<16x32xi32, #tpu.memory_space<vmem>> -> memref<1x32xi32, #tpu.memory_space<vmem>>
    %dma_start3A_384 = tpu.memref_squeeze %dma_start3A_383 : memref<1x32xi32, #tpu.memory_space<vmem>> -> memref<32xi32, #tpu.memory_space<vmem>>
    %dma_start3A_385 = arith.constant 0 : i32
    %dma_start3A_386 = arith.constant 0 : i32
    %dma_start3A_387 = tpu.memref_slice %arg3[%dma_start3A_385, %dma_start3A_386] : memref<50000x1024xf32, #tpu.memory_space<hbm>> -> memref<50000x1024xf32, #tpu.memory_space<hbm>>
    tpu.enqueue_indirect_dma source(%dma_start3A_387 : memref<50000x1024xf32, #tpu.memory_space<hbm>>) target(%arg11 : memref<32x1024xf32, #tpu.memory_space<vmem>>) offsets(%dma_start3A_384 : memref<32xi32, #tpu.memory_space<vmem>>) semaphore(%arg14 : memref<!tpu.dma_semaphore, #tpu.memory_space<semaphore_mem>>)
    %add3A_388 = arith.constant 384 : i32
    %add3A_389 = arith.addi %mul3A_2, %add3A_388 : i32
    %dma_wait3A_390 = arith.constant 12 : i32
    %dma_wait3A_391 = arith.constant 0 : i32
    %dma_wait3A_392 = tpu.memref_slice %arg8[%dma_wait3A_390, %dma_wait3A_391] : memref<16x32xi32, #tpu.memory_space<vmem>> -> memref<1x32xi32, #tpu.memory_space<vmem>>
    %dma_wait3A_393 = tpu.memref_squeeze %dma_wait3A_392 : memref<1x32xi32, #tpu.memory_space<vmem>> -> memref<32xi32, #tpu.memory_space<vmem>>
    %dma_wait3A_394 = arith.constant 0 : i32
    %dma_wait3A_395 = arith.constant 0 : i32
    %dma_wait3A_396 = tpu.memref_slice %arg3[%dma_wait3A_394, %dma_wait3A_395] : memref<50000x1024xf32, #tpu.memory_space<hbm>> -> memref<50000x1024xf32, #tpu.memory_space<hbm>>
    tpu.wait_indirect_dma semaphore(%arg12 : memref<!tpu.dma_semaphore, #tpu.memory_space<semaphore_mem>>) src(%dma_wait3A_396 : memref<50000x1024xf32, #tpu.memory_space<hbm>>) dst(%arg9 : memref<32x1024xf32, #tpu.memory_space<vmem>>)
    %add3A_397 = arith.constant 384 : i32
    %add3A_398 = arith.addi %mul3A_2, %add3A_397 : i32
    %dma_start3A_399 = arith.constant 0 : i32
    %dma_start3A_400 = tpu.memref_slice %arg5[%add3A_398, %dma_start3A_399] : memref<16384x1024xf32, #tpu.memory_space<hbm>> -> memref<32x1024xf32, #tpu.memory_space<hbm>>
    %dma_start3A_401 = arith.constant 0 : i32
    %dma_start3A_402 = tpu.memref_slice %arg5[%add3A_398, %dma_start3A_401] : memref<16384x1024xf32, #tpu.memory_space<hbm>> -> memref<32x1024xf32, #tpu.memory_space<hbm>>
    tpu.enqueue_dma source(%arg9 : memref<32x1024xf32, #tpu.memory_space<vmem>>) target(%dma_start3A_402 : memref<32x1024xf32, #tpu.memory_space<hbm>>) target_semaphore(%arg15 : memref<!tpu.dma_semaphore, #tpu.memory_space<semaphore_mem>>)
    %add3A_403 = arith.constant 384 : i32
    %add3A_404 = arith.addi %mul3A_2, %add3A_403 : i32
    %dma_wait3A_405 = arith.constant 0 : i32
    %dma_wait3A_406 = tpu.memref_slice %arg5[%add3A_404, %dma_wait3A_405] : memref<16384x1024xf32, #tpu.memory_space<hbm>> -> memref<32x1024xf32, #tpu.memory_space<hbm>>
    %dma_wait3A_407 = arith.constant 0 : i32
    %dma_wait3A_408 = tpu.memref_slice %arg5[%add3A_404, %dma_wait3A_407] : memref<16384x1024xf32, #tpu.memory_space<hbm>> -> memref<32x1024xf32, #tpu.memory_space<hbm>>
    tpu.wait_dma2 semaphore(%arg15 : memref<!tpu.dma_semaphore, #tpu.memory_space<semaphore_mem>>) src(%arg9 : memref<32x1024xf32, #tpu.memory_space<vmem>>) dst(%dma_wait3A_408 : memref<32x1024xf32, #tpu.memory_space<hbm>>)
    %add3A_409 = arith.constant 480 : i32
    %add3A_410 = arith.addi %mul3A_2, %add3A_409 : i32
    %dma_start3A_411 = arith.constant 15 : i32
    %dma_start3A_412 = arith.constant 0 : i32
    %dma_start3A_413 = tpu.memref_slice %arg8[%dma_start3A_411, %dma_start3A_412] : memref<16x32xi32, #tpu.memory_space<vmem>> -> memref<1x32xi32, #tpu.memory_space<vmem>>
    %dma_start3A_414 = tpu.memref_squeeze %dma_start3A_413 : memref<1x32xi32, #tpu.memory_space<vmem>> -> memref<32xi32, #tpu.memory_space<vmem>>
    %dma_start3A_415 = arith.constant 0 : i32
    %dma_start3A_416 = arith.constant 0 : i32
    %dma_start3A_417 = tpu.memref_slice %arg3[%dma_start3A_415, %dma_start3A_416] : memref<50000x1024xf32, #tpu.memory_space<hbm>> -> memref<50000x1024xf32, #tpu.memory_space<hbm>>
    tpu.enqueue_indirect_dma source(%dma_start3A_417 : memref<50000x1024xf32, #tpu.memory_space<hbm>>) target(%arg9 : memref<32x1024xf32, #tpu.memory_space<vmem>>) offsets(%dma_start3A_414 : memref<32xi32, #tpu.memory_space<vmem>>) semaphore(%arg12 : memref<!tpu.dma_semaphore, #tpu.memory_space<semaphore_mem>>)
    %add3A_418 = arith.constant 416 : i32
    %add3A_419 = arith.addi %mul3A_2, %add3A_418 : i32
    %dma_wait3A_420 = arith.constant 13 : i32
    %dma_wait3A_421 = arith.constant 0 : i32
    %dma_wait3A_422 = tpu.memref_slice %arg8[%dma_wait3A_420, %dma_wait3A_421] : memref<16x32xi32, #tpu.memory_space<vmem>> -> memref<1x32xi32, #tpu.memory_space<vmem>>
    %dma_wait3A_423 = tpu.memref_squeeze %dma_wait3A_422 : memref<1x32xi32, #tpu.memory_space<vmem>> -> memref<32xi32, #tpu.memory_space<vmem>>
    %dma_wait3A_424 = arith.constant 0 : i32
    %dma_wait3A_425 = arith.constant 0 : i32
    %dma_wait3A_426 = tpu.memref_slice %arg3[%dma_wait3A_424, %dma_wait3A_425] : memref<50000x1024xf32, #tpu.memory_space<hbm>> -> memref<50000x1024xf32, #tpu.memory_space<hbm>>
    tpu.wait_indirect_dma semaphore(%arg13 : memref<!tpu.dma_semaphore, #tpu.memory_space<semaphore_mem>>) src(%dma_wait3A_426 : memref<50000x1024xf32, #tpu.memory_space<hbm>>) dst(%arg10 : memref<32x1024xf32, #tpu.memory_space<vmem>>)
    %add3A_427 = arith.constant 416 : i32
    %add3A_428 = arith.addi %mul3A_2, %add3A_427 : i32
    %dma_start3A_429 = arith.constant 0 : i32
    %dma_start3A_430 = tpu.memref_slice %arg5[%add3A_428, %dma_start3A_429] : memref<16384x1024xf32, #tpu.memory_space<hbm>> -> memref<32x1024xf32, #tpu.memory_space<hbm>>
    %dma_start3A_431 = arith.constant 0 : i32
    %dma_start3A_432 = tpu.memref_slice %arg5[%add3A_428, %dma_start3A_431] : memref<16384x1024xf32, #tpu.memory_space<hbm>> -> memref<32x1024xf32, #tpu.memory_space<hbm>>
    tpu.enqueue_dma source(%arg10 : memref<32x1024xf32, #tpu.memory_space<vmem>>) target(%dma_start3A_432 : memref<32x1024xf32, #tpu.memory_space<hbm>>) target_semaphore(%arg16 : memref<!tpu.dma_semaphore, #tpu.memory_space<semaphore_mem>>)
    %add3A_433 = arith.constant 416 : i32
    %add3A_434 = arith.addi %mul3A_2, %add3A_433 : i32
    %dma_wait3A_435 = arith.constant 0 : i32
    %dma_wait3A_436 = tpu.memref_slice %arg5[%add3A_434, %dma_wait3A_435] : memref<16384x1024xf32, #tpu.memory_space<hbm>> -> memref<32x1024xf32, #tpu.memory_space<hbm>>
    %dma_wait3A_437 = arith.constant 0 : i32
    %dma_wait3A_438 = tpu.memref_slice %arg5[%add3A_434, %dma_wait3A_437] : memref<16384x1024xf32, #tpu.memory_space<hbm>> -> memref<32x1024xf32, #tpu.memory_space<hbm>>
    tpu.wait_dma2 semaphore(%arg16 : memref<!tpu.dma_semaphore, #tpu.memory_space<semaphore_mem>>) src(%arg10 : memref<32x1024xf32, #tpu.memory_space<vmem>>) dst(%dma_wait3A_438 : memref<32x1024xf32, #tpu.memory_space<hbm>>)
    %add3A_439 = arith.constant 0 : i32
    %add3A_440 = arith.addi %mul3A_2, %add3A_439 : i32
    %dma_start3A_441 = arith.constant 0 : i32
    %dma_start3A_442 = arith.constant 0 : i32
    %dma_start3A_443 = tpu.memref_slice %arg8[%dma_start3A_441, %dma_start3A_442] : memref<16x32xi32, #tpu.memory_space<vmem>> -> memref<1x32xi32, #tpu.memory_space<vmem>>
    %dma_start3A_444 = tpu.memref_squeeze %dma_start3A_443 : memref<1x32xi32, #tpu.memory_space<vmem>> -> memref<32xi32, #tpu.memory_space<vmem>>
    %dma_start3A_445 = arith.constant 0 : i32
    %dma_start3A_446 = arith.constant 0 : i32
    %dma_start3A_447 = tpu.memref_slice %arg4[%dma_start3A_445, %dma_start3A_446] : memref<50000x1024xf32, #tpu.memory_space<hbm>> -> memref<50000x1024xf32, #tpu.memory_space<hbm>>
    tpu.enqueue_indirect_dma source(%dma_start3A_447 : memref<50000x1024xf32, #tpu.memory_space<hbm>>) target(%arg10 : memref<32x1024xf32, #tpu.memory_space<vmem>>) offsets(%dma_start3A_444 : memref<32xi32, #tpu.memory_space<vmem>>) semaphore(%arg13 : memref<!tpu.dma_semaphore, #tpu.memory_space<semaphore_mem>>)
    %add3A_448 = arith.constant 448 : i32
    %add3A_449 = arith.addi %mul3A_2, %add3A_448 : i32
    %dma_wait3A_450 = arith.constant 14 : i32
    %dma_wait3A_451 = arith.constant 0 : i32
    %dma_wait3A_452 = tpu.memref_slice %arg8[%dma_wait3A_450, %dma_wait3A_451] : memref<16x32xi32, #tpu.memory_space<vmem>> -> memref<1x32xi32, #tpu.memory_space<vmem>>
    %dma_wait3A_453 = tpu.memref_squeeze %dma_wait3A_452 : memref<1x32xi32, #tpu.memory_space<vmem>> -> memref<32xi32, #tpu.memory_space<vmem>>
    %dma_wait3A_454 = arith.constant 0 : i32
    %dma_wait3A_455 = arith.constant 0 : i32
    %dma_wait3A_456 = tpu.memref_slice %arg3[%dma_wait3A_454, %dma_wait3A_455] : memref<50000x1024xf32, #tpu.memory_space<hbm>> -> memref<50000x1024xf32, #tpu.memory_space<hbm>>
    tpu.wait_indirect_dma semaphore(%arg14 : memref<!tpu.dma_semaphore, #tpu.memory_space<semaphore_mem>>) src(%dma_wait3A_456 : memref<50000x1024xf32, #tpu.memory_space<hbm>>) dst(%arg11 : memref<32x1024xf32, #tpu.memory_space<vmem>>)
    %add3A_457 = arith.constant 448 : i32
    %add3A_458 = arith.addi %mul3A_2, %add3A_457 : i32
    %dma_start3A_459 = arith.constant 0 : i32
    %dma_start3A_460 = tpu.memref_slice %arg5[%add3A_458, %dma_start3A_459] : memref<16384x1024xf32, #tpu.memory_space<hbm>> -> memref<32x1024xf32, #tpu.memory_space<hbm>>
    %dma_start3A_461 = arith.constant 0 : i32
    %dma_start3A_462 = tpu.memref_slice %arg5[%add3A_458, %dma_start3A_461] : memref<16384x1024xf32, #tpu.memory_space<hbm>> -> memref<32x1024xf32, #tpu.memory_space<hbm>>
    tpu.enqueue_dma source(%arg11 : memref<32x1024xf32, #tpu.memory_space<vmem>>) target(%dma_start3A_462 : memref<32x1024xf32, #tpu.memory_space<hbm>>) target_semaphore(%arg17 : memref<!tpu.dma_semaphore, #tpu.memory_space<semaphore_mem>>)
    %add3A_463 = arith.constant 448 : i32
    %add3A_464 = arith.addi %mul3A_2, %add3A_463 : i32
    %dma_wait3A_465 = arith.constant 0 : i32
    %dma_wait3A_466 = tpu.memref_slice %arg5[%add3A_464, %dma_wait3A_465] : memref<16384x1024xf32, #tpu.memory_space<hbm>> -> memref<32x1024xf32, #tpu.memory_space<hbm>>
    %dma_wait3A_467 = arith.constant 0 : i32
    %dma_wait3A_468 = tpu.memref_slice %arg5[%add3A_464, %dma_wait3A_467] : memref<16384x1024xf32, #tpu.memory_space<hbm>> -> memref<32x1024xf32, #tpu.memory_space<hbm>>
    tpu.wait_dma2 semaphore(%arg17 : memref<!tpu.dma_semaphore, #tpu.memory_space<semaphore_mem>>) src(%arg11 : memref<32x1024xf32, #tpu.memory_space<vmem>>) dst(%dma_wait3A_468 : memref<32x1024xf32, #tpu.memory_space<hbm>>)
    %add3A_469 = arith.constant 32 : i32
    %add3A_470 = arith.addi %mul3A_2, %add3A_469 : i32
    %dma_start3A_471 = arith.constant 1 : i32
    %dma_start3A_472 = arith.constant 0 : i32
    %dma_start3A_473 = tpu.memref_slice %arg8[%dma_start3A_471, %dma_start3A_472] : memref<16x32xi32, #tpu.memory_space<vmem>> -> memref<1x32xi32, #tpu.memory_space<vmem>>
    %dma_start3A_474 = tpu.memref_squeeze %dma_start3A_473 : memref<1x32xi32, #tpu.memory_space<vmem>> -> memref<32xi32, #tpu.memory_space<vmem>>
    %dma_start3A_475 = arith.constant 0 : i32
    %dma_start3A_476 = arith.constant 0 : i32
    %dma_start3A_477 = tpu.memref_slice %arg4[%dma_start3A_475, %dma_start3A_476] : memref<50000x1024xf32, #tpu.memory_space<hbm>> -> memref<50000x1024xf32, #tpu.memory_space<hbm>>
    tpu.enqueue_indirect_dma source(%dma_start3A_477 : memref<50000x1024xf32, #tpu.memory_space<hbm>>) target(%arg11 : memref<32x1024xf32, #tpu.memory_space<vmem>>) offsets(%dma_start3A_474 : memref<32xi32, #tpu.memory_space<vmem>>) semaphore(%arg14 : memref<!tpu.dma_semaphore, #tpu.memory_space<semaphore_mem>>)
    %add3A_478 = arith.constant 480 : i32
    %add3A_479 = arith.addi %mul3A_2, %add3A_478 : i32
    %dma_wait3A_480 = arith.constant 15 : i32
    %dma_wait3A_481 = arith.constant 0 : i32
    %dma_wait3A_482 = tpu.memref_slice %arg8[%dma_wait3A_480, %dma_wait3A_481] : memref<16x32xi32, #tpu.memory_space<vmem>> -> memref<1x32xi32, #tpu.memory_space<vmem>>
    %dma_wait3A_483 = tpu.memref_squeeze %dma_wait3A_482 : memref<1x32xi32, #tpu.memory_space<vmem>> -> memref<32xi32, #tpu.memory_space<vmem>>
    %dma_wait3A_484 = arith.constant 0 : i32
    %dma_wait3A_485 = arith.constant 0 : i32
    %dma_wait3A_486 = tpu.memref_slice %arg3[%dma_wait3A_484, %dma_wait3A_485] : memref<50000x1024xf32, #tpu.memory_space<hbm>> -> memref<50000x1024xf32, #tpu.memory_space<hbm>>
    tpu.wait_indirect_dma semaphore(%arg12 : memref<!tpu.dma_semaphore, #tpu.memory_space<semaphore_mem>>) src(%dma_wait3A_486 : memref<50000x1024xf32, #tpu.memory_space<hbm>>) dst(%arg9 : memref<32x1024xf32, #tpu.memory_space<vmem>>)
    %add3A_487 = arith.constant 480 : i32
    %add3A_488 = arith.addi %mul3A_2, %add3A_487 : i32
    %dma_start3A_489 = arith.constant 0 : i32
    %dma_start3A_490 = tpu.memref_slice %arg5[%add3A_488, %dma_start3A_489] : memref<16384x1024xf32, #tpu.memory_space<hbm>> -> memref<32x1024xf32, #tpu.memory_space<hbm>>
    %dma_start3A_491 = arith.constant 0 : i32
    %dma_start3A_492 = tpu.memref_slice %arg5[%add3A_488, %dma_start3A_491] : memref<16384x1024xf32, #tpu.memory_space<hbm>> -> memref<32x1024xf32, #tpu.memory_space<hbm>>
    tpu.enqueue_dma source(%arg9 : memref<32x1024xf32, #tpu.memory_space<vmem>>) target(%dma_start3A_492 : memref<32x1024xf32, #tpu.memory_space<hbm>>) target_semaphore(%arg15 : memref<!tpu.dma_semaphore, #tpu.memory_space<semaphore_mem>>)
    %add3A_493 = arith.constant 480 : i32
    %add3A_494 = arith.addi %mul3A_2, %add3A_493 : i32
    %dma_wait3A_495 = arith.constant 0 : i32
    %dma_wait3A_496 = tpu.memref_slice %arg5[%add3A_494, %dma_wait3A_495] : memref<16384x1024xf32, #tpu.memory_space<hbm>> -> memref<32x1024xf32, #tpu.memory_space<hbm>>
    %dma_wait3A_497 = arith.constant 0 : i32
    %dma_wait3A_498 = tpu.memref_slice %arg5[%add3A_494, %dma_wait3A_497] : memref<16384x1024xf32, #tpu.memory_space<hbm>> -> memref<32x1024xf32, #tpu.memory_space<hbm>>
    tpu.wait_dma2 semaphore(%arg15 : memref<!tpu.dma_semaphore, #tpu.memory_space<semaphore_mem>>) src(%arg9 : memref<32x1024xf32, #tpu.memory_space<vmem>>) dst(%dma_wait3A_498 : memref<32x1024xf32, #tpu.memory_space<hbm>>)
    %add3A_499 = arith.constant 64 : i32
    %add3A_500 = arith.addi %mul3A_2, %add3A_499 : i32
    %dma_start3A_501 = arith.constant 2 : i32
    %dma_start3A_502 = arith.constant 0 : i32
    %dma_start3A_503 = tpu.memref_slice %arg8[%dma_start3A_501, %dma_start3A_502] : memref<16x32xi32, #tpu.memory_space<vmem>> -> memref<1x32xi32, #tpu.memory_space<vmem>>
    %dma_start3A_504 = tpu.memref_squeeze %dma_start3A_503 : memref<1x32xi32, #tpu.memory_space<vmem>> -> memref<32xi32, #tpu.memory_space<vmem>>
    %dma_start3A_505 = arith.constant 0 : i32
    %dma_start3A_506 = arith.constant 0 : i32
    %dma_start3A_507 = tpu.memref_slice %arg4[%dma_start3A_505, %dma_start3A_506] : memref<50000x1024xf32, #tpu.memory_space<hbm>> -> memref<50000x1024xf32, #tpu.memory_space<hbm>>
    tpu.enqueue_indirect_dma source(%dma_start3A_507 : memref<50000x1024xf32, #tpu.memory_space<hbm>>) target(%arg9 : memref<32x1024xf32, #tpu.memory_space<vmem>>) offsets(%dma_start3A_504 : memref<32xi32, #tpu.memory_space<vmem>>) semaphore(%arg12 : memref<!tpu.dma_semaphore, #tpu.memory_space<semaphore_mem>>)
    %add3A_508 = arith.constant 0 : i32
    %add3A_509 = arith.addi %mul3A_2, %add3A_508 : i32
    %dma_wait3A_510 = arith.constant 0 : i32
    %dma_wait3A_511 = arith.constant 0 : i32
    %dma_wait3A_512 = tpu.memref_slice %arg8[%dma_wait3A_510, %dma_wait3A_511] : memref<16x32xi32, #tpu.memory_space<vmem>> -> memref<1x32xi32, #tpu.memory_space<vmem>>
    %dma_wait3A_513 = tpu.memref_squeeze %dma_wait3A_512 : memref<1x32xi32, #tpu.memory_space<vmem>> -> memref<32xi32, #tpu.memory_space<vmem>>
    %dma_wait3A_514 = arith.constant 0 : i32
    %dma_wait3A_515 = arith.constant 0 : i32
    %dma_wait3A_516 = tpu.memref_slice %arg4[%dma_wait3A_514, %dma_wait3A_515] : memref<50000x1024xf32, #tpu.memory_space<hbm>> -> memref<50000x1024xf32, #tpu.memory_space<hbm>>
    tpu.wait_indirect_dma semaphore(%arg13 : memref<!tpu.dma_semaphore, #tpu.memory_space<semaphore_mem>>) src(%dma_wait3A_516 : memref<50000x1024xf32, #tpu.memory_space<hbm>>) dst(%arg10 : memref<32x1024xf32, #tpu.memory_space<vmem>>)
    %add3A_517 = arith.constant 0 : i32
    %add3A_518 = arith.addi %mul3A_2, %add3A_517 : i32
    %dma_start3A_519 = arith.constant 0 : i32
    %dma_start3A_520 = tpu.memref_slice %arg6[%add3A_518, %dma_start3A_519] : memref<16384x1024xf32, #tpu.memory_space<hbm>> -> memref<32x1024xf32, #tpu.memory_space<hbm>>
    %dma_start3A_521 = arith.constant 0 : i32
    %dma_start3A_522 = tpu.memref_slice %arg6[%add3A_518, %dma_start3A_521] : memref<16384x1024xf32, #tpu.memory_space<hbm>> -> memref<32x1024xf32, #tpu.memory_space<hbm>>
    tpu.enqueue_dma source(%arg10 : memref<32x1024xf32, #tpu.memory_space<vmem>>) target(%dma_start3A_522 : memref<32x1024xf32, #tpu.memory_space<hbm>>) target_semaphore(%arg16 : memref<!tpu.dma_semaphore, #tpu.memory_space<semaphore_mem>>)
    %add3A_523 = arith.constant 0 : i32
    %add3A_524 = arith.addi %mul3A_2, %add3A_523 : i32
    %dma_wait3A_525 = arith.constant 0 : i32
    %dma_wait3A_526 = tpu.memref_slice %arg6[%add3A_524, %dma_wait3A_525] : memref<16384x1024xf32, #tpu.memory_space<hbm>> -> memref<32x1024xf32, #tpu.memory_space<hbm>>
    %dma_wait3A_527 = arith.constant 0 : i32
    %dma_wait3A_528 = tpu.memref_slice %arg6[%add3A_524, %dma_wait3A_527] : memref<16384x1024xf32, #tpu.memory_space<hbm>> -> memref<32x1024xf32, #tpu.memory_space<hbm>>
    tpu.wait_dma2 semaphore(%arg16 : memref<!tpu.dma_semaphore, #tpu.memory_space<semaphore_mem>>) src(%arg10 : memref<32x1024xf32, #tpu.memory_space<vmem>>) dst(%dma_wait3A_528 : memref<32x1024xf32, #tpu.memory_space<hbm>>)
    %add3A_529 = arith.constant 96 : i32
    %add3A_530 = arith.addi %mul3A_2, %add3A_529 : i32
    %dma_start3A_531 = arith.constant 3 : i32
    %dma_start3A_532 = arith.constant 0 : i32
    %dma_start3A_533 = tpu.memref_slice %arg8[%dma_start3A_531, %dma_start3A_532] : memref<16x32xi32, #tpu.memory_space<vmem>> -> memref<1x32xi32, #tpu.memory_space<vmem>>
    %dma_start3A_534 = tpu.memref_squeeze %dma_start3A_533 : memref<1x32xi32, #tpu.memory_space<vmem>> -> memref<32xi32, #tpu.memory_space<vmem>>
    %dma_start3A_535 = arith.constant 0 : i32
    %dma_start3A_536 = arith.constant 0 : i32
    %dma_start3A_537 = tpu.memref_slice %arg4[%dma_start3A_535, %dma_start3A_536] : memref<50000x1024xf32, #tpu.memory_space<hbm>> -> memref<50000x1024xf32, #tpu.memory_space<hbm>>
    tpu.enqueue_indirect_dma source(%dma_start3A_537 : memref<50000x1024xf32, #tpu.memory_space<hbm>>) target(%arg10 : memref<32x1024xf32, #tpu.memory_space<vmem>>) offsets(%dma_start3A_534 : memref<32xi32, #tpu.memory_space<vmem>>) semaphore(%arg13 : memref<!tpu.dma_semaphore, #tpu.memory_space<semaphore_mem>>)
    %add3A_538 = arith.constant 32 : i32
    %add3A_539 = arith.addi %mul3A_2, %add3A_538 : i32
    %dma_wait3A_540 = arith.constant 1 : i32
    %dma_wait3A_541 = arith.constant 0 : i32
    %dma_wait3A_542 = tpu.memref_slice %arg8[%dma_wait3A_540, %dma_wait3A_541] : memref<16x32xi32, #tpu.memory_space<vmem>> -> memref<1x32xi32, #tpu.memory_space<vmem>>
    %dma_wait3A_543 = tpu.memref_squeeze %dma_wait3A_542 : memref<1x32xi32, #tpu.memory_space<vmem>> -> memref<32xi32, #tpu.memory_space<vmem>>
    %dma_wait3A_544 = arith.constant 0 : i32
    %dma_wait3A_545 = arith.constant 0 : i32
    %dma_wait3A_546 = tpu.memref_slice %arg4[%dma_wait3A_544, %dma_wait3A_545] : memref<50000x1024xf32, #tpu.memory_space<hbm>> -> memref<50000x1024xf32, #tpu.memory_space<hbm>>
    tpu.wait_indirect_dma semaphore(%arg14 : memref<!tpu.dma_semaphore, #tpu.memory_space<semaphore_mem>>) src(%dma_wait3A_546 : memref<50000x1024xf32, #tpu.memory_space<hbm>>) dst(%arg11 : memref<32x1024xf32, #tpu.memory_space<vmem>>)
    %add3A_547 = arith.constant 32 : i32
    %add3A_548 = arith.addi %mul3A_2, %add3A_547 : i32
    %dma_start3A_549 = arith.constant 0 : i32
    %dma_start3A_550 = tpu.memref_slice %arg6[%add3A_548, %dma_start3A_549] : memref<16384x1024xf32, #tpu.memory_space<hbm>> -> memref<32x1024xf32, #tpu.memory_space<hbm>>
    %dma_start3A_551 = arith.constant 0 : i32
    %dma_start3A_552 = tpu.memref_slice %arg6[%add3A_548, %dma_start3A_551] : memref<16384x1024xf32, #tpu.memory_space<hbm>> -> memref<32x1024xf32, #tpu.memory_space<hbm>>
    tpu.enqueue_dma source(%arg11 : memref<32x1024xf32, #tpu.memory_space<vmem>>) target(%dma_start3A_552 : memref<32x1024xf32, #tpu.memory_space<hbm>>) target_semaphore(%arg17 : memref<!tpu.dma_semaphore, #tpu.memory_space<semaphore_mem>>)
    %add3A_553 = arith.constant 32 : i32
    %add3A_554 = arith.addi %mul3A_2, %add3A_553 : i32
    %dma_wait3A_555 = arith.constant 0 : i32
    %dma_wait3A_556 = tpu.memref_slice %arg6[%add3A_554, %dma_wait3A_555] : memref<16384x1024xf32, #tpu.memory_space<hbm>> -> memref<32x1024xf32, #tpu.memory_space<hbm>>
    %dma_wait3A_557 = arith.constant 0 : i32
    %dma_wait3A_558 = tpu.memref_slice %arg6[%add3A_554, %dma_wait3A_557] : memref<16384x1024xf32, #tpu.memory_space<hbm>> -> memref<32x1024xf32, #tpu.memory_space<hbm>>
    tpu.wait_dma2 semaphore(%arg17 : memref<!tpu.dma_semaphore, #tpu.memory_space<semaphore_mem>>) src(%arg11 : memref<32x1024xf32, #tpu.memory_space<vmem>>) dst(%dma_wait3A_558 : memref<32x1024xf32, #tpu.memory_space<hbm>>)
    %add3A_559 = arith.constant 128 : i32
    %add3A_560 = arith.addi %mul3A_2, %add3A_559 : i32
    %dma_start3A_561 = arith.constant 4 : i32
    %dma_start3A_562 = arith.constant 0 : i32
    %dma_start3A_563 = tpu.memref_slice %arg8[%dma_start3A_561, %dma_start3A_562] : memref<16x32xi32, #tpu.memory_space<vmem>> -> memref<1x32xi32, #tpu.memory_space<vmem>>
    %dma_start3A_564 = tpu.memref_squeeze %dma_start3A_563 : memref<1x32xi32, #tpu.memory_space<vmem>> -> memref<32xi32, #tpu.memory_space<vmem>>
    %dma_start3A_565 = arith.constant 0 : i32
    %dma_start3A_566 = arith.constant 0 : i32
    %dma_start3A_567 = tpu.memref_slice %arg4[%dma_start3A_565, %dma_start3A_566] : memref<50000x1024xf32, #tpu.memory_space<hbm>> -> memref<50000x1024xf32, #tpu.memory_space<hbm>>
    tpu.enqueue_indirect_dma source(%dma_start3A_567 : memref<50000x1024xf32, #tpu.memory_space<hbm>>) target(%arg11 : memref<32x1024xf32, #tpu.memory_space<vmem>>) offsets(%dma_start3A_564 : memref<32xi32, #tpu.memory_space<vmem>>) semaphore(%arg14 : memref<!tpu.dma_semaphore, #tpu.memory_space<semaphore_mem>>)
    %add3A_568 = arith.constant 64 : i32
    %add3A_569 = arith.addi %mul3A_2, %add3A_568 : i32
    %dma_wait3A_570 = arith.constant 2 : i32
    %dma_wait3A_571 = arith.constant 0 : i32
    %dma_wait3A_572 = tpu.memref_slice %arg8[%dma_wait3A_570, %dma_wait3A_571] : memref<16x32xi32, #tpu.memory_space<vmem>> -> memref<1x32xi32, #tpu.memory_space<vmem>>
    %dma_wait3A_573 = tpu.memref_squeeze %dma_wait3A_572 : memref<1x32xi32, #tpu.memory_space<vmem>> -> memref<32xi32, #tpu.memory_space<vmem>>
    %dma_wait3A_574 = arith.constant 0 : i32
    %dma_wait3A_575 = arith.constant 0 : i32
    %dma_wait3A_576 = tpu.memref_slice %arg4[%dma_wait3A_574, %dma_wait3A_575] : memref<50000x1024xf32, #tpu.memory_space<hbm>> -> memref<50000x1024xf32, #tpu.memory_space<hbm>>
    tpu.wait_indirect_dma semaphore(%arg12 : memref<!tpu.dma_semaphore, #tpu.memory_space<semaphore_mem>>) src(%dma_wait3A_576 : memref<50000x1024xf32, #tpu.memory_space<hbm>>) dst(%arg9 : memref<32x1024xf32, #tpu.memory_space<vmem>>)
    %add3A_577 = arith.constant 64 : i32
    %add3A_578 = arith.addi %mul3A_2, %add3A_577 : i32
    %dma_start3A_579 = arith.constant 0 : i32
    %dma_start3A_580 = tpu.memref_slice %arg6[%add3A_578, %dma_start3A_579] : memref<16384x1024xf32, #tpu.memory_space<hbm>> -> memref<32x1024xf32, #tpu.memory_space<hbm>>
    %dma_start3A_581 = arith.constant 0 : i32
    %dma_start3A_582 = tpu.memref_slice %arg6[%add3A_578, %dma_start3A_581] : memref<16384x1024xf32, #tpu.memory_space<hbm>> -> memref<32x1024xf32, #tpu.memory_space<hbm>>
    tpu.enqueue_dma source(%arg9 : memref<32x1024xf32, #tpu.memory_space<vmem>>) target(%dma_start3A_582 : memref<32x1024xf32, #tpu.memory_space<hbm>>) target_semaphore(%arg15 : memref<!tpu.dma_semaphore, #tpu.memory_space<semaphore_mem>>)
    %add3A_583 = arith.constant 64 : i32
    %add3A_584 = arith.addi %mul3A_2, %add3A_583 : i32
    %dma_wait3A_585 = arith.constant 0 : i32
    %dma_wait3A_586 = tpu.memref_slice %arg6[%add3A_584, %dma_wait3A_585] : memref<16384x1024xf32, #tpu.memory_space<hbm>> -> memref<32x1024xf32, #tpu.memory_space<hbm>>
    %dma_wait3A_587 = arith.constant 0 : i32
    %dma_wait3A_588 = tpu.memref_slice %arg6[%add3A_584, %dma_wait3A_587] : memref<16384x1024xf32, #tpu.memory_space<hbm>> -> memref<32x1024xf32, #tpu.memory_space<hbm>>
    tpu.wait_dma2 semaphore(%arg15 : memref<!tpu.dma_semaphore, #tpu.memory_space<semaphore_mem>>) src(%arg9 : memref<32x1024xf32, #tpu.memory_space<vmem>>) dst(%dma_wait3A_588 : memref<32x1024xf32, #tpu.memory_space<hbm>>)
    %add3A_589 = arith.constant 160 : i32
    %add3A_590 = arith.addi %mul3A_2, %add3A_589 : i32
    %dma_start3A_591 = arith.constant 5 : i32
    %dma_start3A_592 = arith.constant 0 : i32
    %dma_start3A_593 = tpu.memref_slice %arg8[%dma_start3A_591, %dma_start3A_592] : memref<16x32xi32, #tpu.memory_space<vmem>> -> memref<1x32xi32, #tpu.memory_space<vmem>>
    %dma_start3A_594 = tpu.memref_squeeze %dma_start3A_593 : memref<1x32xi32, #tpu.memory_space<vmem>> -> memref<32xi32, #tpu.memory_space<vmem>>
    %dma_start3A_595 = arith.constant 0 : i32
    %dma_start3A_596 = arith.constant 0 : i32
    %dma_start3A_597 = tpu.memref_slice %arg4[%dma_start3A_595, %dma_start3A_596] : memref<50000x1024xf32, #tpu.memory_space<hbm>> -> memref<50000x1024xf32, #tpu.memory_space<hbm>>
    tpu.enqueue_indirect_dma source(%dma_start3A_597 : memref<50000x1024xf32, #tpu.memory_space<hbm>>) target(%arg9 : memref<32x1024xf32, #tpu.memory_space<vmem>>) offsets(%dma_start3A_594 : memref<32xi32, #tpu.memory_space<vmem>>) semaphore(%arg12 : memref<!tpu.dma_semaphore, #tpu.memory_space<semaphore_mem>>)
    %add3A_598 = arith.constant 96 : i32
    %add3A_599 = arith.addi %mul3A_2, %add3A_598 : i32
    %dma_wait3A_600 = arith.constant 3 : i32
    %dma_wait3A_601 = arith.constant 0 : i32
    %dma_wait3A_602 = tpu.memref_slice %arg8[%dma_wait3A_600, %dma_wait3A_601] : memref<16x32xi32, #tpu.memory_space<vmem>> -> memref<1x32xi32, #tpu.memory_space<vmem>>
    %dma_wait3A_603 = tpu.memref_squeeze %dma_wait3A_602 : memref<1x32xi32, #tpu.memory_space<vmem>> -> memref<32xi32, #tpu.memory_space<vmem>>
    %dma_wait3A_604 = arith.constant 0 : i32
    %dma_wait3A_605 = arith.constant 0 : i32
    %dma_wait3A_606 = tpu.memref_slice %arg4[%dma_wait3A_604, %dma_wait3A_605] : memref<50000x1024xf32, #tpu.memory_space<hbm>> -> memref<50000x1024xf32, #tpu.memory_space<hbm>>
    tpu.wait_indirect_dma semaphore(%arg13 : memref<!tpu.dma_semaphore, #tpu.memory_space<semaphore_mem>>) src(%dma_wait3A_606 : memref<50000x1024xf32, #tpu.memory_space<hbm>>) dst(%arg10 : memref<32x1024xf32, #tpu.memory_space<vmem>>)
    %add3A_607 = arith.constant 96 : i32
    %add3A_608 = arith.addi %mul3A_2, %add3A_607 : i32
    %dma_start3A_609 = arith.constant 0 : i32
    %dma_start3A_610 = tpu.memref_slice %arg6[%add3A_608, %dma_start3A_609] : memref<16384x1024xf32, #tpu.memory_space<hbm>> -> memref<32x1024xf32, #tpu.memory_space<hbm>>
    %dma_start3A_611 = arith.constant 0 : i32
    %dma_start3A_612 = tpu.memref_slice %arg6[%add3A_608, %dma_start3A_611] : memref<16384x1024xf32, #tpu.memory_space<hbm>> -> memref<32x1024xf32, #tpu.memory_space<hbm>>
    tpu.enqueue_dma source(%arg10 : memref<32x1024xf32, #tpu.memory_space<vmem>>) target(%dma_start3A_612 : memref<32x1024xf32, #tpu.memory_space<hbm>>) target_semaphore(%arg16 : memref<!tpu.dma_semaphore, #tpu.memory_space<semaphore_mem>>)
    %add3A_613 = arith.constant 96 : i32
    %add3A_614 = arith.addi %mul3A_2, %add3A_613 : i32
    %dma_wait3A_615 = arith.constant 0 : i32
    %dma_wait3A_616 = tpu.memref_slice %arg6[%add3A_614, %dma_wait3A_615] : memref<16384x1024xf32, #tpu.memory_space<hbm>> -> memref<32x1024xf32, #tpu.memory_space<hbm>>
    %dma_wait3A_617 = arith.constant 0 : i32
    %dma_wait3A_618 = tpu.memref_slice %arg6[%add3A_614, %dma_wait3A_617] : memref<16384x1024xf32, #tpu.memory_space<hbm>> -> memref<32x1024xf32, #tpu.memory_space<hbm>>
    tpu.wait_dma2 semaphore(%arg16 : memref<!tpu.dma_semaphore, #tpu.memory_space<semaphore_mem>>) src(%arg10 : memref<32x1024xf32, #tpu.memory_space<vmem>>) dst(%dma_wait3A_618 : memref<32x1024xf32, #tpu.memory_space<hbm>>)
    %add3A_619 = arith.constant 192 : i32
    %add3A_620 = arith.addi %mul3A_2, %add3A_619 : i32
    %dma_start3A_621 = arith.constant 6 : i32
    %dma_start3A_622 = arith.constant 0 : i32
    %dma_start3A_623 = tpu.memref_slice %arg8[%dma_start3A_621, %dma_start3A_622] : memref<16x32xi32, #tpu.memory_space<vmem>> -> memref<1x32xi32, #tpu.memory_space<vmem>>
    %dma_start3A_624 = tpu.memref_squeeze %dma_start3A_623 : memref<1x32xi32, #tpu.memory_space<vmem>> -> memref<32xi32, #tpu.memory_space<vmem>>
    %dma_start3A_625 = arith.constant 0 : i32
    %dma_start3A_626 = arith.constant 0 : i32
    %dma_start3A_627 = tpu.memref_slice %arg4[%dma_start3A_625, %dma_start3A_626] : memref<50000x1024xf32, #tpu.memory_space<hbm>> -> memref<50000x1024xf32, #tpu.memory_space<hbm>>
    tpu.enqueue_indirect_dma source(%dma_start3A_627 : memref<50000x1024xf32, #tpu.memory_space<hbm>>) target(%arg10 : memref<32x1024xf32, #tpu.memory_space<vmem>>) offsets(%dma_start3A_624 : memref<32xi32, #tpu.memory_space<vmem>>) semaphore(%arg13 : memref<!tpu.dma_semaphore, #tpu.memory_space<semaphore_mem>>)
    %add3A_628 = arith.constant 128 : i32
    %add3A_629 = arith.addi %mul3A_2, %add3A_628 : i32
    %dma_wait3A_630 = arith.constant 4 : i32
    %dma_wait3A_631 = arith.constant 0 : i32
    %dma_wait3A_632 = tpu.memref_slice %arg8[%dma_wait3A_630, %dma_wait3A_631] : memref<16x32xi32, #tpu.memory_space<vmem>> -> memref<1x32xi32, #tpu.memory_space<vmem>>
    %dma_wait3A_633 = tpu.memref_squeeze %dma_wait3A_632 : memref<1x32xi32, #tpu.memory_space<vmem>> -> memref<32xi32, #tpu.memory_space<vmem>>
    %dma_wait3A_634 = arith.constant 0 : i32
    %dma_wait3A_635 = arith.constant 0 : i32
    %dma_wait3A_636 = tpu.memref_slice %arg4[%dma_wait3A_634, %dma_wait3A_635] : memref<50000x1024xf32, #tpu.memory_space<hbm>> -> memref<50000x1024xf32, #tpu.memory_space<hbm>>
    tpu.wait_indirect_dma semaphore(%arg14 : memref<!tpu.dma_semaphore, #tpu.memory_space<semaphore_mem>>) src(%dma_wait3A_636 : memref<50000x1024xf32, #tpu.memory_space<hbm>>) dst(%arg11 : memref<32x1024xf32, #tpu.memory_space<vmem>>)
    %add3A_637 = arith.constant 128 : i32
    %add3A_638 = arith.addi %mul3A_2, %add3A_637 : i32
    %dma_start3A_639 = arith.constant 0 : i32
    %dma_start3A_640 = tpu.memref_slice %arg6[%add3A_638, %dma_start3A_639] : memref<16384x1024xf32, #tpu.memory_space<hbm>> -> memref<32x1024xf32, #tpu.memory_space<hbm>>
    %dma_start3A_641 = arith.constant 0 : i32
    %dma_start3A_642 = tpu.memref_slice %arg6[%add3A_638, %dma_start3A_641] : memref<16384x1024xf32, #tpu.memory_space<hbm>> -> memref<32x1024xf32, #tpu.memory_space<hbm>>
    tpu.enqueue_dma source(%arg11 : memref<32x1024xf32, #tpu.memory_space<vmem>>) target(%dma_start3A_642 : memref<32x1024xf32, #tpu.memory_space<hbm>>) target_semaphore(%arg17 : memref<!tpu.dma_semaphore, #tpu.memory_space<semaphore_mem>>)
    %add3A_643 = arith.constant 128 : i32
    %add3A_644 = arith.addi %mul3A_2, %add3A_643 : i32
    %dma_wait3A_645 = arith.constant 0 : i32
    %dma_wait3A_646 = tpu.memref_slice %arg6[%add3A_644, %dma_wait3A_645] : memref<16384x1024xf32, #tpu.memory_space<hbm>> -> memref<32x1024xf32, #tpu.memory_space<hbm>>
    %dma_wait3A_647 = arith.constant 0 : i32
    %dma_wait3A_648 = tpu.memref_slice %arg6[%add3A_644, %dma_wait3A_647] : memref<16384x1024xf32, #tpu.memory_space<hbm>> -> memref<32x1024xf32, #tpu.memory_space<hbm>>
    tpu.wait_dma2 semaphore(%arg17 : memref<!tpu.dma_semaphore, #tpu.memory_space<semaphore_mem>>) src(%arg11 : memref<32x1024xf32, #tpu.memory_space<vmem>>) dst(%dma_wait3A_648 : memref<32x1024xf32, #tpu.memory_space<hbm>>)
    %add3A_649 = arith.constant 224 : i32
    %add3A_650 = arith.addi %mul3A_2, %add3A_649 : i32
    %dma_start3A_651 = arith.constant 7 : i32
    %dma_start3A_652 = arith.constant 0 : i32
    %dma_start3A_653 = tpu.memref_slice %arg8[%dma_start3A_651, %dma_start3A_652] : memref<16x32xi32, #tpu.memory_space<vmem>> -> memref<1x32xi32, #tpu.memory_space<vmem>>
    %dma_start3A_654 = tpu.memref_squeeze %dma_start3A_653 : memref<1x32xi32, #tpu.memory_space<vmem>> -> memref<32xi32, #tpu.memory_space<vmem>>
    %dma_start3A_655 = arith.constant 0 : i32
    %dma_start3A_656 = arith.constant 0 : i32
    %dma_start3A_657 = tpu.memref_slice %arg4[%dma_start3A_655, %dma_start3A_656] : memref<50000x1024xf32, #tpu.memory_space<hbm>> -> memref<50000x1024xf32, #tpu.memory_space<hbm>>
    tpu.enqueue_indirect_dma source(%dma_start3A_657 : memref<50000x1024xf32, #tpu.memory_space<hbm>>) target(%arg11 : memref<32x1024xf32, #tpu.memory_space<vmem>>) offsets(%dma_start3A_654 : memref<32xi32, #tpu.memory_space<vmem>>) semaphore(%arg14 : memref<!tpu.dma_semaphore, #tpu.memory_space<semaphore_mem>>)
    %add3A_658 = arith.constant 160 : i32
    %add3A_659 = arith.addi %mul3A_2, %add3A_658 : i32
    %dma_wait3A_660 = arith.constant 5 : i32
    %dma_wait3A_661 = arith.constant 0 : i32
    %dma_wait3A_662 = tpu.memref_slice %arg8[%dma_wait3A_660, %dma_wait3A_661] : memref<16x32xi32, #tpu.memory_space<vmem>> -> memref<1x32xi32, #tpu.memory_space<vmem>>
    %dma_wait3A_663 = tpu.memref_squeeze %dma_wait3A_662 : memref<1x32xi32, #tpu.memory_space<vmem>> -> memref<32xi32, #tpu.memory_space<vmem>>
    %dma_wait3A_664 = arith.constant 0 : i32
    %dma_wait3A_665 = arith.constant 0 : i32
    %dma_wait3A_666 = tpu.memref_slice %arg4[%dma_wait3A_664, %dma_wait3A_665] : memref<50000x1024xf32, #tpu.memory_space<hbm>> -> memref<50000x1024xf32, #tpu.memory_space<hbm>>
    tpu.wait_indirect_dma semaphore(%arg12 : memref<!tpu.dma_semaphore, #tpu.memory_space<semaphore_mem>>) src(%dma_wait3A_666 : memref<50000x1024xf32, #tpu.memory_space<hbm>>) dst(%arg9 : memref<32x1024xf32, #tpu.memory_space<vmem>>)
    %add3A_667 = arith.constant 160 : i32
    %add3A_668 = arith.addi %mul3A_2, %add3A_667 : i32
    %dma_start3A_669 = arith.constant 0 : i32
    %dma_start3A_670 = tpu.memref_slice %arg6[%add3A_668, %dma_start3A_669] : memref<16384x1024xf32, #tpu.memory_space<hbm>> -> memref<32x1024xf32, #tpu.memory_space<hbm>>
    %dma_start3A_671 = arith.constant 0 : i32
    %dma_start3A_672 = tpu.memref_slice %arg6[%add3A_668, %dma_start3A_671] : memref<16384x1024xf32, #tpu.memory_space<hbm>> -> memref<32x1024xf32, #tpu.memory_space<hbm>>
    tpu.enqueue_dma source(%arg9 : memref<32x1024xf32, #tpu.memory_space<vmem>>) target(%dma_start3A_672 : memref<32x1024xf32, #tpu.memory_space<hbm>>) target_semaphore(%arg15 : memref<!tpu.dma_semaphore, #tpu.memory_space<semaphore_mem>>)
    %add3A_673 = arith.constant 160 : i32
    %add3A_674 = arith.addi %mul3A_2, %add3A_673 : i32
    %dma_wait3A_675 = arith.constant 0 : i32
    %dma_wait3A_676 = tpu.memref_slice %arg6[%add3A_674, %dma_wait3A_675] : memref<16384x1024xf32, #tpu.memory_space<hbm>> -> memref<32x1024xf32, #tpu.memory_space<hbm>>
    %dma_wait3A_677 = arith.constant 0 : i32
    %dma_wait3A_678 = tpu.memref_slice %arg6[%add3A_674, %dma_wait3A_677] : memref<16384x1024xf32, #tpu.memory_space<hbm>> -> memref<32x1024xf32, #tpu.memory_space<hbm>>
    tpu.wait_dma2 semaphore(%arg15 : memref<!tpu.dma_semaphore, #tpu.memory_space<semaphore_mem>>) src(%arg9 : memref<32x1024xf32, #tpu.memory_space<vmem>>) dst(%dma_wait3A_678 : memref<32x1024xf32, #tpu.memory_space<hbm>>)
    %add3A_679 = arith.constant 256 : i32
    %add3A_680 = arith.addi %mul3A_2, %add3A_679 : i32
    %dma_start3A_681 = arith.constant 8 : i32
    %dma_start3A_682 = arith.constant 0 : i32
    %dma_start3A_683 = tpu.memref_slice %arg8[%dma_start3A_681, %dma_start3A_682] : memref<16x32xi32, #tpu.memory_space<vmem>> -> memref<1x32xi32, #tpu.memory_space<vmem>>
    %dma_start3A_684 = tpu.memref_squeeze %dma_start3A_683 : memref<1x32xi32, #tpu.memory_space<vmem>> -> memref<32xi32, #tpu.memory_space<vmem>>
    %dma_start3A_685 = arith.constant 0 : i32
    %dma_start3A_686 = arith.constant 0 : i32
    %dma_start3A_687 = tpu.memref_slice %arg4[%dma_start3A_685, %dma_start3A_686] : memref<50000x1024xf32, #tpu.memory_space<hbm>> -> memref<50000x1024xf32, #tpu.memory_space<hbm>>
    tpu.enqueue_indirect_dma source(%dma_start3A_687 : memref<50000x1024xf32, #tpu.memory_space<hbm>>) target(%arg9 : memref<32x1024xf32, #tpu.memory_space<vmem>>) offsets(%dma_start3A_684 : memref<32xi32, #tpu.memory_space<vmem>>) semaphore(%arg12 : memref<!tpu.dma_semaphore, #tpu.memory_space<semaphore_mem>>)
    %add3A_688 = arith.constant 192 : i32
    %add3A_689 = arith.addi %mul3A_2, %add3A_688 : i32
    %dma_wait3A_690 = arith.constant 6 : i32
    %dma_wait3A_691 = arith.constant 0 : i32
    %dma_wait3A_692 = tpu.memref_slice %arg8[%dma_wait3A_690, %dma_wait3A_691] : memref<16x32xi32, #tpu.memory_space<vmem>> -> memref<1x32xi32, #tpu.memory_space<vmem>>
    %dma_wait3A_693 = tpu.memref_squeeze %dma_wait3A_692 : memref<1x32xi32, #tpu.memory_space<vmem>> -> memref<32xi32, #tpu.memory_space<vmem>>
    %dma_wait3A_694 = arith.constant 0 : i32
    %dma_wait3A_695 = arith.constant 0 : i32
    %dma_wait3A_696 = tpu.memref_slice %arg4[%dma_wait3A_694, %dma_wait3A_695] : memref<50000x1024xf32, #tpu.memory_space<hbm>> -> memref<50000x1024xf32, #tpu.memory_space<hbm>>
    tpu.wait_indirect_dma semaphore(%arg13 : memref<!tpu.dma_semaphore, #tpu.memory_space<semaphore_mem>>) src(%dma_wait3A_696 : memref<50000x1024xf32, #tpu.memory_space<hbm>>) dst(%arg10 : memref<32x1024xf32, #tpu.memory_space<vmem>>)
    %add3A_697 = arith.constant 192 : i32
    %add3A_698 = arith.addi %mul3A_2, %add3A_697 : i32
    %dma_start3A_699 = arith.constant 0 : i32
    %dma_start3A_700 = tpu.memref_slice %arg6[%add3A_698, %dma_start3A_699] : memref<16384x1024xf32, #tpu.memory_space<hbm>> -> memref<32x1024xf32, #tpu.memory_space<hbm>>
    %dma_start3A_701 = arith.constant 0 : i32
    %dma_start3A_702 = tpu.memref_slice %arg6[%add3A_698, %dma_start3A_701] : memref<16384x1024xf32, #tpu.memory_space<hbm>> -> memref<32x1024xf32, #tpu.memory_space<hbm>>
    tpu.enqueue_dma source(%arg10 : memref<32x1024xf32, #tpu.memory_space<vmem>>) target(%dma_start3A_702 : memref<32x1024xf32, #tpu.memory_space<hbm>>) target_semaphore(%arg16 : memref<!tpu.dma_semaphore, #tpu.memory_space<semaphore_mem>>)
    %add3A_703 = arith.constant 192 : i32
    %add3A_704 = arith.addi %mul3A_2, %add3A_703 : i32
    %dma_wait3A_705 = arith.constant 0 : i32
    %dma_wait3A_706 = tpu.memref_slice %arg6[%add3A_704, %dma_wait3A_705] : memref<16384x1024xf32, #tpu.memory_space<hbm>> -> memref<32x1024xf32, #tpu.memory_space<hbm>>
    %dma_wait3A_707 = arith.constant 0 : i32
    %dma_wait3A_708 = tpu.memref_slice %arg6[%add3A_704, %dma_wait3A_707] : memref<16384x1024xf32, #tpu.memory_space<hbm>> -> memref<32x1024xf32, #tpu.memory_space<hbm>>
    tpu.wait_dma2 semaphore(%arg16 : memref<!tpu.dma_semaphore, #tpu.memory_space<semaphore_mem>>) src(%arg10 : memref<32x1024xf32, #tpu.memory_space<vmem>>) dst(%dma_wait3A_708 : memref<32x1024xf32, #tpu.memory_space<hbm>>)
    %add3A_709 = arith.constant 288 : i32
    %add3A_710 = arith.addi %mul3A_2, %add3A_709 : i32
    %dma_start3A_711 = arith.constant 9 : i32
    %dma_start3A_712 = arith.constant 0 : i32
    %dma_start3A_713 = tpu.memref_slice %arg8[%dma_start3A_711, %dma_start3A_712] : memref<16x32xi32, #tpu.memory_space<vmem>> -> memref<1x32xi32, #tpu.memory_space<vmem>>
    %dma_start3A_714 = tpu.memref_squeeze %dma_start3A_713 : memref<1x32xi32, #tpu.memory_space<vmem>> -> memref<32xi32, #tpu.memory_space<vmem>>
    %dma_start3A_715 = arith.constant 0 : i32
    %dma_start3A_716 = arith.constant 0 : i32
    %dma_start3A_717 = tpu.memref_slice %arg4[%dma_start3A_715, %dma_start3A_716] : memref<50000x1024xf32, #tpu.memory_space<hbm>> -> memref<50000x1024xf32, #tpu.memory_space<hbm>>
    tpu.enqueue_indirect_dma source(%dma_start3A_717 : memref<50000x1024xf32, #tpu.memory_space<hbm>>) target(%arg10 : memref<32x1024xf32, #tpu.memory_space<vmem>>) offsets(%dma_start3A_714 : memref<32xi32, #tpu.memory_space<vmem>>) semaphore(%arg13 : memref<!tpu.dma_semaphore, #tpu.memory_space<semaphore_mem>>)
    %add3A_718 = arith.constant 224 : i32
    %add3A_719 = arith.addi %mul3A_2, %add3A_718 : i32
    %dma_wait3A_720 = arith.constant 7 : i32
    %dma_wait3A_721 = arith.constant 0 : i32
    %dma_wait3A_722 = tpu.memref_slice %arg8[%dma_wait3A_720, %dma_wait3A_721] : memref<16x32xi32, #tpu.memory_space<vmem>> -> memref<1x32xi32, #tpu.memory_space<vmem>>
    %dma_wait3A_723 = tpu.memref_squeeze %dma_wait3A_722 : memref<1x32xi32, #tpu.memory_space<vmem>> -> memref<32xi32, #tpu.memory_space<vmem>>
    %dma_wait3A_724 = arith.constant 0 : i32
    %dma_wait3A_725 = arith.constant 0 : i32
    %dma_wait3A_726 = tpu.memref_slice %arg4[%dma_wait3A_724, %dma_wait3A_725] : memref<50000x1024xf32, #tpu.memory_space<hbm>> -> memref<50000x1024xf32, #tpu.memory_space<hbm>>
    tpu.wait_indirect_dma semaphore(%arg14 : memref<!tpu.dma_semaphore, #tpu.memory_space<semaphore_mem>>) src(%dma_wait3A_726 : memref<50000x1024xf32, #tpu.memory_space<hbm>>) dst(%arg11 : memref<32x1024xf32, #tpu.memory_space<vmem>>)
    %add3A_727 = arith.constant 224 : i32
    %add3A_728 = arith.addi %mul3A_2, %add3A_727 : i32
    %dma_start3A_729 = arith.constant 0 : i32
    %dma_start3A_730 = tpu.memref_slice %arg6[%add3A_728, %dma_start3A_729] : memref<16384x1024xf32, #tpu.memory_space<hbm>> -> memref<32x1024xf32, #tpu.memory_space<hbm>>
    %dma_start3A_731 = arith.constant 0 : i32
    %dma_start3A_732 = tpu.memref_slice %arg6[%add3A_728, %dma_start3A_731] : memref<16384x1024xf32, #tpu.memory_space<hbm>> -> memref<32x1024xf32, #tpu.memory_space<hbm>>
    tpu.enqueue_dma source(%arg11 : memref<32x1024xf32, #tpu.memory_space<vmem>>) target(%dma_start3A_732 : memref<32x1024xf32, #tpu.memory_space<hbm>>) target_semaphore(%arg17 : memref<!tpu.dma_semaphore, #tpu.memory_space<semaphore_mem>>)
    %add3A_733 = arith.constant 224 : i32
    %add3A_734 = arith.addi %mul3A_2, %add3A_733 : i32
    %dma_wait3A_735 = arith.constant 0 : i32
    %dma_wait3A_736 = tpu.memref_slice %arg6[%add3A_734, %dma_wait3A_735] : memref<16384x1024xf32, #tpu.memory_space<hbm>> -> memref<32x1024xf32, #tpu.memory_space<hbm>>
    %dma_wait3A_737 = arith.constant 0 : i32
    %dma_wait3A_738 = tpu.memref_slice %arg6[%add3A_734, %dma_wait3A_737] : memref<16384x1024xf32, #tpu.memory_space<hbm>> -> memref<32x1024xf32, #tpu.memory_space<hbm>>
    tpu.wait_dma2 semaphore(%arg17 : memref<!tpu.dma_semaphore, #tpu.memory_space<semaphore_mem>>) src(%arg11 : memref<32x1024xf32, #tpu.memory_space<vmem>>) dst(%dma_wait3A_738 : memref<32x1024xf32, #tpu.memory_space<hbm>>)
    %add3A_739 = arith.constant 320 : i32
    %add3A_740 = arith.addi %mul3A_2, %add3A_739 : i32
    %dma_start3A_741 = arith.constant 10 : i32
    %dma_start3A_742 = arith.constant 0 : i32
    %dma_start3A_743 = tpu.memref_slice %arg8[%dma_start3A_741, %dma_start3A_742] : memref<16x32xi32, #tpu.memory_space<vmem>> -> memref<1x32xi32, #tpu.memory_space<vmem>>
    %dma_start3A_744 = tpu.memref_squeeze %dma_start3A_743 : memref<1x32xi32, #tpu.memory_space<vmem>> -> memref<32xi32, #tpu.memory_space<vmem>>
    %dma_start3A_745 = arith.constant 0 : i32
    %dma_start3A_746 = arith.constant 0 : i32
    %dma_start3A_747 = tpu.memref_slice %arg4[%dma_start3A_745, %dma_start3A_746] : memref<50000x1024xf32, #tpu.memory_space<hbm>> -> memref<50000x1024xf32, #tpu.memory_space<hbm>>
    tpu.enqueue_indirect_dma source(%dma_start3A_747 : memref<50000x1024xf32, #tpu.memory_space<hbm>>) target(%arg11 : memref<32x1024xf32, #tpu.memory_space<vmem>>) offsets(%dma_start3A_744 : memref<32xi32, #tpu.memory_space<vmem>>) semaphore(%arg14 : memref<!tpu.dma_semaphore, #tpu.memory_space<semaphore_mem>>)
    %add3A_748 = arith.constant 256 : i32
    %add3A_749 = arith.addi %mul3A_2, %add3A_748 : i32
    %dma_wait3A_750 = arith.constant 8 : i32
    %dma_wait3A_751 = arith.constant 0 : i32
    %dma_wait3A_752 = tpu.memref_slice %arg8[%dma_wait3A_750, %dma_wait3A_751] : memref<16x32xi32, #tpu.memory_space<vmem>> -> memref<1x32xi32, #tpu.memory_space<vmem>>
    %dma_wait3A_753 = tpu.memref_squeeze %dma_wait3A_752 : memref<1x32xi32, #tpu.memory_space<vmem>> -> memref<32xi32, #tpu.memory_space<vmem>>
    %dma_wait3A_754 = arith.constant 0 : i32
    %dma_wait3A_755 = arith.constant 0 : i32
    %dma_wait3A_756 = tpu.memref_slice %arg4[%dma_wait3A_754, %dma_wait3A_755] : memref<50000x1024xf32, #tpu.memory_space<hbm>> -> memref<50000x1024xf32, #tpu.memory_space<hbm>>
    tpu.wait_indirect_dma semaphore(%arg12 : memref<!tpu.dma_semaphore, #tpu.memory_space<semaphore_mem>>) src(%dma_wait3A_756 : memref<50000x1024xf32, #tpu.memory_space<hbm>>) dst(%arg9 : memref<32x1024xf32, #tpu.memory_space<vmem>>)
    %add3A_757 = arith.constant 256 : i32
    %add3A_758 = arith.addi %mul3A_2, %add3A_757 : i32
    %dma_start3A_759 = arith.constant 0 : i32
    %dma_start3A_760 = tpu.memref_slice %arg6[%add3A_758, %dma_start3A_759] : memref<16384x1024xf32, #tpu.memory_space<hbm>> -> memref<32x1024xf32, #tpu.memory_space<hbm>>
    %dma_start3A_761 = arith.constant 0 : i32
    %dma_start3A_762 = tpu.memref_slice %arg6[%add3A_758, %dma_start3A_761] : memref<16384x1024xf32, #tpu.memory_space<hbm>> -> memref<32x1024xf32, #tpu.memory_space<hbm>>
    tpu.enqueue_dma source(%arg9 : memref<32x1024xf32, #tpu.memory_space<vmem>>) target(%dma_start3A_762 : memref<32x1024xf32, #tpu.memory_space<hbm>>) target_semaphore(%arg15 : memref<!tpu.dma_semaphore, #tpu.memory_space<semaphore_mem>>)
    %add3A_763 = arith.constant 256 : i32
    %add3A_764 = arith.addi %mul3A_2, %add3A_763 : i32
    %dma_wait3A_765 = arith.constant 0 : i32
    %dma_wait3A_766 = tpu.memref_slice %arg6[%add3A_764, %dma_wait3A_765] : memref<16384x1024xf32, #tpu.memory_space<hbm>> -> memref<32x1024xf32, #tpu.memory_space<hbm>>
    %dma_wait3A_767 = arith.constant 0 : i32
    %dma_wait3A_768 = tpu.memref_slice %arg6[%add3A_764, %dma_wait3A_767] : memref<16384x1024xf32, #tpu.memory_space<hbm>> -> memref<32x1024xf32, #tpu.memory_space<hbm>>
    tpu.wait_dma2 semaphore(%arg15 : memref<!tpu.dma_semaphore, #tpu.memory_space<semaphore_mem>>) src(%arg9 : memref<32x1024xf32, #tpu.memory_space<vmem>>) dst(%dma_wait3A_768 : memref<32x1024xf32, #tpu.memory_space<hbm>>)
    %add3A_769 = arith.constant 352 : i32
    %add3A_770 = arith.addi %mul3A_2, %add3A_769 : i32
    %dma_start3A_771 = arith.constant 11 : i32
    %dma_start3A_772 = arith.constant 0 : i32
    %dma_start3A_773 = tpu.memref_slice %arg8[%dma_start3A_771, %dma_start3A_772] : memref<16x32xi32, #tpu.memory_space<vmem>> -> memref<1x32xi32, #tpu.memory_space<vmem>>
    %dma_start3A_774 = tpu.memref_squeeze %dma_start3A_773 : memref<1x32xi32, #tpu.memory_space<vmem>> -> memref<32xi32, #tpu.memory_space<vmem>>
    %dma_start3A_775 = arith.constant 0 : i32
    %dma_start3A_776 = arith.constant 0 : i32
    %dma_start3A_777 = tpu.memref_slice %arg4[%dma_start3A_775, %dma_start3A_776] : memref<50000x1024xf32, #tpu.memory_space<hbm>> -> memref<50000x1024xf32, #tpu.memory_space<hbm>>
    tpu.enqueue_indirect_dma source(%dma_start3A_777 : memref<50000x1024xf32, #tpu.memory_space<hbm>>) target(%arg9 : memref<32x1024xf32, #tpu.memory_space<vmem>>) offsets(%dma_start3A_774 : memref<32xi32, #tpu.memory_space<vmem>>) semaphore(%arg12 : memref<!tpu.dma_semaphore, #tpu.memory_space<semaphore_mem>>)
    %add3A_778 = arith.constant 288 : i32
    %add3A_779 = arith.addi %mul3A_2, %add3A_778 : i32
    %dma_wait3A_780 = arith.constant 9 : i32
    %dma_wait3A_781 = arith.constant 0 : i32
    %dma_wait3A_782 = tpu.memref_slice %arg8[%dma_wait3A_780, %dma_wait3A_781] : memref<16x32xi32, #tpu.memory_space<vmem>> -> memref<1x32xi32, #tpu.memory_space<vmem>>
    %dma_wait3A_783 = tpu.memref_squeeze %dma_wait3A_782 : memref<1x32xi32, #tpu.memory_space<vmem>> -> memref<32xi32, #tpu.memory_space<vmem>>
    %dma_wait3A_784 = arith.constant 0 : i32
    %dma_wait3A_785 = arith.constant 0 : i32
    %dma_wait3A_786 = tpu.memref_slice %arg4[%dma_wait3A_784, %dma_wait3A_785] : memref<50000x1024xf32, #tpu.memory_space<hbm>> -> memref<50000x1024xf32, #tpu.memory_space<hbm>>
    tpu.wait_indirect_dma semaphore(%arg13 : memref<!tpu.dma_semaphore, #tpu.memory_space<semaphore_mem>>) src(%dma_wait3A_786 : memref<50000x1024xf32, #tpu.memory_space<hbm>>) dst(%arg10 : memref<32x1024xf32, #tpu.memory_space<vmem>>)
    %add3A_787 = arith.constant 288 : i32
    %add3A_788 = arith.addi %mul3A_2, %add3A_787 : i32
    %dma_start3A_789 = arith.constant 0 : i32
    %dma_start3A_790 = tpu.memref_slice %arg6[%add3A_788, %dma_start3A_789] : memref<16384x1024xf32, #tpu.memory_space<hbm>> -> memref<32x1024xf32, #tpu.memory_space<hbm>>
    %dma_start3A_791 = arith.constant 0 : i32
    %dma_start3A_792 = tpu.memref_slice %arg6[%add3A_788, %dma_start3A_791] : memref<16384x1024xf32, #tpu.memory_space<hbm>> -> memref<32x1024xf32, #tpu.memory_space<hbm>>
    tpu.enqueue_dma source(%arg10 : memref<32x1024xf32, #tpu.memory_space<vmem>>) target(%dma_start3A_792 : memref<32x1024xf32, #tpu.memory_space<hbm>>) target_semaphore(%arg16 : memref<!tpu.dma_semaphore, #tpu.memory_space<semaphore_mem>>)
    %add3A_793 = arith.constant 288 : i32
    %add3A_794 = arith.addi %mul3A_2, %add3A_793 : i32
    %dma_wait3A_795 = arith.constant 0 : i32
    %dma_wait3A_796 = tpu.memref_slice %arg6[%add3A_794, %dma_wait3A_795] : memref<16384x1024xf32, #tpu.memory_space<hbm>> -> memref<32x1024xf32, #tpu.memory_space<hbm>>
    %dma_wait3A_797 = arith.constant 0 : i32
    %dma_wait3A_798 = tpu.memref_slice %arg6[%add3A_794, %dma_wait3A_797] : memref<16384x1024xf32, #tpu.memory_space<hbm>> -> memref<32x1024xf32, #tpu.memory_space<hbm>>
    tpu.wait_dma2 semaphore(%arg16 : memref<!tpu.dma_semaphore, #tpu.memory_space<semaphore_mem>>) src(%arg10 : memref<32x1024xf32, #tpu.memory_space<vmem>>) dst(%dma_wait3A_798 : memref<32x1024xf32, #tpu.memory_space<hbm>>)
    %add3A_799 = arith.constant 384 : i32
    %add3A_800 = arith.addi %mul3A_2, %add3A_799 : i32
    %dma_start3A_801 = arith.constant 12 : i32
    %dma_start3A_802 = arith.constant 0 : i32
    %dma_start3A_803 = tpu.memref_slice %arg8[%dma_start3A_801, %dma_start3A_802] : memref<16x32xi32, #tpu.memory_space<vmem>> -> memref<1x32xi32, #tpu.memory_space<vmem>>
    %dma_start3A_804 = tpu.memref_squeeze %dma_start3A_803 : memref<1x32xi32, #tpu.memory_space<vmem>> -> memref<32xi32, #tpu.memory_space<vmem>>
    %dma_start3A_805 = arith.constant 0 : i32
    %dma_start3A_806 = arith.constant 0 : i32
    %dma_start3A_807 = tpu.memref_slice %arg4[%dma_start3A_805, %dma_start3A_806] : memref<50000x1024xf32, #tpu.memory_space<hbm>> -> memref<50000x1024xf32, #tpu.memory_space<hbm>>
    tpu.enqueue_indirect_dma source(%dma_start3A_807 : memref<50000x1024xf32, #tpu.memory_space<hbm>>) target(%arg10 : memref<32x1024xf32, #tpu.memory_space<vmem>>) offsets(%dma_start3A_804 : memref<32xi32, #tpu.memory_space<vmem>>) semaphore(%arg13 : memref<!tpu.dma_semaphore, #tpu.memory_space<semaphore_mem>>)
    %add3A_808 = arith.constant 320 : i32
    %add3A_809 = arith.addi %mul3A_2, %add3A_808 : i32
    %dma_wait3A_810 = arith.constant 10 : i32
    %dma_wait3A_811 = arith.constant 0 : i32
    %dma_wait3A_812 = tpu.memref_slice %arg8[%dma_wait3A_810, %dma_wait3A_811] : memref<16x32xi32, #tpu.memory_space<vmem>> -> memref<1x32xi32, #tpu.memory_space<vmem>>
    %dma_wait3A_813 = tpu.memref_squeeze %dma_wait3A_812 : memref<1x32xi32, #tpu.memory_space<vmem>> -> memref<32xi32, #tpu.memory_space<vmem>>
    %dma_wait3A_814 = arith.constant 0 : i32
    %dma_wait3A_815 = arith.constant 0 : i32
    %dma_wait3A_816 = tpu.memref_slice %arg4[%dma_wait3A_814, %dma_wait3A_815] : memref<50000x1024xf32, #tpu.memory_space<hbm>> -> memref<50000x1024xf32, #tpu.memory_space<hbm>>
    tpu.wait_indirect_dma semaphore(%arg14 : memref<!tpu.dma_semaphore, #tpu.memory_space<semaphore_mem>>) src(%dma_wait3A_816 : memref<50000x1024xf32, #tpu.memory_space<hbm>>) dst(%arg11 : memref<32x1024xf32, #tpu.memory_space<vmem>>)
    %add3A_817 = arith.constant 320 : i32
    %add3A_818 = arith.addi %mul3A_2, %add3A_817 : i32
    %dma_start3A_819 = arith.constant 0 : i32
    %dma_start3A_820 = tpu.memref_slice %arg6[%add3A_818, %dma_start3A_819] : memref<16384x1024xf32, #tpu.memory_space<hbm>> -> memref<32x1024xf32, #tpu.memory_space<hbm>>
    %dma_start3A_821 = arith.constant 0 : i32
    %dma_start3A_822 = tpu.memref_slice %arg6[%add3A_818, %dma_start3A_821] : memref<16384x1024xf32, #tpu.memory_space<hbm>> -> memref<32x1024xf32, #tpu.memory_space<hbm>>
    tpu.enqueue_dma source(%arg11 : memref<32x1024xf32, #tpu.memory_space<vmem>>) target(%dma_start3A_822 : memref<32x1024xf32, #tpu.memory_space<hbm>>) target_semaphore(%arg17 : memref<!tpu.dma_semaphore, #tpu.memory_space<semaphore_mem>>)
    %add3A_823 = arith.constant 320 : i32
    %add3A_824 = arith.addi %mul3A_2, %add3A_823 : i32
    %dma_wait3A_825 = arith.constant 0 : i32
    %dma_wait3A_826 = tpu.memref_slice %arg6[%add3A_824, %dma_wait3A_825] : memref<16384x1024xf32, #tpu.memory_space<hbm>> -> memref<32x1024xf32, #tpu.memory_space<hbm>>
    %dma_wait3A_827 = arith.constant 0 : i32
    %dma_wait3A_828 = tpu.memref_slice %arg6[%add3A_824, %dma_wait3A_827] : memref<16384x1024xf32, #tpu.memory_space<hbm>> -> memref<32x1024xf32, #tpu.memory_space<hbm>>
    tpu.wait_dma2 semaphore(%arg17 : memref<!tpu.dma_semaphore, #tpu.memory_space<semaphore_mem>>) src(%arg11 : memref<32x1024xf32, #tpu.memory_space<vmem>>) dst(%dma_wait3A_828 : memref<32x1024xf32, #tpu.memory_space<hbm>>)
    %add3A_829 = arith.constant 416 : i32
    %add3A_830 = arith.addi %mul3A_2, %add3A_829 : i32
    %dma_start3A_831 = arith.constant 13 : i32
    %dma_start3A_832 = arith.constant 0 : i32
    %dma_start3A_833 = tpu.memref_slice %arg8[%dma_start3A_831, %dma_start3A_832] : memref<16x32xi32, #tpu.memory_space<vmem>> -> memref<1x32xi32, #tpu.memory_space<vmem>>
    %dma_start3A_834 = tpu.memref_squeeze %dma_start3A_833 : memref<1x32xi32, #tpu.memory_space<vmem>> -> memref<32xi32, #tpu.memory_space<vmem>>
    %dma_start3A_835 = arith.constant 0 : i32
    %dma_start3A_836 = arith.constant 0 : i32
    %dma_start3A_837 = tpu.memref_slice %arg4[%dma_start3A_835, %dma_start3A_836] : memref<50000x1024xf32, #tpu.memory_space<hbm>> -> memref<50000x1024xf32, #tpu.memory_space<hbm>>
    tpu.enqueue_indirect_dma source(%dma_start3A_837 : memref<50000x1024xf32, #tpu.memory_space<hbm>>) target(%arg11 : memref<32x1024xf32, #tpu.memory_space<vmem>>) offsets(%dma_start3A_834 : memref<32xi32, #tpu.memory_space<vmem>>) semaphore(%arg14 : memref<!tpu.dma_semaphore, #tpu.memory_space<semaphore_mem>>)
    %add3A_838 = arith.constant 352 : i32
    %add3A_839 = arith.addi %mul3A_2, %add3A_838 : i32
    %dma_wait3A_840 = arith.constant 11 : i32
    %dma_wait3A_841 = arith.constant 0 : i32
    %dma_wait3A_842 = tpu.memref_slice %arg8[%dma_wait3A_840, %dma_wait3A_841] : memref<16x32xi32, #tpu.memory_space<vmem>> -> memref<1x32xi32, #tpu.memory_space<vmem>>
    %dma_wait3A_843 = tpu.memref_squeeze %dma_wait3A_842 : memref<1x32xi32, #tpu.memory_space<vmem>> -> memref<32xi32, #tpu.memory_space<vmem>>
    %dma_wait3A_844 = arith.constant 0 : i32
    %dma_wait3A_845 = arith.constant 0 : i32
    %dma_wait3A_846 = tpu.memref_slice %arg4[%dma_wait3A_844, %dma_wait3A_845] : memref<50000x1024xf32, #tpu.memory_space<hbm>> -> memref<50000x1024xf32, #tpu.memory_space<hbm>>
    tpu.wait_indirect_dma semaphore(%arg12 : memref<!tpu.dma_semaphore, #tpu.memory_space<semaphore_mem>>) src(%dma_wait3A_846 : memref<50000x1024xf32, #tpu.memory_space<hbm>>) dst(%arg9 : memref<32x1024xf32, #tpu.memory_space<vmem>>)
    %add3A_847 = arith.constant 352 : i32
    %add3A_848 = arith.addi %mul3A_2, %add3A_847 : i32
    %dma_start3A_849 = arith.constant 0 : i32
    %dma_start3A_850 = tpu.memref_slice %arg6[%add3A_848, %dma_start3A_849] : memref<16384x1024xf32, #tpu.memory_space<hbm>> -> memref<32x1024xf32, #tpu.memory_space<hbm>>
    %dma_start3A_851 = arith.constant 0 : i32
    %dma_start3A_852 = tpu.memref_slice %arg6[%add3A_848, %dma_start3A_851] : memref<16384x1024xf32, #tpu.memory_space<hbm>> -> memref<32x1024xf32, #tpu.memory_space<hbm>>
    tpu.enqueue_dma source(%arg9 : memref<32x1024xf32, #tpu.memory_space<vmem>>) target(%dma_start3A_852 : memref<32x1024xf32, #tpu.memory_space<hbm>>) target_semaphore(%arg15 : memref<!tpu.dma_semaphore, #tpu.memory_space<semaphore_mem>>)
    %add3A_853 = arith.constant 352 : i32
    %add3A_854 = arith.addi %mul3A_2, %add3A_853 : i32
    %dma_wait3A_855 = arith.constant 0 : i32
    %dma_wait3A_856 = tpu.memref_slice %arg6[%add3A_854, %dma_wait3A_855] : memref<16384x1024xf32, #tpu.memory_space<hbm>> -> memref<32x1024xf32, #tpu.memory_space<hbm>>
    %dma_wait3A_857 = arith.constant 0 : i32
    %dma_wait3A_858 = tpu.memref_slice %arg6[%add3A_854, %dma_wait3A_857] : memref<16384x1024xf32, #tpu.memory_space<hbm>> -> memref<32x1024xf32, #tpu.memory_space<hbm>>
    tpu.wait_dma2 semaphore(%arg15 : memref<!tpu.dma_semaphore, #tpu.memory_space<semaphore_mem>>) src(%arg9 : memref<32x1024xf32, #tpu.memory_space<vmem>>) dst(%dma_wait3A_858 : memref<32x1024xf32, #tpu.memory_space<hbm>>)
    %add3A_859 = arith.constant 448 : i32
    %add3A_860 = arith.addi %mul3A_2, %add3A_859 : i32
    %dma_start3A_861 = arith.constant 14 : i32
    %dma_start3A_862 = arith.constant 0 : i32
    %dma_start3A_863 = tpu.memref_slice %arg8[%dma_start3A_861, %dma_start3A_862] : memref<16x32xi32, #tpu.memory_space<vmem>> -> memref<1x32xi32, #tpu.memory_space<vmem>>
    %dma_start3A_864 = tpu.memref_squeeze %dma_start3A_863 : memref<1x32xi32, #tpu.memory_space<vmem>> -> memref<32xi32, #tpu.memory_space<vmem>>
    %dma_start3A_865 = arith.constant 0 : i32
    %dma_start3A_866 = arith.constant 0 : i32
    %dma_start3A_867 = tpu.memref_slice %arg4[%dma_start3A_865, %dma_start3A_866] : memref<50000x1024xf32, #tpu.memory_space<hbm>> -> memref<50000x1024xf32, #tpu.memory_space<hbm>>
    tpu.enqueue_indirect_dma source(%dma_start3A_867 : memref<50000x1024xf32, #tpu.memory_space<hbm>>) target(%arg9 : memref<32x1024xf32, #tpu.memory_space<vmem>>) offsets(%dma_start3A_864 : memref<32xi32, #tpu.memory_space<vmem>>) semaphore(%arg12 : memref<!tpu.dma_semaphore, #tpu.memory_space<semaphore_mem>>)
    %add3A_868 = arith.constant 384 : i32
    %add3A_869 = arith.addi %mul3A_2, %add3A_868 : i32
    %dma_wait3A_870 = arith.constant 12 : i32
    %dma_wait3A_871 = arith.constant 0 : i32
    %dma_wait3A_872 = tpu.memref_slice %arg8[%dma_wait3A_870, %dma_wait3A_871] : memref<16x32xi32, #tpu.memory_space<vmem>> -> memref<1x32xi32, #tpu.memory_space<vmem>>
    %dma_wait3A_873 = tpu.memref_squeeze %dma_wait3A_872 : memref<1x32xi32, #tpu.memory_space<vmem>> -> memref<32xi32, #tpu.memory_space<vmem>>
    %dma_wait3A_874 = arith.constant 0 : i32
    %dma_wait3A_875 = arith.constant 0 : i32
    %dma_wait3A_876 = tpu.memref_slice %arg4[%dma_wait3A_874, %dma_wait3A_875] : memref<50000x1024xf32, #tpu.memory_space<hbm>> -> memref<50000x1024xf32, #tpu.memory_space<hbm>>
    tpu.wait_indirect_dma semaphore(%arg13 : memref<!tpu.dma_semaphore, #tpu.memory_space<semaphore_mem>>) src(%dma_wait3A_876 : memref<50000x1024xf32, #tpu.memory_space<hbm>>) dst(%arg10 : memref<32x1024xf32, #tpu.memory_space<vmem>>)
    %add3A_877 = arith.constant 384 : i32
    %add3A_878 = arith.addi %mul3A_2, %add3A_877 : i32
    %dma_start3A_879 = arith.constant 0 : i32
    %dma_start3A_880 = tpu.memref_slice %arg6[%add3A_878, %dma_start3A_879] : memref<16384x1024xf32, #tpu.memory_space<hbm>> -> memref<32x1024xf32, #tpu.memory_space<hbm>>
    %dma_start3A_881 = arith.constant 0 : i32
    %dma_start3A_882 = tpu.memref_slice %arg6[%add3A_878, %dma_start3A_881] : memref<16384x1024xf32, #tpu.memory_space<hbm>> -> memref<32x1024xf32, #tpu.memory_space<hbm>>
    tpu.enqueue_dma source(%arg10 : memref<32x1024xf32, #tpu.memory_space<vmem>>) target(%dma_start3A_882 : memref<32x1024xf32, #tpu.memory_space<hbm>>) target_semaphore(%arg16 : memref<!tpu.dma_semaphore, #tpu.memory_space<semaphore_mem>>)
    %add3A_883 = arith.constant 384 : i32
    %add3A_884 = arith.addi %mul3A_2, %add3A_883 : i32
    %dma_wait3A_885 = arith.constant 0 : i32
    %dma_wait3A_886 = tpu.memref_slice %arg6[%add3A_884, %dma_wait3A_885] : memref<16384x1024xf32, #tpu.memory_space<hbm>> -> memref<32x1024xf32, #tpu.memory_space<hbm>>
    %dma_wait3A_887 = arith.constant 0 : i32
    %dma_wait3A_888 = tpu.memref_slice %arg6[%add3A_884, %dma_wait3A_887] : memref<16384x1024xf32, #tpu.memory_space<hbm>> -> memref<32x1024xf32, #tpu.memory_space<hbm>>
    tpu.wait_dma2 semaphore(%arg16 : memref<!tpu.dma_semaphore, #tpu.memory_space<semaphore_mem>>) src(%arg10 : memref<32x1024xf32, #tpu.memory_space<vmem>>) dst(%dma_wait3A_888 : memref<32x1024xf32, #tpu.memory_space<hbm>>)
    %add3A_889 = arith.constant 480 : i32
    %add3A_890 = arith.addi %mul3A_2, %add3A_889 : i32
    %dma_start3A_891 = arith.constant 15 : i32
    %dma_start3A_892 = arith.constant 0 : i32
    %dma_start3A_893 = tpu.memref_slice %arg8[%dma_start3A_891, %dma_start3A_892] : memref<16x32xi32, #tpu.memory_space<vmem>> -> memref<1x32xi32, #tpu.memory_space<vmem>>
    %dma_start3A_894 = tpu.memref_squeeze %dma_start3A_893 : memref<1x32xi32, #tpu.memory_space<vmem>> -> memref<32xi32, #tpu.memory_space<vmem>>
    %dma_start3A_895 = arith.constant 0 : i32
    %dma_start3A_896 = arith.constant 0 : i32
    %dma_start3A_897 = tpu.memref_slice %arg4[%dma_start3A_895, %dma_start3A_896] : memref<50000x1024xf32, #tpu.memory_space<hbm>> -> memref<50000x1024xf32, #tpu.memory_space<hbm>>
    tpu.enqueue_indirect_dma source(%dma_start3A_897 : memref<50000x1024xf32, #tpu.memory_space<hbm>>) target(%arg10 : memref<32x1024xf32, #tpu.memory_space<vmem>>) offsets(%dma_start3A_894 : memref<32xi32, #tpu.memory_space<vmem>>) semaphore(%arg13 : memref<!tpu.dma_semaphore, #tpu.memory_space<semaphore_mem>>)
    %add3A_898 = arith.constant 416 : i32
    %add3A_899 = arith.addi %mul3A_2, %add3A_898 : i32
    %dma_wait3A_900 = arith.constant 13 : i32
    %dma_wait3A_901 = arith.constant 0 : i32
    %dma_wait3A_902 = tpu.memref_slice %arg8[%dma_wait3A_900, %dma_wait3A_901] : memref<16x32xi32, #tpu.memory_space<vmem>> -> memref<1x32xi32, #tpu.memory_space<vmem>>
    %dma_wait3A_903 = tpu.memref_squeeze %dma_wait3A_902 : memref<1x32xi32, #tpu.memory_space<vmem>> -> memref<32xi32, #tpu.memory_space<vmem>>
    %dma_wait3A_904 = arith.constant 0 : i32
    %dma_wait3A_905 = arith.constant 0 : i32
    %dma_wait3A_906 = tpu.memref_slice %arg4[%dma_wait3A_904, %dma_wait3A_905] : memref<50000x1024xf32, #tpu.memory_space<hbm>> -> memref<50000x1024xf32, #tpu.memory_space<hbm>>
    tpu.wait_indirect_dma semaphore(%arg14 : memref<!tpu.dma_semaphore, #tpu.memory_space<semaphore_mem>>) src(%dma_wait3A_906 : memref<50000x1024xf32, #tpu.memory_space<hbm>>) dst(%arg11 : memref<32x1024xf32, #tpu.memory_space<vmem>>)
    %add3A_907 = arith.constant 416 : i32
    %add3A_908 = arith.addi %mul3A_2, %add3A_907 : i32
    %dma_start3A_909 = arith.constant 0 : i32
    %dma_start3A_910 = tpu.memref_slice %arg6[%add3A_908, %dma_start3A_909] : memref<16384x1024xf32, #tpu.memory_space<hbm>> -> memref<32x1024xf32, #tpu.memory_space<hbm>>
    %dma_start3A_911 = arith.constant 0 : i32
    %dma_start3A_912 = tpu.memref_slice %arg6[%add3A_908, %dma_start3A_911] : memref<16384x1024xf32, #tpu.memory_space<hbm>> -> memref<32x1024xf32, #tpu.memory_space<hbm>>
    tpu.enqueue_dma source(%arg11 : memref<32x1024xf32, #tpu.memory_space<vmem>>) target(%dma_start3A_912 : memref<32x1024xf32, #tpu.memory_space<hbm>>) target_semaphore(%arg17 : memref<!tpu.dma_semaphore, #tpu.memory_space<semaphore_mem>>)
    %add3A_913 = arith.constant 448 : i32
    %add3A_914 = arith.addi %mul3A_2, %add3A_913 : i32
    %dma_wait3A_915 = arith.constant 14 : i32
    %dma_wait3A_916 = arith.constant 0 : i32
    %dma_wait3A_917 = tpu.memref_slice %arg8[%dma_wait3A_915, %dma_wait3A_916] : memref<16x32xi32, #tpu.memory_space<vmem>> -> memref<1x32xi32, #tpu.memory_space<vmem>>
    %dma_wait3A_918 = tpu.memref_squeeze %dma_wait3A_917 : memref<1x32xi32, #tpu.memory_space<vmem>> -> memref<32xi32, #tpu.memory_space<vmem>>
    %dma_wait3A_919 = arith.constant 0 : i32
    %dma_wait3A_920 = arith.constant 0 : i32
    %dma_wait3A_921 = tpu.memref_slice %arg4[%dma_wait3A_919, %dma_wait3A_920] : memref<50000x1024xf32, #tpu.memory_space<hbm>> -> memref<50000x1024xf32, #tpu.memory_space<hbm>>
    tpu.wait_indirect_dma semaphore(%arg12 : memref<!tpu.dma_semaphore, #tpu.memory_space<semaphore_mem>>) src(%dma_wait3A_921 : memref<50000x1024xf32, #tpu.memory_space<hbm>>) dst(%arg9 : memref<32x1024xf32, #tpu.memory_space<vmem>>)
    %add3A_922 = arith.constant 448 : i32
    %add3A_923 = arith.addi %mul3A_2, %add3A_922 : i32
    %dma_start3A_924 = arith.constant 0 : i32
    %dma_start3A_925 = tpu.memref_slice %arg6[%add3A_923, %dma_start3A_924] : memref<16384x1024xf32, #tpu.memory_space<hbm>> -> memref<32x1024xf32, #tpu.memory_space<hbm>>
    %dma_start3A_926 = arith.constant 0 : i32
    %dma_start3A_927 = tpu.memref_slice %arg6[%add3A_923, %dma_start3A_926] : memref<16384x1024xf32, #tpu.memory_space<hbm>> -> memref<32x1024xf32, #tpu.memory_space<hbm>>
    tpu.enqueue_dma source(%arg9 : memref<32x1024xf32, #tpu.memory_space<vmem>>) target(%dma_start3A_927 : memref<32x1024xf32, #tpu.memory_space<hbm>>) target_semaphore(%arg15 : memref<!tpu.dma_semaphore, #tpu.memory_space<semaphore_mem>>)
    %add3A_928 = arith.constant 480 : i32
    %add3A_929 = arith.addi %mul3A_2, %add3A_928 : i32
    %dma_wait3A_930 = arith.constant 15 : i32
    %dma_wait3A_931 = arith.constant 0 : i32
    %dma_wait3A_932 = tpu.memref_slice %arg8[%dma_wait3A_930, %dma_wait3A_931] : memref<16x32xi32, #tpu.memory_space<vmem>> -> memref<1x32xi32, #tpu.memory_space<vmem>>
    %dma_wait3A_933 = tpu.memref_squeeze %dma_wait3A_932 : memref<1x32xi32, #tpu.memory_space<vmem>> -> memref<32xi32, #tpu.memory_space<vmem>>
    %dma_wait3A_934 = arith.constant 0 : i32
    %dma_wait3A_935 = arith.constant 0 : i32
    %dma_wait3A_936 = tpu.memref_slice %arg4[%dma_wait3A_934, %dma_wait3A_935] : memref<50000x1024xf32, #tpu.memory_space<hbm>> -> memref<50000x1024xf32, #tpu.memory_space<hbm>>
    tpu.wait_indirect_dma semaphore(%arg13 : memref<!tpu.dma_semaphore, #tpu.memory_space<semaphore_mem>>) src(%dma_wait3A_936 : memref<50000x1024xf32, #tpu.memory_space<hbm>>) dst(%arg10 : memref<32x1024xf32, #tpu.memory_space<vmem>>)
    %add3A_937 = arith.constant 480 : i32
    %add3A_938 = arith.addi %mul3A_2, %add3A_937 : i32
    %dma_start3A_939 = arith.constant 0 : i32
    %dma_start3A_940 = tpu.memref_slice %arg6[%add3A_938, %dma_start3A_939] : memref<16384x1024xf32, #tpu.memory_space<hbm>> -> memref<32x1024xf32, #tpu.memory_space<hbm>>
    %dma_start3A_941 = arith.constant 0 : i32
    %dma_start3A_942 = tpu.memref_slice %arg6[%add3A_938, %dma_start3A_941] : memref<16384x1024xf32, #tpu.memory_space<hbm>> -> memref<32x1024xf32, #tpu.memory_space<hbm>>
    tpu.enqueue_dma source(%arg10 : memref<32x1024xf32, #tpu.memory_space<vmem>>) target(%dma_start3A_942 : memref<32x1024xf32, #tpu.memory_space<hbm>>) target_semaphore(%arg16 : memref<!tpu.dma_semaphore, #tpu.memory_space<semaphore_mem>>)
    %add3A_943 = arith.constant 416 : i32
    %add3A_944 = arith.addi %mul3A_2, %add3A_943 : i32
    %dma_wait3A_945 = arith.constant 0 : i32
    %dma_wait3A_946 = tpu.memref_slice %arg6[%add3A_944, %dma_wait3A_945] : memref<16384x1024xf32, #tpu.memory_space<hbm>> -> memref<32x1024xf32, #tpu.memory_space<hbm>>
    %dma_wait3A_947 = arith.constant 0 : i32
    %dma_wait3A_948 = tpu.memref_slice %arg6[%add3A_944, %dma_wait3A_947] : memref<16384x1024xf32, #tpu.memory_space<hbm>> -> memref<32x1024xf32, #tpu.memory_space<hbm>>
    tpu.wait_dma2 semaphore(%arg17 : memref<!tpu.dma_semaphore, #tpu.memory_space<semaphore_mem>>) src(%arg11 : memref<32x1024xf32, #tpu.memory_space<vmem>>) dst(%dma_wait3A_948 : memref<32x1024xf32, #tpu.memory_space<hbm>>)
    %add3A_949 = arith.constant 448 : i32
    %add3A_950 = arith.addi %mul3A_2, %add3A_949 : i32
    %dma_wait3A_951 = arith.constant 0 : i32
    %dma_wait3A_952 = tpu.memref_slice %arg6[%add3A_950, %dma_wait3A_951] : memref<16384x1024xf32, #tpu.memory_space<hbm>> -> memref<32x1024xf32, #tpu.memory_space<hbm>>
    %dma_wait3A_953 = arith.constant 0 : i32
    %dma_wait3A_954 = tpu.memref_slice %arg6[%add3A_950, %dma_wait3A_953] : memref<16384x1024xf32, #tpu.memory_space<hbm>> -> memref<32x1024xf32, #tpu.memory_space<hbm>>
    tpu.wait_dma2 semaphore(%arg15 : memref<!tpu.dma_semaphore, #tpu.memory_space<semaphore_mem>>) src(%arg9 : memref<32x1024xf32, #tpu.memory_space<vmem>>) dst(%dma_wait3A_954 : memref<32x1024xf32, #tpu.memory_space<hbm>>)
    %add3A_955 = arith.constant 480 : i32
    %add3A_956 = arith.addi %mul3A_2, %add3A_955 : i32
    %dma_wait3A_957 = arith.constant 0 : i32
    %dma_wait3A_958 = tpu.memref_slice %arg6[%add3A_956, %dma_wait3A_957] : memref<16384x1024xf32, #tpu.memory_space<hbm>> -> memref<32x1024xf32, #tpu.memory_space<hbm>>
    %dma_wait3A_959 = arith.constant 0 : i32
    %dma_wait3A_960 = tpu.memref_slice %arg6[%add3A_956, %dma_wait3A_959] : memref<16384x1024xf32, #tpu.memory_space<hbm>> -> memref<32x1024xf32, #tpu.memory_space<hbm>>
    tpu.wait_dma2 semaphore(%arg16 : memref<!tpu.dma_semaphore, #tpu.memory_space<semaphore_mem>>) src(%arg10 : memref<32x1024xf32, #tpu.memory_space<vmem>>) dst(%dma_wait3A_960 : memref<32x1024xf32, #tpu.memory_space<hbm>>)
    return
  }
}

</mosaic_0001>

<sc_bundles>
// kernel: _run.4.cloned.1.call-start
scs
__scs_entry_jumppad:
0x0: {  	(pc) =	sbr.rel $0x88, $3  }
0x1: {  	(tag) =	ssettag $0x0;
	lr =	simm.s32 $0x1  }
0x2: {  	[smem:$0x3F9D] =	sst lr;
	_ =	strace $0xD0000000  }
0x3: {  	_ = 	snop  }
0x4: {  	_ = 	snop  }
0x5: {  	_ = 	snop  }
0x6: {  	_ = 	snop  }
0x7: {  	_ = 	snop  }
__scs_overlays_trampoline_lowered:
0x8: {  	[smem:$0x3FAC] =	sst s0  }
0x9: {  	[smem:$0x3FAD] =	sst s1  }
0xa: {  	[smem:$0x3FAE] =	sst s2  }
0xb: {  	[smem:$0x3FAF] =	sst s3  }
0xc: {  	[smem:$0x3FB0] =	sst s4  }
0xd: {  	[smem:$0x3FB1] =	sst s5  }
0xe: {  	[smem:$0x3FB2] =	sst s6  }
0xf: {  	[smem:$0x3FB3] =	sst s7  }
0x10: {  	[smem:$0x3FB4] =	sst s8  }
0x11: {  	[smem:$0x3FB5] =	sst s9;
	s0 =	simm.s32 @!p0 $0x0  }
0x12: {  	s1 =	sld [smem:$0x3F9B];
	s0 =	simm.s32 @p0 $0x1  }
0x13: {  	[smem:$0x3FB6] =	sst s0;
	s0 =	simm.s32 @!p1 $0x0  }
0x14: {  	s2 =	sld [smem:$0x3F9A];
	s0 =	simm.s32 @p1 $0x1  }
0x15: {  	[smem:$0x3FB7] =	sst s0;
	s0 =	simm.s32 @!p2 $0x0  }
0x16: {  	s3 =	sld [smem:$0x3FDB];
	s0 =	simm.s32 @p2 $0x1  }
0x17: {  	s4 =	simm.s32 $0x1BF5;
	[smem:$0x3FB9] =	sst s0  }
0x18: {  	s0 =	sld [smem:$0x3F9C];
	_ =	swait.ge [sflag:s4], $0x0  }
0x19: {  	s7 =	sld [smem:$0x3F9D]  }
0x1a: {  	s8 =	sadd.s32 $0xFFFFE003, lr  }
0x1b: {  	s9 =	sadd.s32 $0xFFFFFEF7, lr;
	s5 =	simm.s32 $0xFFFFFFFF;
	p2 =	slt.u32 s8, $0xFFFFF086  }
0x1c: {  	p1 =	slt.u32 s9, $0xF7A;
	s5 =	simm.s32 @!p2 $0x0  }
0x1d: {  	s5 =	simm.s32 @p1 $0x1;
	p0 =	seq.s32 s7, s2  }
0x1e: {  	s7 =	smul.u32 @!p0 $0xF7A, s2;
	p2 =	seq.s32 @!p0 s5, $0x0  }
0x1f: {  	s9 =	smul.u32 $0xF7A, s1;
	s8 =	simm.s32 @!p0 $0x1BF5;
	p2 =	por !p2, p0  }
0x20: {  	[sflag:s8] =	ssyncset.s32 @!p0 $0xFFFFF086;
	s6 =	sadd.s32 @!p0 s3, s7;
	s7 =	simm.s32 @!p0 $0x108  }
0x21: {  	s3 =	sadd.s32 s3, s9;
	s6 =	sadd.s32 @!p0 $0x88, s6;
	s7 =	simm.s32 @p2 $0x1082  }
0x22: {  	[simem:s7], [sflag:s8] =	dma.local @!p0 [hbm:s6], $0xF7A  }
0x23: {  	s9 =	sor.u32 $0xD0000000, s2;
	s6 =	simm.s32 $0x108;
	_ =	swait.ge @!p0 [sflag:s8], $0x0  }
0x24: {  	s3 =	sadd.s32 $0x88, s3;
	s6 =	simm.s32 @!p1 $0x1082;
	[sflag:s4] =	ssyncset.s32 $0xFFFFF086  }
0x25: {  	[simem:s6], [sflag:s4] =	dma.local [hbm:s3], $0xF7A  }
0x26: {  	[smem:$0x3F9D] =	sst s1;
	(tag) =	ssettag s2;
	_ =	strace s9  }
0x27: {  	s1 =	sld [smem:$0x3FAD]  }
0x28: {  	s2 =	sld [smem:$0x3FAE]  }
0x29: {  	s4 =	sld [smem:$0x3FB0]  }
0x2a: {  	p0 =	seq.s32 s5, $0x0;
	s5 =	sld [smem:$0x3FB1]  }
0x2b: {  	s6 =	sld [smem:$0x3FB2]  }
0x2c: {  	s7 =	sld [smem:$0x3FB3]  }
0x2d: {  	s3 =	simm.s32 $0x108;
	s8 =	sld [smem:$0x3FB4]  }
0x2e: {  	s3 =	simm.s32 @!p0 $0x1082;
	s9 =	sld [smem:$0x3FB5]  }
0x2f: {  	lr =	sadd.s32 s0, s3;
	s0 =	sld [smem:$0x3FAC]  }
0x30: {  	s3 =	sld [smem:$0x3FAF]  }
0x31: {  	[smem:$0x3FB8] =	sst s10  }
0x32: {  	s10 =	sld [smem:$0x3FB6];
	_ =	sdelay $0x3  }
0x33: {  	p0 =	seq.s32 s10, $0x1;
	s10 =	sld [smem:$0x3FB8];
	_ =	sdelay $0x3  }
0x34: {  	[smem:$0x3FB8] =	sst s10  }
0x35: {  	s10 =	sld [smem:$0x3FB7];
	_ =	sdelay $0x3  }
0x36: {  	p1 =	seq.s32 s10, $0x1;
	s10 =	sld [smem:$0x3FB8];
	_ =	sdelay $0x3  }
0x37: {  	[smem:$0x3FB8] =	sst s10  }
0x38: {  	s10 =	sld [smem:$0x3FB9]  }
0x39: {  	_ = 	snop;
	(pc) =	sbr.ind lr, $3  }
0x3a: {  	_ = 	snop  }
0x3b: {  	_ = 	snop  }
0x3c: {  	p2 =	seq.s32 s10, $0x1;
	s10 =	sld [smem:$0x3FB8]  }
0x3d: {  	_ =	shalt  }
0x3e: {  	_ =	shalt  }
0x3f: {  	_ =	shalt  }
0x40: {  	_ =	shalt  }
0x41: {  	_ =	shalt  }
0x42: {  	_ =	shalt  }
0x43: {  	_ =	shalt  }
0x44: {  	_ =	shalt  }
0x45: {  	_ =	shalt  }
0x46: {  	_ =	shalt  }
0x47: {  	_ =	shalt  }
0x48: {  	_ =	shalt  }
0x49: {  	_ =	shalt  }
0x4a: {  	_ =	shalt  }
0x4b: {  	_ =	shalt  }
0x4c: {  	_ =	shalt  }
0x4d: {  	_ =	shalt  }
0x4e: {  	_ =	shalt  }
0x4f: {  	_ =	shalt  }
0x50: {  	_ =	shalt  }
0x51: {  	_ =	shalt  }
0x52: {  	_ =	shalt  }
0x53: {  	_ =	shalt  }
0x54: {  	_ =	shalt  }
0x55: {  	_ =	shalt  }
0x56: {  	_ =	shalt  }
0x57: {  	_ =	shalt  }
0x58: {  	_ =	shalt  }
0x59: {  	_ =	shalt  }
0x5a: {  	_ =	shalt  }
0x5b: {  	_ =	shalt  }
0x5c: {  	_ =	shalt  }
0x5d: {  	_ =	shalt  }
0x5e: {  	_ =	shalt  }
0x5f: {  	_ =	shalt  }
0x60: {  	_ =	shalt  }
0x61: {  	_ =	shalt  }
0x62: {  	_ =	shalt  }
0x63: {  	_ =	shalt  }
0x64: {  	_ =	shalt  }
0x65: {  	_ =	shalt  }
0x66: {  	_ =	shalt  }
0x67: {  	_ =	shalt  }
0x68: {  	_ =	shalt  }
0x69: {  	_ =	shalt  }
0x6a: {  	_ =	shalt  }
0x6b: {  	_ =	shalt  }
0x6c: {  	_ =	shalt  }
0x6d: {  	_ =	shalt  }
0x6e: {  	_ =	shalt  }
0x6f: {  	_ =	shalt  }
0x70: {  	_ =	shalt  }
0x71: {  	_ =	shalt  }
0x72: {  	_ =	shalt  }
0x73: {  	_ =	shalt  }
0x74: {  	_ =	shalt  }
0x75: {  	_ =	shalt  }
0x76: {  	_ =	shalt  }
0x77: {  	_ =	shalt  }
0x78: {  	_ =	shalt  }
0x79: {  	_ =	shalt  }
0x7a: {  	_ =	shalt  }
0x7b: {  	_ =	shalt  }
0x7c: {  	_ =	shalt  }
0x7d: {  	_ =	shalt  }
0x7e: {  	_ =	shalt  }
0x7f: {  	_ =	shalt  }
0x80: {  	_ =	shalt  }
0x81: {  	_ =	shalt  }
0x82: {  	_ =	shalt  }
0x83: {  	_ =	shalt  }
0x84: {  	_ =	shalt  }
0x85: {  	_ =	shalt  }
0x86: {  	_ =	shalt  }
0x87: {  	_ =	shalt  }
.Lfunc_end0:
.L_simem_size_0:
called_computation_lowered:
.L_overlay_start_0:
0x88: {  	s2 =	sld [smem:$0x3FD9]  }
0x89: {  	s3 =	sld [smem:$0x3FFE];
	_ =	sdelay $0x1  }
0x8a: {  	s1 =	srdreg.scid  }
0x8b: {  	s0 =	sand.u32 $0x1, s1  }
0x8c: {  	s15 =	sshll.u32 s0, $0xA;
	s2 =	sadd.s32 s3, s2  }
0x8d: {  	s2 =	sadd.s32 s2, s15  }
0x8e: {  	[smem:$0x3FC4] =	sst s2  }
0x8f: {  	_ = 	snop  }
0x90: {  	s2 =	sld [smem:$0x3FD0]  }
0x91: {  	s16 =	sld [smem:$0x3FC9]  }
0x92: {  	s4 =	sld [smem:$0x3FC8]  }
0x93: {  	s6 =	simm.s32 $0xA;
	s7 =	simm.s32 $0x10;
	s5 =	sld [smem:$0x3FC7]  }
0x94: {  	[smem:s7], [sflag:s6] =	dma.local [hbm:s2], $0x1  }
0x95: {  	_ =	swait.eq [sflag:s6], $0x1  }
0x96: {  	[sflag:s6] =	ssyncset.done $0x0  }
0x97: {  	s17 =	sld [smem:$0x10];
	[sflag:s6] =	ssyncadd.s32 $0xFFFFFFFF  }
0x98: {  	s18 =	sld [smem:$0x11];
	(tm) =	ssettm $0x1  }
0x99: {  	s19 =	sld [smem:$0x3FFB];
	_ =	sdelay $0x3  }
0x9a: {  	_ =	strace s19  }
0x9b: {  	s7 =	sld [smem:$0x3FFC];
	_ =	sdelay $0x3  }
0x9c: {  	_ =	strace s7  }
0x9d: {  	s7 =	sld [smem:$0x3FFD];
	_ =	sdelay $0x3  }
0x9e: {  	_ =	strace s7  }
0x9f: {  	_ =	strace $0x8FFFFFFF  }
0xa0: {  	s20 =	sld [smem:$0x3FDB];
	_ =	sdelay $0x1  }
0xa1: {  	s8 =	simm.s32 $_scs_section_size  }
0xa2: {  	s9 =	simm.s32 $_size__tile_overlayer_lowered;
	s10 =	simm.s32 $_tile_overlayer_lowered  }
0xa3: {  	s23 =	simm.s32 $0x1BFF;
	s22 =	sshll.u32 s10, $0x1;
	s7 =	sadd.s32 s8, s20  }
0xa4: {  	s11 =	simm.s32 $0x0;
	s21 =	sshll.u32 s9, $0x1;
	s9 =	sadd.s32 s22, s7  }
0xa5: {  	[timem:s11], [sflag:s23] =	dma.local [hbm:s9], s21  }
0xa6: {  	_ =	swait.ge [sflag:s23], s21  }
0xa7: {  	s8 =	ssub.s32 $0x0, s21;
	[sflag:s23] =	ssyncset.done $0x0  }
0xa8: {  	[sflag:s23] =	ssyncadd.s32 s8;
	_ =	sdelay $0x1  }
0xa9: {  	s24 =	simm.s32 $0x1B8B  }
0xaa: {  	_ =	swait.ge [sflag:s24], $0x1  }
0xab: {  	[sflag:s24] =	ssyncset.done $0x0  }
0xac: {  	s25 =	simm.s32 $0x1B8E;
	[sflag:s24] =	ssyncadd.s32 $0xFFFFFFFF  }
0xad: {  	s26 =	simm.s32 $execute0_lowered;
	[smem:$0x3FD2] =	sst s25  }
0xae: {  	s8 =	sshll.u32 s26, $0x1;
	_ =	strace $0x80000046;
	[dreg:$0x1] =	wrdreg $0xFFFFFFFF  }
0xaf: {  	s28 =	simm.s32 $_size_execute0_lowered;
	s7 =	sadd.s32 s7, s8;
	[dreg:$0x0] =	wrdreg $0x0  }
0xb0: {  	s8 =	sshll.u32 s28, $0x1;
	[dreg:$0x2] =	wrdreg s7  }
0xb1: {  	[dreg:$0x3] =	wrdreg s8  }
0xb2: {  	[dreg:$0x4] =	wrdreg $0xC0  }
0xb3: {  	_ =	task [dreg:s11], $0x5FFFF  }
0xb4: {  	[dreg:$0x1] =	wrdreg $0xFFFFFFFF  }
0xb5: {  	[dreg:$0x0] =	wrdreg $0x60  }
0xb6: {  	[dreg:$0x2] =	wrdreg s16  }
0xb7: {  	[dreg:$0x3] =	wrdreg s4  }
0xb8: {  	[dreg:$0x4] =	wrdreg s5  }
0xb9: {  	[dreg:$0x5] =	wrdreg s17  }
0xba: {  	[dreg:$0x6] =	wrdreg s18  }
0xbb: {  	[dreg:$0x7] =	wrdreg $0x9  }
0xbc: {  	_ =	task.clear_ibuf [dreg:s11], $0x8FFFF;
	_ =	strace $0x90000046  }
0xbd: {  	s29 =	simm.s32 $0x9;
	_ =	strace $0x80000048  }
0xbe: {  	_ =	swait.ge [sflag:s29], $0x1  }
0xbf: {  	[sflag:s29] =	ssyncadd.s32 $0xFFFFFFFF  }
0xc0: {  	_ =	strace $0x90000048  }
0xc1: {  	_ =	sfence  }
0xc2: {  	s30 =	sld [smem:$0x0];
	_ =	sdelay $0x2  }
0xc3: {  	s31 =	sshll.u32 s1, $0xD;
	s1 =	sshrl.u32 s1, $0x2  }
0xc4: {  	s3 =	sand.u32 $0x4000, s31;
	s1 =	sadd.s32 s1, s30  }
0xc5: {  	s0 =	sor.u32 s3, s0;
	s1 =	sshll.u32 s1, $0x11  }
0xc6: {  	s0 =	sor.u32 s1, s0  }
0xc7: {  	s0 =	sadd.s32 $0x8F2B, s0  }
0xc8: {  	[sflag:s0] =	ssyncadd.remote.s32 $0x1  }
0xc9: {  	_ =	sfence.sel $0xFFFF  }
0xca: {  	[dreg:$0x0] =	wrdreg $0xFFFFFFFF;
	(pc) =	sbr.abs _section_cstart, $3  }
0xcb: {  	[dreg:$0x1] =	wrdreg $0xFFFFFFFF  }
0xcc: {  	_ =	task.clear_ibuf [dreg:s11], $0x2FFFF;
	_ =	strace $0x9FFFFFFF  }
0xcd: {  	(tm) =	ssettm $0x7FFFFFFF  }
tec
execute0_lowered:
.L_overlay_start_1:
0x0: {  	(tag) =	ssettag $0x1  }
0x1: {  	s5 =	rddreg [dreg:$0x0]  }
0x2: {  	s1 =	rddreg [dreg:$0x1]  }
0x3: {  	s2 =	rddreg [dreg:$0x2]  }
0x4: {  	s3 =	srdreg.scid;
	s4 =	stileid.u32  }
0x5: {  	s6 =	rddreg [dreg:$0x3];
	s3 =	sand.u32 $0x1, s3;
	s7 =	sshll.u32 s4, $0x1  }
0x6: {  	s0 =	rddreg [dreg:$0x4];
	s4 =	simm.s32 $0x0;
	s7 =	sor.u32 s3, s7  }
0x7: {  	[smem:$0x7FF] =	sst s4;
	s8 =	sshll.u32 s7, $0x8  }
0x8: {  	_ =	strace $0x80000047;
	s7 =	sshll.u32 s7, $0x10;
	s5 =	sadd.s32 s5, s8  }
0x9: {  	s12 =	sadd.s32 s6, s7;
	s8 =	sor.u32 $0x1000, s7;
	[dreg:$0x6] =	wrdreg s5  }
0xa: {  	s9 =	sor.u32 $0x2000, s7;
	[dreg:$0x7] =	wrdreg s12;
	s13 =	sadd.s32 s6, s8  }
0xb: {  	s10 =	sor.u32 $0x3000, s7;
	s14 =	sadd.s32 s6, s9;
	[dreg:$0x8] =	wrdreg s13  }
0xc: {  	s11 =	sor.u32 $0x4000, s7;
	s15 =	sadd.s32 s6, s10;
	[dreg:$0x9] =	wrdreg s14  }
0xd: {  	s16 =	sadd.s32 s6, s11;
	s12 =	sor.u32 $0x5000, s7;
	[dreg:$0xa] =	wrdreg s15  }
0xe: {  	[dreg:$0xb] =	wrdreg s16;
	s17 =	sadd.s32 s6, s12;
	s13 =	sor.u32 $0x6000, s7  }
0xf: {  	s14 =	sor.u32 $0x7000, s7;
	[dreg:$0xc] =	wrdreg s17;
	s18 =	sadd.s32 s6, s13  }
0x10: {  	s15 =	sor.u32 $0x8000, s7;
	s19 =	sadd.s32 s6, s14;
	[dreg:$0xd] =	wrdreg s18  }
0x11: {  	s16 =	sor.u32 $0x9000, s7;
	s20 =	sadd.s32 s6, s15;
	[dreg:$0xe] =	wrdreg s19  }
0x12: {  	s21 =	sadd.s32 s6, s16;
	[dreg:$0xf] =	wrdreg s20  }
0x13: {  	s15 =	sadd.s32 s0, s15;
	[dreg:$0x10] =	wrdreg s21  }
0x14: {  	s17 =	sor.u32 $0xA000, s7;
	s16 =	sadd.s32 s0, s16;
	[dreg:$0x1f] =	wrdreg s15  }
0x15: {  	s22 =	sadd.s32 s6, s17;
	s18 =	sor.u32 $0xB000, s7;
	[smem:$0x7F7] =	sst s16  }
0x16: {  	s19 =	sor.u32 $0xC000, s7;
	[dreg:$0x11] =	wrdreg s22;
	s23 =	sadd.s32 s6, s18  }
0x17: {  	s20 =	sor.u32 $0xD000, s7;
	s24 =	sadd.s32 s6, s19;
	[dreg:$0x12] =	wrdreg s23  }
0x18: {  	s21 =	sor.u32 $0xE000, s7;
	s25 =	sadd.s32 s6, s20;
	[dreg:$0x13] =	wrdreg s24  }
0x19: {  	s26 =	sadd.s32 s6, s21;
	s22 =	sor.u32 $0xF000, s7;
	[dreg:$0x14] =	wrdreg s25  }
0x1a: {  	[dreg:$0x15] =	wrdreg s26;
	s30 =	sadd.s32 s6, s22  }
0x1b: {  	s28 =	simm.s32 $0x4;
	s6 =	sadd.s32 s0, s7;
	[dreg:$0x16] =	wrdreg s30  }
0x1c: {  	s29 =	simm.s32 $0x2;
	s7 =	sadd.s32 s0, s8;
	[dreg:$0x17] =	wrdreg s6  }
0x1d: {  	s31 =	simm.s32 $0x5;
	s8 =	sadd.s32 s0, s9;
	[dreg:$0x18] =	wrdreg s7  }
0x1e: {  	s3 =	ssub.s32 $0x2, s3;
	s9 =	sadd.s32 s0, s10;
	[dreg:$0x19] =	wrdreg s8  }
0x1f: {  	s5 =	sadd.s32 $0x100, s1;
	s10 =	sadd.s32 s0, s11;
	[dreg:$0x1a] =	wrdreg s9  }
0x20: {  	s11 =	sadd.s32 s0, s12;
	s12 =	sadd.s32 s0, s13;
	[dreg:$0x1b] =	wrdreg s10  }
0x21: {  	s13 =	sadd.s32 s0, s14;
	s14 =	sshrl.u32 s3, $0x1;
	[dreg:$0x1c] =	wrdreg s11  }
0x22: {  	s23 =	sadd.s32 s0, s17;
	s24 =	sadd.s32 s0, s18;
	[dreg:$0x1d] =	wrdreg s12  }
0x23: {  	s25 =	sadd.s32 s0, s19;
	s26 =	sadd.s32 s0, s20;
	[dreg:$0x1e] =	wrdreg s13  }
0x24: {  	s18 =	simm.s32 $0x3;
	s3 =	ssub.s32 s3, s14;
	[smem:$0x7F8] =	sst s23  }
0x25: {  	s6 =	sadd.s32 $0x200, s1;
	s7 =	sadd.s32 $0x300, s1;
	[smem:$0x7F9] =	sst s24  }
0x26: {  	s8 =	sadd.s32 $0x100, s2;
	[smem:$0x7FA] =	sst s25;
	s9 =	sadd.s32 $0x200, s2  }
0x27: {  	v2 =	vlaneseq.u32;
	[smem:$0x7FB] =	sst s26;
	s30 =	sadd.s32 s0, s21;
	s10 =	sadd.s32 $0x300, s2  }
0x28: {  	vm0 =	vmmov $0xffff;
	v1 =	vshrl.u32 v2, $0x3;
	s0 =	sadd.s32 s0, s22;
	s26 =	simm.s32 $0x1;
	[smem:$0x7FC] =	sst s30  }
0x29: {  	v0 =	vand.u32 $0x7, v2;
	v2 =	vor.u32 $0x8, v2;
	v1 =	vmul.u32 $0x8, v1;
	[smem:$0x7FD] =	sst s0;
	s11 =	smax.u32 s3, $0x1;
	s0 =	simm.s32 $0x6  }
.LBB2_1:
0x2a: {  	[smem:$0x7F6] =	sst s11  }
0x2b: {  	s12 =	rddreg [dreg:$0x6];
	s19 =	simm.s32 $0x7  }
0x2c: {  	[tilespmem:s4], [sflag:$0x7] =	stream.linear.gather [hbm4b:s12+s4], $0x800, $0x38;
	[tilespmem:$0x18800] =	vst v63  }
0x2d: {  	_ =	swait.ge [sflag:s19], $0x800  }
0x2e: {  	[sflag:s19] =	ssyncset.done $0x0  }
0x2f: {  	[sflag:s19] =	ssyncadd.s32 $0xFFFFF800  }
0x30: {  	v3 =	vld [tilespmem:$0x0];
	_ =	sdelay $0x4  }
0x31: {  	v4 =	vshll.u32 v3, $0x3  }
0x32: {  	v3 =	vand.u32 $0x7, v3;
	v4 =	vand.u32 $0xFFFFFFC0, v4  }
0x33: {  	v3 =	vor.u32 v3, v4  }
0x34: {  	v4 =	vperm.xlane v3, v0;
	_ =	sdelay $0x1  }
0x35: {  	v4 =	vadd.s32 v1, v4;
	_ =	sdelay $0x3  }
0x36: {  	s20 =	simm.s32 $0x800  }
0x37: {  	[tilespmem:s20], [sflag:$0x1] =	stream.indirect_vreg.gather [hbm4b:s1+s4], $0x80, v4, vm0, $0xb8;
	[tilespmem:$0x18800] =	vst v63  }
0x38: {  	s21 =	simm.s32 $0x1000;
	v3 =	vperm.xlane v3, v2  }
0x39: {  	[tilespmem:s21], [sflag:$0x1] =	stream.indirect_vreg.gather [hbm4b:s5+s4], $0x80, v4, vm0, $0xb8;
	[tilespmem:$0x18800] =	vst v63  }
0x3a: {  	s22 =	simm.s32 $0x1800;
	v3 =	vadd.s32 v1, v3  }
0x3b: {  	[tilespmem:s22], [sflag:$0x1] =	stream.indirect_vreg.gather [hbm4b:s6+s4], $0x80, v4, vm0, $0xb8;
	[tilespmem:$0x18800] =	vst v63  }
0x3c: {  	s23 =	simm.s32 $0x2000  }
0x3d: {  	[tilespmem:s23], [sflag:$0x1] =	stream.indirect_vreg.gather [hbm4b:s7+s4], $0x80, v4, vm0, $0xb8;
	[tilespmem:$0x18800] =	vst v63  }
0x3e: {  	s24 =	simm.s32 $0x2800  }
0x3f: {  	[tilespmem:s24], [sflag:$0x1] =	stream.indirect_vreg.gather [hbm4b:s1+s4], $0x80, v3, vm0, $0xb8;
	[tilespmem:$0x18800] =	vst v63  }
0x40: {  	s25 =	simm.s32 $0x3000  }
0x41: {  	[tilespmem:s25], [sflag:$0x1] =	stream.indirect_vreg.gather [hbm4b:s5+s4], $0x80, v3, vm0, $0xb8;
	[tilespmem:$0x18800] =	vst v63  }
0x42: {  	s30 =	simm.s32 $0x3800  }
0x43: {  	[tilespmem:s30], [sflag:$0x1] =	stream.indirect_vreg.gather [hbm4b:s6+s4], $0x80, v3, vm0, $0xb8;
	[tilespmem:$0x18800] =	vst v63  }
0x44: {  	s3 =	simm.s32 $0x4000  }
0x45: {  	[tilespmem:s3], [sflag:$0x1] =	stream.indirect_vreg.gather [hbm4b:s7+s4], $0x80, v3, vm0, $0xb8;
	[tilespmem:$0x18800] =	vst v63  }
0x46: {  	v3 =	vld [tilespmem:$0x10];
	_ =	sdelay $0x4  }
0x47: {  	v57 =	vshll.u32 v3, $0x3  }
0x48: {  	v3 =	vand.u32 $0x7, v3;
	v4 =	vand.u32 $0xFFFFFFC0, v57  }
0x49: {  	v3 =	vor.u32 v3, v4  }
0x4a: {  	v4 =	vperm.xlane v3, v0;
	_ =	sdelay $0x1  }
0x4b: {  	v4 =	vadd.s32 v1, v4;
	_ =	sdelay $0x3  }
0x4c: {  	s12 =	simm.s32 $0x4800  }
0x4d: {  	[tilespmem:s12], [sflag:$0x1] =	stream.indirect_vreg.gather [hbm4b:s1+s4], $0x80, v4, vm0, $0xb8;
	[tilespmem:$0x18800] =	vst v63  }
0x4e: {  	s13 =	simm.s32 $0x5000;
	v3 =	vperm.xlane v3, v2  }
0x4f: {  	[tilespmem:s13], [sflag:$0x1] =	stream.indirect_vreg.gather [hbm4b:s5+s4], $0x80, v4, vm0, $0xb8;
	[tilespmem:$0x18800] =	vst v63  }
0x50: {  	s16 =	simm.s32 $0x5800;
	v3 =	vadd.s32 v1, v3  }
0x51: {  	[tilespmem:s16], [sflag:$0x1] =	stream.indirect_vreg.gather [hbm4b:s6+s4], $0x80, v4, vm0, $0xb8;
	[tilespmem:$0x18800] =	vst v63  }
0x52: {  	s17 =	simm.s32 $0x6000  }
0x53: {  	[tilespmem:s17], [sflag:$0x1] =	stream.indirect_vreg.gather [hbm4b:s7+s4], $0x80, v4, vm0, $0xb8;
	[tilespmem:$0x18800] =	vst v63  }
0x54: {  	s19 =	simm.s32 $0x6800  }
0x55: {  	[tilespmem:s19], [sflag:$0x1] =	stream.indirect_vreg.gather [hbm4b:s1+s4], $0x80, v3, vm0, $0xb8;
	[tilespmem:$0x18800] =	vst v63  }
0x56: {  	s22 =	simm.s32 $0x7000  }
0x57: {  	[tilespmem:s22], [sflag:$0x1] =	stream.indirect_vreg.gather [hbm4b:s5+s4], $0x80, v3, vm0, $0xb8;
	[tilespmem:$0x18800] =	vst v63  }
0x58: {  	s23 =	simm.s32 $0x7800  }
0x59: {  	[tilespmem:s23], [sflag:$0x1] =	stream.indirect_vreg.gather [hbm4b:s6+s4], $0x80, v3, vm0, $0xb8;
	[tilespmem:$0x18800] =	vst v63  }
0x5a: {  	s24 =	simm.s32 $0x8000  }
0x5b: {  	[tilespmem:s24], [sflag:$0x1] =	stream.indirect_vreg.gather [hbm4b:s7+s4], $0x80, v3, vm0, $0xb8;
	[tilespmem:$0x18800] =	vst v63  }
0x5c: {  	v3 =	vld [tilespmem:$0x80];
	_ =	sdelay $0x4  }
0x5d: {  	v58 =	vshll.u32 v3, $0x3  }
0x5e: {  	v3 =	vand.u32 $0x7, v3;
	v4 =	vand.u32 $0xFFFFFFC0, v58  }
0x5f: {  	v3 =	vor.u32 v3, v4  }
0x60: {  	v4 =	vperm.xlane v3, v0;
	_ =	sdelay $0x1  }
0x61: {  	v4 =	vadd.s32 v1, v4;
	_ =	sdelay $0x3  }
0x62: {  	s3 =	simm.s32 $0x8800  }
0x63: {  	[tilespmem:s3], [sflag:$0x2] =	stream.indirect_vreg.gather [hbm4b:s1+s4], $0x80, v4, vm0, $0xb8;
	[tilespmem:$0x18800] =	vst v63  }
0x64: {  	s25 =	simm.s32 $0x9000;
	v3 =	vperm.xlane v3, v2  }
0x65: {  	[tilespmem:s25], [sflag:$0x2] =	stream.indirect_vreg.gather [hbm4b:s5+s4], $0x80, v4, vm0, $0xb8;
	[tilespmem:$0x18800] =	vst v63  }
0x66: {  	s30 =	simm.s32 $0x9800;
	v3 =	vadd.s32 v1, v3  }
0x67: {  	[tilespmem:s30], [sflag:$0x2] =	stream.indirect_vreg.gather [hbm4b:s6+s4], $0x80, v4, vm0, $0xb8;
	[tilespmem:$0x18800] =	vst v63  }
0x68: {  	s11 =	simm.s32 $0xA000  }
0x69: {  	[tilespmem:s11], [sflag:$0x2] =	stream.indirect_vreg.gather [hbm4b:s7+s4], $0x80, v4, vm0, $0xb8;
	[tilespmem:$0x18800] =	vst v63  }
0x6a: {  	s13 =	simm.s32 $0xA800  }
0x6b: {  	[tilespmem:s13], [sflag:$0x2] =	stream.indirect_vreg.gather [hbm4b:s1+s4], $0x80, v3, vm0, $0xb8;
	[tilespmem:$0x18800] =	vst v63  }
0x6c: {  	s16 =	simm.s32 $0xB000  }
0x6d: {  	[tilespmem:s16], [sflag:$0x2] =	stream.indirect_vreg.gather [hbm4b:s5+s4], $0x80, v3, vm0, $0xb8;
	[tilespmem:$0x18800] =	vst v63  }
0x6e: {  	s17 =	simm.s32 $0xB800  }
0x6f: {  	[tilespmem:s17], [sflag:$0x2] =	stream.indirect_vreg.gather [hbm4b:s6+s4], $0x80, v3, vm0, $0xb8;
	[tilespmem:$0x18800] =	vst v63  }
0x70: {  	s19 =	simm.s32 $0xC000  }
0x71: {  	[tilespmem:s19], [sflag:$0x2] =	stream.indirect_vreg.gather [hbm4b:s7+s4], $0x80, v3, vm0, $0xb8;
	[tilespmem:$0x18800] =	vst v63  }
0x72: {  	v3 =	vld [tilespmem:$0x90];
	_ =	sdelay $0x4  }
0x73: {  	v59 =	vshll.u32 v3, $0x3  }
0x74: {  	v3 =	vand.u32 $0x7, v3;
	v4 =	vand.u32 $0xFFFFFFC0, v59  }
0x75: {  	v3 =	vor.u32 v3, v4  }
0x76: {  	v4 =	vperm.xlane v3, v0;
	_ =	sdelay $0x1  }
0x77: {  	v4 =	vadd.s32 v1, v4;
	_ =	sdelay $0x3  }
0x78: {  	s22 =	simm.s32 $0xC800  }
0x79: {  	[tilespmem:s22], [sflag:$0x2] =	stream.indirect_vreg.gather [hbm4b:s1+s4], $0x80, v4, vm0, $0xb8;
	[tilespmem:$0x18800] =	vst v63  }
0x7a: {  	s25 =	simm.s32 $0xD000;
	v3 =	vperm.xlane v3, v2  }
0x7b: {  	[tilespmem:s25], [sflag:$0x2] =	stream.indirect_vreg.gather [hbm4b:s5+s4], $0x80, v4, vm0, $0xb8;
	[tilespmem:$0x18800] =	vst v63  }
0x7c: {  	s30 =	simm.s32 $0xD800;
	v3 =	vadd.s32 v1, v3  }
0x7d: {  	[tilespmem:s30], [sflag:$0x2] =	stream.indirect_vreg.gather [hbm4b:s6+s4], $0x80, v4, vm0, $0xb8;
	[tilespmem:$0x18800] =	vst v63  }
0x7e: {  	s11 =	simm.s32 $0xE000  }
0x7f: {  	[tilespmem:s11], [sflag:$0x2] =	stream.indirect_vreg.gather [hbm4b:s7+s4], $0x80, v4, vm0, $0xb8;
	[tilespmem:$0x18800] =	vst v63  }
0x80: {  	s13 =	simm.s32 $0xE800  }
0x81: {  	[tilespmem:s13], [sflag:$0x2] =	stream.indirect_vreg.gather [hbm4b:s1+s4], $0x80, v3, vm0, $0xb8;
	[tilespmem:$0x18800] =	vst v63  }
0x82: {  	s17 =	simm.s32 $0xF000  }
0x83: {  	[tilespmem:s17], [sflag:$0x2] =	stream.indirect_vreg.gather [hbm4b:s5+s4], $0x80, v3, vm0, $0xb8;
	[tilespmem:$0x18800] =	vst v63  }
0x84: {  	s19 =	simm.s32 $0xF800  }
0x85: {  	[tilespmem:s19], [sflag:$0x2] =	stream.indirect_vreg.gather [hbm4b:s6+s4], $0x80, v3, vm0, $0xb8;
	[tilespmem:$0x18800] =	vst v63  }
0x86: {  	s22 =	simm.s32 $0x10000  }
0x87: {  	[tilespmem:s22], [sflag:$0x2] =	stream.indirect_vreg.gather [hbm4b:s7+s4], $0x80, v3, vm0, $0xb8;
	[tilespmem:$0x18800] =	vst v63  }
0x88: {  	v3 =	vld [tilespmem:$0x100];
	_ =	sdelay $0x4  }
0x89: {  	v60 =	vshll.u32 v3, $0x3  }
0x8a: {  	v3 =	vand.u32 $0x7, v3;
	v4 =	vand.u32 $0xFFFFFFC0, v60  }
0x8b: {  	v3 =	vor.u32 v3, v4  }
0x8c: {  	v4 =	vperm.xlane v3, v0;
	_ =	sdelay $0x1  }
0x8d: {  	v4 =	vadd.s32 v1, v4;
	_ =	sdelay $0x3  }
0x8e: {  	s25 =	simm.s32 $0x10800  }
0x8f: {  	[tilespmem:s25], [sflag:$0x3] =	stream.indirect_vreg.gather [hbm4b:s1+s4], $0x80, v4, vm0, $0xb8;
	[tilespmem:$0x18800] =	vst v63  }
0x90: {  	s30 =	simm.s32 $0x11000;
	v3 =	vperm.xlane v3, v2  }
0x91: {  	[tilespmem:s30], [sflag:$0x3] =	stream.indirect_vreg.gather [hbm4b:s5+s4], $0x80, v4, vm0, $0xb8;
	[tilespmem:$0x18800] =	vst v63  }
0x92: {  	s12 =	simm.s32 $0x11800;
	v3 =	vadd.s32 v1, v3  }
0x93: {  	[tilespmem:s12], [sflag:$0x3] =	stream.indirect_vreg.gather [hbm4b:s6+s4], $0x80, v4, vm0, $0xb8;
	[tilespmem:$0x18800] =	vst v63  }
0x94: {  	s17 =	simm.s32 $0x12000  }
0x95: {  	[tilespmem:s17], [sflag:$0x3] =	stream.indirect_vreg.gather [hbm4b:s7+s4], $0x80, v4, vm0, $0xb8;
	[tilespmem:$0x18800] =	vst v63  }
0x96: {  	s19 =	simm.s32 $0x12800  }
0x97: {  	[tilespmem:s19], [sflag:$0x3] =	stream.indirect_vreg.gather [hbm4b:s1+s4], $0x80, v3, vm0, $0xb8;
	[tilespmem:$0x18800] =	vst v63  }
0x98: {  	s22 =	simm.s32 $0x13000  }
0x99: {  	[tilespmem:s22], [sflag:$0x3] =	stream.indirect_vreg.gather [hbm4b:s5+s4], $0x80, v3, vm0, $0xb8;
	[tilespmem:$0x18800] =	vst v63  }
0x9a: {  	s25 =	simm.s32 $0x13800  }
0x9b: {  	[tilespmem:s25], [sflag:$0x3] =	stream.indirect_vreg.gather [hbm4b:s6+s4], $0x80, v3, vm0, $0xb8;
	[tilespmem:$0x18800] =	vst v63  }
0x9c: {  	s30 =	simm.s32 $0x14000  }
0x9d: {  	[tilespmem:s30], [sflag:$0x3] =	stream.indirect_vreg.gather [hbm4b:s7+s4], $0x80, v3, vm0, $0xb8;
	[tilespmem:$0x18800] =	vst v63  }
0x9e: {  	v3 =	vld [tilespmem:$0x110];
	_ =	sdelay $0x4  }
0x9f: {  	v61 =	vshll.u32 v3, $0x3  }
0xa0: {  	v3 =	vand.u32 $0x7, v3;
	v4 =	vand.u32 $0xFFFFFFC0, v61  }
0xa1: {  	v3 =	vor.u32 v3, v4  }
0xa2: {  	v4 =	vperm.xlane v3, v0;
	_ =	sdelay $0x1  }
0xa3: {  	v4 =	vadd.s32 v1, v4;
	_ =	sdelay $0x3  }
0xa4: {  	s12 =	simm.s32 $0x14800  }
0xa5: {  	[tilespmem:s12], [sflag:$0x3] =	stream.indirect_vreg.gather [hbm4b:s1+s4], $0x80, v4, vm0, $0xb8;
	[tilespmem:$0x18800] =	vst v63  }
0xa6: {  	s17 =	simm.s32 $0x15000;
	v3 =	vperm.xlane v3, v2  }
0xa7: {  	[tilespmem:s17], [sflag:$0x3] =	stream.indirect_vreg.gather [hbm4b:s5+s4], $0x80, v4, vm0, $0xb8;
	[tilespmem:$0x18800] =	vst v63  }
0xa8: {  	s19 =	simm.s32 $0x15800;
	v3 =	vadd.s32 v1, v3  }
0xa9: {  	[tilespmem:s19], [sflag:$0x3] =	stream.indirect_vreg.gather [hbm4b:s6+s4], $0x80, v4, vm0, $0xb8;
	[tilespmem:$0x18800] =	vst v63  }
0xaa: {  	s22 =	simm.s32 $0x16000  }
0xab: {  	[tilespmem:s22], [sflag:$0x3] =	stream.indirect_vreg.gather [hbm4b:s7+s4], $0x80, v4, vm0, $0xb8;
	[tilespmem:$0x18800] =	vst v63  }
0xac: {  	s25 =	simm.s32 $0x16800  }
0xad: {  	[tilespmem:s25], [sflag:$0x3] =	stream.indirect_vreg.gather [hbm4b:s1+s4], $0x80, v3, vm0, $0xb8;
	[tilespmem:$0x18800] =	vst v63  }
0xae: {  	s30 =	simm.s32 $0x17000  }
0xaf: {  	[tilespmem:s30], [sflag:$0x3] =	stream.indirect_vreg.gather [hbm4b:s5+s4], $0x80, v3, vm0, $0xb8;
	[tilespmem:$0x18800] =	vst v63  }
0xb0: {  	s12 =	simm.s32 $0x17800  }
0xb1: {  	[tilespmem:s12], [sflag:$0x3] =	stream.indirect_vreg.gather [hbm4b:s6+s4], $0x80, v3, vm0, $0xb8;
	[tilespmem:$0x18800] =	vst v63  }
0xb2: {  	s17 =	simm.s32 $0x18000  }
0xb3: {  	[tilespmem:s17], [sflag:$0x3] =	stream.indirect_vreg.gather [hbm4b:s7+s4], $0x80, v3, vm0, $0xb8;
	[tilespmem:$0x18800] =	vst v63  }
0xb4: {  	_ =	swait.ge [sflag:s26], $0x8000  }
0xb5: {  	[sflag:s26] =	ssyncset.done $0x0  }
0xb6: {  	s22 =	simm.s32 $0x800;
	s19 =	rddreg [dreg:$0x7];
	[sflag:s26] =	ssyncadd.s32 $0xFFFF8000  }
0xb7: {  	[hbm4b:s19+s4] =	stream.linear.scatter [tilespmem:s22], [sflag:$0x4], $0x8000, $0x38;
	[tilespmem:$0x18800] =	vst v63  }
0xb8: {  	_ =	swait.ge [sflag:s28], $0x8000  }
0xb9: {  	[sflag:s28] =	ssyncset.done $0x0  }
0xba: {  	[sflag:s28] =	ssyncadd.s32 $0xFFFF8000  }
0xbb: {  	v3 =	vld [tilespmem:$0x180];
	_ =	sdelay $0x4  }
0xbc: {  	v62 =	vshll.u32 v3, $0x3  }
0xbd: {  	v3 =	vand.u32 $0x7, v3;
	v4 =	vand.u32 $0xFFFFFFC0, v62  }
0xbe: {  	v3 =	vor.u32 v3, v4  }
0xbf: {  	v4 =	vperm.xlane v3, v0;
	_ =	sdelay $0x1  }
0xc0: {  	v4 =	vadd.s32 v1, v4;
	_ =	sdelay $0x4  }
0xc1: {  	[tilespmem:s22], [sflag:$0x1] =	stream.indirect_vreg.gather [hbm4b:s1+s4], $0x80, v4, vm0, $0xb8;
	[tilespmem:$0x18800] =	vst v63  }
0xc2: {  	s14 =	simm.s32 $0x1000;
	v3 =	vperm.xlane v3, v2  }
0xc3: {  	[tilespmem:s14], [sflag:$0x1] =	stream.indirect_vreg.gather [hbm4b:s5+s4], $0x80, v4, vm0, $0xb8;
	[tilespmem:$0x18800] =	vst v63  }
0xc4: {  	s11 =	simm.s32 $0x1800;
	v3 =	vadd.s32 v1, v3  }
0xc5: {  	[tilespmem:s11], [sflag:$0x1] =	stream.indirect_vreg.gather [hbm4b:s6+s4], $0x80, v4, vm0, $0xb8;
	[tilespmem:$0x18800] =	vst v63  }
0xc6: {  	s25 =	simm.s32 $0x2000  }
0xc7: {  	[tilespmem:s25], [sflag:$0x1] =	stream.indirect_vreg.gather [hbm4b:s7+s4], $0x80, v4, vm0, $0xb8;
	[tilespmem:$0x18800] =	vst v63  }
0xc8: {  	s30 =	simm.s32 $0x2800  }
0xc9: {  	[tilespmem:s30], [sflag:$0x1] =	stream.indirect_vreg.gather [hbm4b:s1+s4], $0x80, v3, vm0, $0xb8;
	[tilespmem:$0x18800] =	vst v63  }
0xca: {  	s17 =	simm.s32 $0x3000  }
0xcb: {  	[tilespmem:s17], [sflag:$0x1] =	stream.indirect_vreg.gather [hbm4b:s5+s4], $0x80, v3, vm0, $0xb8;
	[tilespmem:$0x18800] =	vst v63  }
0xcc: {  	s19 =	simm.s32 $0x3800  }
0xcd: {  	[tilespmem:s19], [sflag:$0x1] =	stream.indirect_vreg.gather [hbm4b:s6+s4], $0x80, v3, vm0, $0xb8;
	[tilespmem:$0x18800] =	vst v63  }
0xce: {  	s15 =	simm.s32 $0x4000  }
0xcf: {  	[tilespmem:s15], [sflag:$0x1] =	stream.indirect_vreg.gather [hbm4b:s7+s4], $0x80, v3, vm0, $0xb8;
	[tilespmem:$0x18800] =	vst v63  }
0xd0: {  	v3 =	vld [tilespmem:$0x190];
	_ =	sdelay $0x4  }
0xd1: {  	v63 =	vshll.u32 v3, $0x3  }
0xd2: {  	v3 =	vand.u32 $0x7, v3;
	v4 =	vand.u32 $0xFFFFFFC0, v63  }
0xd3: {  	v3 =	vor.u32 v3, v4  }
0xd4: {  	v4 =	vperm.xlane v3, v0;
	_ =	sdelay $0x1  }
0xd5: {  	v4 =	vadd.s32 v1, v4;
	_ =	sdelay $0x3  }
0xd6: {  	s20 =	simm.s32 $0x4800  }
0xd7: {  	[tilespmem:s20], [sflag:$0x1] =	stream.indirect_vreg.gather [hbm4b:s1+s4], $0x80, v4, vm0, $0xb8;
	[tilespmem:$0x18800] =	vst v63  }
0xd8: {  	s21 =	simm.s32 $0x5000;
	v3 =	vperm.xlane v3, v2  }
0xd9: {  	[tilespmem:s21], [sflag:$0x1] =	stream.indirect_vreg.gather [hbm4b:s5+s4], $0x80, v4, vm0, $0xb8;
	[tilespmem:$0x18800] =	vst v63  }
0xda: {  	v3 =	vadd.s32 v1, v3;
	s20 =	simm.s32 $0x5800  }
0xdb: {  	[tilespmem:s20], [sflag:$0x1] =	stream.indirect_vreg.gather [hbm4b:s6+s4], $0x80, v4, vm0, $0xb8;
	[tilespmem:$0x18800] =	vst v63  }
0xdc: {  	s21 =	simm.s32 $0x6000  }
0xdd: {  	[tilespmem:s21], [sflag:$0x1] =	stream.indirect_vreg.gather [hbm4b:s7+s4], $0x80, v4, vm0, $0xb8;
	[tilespmem:$0x18800] =	vst v63  }
0xde: {  	s22 =	simm.s32 $0x6800  }
0xdf: {  	[tilespmem:s22], [sflag:$0x1] =	stream.indirect_vreg.gather [hbm4b:s1+s4], $0x80, v3, vm0, $0xb8;
	[tilespmem:$0x18800] =	vst v63  }
0xe0: {  	s14 =	simm.s32 $0x7000  }
0xe1: {  	[tilespmem:s14], [sflag:$0x1] =	stream.indirect_vreg.gather [hbm4b:s5+s4], $0x80, v3, vm0, $0xb8;
	[tilespmem:$0x18800] =	vst v63  }
0xe2: {  	s15 =	simm.s32 $0x7800  }
0xe3: {  	[tilespmem:s15], [sflag:$0x1] =	stream.indirect_vreg.gather [hbm4b:s6+s4], $0x80, v3, vm0, $0xb8;
	[tilespmem:$0x18800] =	vst v63  }
0xe4: {  	s24 =	simm.s32 $0x8000  }
0xe5: {  	[tilespmem:s24], [sflag:$0x1] =	stream.indirect_vreg.gather [hbm4b:s7+s4], $0x80, v3, vm0, $0xb8;
	[tilespmem:$0x18800] =	vst v63  }
0xe6: {  	_ =	swait.ge [sflag:s29], $0x8000  }
0xe7: {  	[sflag:s29] =	ssyncset.done $0x0  }
0xe8: {  	s3 =	simm.s32 $0x8800;
	s24 =	rddreg [dreg:$0x8];
	[sflag:s29] =	ssyncadd.s32 $0xFFFF8000  }
0xe9: {  	[hbm4b:s24+s4] =	stream.linear.scatter [tilespmem:s3], [sflag:$0x5], $0x8000, $0x38;
	[tilespmem:$0x18800] =	vst v63  }
0xea: {  	_ =	swait.ge [sflag:s31], $0x8000  }
0xeb: {  	[sflag:s31] =	ssyncset.done $0x0  }
0xec: {  	[sflag:s31] =	ssyncadd.s32 $0xFFFF8000  }
0xed: {  	v3 =	vld [tilespmem:$0x200];
	_ =	sdelay $0x4  }
0xee: {  	v8 =	vshll.u32 v3, $0x3  }
0xef: {  	v3 =	vand.u32 $0x7, v3;
	v4 =	vand.u32 $0xFFFFFFC0, v8  }
0xf0: {  	v3 =	vor.u32 v3, v4  }
0xf1: {  	v4 =	vperm.xlane v3, v0;
	_ =	sdelay $0x1  }
0xf2: {  	v4 =	vadd.s32 v1, v4;
	_ =	sdelay $0x4  }
0xf3: {  	[tilespmem:s3], [sflag:$0x2] =	stream.indirect_vreg.gather [hbm4b:s1+s4], $0x80, v4, vm0, $0xb8;
	[tilespmem:$0x18800] =	vst v63  }
0xf4: {  	s24 =	simm.s32 $0x9000;
	v3 =	vperm.xlane v3, v2  }
0xf5: {  	[tilespmem:s24], [sflag:$0x2] =	stream.indirect_vreg.gather [hbm4b:s5+s4], $0x80, v4, vm0, $0xb8;
	[tilespmem:$0x18800] =	vst v63  }
0xf6: {  	s12 =	simm.s32 $0x9800;
	v3 =	vadd.s32 v1, v3  }
0xf7: {  	[tilespmem:s12], [sflag:$0x2] =	stream.indirect_vreg.gather [hbm4b:s6+s4], $0x80, v4, vm0, $0xb8;
	[tilespmem:$0x18800] =	vst v63  }
0xf8: {  	s24 =	simm.s32 $0xA000  }
0xf9: {  	[tilespmem:s24], [sflag:$0x2] =	stream.indirect_vreg.gather [hbm4b:s7+s4], $0x80, v4, vm0, $0xb8;
	[tilespmem:$0x18800] =	vst v63  }
0xfa: {  	s12 =	simm.s32 $0xA800  }
0xfb: {  	[tilespmem:s12], [sflag:$0x2] =	stream.indirect_vreg.gather [hbm4b:s1+s4], $0x80, v3, vm0, $0xb8;
	[tilespmem:$0x18800] =	vst v63  }
0xfc: {  	s24 =	simm.s32 $0xB000  }
0xfd: {  	[tilespmem:s24], [sflag:$0x2] =	stream.indirect_vreg.gather [hbm4b:s5+s4], $0x80, v3, vm0, $0xb8;
	[tilespmem:$0x18800] =	vst v63  }
0xfe: {  	s12 =	simm.s32 $0xB800  }
0xff: {  	[tilespmem:s12], [sflag:$0x2] =	stream.indirect_vreg.gather [hbm4b:s6+s4], $0x80, v3, vm0, $0xb8;
	[tilespmem:$0x18800] =	vst v63  }
0x100: {  	s23 =	simm.s32 $0xC000  }
0x101: {  	[tilespmem:s23], [sflag:$0x2] =	stream.indirect_vreg.gather [hbm4b:s7+s4], $0x80, v3, vm0, $0xb8;
	[tilespmem:$0x18800] =	vst v63  }
0x102: {  	v3 =	vld [tilespmem:$0x210];
	_ =	sdelay $0x4  }
0x103: {  	v9 =	vshll.u32 v3, $0x3  }
0x104: {  	v3 =	vand.u32 $0x7, v3;
	v4 =	vand.u32 $0xFFFFFFC0, v9  }
0x105: {  	v3 =	vor.u32 v3, v4  }
0x106: {  	v4 =	vperm.xlane v3, v0;
	_ =	sdelay $0x1  }
0x107: {  	v4 =	vadd.s32 v1, v4;
	_ =	sdelay $0x3  }
0x108: {  	s24 =	simm.s32 $0xC800  }
0x109: {  	[tilespmem:s24], [sflag:$0x2] =	stream.indirect_vreg.gather [hbm4b:s1+s4], $0x80, v4, vm0, $0xb8;
	[tilespmem:$0x18800] =	vst v63  }
0x10a: {  	s12 =	simm.s32 $0xD000;
	v3 =	vperm.xlane v3, v2  }
0x10b: {  	[tilespmem:s12], [sflag:$0x2] =	stream.indirect_vreg.gather [hbm4b:s5+s4], $0x80, v4, vm0, $0xb8;
	[tilespmem:$0x18800] =	vst v63  }
0x10c: {  	s16 =	simm.s32 $0xD800;
	v3 =	vadd.s32 v1, v3  }
0x10d: {  	[tilespmem:s16], [sflag:$0x2] =	stream.indirect_vreg.gather [hbm4b:s6+s4], $0x80, v4, vm0, $0xb8;
	[tilespmem:$0x18800] =	vst v63  }
0x10e: {  	s23 =	simm.s32 $0xE000  }
0x10f: {  	[tilespmem:s23], [sflag:$0x2] =	stream.indirect_vreg.gather [hbm4b:s7+s4], $0x80, v4, vm0, $0xb8;
	[tilespmem:$0x18800] =	vst v63  }
0x110: {  	s24 =	simm.s32 $0xE800  }
0x111: {  	[tilespmem:s24], [sflag:$0x2] =	stream.indirect_vreg.gather [hbm4b:s1+s4], $0x80, v3, vm0, $0xb8;
	[tilespmem:$0x18800] =	vst v63  }
0x112: {  	s12 =	simm.s32 $0xF000  }
0x113: {  	[tilespmem:s12], [sflag:$0x2] =	stream.indirect_vreg.gather [hbm4b:s5+s4], $0x80, v3, vm0, $0xb8;
	[tilespmem:$0x18800] =	vst v63  }
0x114: {  	s16 =	simm.s32 $0xF800  }
0x115: {  	[tilespmem:s16], [sflag:$0x2] =	stream.indirect_vreg.gather [hbm4b:s6+s4], $0x80, v3, vm0, $0xb8;
	[tilespmem:$0x18800] =	vst v63  }
0x116: {  	s23 =	simm.s32 $0x10000  }
0x117: {  	[tilespmem:s23], [sflag:$0x2] =	stream.indirect_vreg.gather [hbm4b:s7+s4], $0x80, v3, vm0, $0xb8;
	[tilespmem:$0x18800] =	vst v63  }
0x118: {  	_ =	swait.ge [sflag:s18], $0x8000  }
0x119: {  	[sflag:s18] =	ssyncset.done $0x0  }
0x11a: {  	s3 =	simm.s32 $0x10800;
	s24 =	rddreg [dreg:$0x9];
	[sflag:s18] =	ssyncadd.s32 $0xFFFF8000  }
0x11b: {  	[hbm4b:s24+s4] =	stream.linear.scatter [tilespmem:s3], [sflag:$0x6], $0x8000, $0x38;
	[tilespmem:$0x18800] =	vst v63  }
0x11c: {  	_ =	swait.ge [sflag:s0], $0x8000  }
0x11d: {  	[sflag:s0] =	ssyncset.done $0x0  }
0x11e: {  	[sflag:s0] =	ssyncadd.s32 $0xFFFF8000  }
0x11f: {  	v3 =	vld [tilespmem:$0x280];
	_ =	sdelay $0x4  }
0x120: {  	v10 =	vshll.u32 v3, $0x3  }
0x121: {  	v3 =	vand.u32 $0x7, v3;
	v4 =	vand.u32 $0xFFFFFFC0, v10  }
0x122: {  	v3 =	vor.u32 v3, v4  }
0x123: {  	v4 =	vperm.xlane v3, v0;
	_ =	sdelay $0x1  }
0x124: {  	v4 =	vadd.s32 v1, v4;
	_ =	sdelay $0x4  }
0x125: {  	[tilespmem:s3], [sflag:$0x3] =	stream.indirect_vreg.gather [hbm4b:s1+s4], $0x80, v4, vm0, $0xb8;
	[tilespmem:$0x18800] =	vst v63  }
0x126: {  	s13 =	simm.s32 $0x11000;
	v3 =	vperm.xlane v3, v2  }
0x127: {  	[tilespmem:s13], [sflag:$0x3] =	stream.indirect_vreg.gather [hbm4b:s5+s4], $0x80, v4, vm0, $0xb8;
	[tilespmem:$0x18800] =	vst v63  }
0x128: {  	s23 =	simm.s32 $0x11800;
	v3 =	vadd.s32 v1, v3  }
0x129: {  	[tilespmem:s23], [sflag:$0x3] =	stream.indirect_vreg.gather [hbm4b:s6+s4], $0x80, v4, vm0, $0xb8;
	[tilespmem:$0x18800] =	vst v63  }
0x12a: {  	s24 =	simm.s32 $0x12000  }
0x12b: {  	[tilespmem:s24], [sflag:$0x3] =	stream.indirect_vreg.gather [hbm4b:s7+s4], $0x80, v4, vm0, $0xb8;
	[tilespmem:$0x18800] =	vst v63  }
0x12c: {  	s16 =	simm.s32 $0x12800  }
0x12d: {  	[tilespmem:s16], [sflag:$0x3] =	stream.indirect_vreg.gather [hbm4b:s1+s4], $0x80, v3, vm0, $0xb8;
	[tilespmem:$0x18800] =	vst v63  }
0x12e: {  	s13 =	simm.s32 $0x13000  }
0x12f: {  	[tilespmem:s13], [sflag:$0x3] =	stream.indirect_vreg.gather [hbm4b:s5+s4], $0x80, v3, vm0, $0xb8;
	[tilespmem:$0x18800] =	vst v63  }
0x130: {  	s12 =	simm.s32 $0x13800  }
0x131: {  	[tilespmem:s12], [sflag:$0x3] =	stream.indirect_vreg.gather [hbm4b:s6+s4], $0x80, v3, vm0, $0xb8;
	[tilespmem:$0x18800] =	vst v63  }
0x132: {  	s12 =	simm.s32 $0x14000  }
0x133: {  	[tilespmem:s12], [sflag:$0x3] =	stream.indirect_vreg.gather [hbm4b:s7+s4], $0x80, v3, vm0, $0xb8;
	[tilespmem:$0x18800] =	vst v63  }
0x134: {  	v3 =	vld [tilespmem:$0x290];
	_ =	sdelay $0x4  }
0x135: {  	v11 =	vshll.u32 v3, $0x3  }
0x136: {  	v3 =	vand.u32 $0x7, v3;
	v4 =	vand.u32 $0xFFFFFFC0, v11  }
0x137: {  	v3 =	vor.u32 v3, v4  }
0x138: {  	v4 =	vperm.xlane v3, v0;
	_ =	sdelay $0x1  }
0x139: {  	v4 =	vadd.s32 v1, v4;
	_ =	sdelay $0x3  }
0x13a: {  	s12 =	simm.s32 $0x14800  }
0x13b: {  	[tilespmem:s12], [sflag:$0x3] =	stream.indirect_vreg.gather [hbm4b:s1+s4], $0x80, v4, vm0, $0xb8;
	[tilespmem:$0x18800] =	vst v63  }
0x13c: {  	v3 =	vperm.xlane v3, v2;
	s12 =	simm.s32 $0x15000  }
0x13d: {  	[tilespmem:s12], [sflag:$0x3] =	stream.indirect_vreg.gather [hbm4b:s5+s4], $0x80, v4, vm0, $0xb8;
	[tilespmem:$0x18800] =	vst v63  }
0x13e: {  	v3 =	vadd.s32 v1, v3;
	s12 =	simm.s32 $0x15800  }
0x13f: {  	[tilespmem:s12], [sflag:$0x3] =	stream.indirect_vreg.gather [hbm4b:s6+s4], $0x80, v4, vm0, $0xb8;
	[tilespmem:$0x18800] =	vst v63  }
0x140: {  	s12 =	simm.s32 $0x16000  }
0x141: {  	[tilespmem:s12], [sflag:$0x3] =	stream.indirect_vreg.gather [hbm4b:s7+s4], $0x80, v4, vm0, $0xb8;
	[tilespmem:$0x18800] =	vst v63  }
0x142: {  	s12 =	simm.s32 $0x16800  }
0x143: {  	[tilespmem:s12], [sflag:$0x3] =	stream.indirect_vreg.gather [hbm4b:s1+s4], $0x80, v3, vm0, $0xb8;
	[tilespmem:$0x18800] =	vst v63  }
0x144: {  	s12 =	simm.s32 $0x17000  }
0x145: {  	[tilespmem:s12], [sflag:$0x3] =	stream.indirect_vreg.gather [hbm4b:s5+s4], $0x80, v3, vm0, $0xb8;
	[tilespmem:$0x18800] =	vst v63  }
0x146: {  	s12 =	simm.s32 $0x17800  }
0x147: {  	[tilespmem:s12], [sflag:$0x3] =	stream.indirect_vreg.gather [hbm4b:s6+s4], $0x80, v3, vm0, $0xb8;
	[tilespmem:$0x18800] =	vst v63  }
0x148: {  	s12 =	simm.s32 $0x18000  }
0x149: {  	[tilespmem:s12], [sflag:$0x3] =	stream.indirect_vreg.gather [hbm4b:s7+s4], $0x80, v3, vm0, $0xb8;
	[tilespmem:$0x18800] =	vst v63  }
0x14a: {  	_ =	swait.ge [sflag:s26], $0x8000  }
0x14b: {  	[sflag:s26] =	ssyncset.done $0x0  }
0x14c: {  	s3 =	simm.s32 $0x800;
	s12 =	rddreg [dreg:$0xa];
	[sflag:s26] =	ssyncadd.s32 $0xFFFF8000  }
0x14d: {  	[hbm4b:s12+s4] =	stream.linear.scatter [tilespmem:s3], [sflag:$0x4], $0x8000, $0x38;
	[tilespmem:$0x18800] =	vst v63  }
0x14e: {  	_ =	swait.ge [sflag:s28], $0x8000  }
0x14f: {  	[sflag:s28] =	ssyncset.done $0x0  }
0x150: {  	[sflag:s28] =	ssyncadd.s32 $0xFFFF8000  }
0x151: {  	v3 =	vld [tilespmem:$0x300];
	_ =	sdelay $0x4  }
0x152: {  	v12 =	vshll.u32 v3, $0x3  }
0x153: {  	v3 =	vand.u32 $0x7, v3;
	v4 =	vand.u32 $0xFFFFFFC0, v12  }
0x154: {  	v3 =	vor.u32 v3, v4  }
0x155: {  	v4 =	vperm.xlane v3, v0;
	_ =	sdelay $0x1  }
0x156: {  	v4 =	vadd.s32 v1, v4;
	_ =	sdelay $0x4  }
0x157: {  	[tilespmem:s3], [sflag:$0x1] =	stream.indirect_vreg.gather [hbm4b:s1+s4], $0x80, v4, vm0, $0xb8;
	[tilespmem:$0x18800] =	vst v63  }
0x158: {  	s12 =	simm.s32 $0x1000;
	v3 =	vperm.xlane v3, v2  }
0x159: {  	[tilespmem:s12], [sflag:$0x1] =	stream.indirect_vreg.gather [hbm4b:s5+s4], $0x80, v4, vm0, $0xb8;
	[tilespmem:$0x18800] =	vst v63  }
0x15a: {  	v3 =	vadd.s32 v1, v3  }
0x15b: {  	[tilespmem:s11], [sflag:$0x1] =	stream.indirect_vreg.gather [hbm4b:s6+s4], $0x80, v4, vm0, $0xb8;
	[tilespmem:$0x18800] =	vst v63  }
0x15c: {  	_ = 	snop  }
0x15d: {  	[tilespmem:s25], [sflag:$0x1] =	stream.indirect_vreg.gather [hbm4b:s7+s4], $0x80, v4, vm0, $0xb8;
	[tilespmem:$0x18800] =	vst v63  }
0x15e: {  	_ = 	snop  }
0x15f: {  	[tilespmem:s30], [sflag:$0x1] =	stream.indirect_vreg.gather [hbm4b:s1+s4], $0x80, v3, vm0, $0xb8;
	[tilespmem:$0x18800] =	vst v63  }
0x160: {  	_ = 	snop  }
0x161: {  	[tilespmem:s17], [sflag:$0x1] =	stream.indirect_vreg.gather [hbm4b:s5+s4], $0x80, v3, vm0, $0xb8;
	[tilespmem:$0x18800] =	vst v63  }
0x162: {  	_ = 	snop  }
0x163: {  	[tilespmem:s19], [sflag:$0x1] =	stream.indirect_vreg.gather [hbm4b:s6+s4], $0x80, v3, vm0, $0xb8;
	[tilespmem:$0x18800] =	vst v63  }
0x164: {  	s11 =	simm.s32 $0x4000  }
0x165: {  	[tilespmem:s11], [sflag:$0x1] =	stream.indirect_vreg.gather [hbm4b:s7+s4], $0x80, v3, vm0, $0xb8;
	[tilespmem:$0x18800] =	vst v63  }
0x166: {  	v3 =	vld [tilespmem:$0x310];
	_ =	sdelay $0x4  }
0x167: {  	v13 =	vshll.u32 v3, $0x3  }
0x168: {  	v3 =	vand.u32 $0x7, v3;
	v4 =	vand.u32 $0xFFFFFFC0, v13  }
0x169: {  	v3 =	vor.u32 v3, v4  }
0x16a: {  	v4 =	vperm.xlane v3, v0;
	_ =	sdelay $0x1  }
0x16b: {  	v4 =	vadd.s32 v1, v4;
	_ =	sdelay $0x3  }
0x16c: {  	s17 =	simm.s32 $0x4800  }
0x16d: {  	[tilespmem:s17], [sflag:$0x1] =	stream.indirect_vreg.gather [hbm4b:s1+s4], $0x80, v4, vm0, $0xb8;
	[tilespmem:$0x18800] =	vst v63  }
0x16e: {  	s19 =	simm.s32 $0x5000;
	v3 =	vperm.xlane v3, v2  }
0x16f: {  	[tilespmem:s19], [sflag:$0x1] =	stream.indirect_vreg.gather [hbm4b:s5+s4], $0x80, v4, vm0, $0xb8;
	[tilespmem:$0x18800] =	vst v63  }
0x170: {  	v3 =	vadd.s32 v1, v3  }
0x171: {  	[tilespmem:s20], [sflag:$0x1] =	stream.indirect_vreg.gather [hbm4b:s6+s4], $0x80, v4, vm0, $0xb8;
	[tilespmem:$0x18800] =	vst v63  }
0x172: {  	_ = 	snop  }
0x173: {  	[tilespmem:s21], [sflag:$0x1] =	stream.indirect_vreg.gather [hbm4b:s7+s4], $0x80, v4, vm0, $0xb8;
	[tilespmem:$0x18800] =	vst v63  }
0x174: {  	_ = 	snop  }
0x175: {  	[tilespmem:s22], [sflag:$0x1] =	stream.indirect_vreg.gather [hbm4b:s1+s4], $0x80, v3, vm0, $0xb8;
	[tilespmem:$0x18800] =	vst v63  }
0x176: {  	_ = 	snop  }
0x177: {  	[tilespmem:s14], [sflag:$0x1] =	stream.indirect_vreg.gather [hbm4b:s5+s4], $0x80, v3, vm0, $0xb8;
	[tilespmem:$0x18800] =	vst v63  }
0x178: {  	_ = 	snop  }
0x179: {  	[tilespmem:s15], [sflag:$0x1] =	stream.indirect_vreg.gather [hbm4b:s6+s4], $0x80, v3, vm0, $0xb8;
	[tilespmem:$0x18800] =	vst v63  }
0x17a: {  	s14 =	simm.s32 $0x8000  }
0x17b: {  	[tilespmem:s14], [sflag:$0x1] =	stream.indirect_vreg.gather [hbm4b:s7+s4], $0x80, v3, vm0, $0xb8;
	[tilespmem:$0x18800] =	vst v63  }
0x17c: {  	_ =	swait.ge [sflag:s29], $0x8000  }
0x17d: {  	[sflag:s29] =	ssyncset.done $0x0  }
0x17e: {  	s30 =	simm.s32 $0x8800;
	s25 =	rddreg [dreg:$0xb];
	[sflag:s29] =	ssyncadd.s32 $0xFFFF8000  }
0x17f: {  	[hbm4b:s25+s4] =	stream.linear.scatter [tilespmem:s30], [sflag:$0x5], $0x8000, $0x38;
	[tilespmem:$0x18800] =	vst v63  }
0x180: {  	_ =	swait.ge [sflag:s31], $0x8000  }
0x181: {  	[sflag:s31] =	ssyncset.done $0x0  }
0x182: {  	[sflag:s31] =	ssyncadd.s32 $0xFFFF8000  }
0x183: {  	v3 =	vld [tilespmem:$0x380];
	_ =	sdelay $0x4  }
0x184: {  	v14 =	vshll.u32 v3, $0x3  }
0x185: {  	v3 =	vand.u32 $0x7, v3;
	v4 =	vand.u32 $0xFFFFFFC0, v14  }
0x186: {  	v3 =	vor.u32 v3, v4  }
0x187: {  	v4 =	vperm.xlane v3, v0;
	_ =	sdelay $0x1  }
0x188: {  	v4 =	vadd.s32 v1, v4;
	_ =	sdelay $0x4  }
0x189: {  	[tilespmem:s30], [sflag:$0x2] =	stream.indirect_vreg.gather [hbm4b:s1+s4], $0x80, v4, vm0, $0xb8;
	[tilespmem:$0x18800] =	vst v63  }
0x18a: {  	s15 =	simm.s32 $0x9000;
	v3 =	vperm.xlane v3, v2  }
0x18b: {  	[tilespmem:s15], [sflag:$0x2] =	stream.indirect_vreg.gather [hbm4b:s5+s4], $0x80, v4, vm0, $0xb8;
	[tilespmem:$0x18800] =	vst v63  }
0x18c: {  	s20 =	simm.s32 $0x9800;
	v3 =	vadd.s32 v1, v3  }
0x18d: {  	[tilespmem:s20], [sflag:$0x2] =	stream.indirect_vreg.gather [hbm4b:s6+s4], $0x80, v4, vm0, $0xb8;
	[tilespmem:$0x18800] =	vst v63  }
0x18e: {  	s21 =	simm.s32 $0xA000  }
0x18f: {  	[tilespmem:s21], [sflag:$0x2] =	stream.indirect_vreg.gather [hbm4b:s7+s4], $0x80, v4, vm0, $0xb8;
	[tilespmem:$0x18800] =	vst v63  }
0x190: {  	s22 =	simm.s32 $0xA800  }
0x191: {  	[tilespmem:s22], [sflag:$0x2] =	stream.indirect_vreg.gather [hbm4b:s1+s4], $0x80, v3, vm0, $0xb8;
	[tilespmem:$0x18800] =	vst v63  }
0x192: {  	s25 =	simm.s32 $0xB000  }
0x193: {  	[tilespmem:s25], [sflag:$0x2] =	stream.indirect_vreg.gather [hbm4b:s5+s4], $0x80, v3, vm0, $0xb8;
	[tilespmem:$0x18800] =	vst v63  }
0x194: {  	s3 =	simm.s32 $0xB800  }
0x195: {  	[tilespmem:s3], [sflag:$0x2] =	stream.indirect_vreg.gather [hbm4b:s6+s4], $0x80, v3, vm0, $0xb8;
	[tilespmem:$0x18800] =	vst v63  }
0x196: {  	s17 =	simm.s32 $0xC000  }
0x197: {  	[tilespmem:s17], [sflag:$0x2] =	stream.indirect_vreg.gather [hbm4b:s7+s4], $0x80, v3, vm0, $0xb8;
	[tilespmem:$0x18800] =	vst v63  }
0x198: {  	v3 =	vld [tilespmem:$0x390];
	_ =	sdelay $0x4  }
0x199: {  	v15 =	vshll.u32 v3, $0x3  }
0x19a: {  	v3 =	vand.u32 $0x7, v3;
	v4 =	vand.u32 $0xFFFFFFC0, v15  }
0x19b: {  	v3 =	vor.u32 v3, v4  }
0x19c: {  	v4 =	vperm.xlane v3, v0;
	_ =	sdelay $0x1  }
0x19d: {  	v4 =	vadd.s32 v1, v4;
	_ =	sdelay $0x3  }
0x19e: {  	s19 =	simm.s32 $0xC800  }
0x19f: {  	[tilespmem:s19], [sflag:$0x2] =	stream.indirect_vreg.gather [hbm4b:s1+s4], $0x80, v4, vm0, $0xb8;
	[tilespmem:$0x18800] =	vst v63  }
0x1a0: {  	s30 =	simm.s32 $0xD000;
	v3 =	vperm.xlane v3, v2  }
0x1a1: {  	[tilespmem:s30], [sflag:$0x2] =	stream.indirect_vreg.gather [hbm4b:s5+s4], $0x80, v4, vm0, $0xb8;
	[tilespmem:$0x18800] =	vst v63  }
0x1a2: {  	s17 =	simm.s32 $0xD800;
	v3 =	vadd.s32 v1, v3  }
0x1a3: {  	[tilespmem:s17], [sflag:$0x2] =	stream.indirect_vreg.gather [hbm4b:s6+s4], $0x80, v4, vm0, $0xb8;
	[tilespmem:$0x18800] =	vst v63  }
0x1a4: {  	s19 =	simm.s32 $0xE000  }
0x1a5: {  	[tilespmem:s19], [sflag:$0x2] =	stream.indirect_vreg.gather [hbm4b:s7+s4], $0x80, v4, vm0, $0xb8;
	[tilespmem:$0x18800] =	vst v63  }
0x1a6: {  	s15 =	simm.s32 $0xE800  }
0x1a7: {  	[tilespmem:s15], [sflag:$0x2] =	stream.indirect_vreg.gather [hbm4b:s1+s4], $0x80, v3, vm0, $0xb8;
	[tilespmem:$0x18800] =	vst v63  }
0x1a8: {  	s30 =	simm.s32 $0xF000  }
0x1a9: {  	[tilespmem:s30], [sflag:$0x2] =	stream.indirect_vreg.gather [hbm4b:s5+s4], $0x80, v3, vm0, $0xb8;
	[tilespmem:$0x18800] =	vst v63  }
0x1aa: {  	s15 =	simm.s32 $0xF800  }
0x1ab: {  	[tilespmem:s15], [sflag:$0x2] =	stream.indirect_vreg.gather [hbm4b:s6+s4], $0x80, v3, vm0, $0xb8;
	[tilespmem:$0x18800] =	vst v63  }
0x1ac: {  	s30 =	simm.s32 $0x10000  }
0x1ad: {  	[tilespmem:s30], [sflag:$0x2] =	stream.indirect_vreg.gather [hbm4b:s7+s4], $0x80, v3, vm0, $0xb8;
	[tilespmem:$0x18800] =	vst v63  }
0x1ae: {  	_ =	swait.ge [sflag:s18], $0x8000  }
0x1af: {  	[sflag:s18] =	ssyncset.done $0x0  }
0x1b0: {  	s30 =	simm.s32 $0x10800;
	s15 =	rddreg [dreg:$0xc];
	[sflag:s18] =	ssyncadd.s32 $0xFFFF8000  }
0x1b1: {  	[hbm4b:s15+s4] =	stream.linear.scatter [tilespmem:s30], [sflag:$0x6], $0x8000, $0x38;
	[tilespmem:$0x18800] =	vst v63  }
0x1b2: {  	_ =	swait.ge [sflag:s0], $0x8000  }
0x1b3: {  	[sflag:s0] =	ssyncset.done $0x0  }
0x1b4: {  	[sflag:s0] =	ssyncadd.s32 $0xFFFF8000  }
0x1b5: {  	v3 =	vld [tilespmem:$0x400];
	_ =	sdelay $0x4  }
0x1b6: {  	v16 =	vshll.u32 v3, $0x3  }
0x1b7: {  	v3 =	vand.u32 $0x7, v3;
	v4 =	vand.u32 $0xFFFFFFC0, v16  }
0x1b8: {  	v3 =	vor.u32 v3, v4  }
0x1b9: {  	v4 =	vperm.xlane v3, v0;
	_ =	sdelay $0x1  }
0x1ba: {  	v4 =	vadd.s32 v1, v4;
	_ =	sdelay $0x4  }
0x1bb: {  	[tilespmem:s30], [sflag:$0x3] =	stream.indirect_vreg.gather [hbm4b:s1+s4], $0x80, v4, vm0, $0xb8;
	[tilespmem:$0x18800] =	vst v63  }
0x1bc: {  	s15 =	simm.s32 $0x11000;
	v3 =	vperm.xlane v3, v2  }
0x1bd: {  	[tilespmem:s15], [sflag:$0x3] =	stream.indirect_vreg.gather [hbm4b:s5+s4], $0x80, v4, vm0, $0xb8;
	[tilespmem:$0x18800] =	vst v63  }
0x1be: {  	v3 =	vadd.s32 v1, v3  }
0x1bf: {  	[tilespmem:s23], [sflag:$0x3] =	stream.indirect_vreg.gather [hbm4b:s6+s4], $0x80, v4, vm0, $0xb8;
	[tilespmem:$0x18800] =	vst v63  }
0x1c0: {  	_ = 	snop  }
0x1c1: {  	[tilespmem:s24], [sflag:$0x3] =	stream.indirect_vreg.gather [hbm4b:s7+s4], $0x80, v4, vm0, $0xb8;
	[tilespmem:$0x18800] =	vst v63  }
0x1c2: {  	_ = 	snop  }
0x1c3: {  	[tilespmem:s16], [sflag:$0x3] =	stream.indirect_vreg.gather [hbm4b:s1+s4], $0x80, v3, vm0, $0xb8;
	[tilespmem:$0x18800] =	vst v63  }
0x1c4: {  	_ = 	snop  }
0x1c5: {  	[tilespmem:s13], [sflag:$0x3] =	stream.indirect_vreg.gather [hbm4b:s5+s4], $0x80, v3, vm0, $0xb8;
	[tilespmem:$0x18800] =	vst v63  }
0x1c6: {  	s13 =	simm.s32 $0x13800  }
0x1c7: {  	[tilespmem:s13], [sflag:$0x3] =	stream.indirect_vreg.gather [hbm4b:s6+s4], $0x80, v3, vm0, $0xb8;
	[tilespmem:$0x18800] =	vst v63  }
0x1c8: {  	s16 =	simm.s32 $0x14000  }
0x1c9: {  	[tilespmem:s16], [sflag:$0x3] =	stream.indirect_vreg.gather [hbm4b:s7+s4], $0x80, v3, vm0, $0xb8;
	[tilespmem:$0x18800] =	vst v63  }
0x1ca: {  	v3 =	vld [tilespmem:$0x410];
	_ =	sdelay $0x4  }
0x1cb: {  	v17 =	vshll.u32 v3, $0x3  }
0x1cc: {  	v3 =	vand.u32 $0x7, v3;
	v4 =	vand.u32 $0xFFFFFFC0, v17  }
0x1cd: {  	v3 =	vor.u32 v3, v4  }
0x1ce: {  	v4 =	vperm.xlane v3, v0;
	_ =	sdelay $0x1  }
0x1cf: {  	v4 =	vadd.s32 v1, v4;
	_ =	sdelay $0x3  }
0x1d0: {  	s23 =	simm.s32 $0x14800  }
0x1d1: {  	[tilespmem:s23], [sflag:$0x3] =	stream.indirect_vreg.gather [hbm4b:s1+s4], $0x80, v4, vm0, $0xb8;
	[tilespmem:$0x18800] =	vst v63  }
0x1d2: {  	s24 =	simm.s32 $0x15000;
	v3 =	vperm.xlane v3, v2  }
0x1d3: {  	[tilespmem:s24], [sflag:$0x3] =	stream.indirect_vreg.gather [hbm4b:s5+s4], $0x80, v4, vm0, $0xb8;
	[tilespmem:$0x18800] =	vst v63  }
0x1d4: {  	v3 =	vadd.s32 v1, v3;
	s23 =	simm.s32 $0x15800  }
0x1d5: {  	[tilespmem:s23], [sflag:$0x3] =	stream.indirect_vreg.gather [hbm4b:s6+s4], $0x80, v4, vm0, $0xb8;
	[tilespmem:$0x18800] =	vst v63  }
0x1d6: {  	s24 =	simm.s32 $0x16000  }
0x1d7: {  	[tilespmem:s24], [sflag:$0x3] =	stream.indirect_vreg.gather [hbm4b:s7+s4], $0x80, v4, vm0, $0xb8;
	[tilespmem:$0x18800] =	vst v63  }
0x1d8: {  	s15 =	simm.s32 $0x16800  }
0x1d9: {  	[tilespmem:s15], [sflag:$0x3] =	stream.indirect_vreg.gather [hbm4b:s1+s4], $0x80, v3, vm0, $0xb8;
	[tilespmem:$0x18800] =	vst v63  }
0x1da: {  	s16 =	simm.s32 $0x17000  }
0x1db: {  	[tilespmem:s16], [sflag:$0x3] =	stream.indirect_vreg.gather [hbm4b:s5+s4], $0x80, v3, vm0, $0xb8;
	[tilespmem:$0x18800] =	vst v63  }
0x1dc: {  	s30 =	simm.s32 $0x17800  }
0x1dd: {  	[tilespmem:s30], [sflag:$0x3] =	stream.indirect_vreg.gather [hbm4b:s6+s4], $0x80, v3, vm0, $0xb8;
	[tilespmem:$0x18800] =	vst v63  }
0x1de: {  	s30 =	simm.s32 $0x18000  }
0x1df: {  	[tilespmem:s30], [sflag:$0x3] =	stream.indirect_vreg.gather [hbm4b:s7+s4], $0x80, v3, vm0, $0xb8;
	[tilespmem:$0x18800] =	vst v63  }
0x1e0: {  	_ =	swait.ge [sflag:s26], $0x8000  }
0x1e1: {  	[sflag:s26] =	ssyncset.done $0x0  }
0x1e2: {  	s30 =	simm.s32 $0x800;
	s12 =	rddreg [dreg:$0xd];
	[sflag:s26] =	ssyncadd.s32 $0xFFFF8000  }
0x1e3: {  	[hbm4b:s12+s4] =	stream.linear.scatter [tilespmem:s30], [sflag:$0x4], $0x8000, $0x38;
	[tilespmem:$0x18800] =	vst v63  }
0x1e4: {  	_ =	swait.ge [sflag:s28], $0x8000  }
0x1e5: {  	[sflag:s28] =	ssyncset.done $0x0  }
0x1e6: {  	[sflag:s28] =	ssyncadd.s32 $0xFFFF8000  }
0x1e7: {  	v3 =	vld [tilespmem:$0x480];
	_ =	sdelay $0x4  }
0x1e8: {  	v18 =	vshll.u32 v3, $0x3  }
0x1e9: {  	v3 =	vand.u32 $0x7, v3;
	v4 =	vand.u32 $0xFFFFFFC0, v18  }
0x1ea: {  	v3 =	vor.u32 v3, v4  }
0x1eb: {  	v4 =	vperm.xlane v3, v0;
	_ =	sdelay $0x1  }
0x1ec: {  	v4 =	vadd.s32 v1, v4;
	_ =	sdelay $0x4  }
0x1ed: {  	[tilespmem:s30], [sflag:$0x1] =	stream.indirect_vreg.gather [hbm4b:s1+s4], $0x80, v4, vm0, $0xb8;
	[tilespmem:$0x18800] =	vst v63  }
0x1ee: {  	v3 =	vperm.xlane v3, v2;
	s30 =	simm.s32 $0x1000  }
0x1ef: {  	[tilespmem:s30], [sflag:$0x1] =	stream.indirect_vreg.gather [hbm4b:s5+s4], $0x80, v4, vm0, $0xb8;
	[tilespmem:$0x18800] =	vst v63  }
0x1f0: {  	v3 =	vadd.s32 v1, v3;
	s30 =	simm.s32 $0x1800  }
0x1f1: {  	[tilespmem:s30], [sflag:$0x1] =	stream.indirect_vreg.gather [hbm4b:s6+s4], $0x80, v4, vm0, $0xb8;
	[tilespmem:$0x18800] =	vst v63  }
0x1f2: {  	s30 =	simm.s32 $0x2000  }
0x1f3: {  	[tilespmem:s30], [sflag:$0x1] =	stream.indirect_vreg.gather [hbm4b:s7+s4], $0x80, v4, vm0, $0xb8;
	[tilespmem:$0x18800] =	vst v63  }
0x1f4: {  	s30 =	simm.s32 $0x2800  }
0x1f5: {  	[tilespmem:s30], [sflag:$0x1] =	stream.indirect_vreg.gather [hbm4b:s1+s4], $0x80, v3, vm0, $0xb8;
	[tilespmem:$0x18800] =	vst v63  }
0x1f6: {  	s30 =	simm.s32 $0x3000  }
0x1f7: {  	[tilespmem:s30], [sflag:$0x1] =	stream.indirect_vreg.gather [hbm4b:s5+s4], $0x80, v3, vm0, $0xb8;
	[tilespmem:$0x18800] =	vst v63  }
0x1f8: {  	s12 =	simm.s32 $0x3800  }
0x1f9: {  	[tilespmem:s12], [sflag:$0x1] =	stream.indirect_vreg.gather [hbm4b:s6+s4], $0x80, v3, vm0, $0xb8;
	[tilespmem:$0x18800] =	vst v63  }
0x1fa: {  	_ = 	snop  }
0x1fb: {  	[tilespmem:s11], [sflag:$0x1] =	stream.indirect_vreg.gather [hbm4b:s7+s4], $0x80, v3, vm0, $0xb8;
	[tilespmem:$0x18800] =	vst v63  }
0x1fc: {  	v3 =	vld [tilespmem:$0x490];
	_ =	sdelay $0x4  }
0x1fd: {  	v19 =	vshll.u32 v3, $0x3  }
0x1fe: {  	v3 =	vand.u32 $0x7, v3;
	v4 =	vand.u32 $0xFFFFFFC0, v19  }
0x1ff: {  	v3 =	vor.u32 v3, v4  }
0x200: {  	v4 =	vperm.xlane v3, v0;
	_ =	sdelay $0x1  }
0x201: {  	v4 =	vadd.s32 v1, v4;
	_ =	sdelay $0x3  }
0x202: {  	s12 =	simm.s32 $0x4800  }
0x203: {  	[tilespmem:s12], [sflag:$0x1] =	stream.indirect_vreg.gather [hbm4b:s1+s4], $0x80, v4, vm0, $0xb8;
	[tilespmem:$0x18800] =	vst v63  }
0x204: {  	v3 =	vperm.xlane v3, v2;
	s12 =	simm.s32 $0x5000  }
0x205: {  	[tilespmem:s12], [sflag:$0x1] =	stream.indirect_vreg.gather [hbm4b:s5+s4], $0x80, v4, vm0, $0xb8;
	[tilespmem:$0x18800] =	vst v63  }
0x206: {  	v3 =	vadd.s32 v1, v3;
	s12 =	simm.s32 $0x5800  }
0x207: {  	[tilespmem:s12], [sflag:$0x1] =	stream.indirect_vreg.gather [hbm4b:s6+s4], $0x80, v4, vm0, $0xb8;
	[tilespmem:$0x18800] =	vst v63  }
0x208: {  	s12 =	simm.s32 $0x6000  }
0x209: {  	[tilespmem:s12], [sflag:$0x1] =	stream.indirect_vreg.gather [hbm4b:s7+s4], $0x80, v4, vm0, $0xb8;
	[tilespmem:$0x18800] =	vst v63  }
0x20a: {  	s12 =	simm.s32 $0x6800  }
0x20b: {  	[tilespmem:s12], [sflag:$0x1] =	stream.indirect_vreg.gather [hbm4b:s1+s4], $0x80, v3, vm0, $0xb8;
	[tilespmem:$0x18800] =	vst v63  }
0x20c: {  	s12 =	simm.s32 $0x7000  }
0x20d: {  	[tilespmem:s12], [sflag:$0x1] =	stream.indirect_vreg.gather [hbm4b:s5+s4], $0x80, v3, vm0, $0xb8;
	[tilespmem:$0x18800] =	vst v63  }
0x20e: {  	s12 =	simm.s32 $0x7800  }
0x20f: {  	[tilespmem:s12], [sflag:$0x1] =	stream.indirect_vreg.gather [hbm4b:s6+s4], $0x80, v3, vm0, $0xb8;
	[tilespmem:$0x18800] =	vst v63  }
0x210: {  	_ = 	snop  }
0x211: {  	[tilespmem:s14], [sflag:$0x1] =	stream.indirect_vreg.gather [hbm4b:s7+s4], $0x80, v3, vm0, $0xb8;
	[tilespmem:$0x18800] =	vst v63  }
0x212: {  	_ =	swait.ge [sflag:s29], $0x8000  }
0x213: {  	[sflag:s29] =	ssyncset.done $0x0  }
0x214: {  	s14 =	simm.s32 $0x8800;
	s11 =	rddreg [dreg:$0xe];
	[sflag:s29] =	ssyncadd.s32 $0xFFFF8000  }
0x215: {  	[hbm4b:s11+s4] =	stream.linear.scatter [tilespmem:s14], [sflag:$0x5], $0x8000, $0x38;
	[tilespmem:$0x18800] =	vst v63  }
0x216: {  	_ =	swait.ge [sflag:s31], $0x8000  }
0x217: {  	[sflag:s31] =	ssyncset.done $0x0  }
0x218: {  	[sflag:s31] =	ssyncadd.s32 $0xFFFF8000  }
0x219: {  	v3 =	vld [tilespmem:$0x500];
	_ =	sdelay $0x4  }
0x21a: {  	v20 =	vshll.u32 v3, $0x3  }
0x21b: {  	v3 =	vand.u32 $0x7, v3;
	v4 =	vand.u32 $0xFFFFFFC0, v20  }
0x21c: {  	v3 =	vor.u32 v3, v4  }
0x21d: {  	v4 =	vperm.xlane v3, v0;
	_ =	sdelay $0x1  }
0x21e: {  	v4 =	vadd.s32 v1, v4;
	_ =	sdelay $0x4  }
0x21f: {  	[tilespmem:s14], [sflag:$0x2] =	stream.indirect_vreg.gather [hbm4b:s1+s4], $0x80, v4, vm0, $0xb8;
	[tilespmem:$0x18800] =	vst v63  }
0x220: {  	v3 =	vperm.xlane v3, v2;
	s14 =	simm.s32 $0x9000  }
0x221: {  	[tilespmem:s14], [sflag:$0x2] =	stream.indirect_vreg.gather [hbm4b:s5+s4], $0x80, v4, vm0, $0xb8;
	[tilespmem:$0x18800] =	vst v63  }
0x222: {  	v3 =	vadd.s32 v1, v3  }
0x223: {  	[tilespmem:s20], [sflag:$0x2] =	stream.indirect_vreg.gather [hbm4b:s6+s4], $0x80, v4, vm0, $0xb8;
	[tilespmem:$0x18800] =	vst v63  }
0x224: {  	_ = 	snop  }
0x225: {  	[tilespmem:s21], [sflag:$0x2] =	stream.indirect_vreg.gather [hbm4b:s7+s4], $0x80, v4, vm0, $0xb8;
	[tilespmem:$0x18800] =	vst v63  }
0x226: {  	_ = 	snop  }
0x227: {  	[tilespmem:s22], [sflag:$0x2] =	stream.indirect_vreg.gather [hbm4b:s1+s4], $0x80, v3, vm0, $0xb8;
	[tilespmem:$0x18800] =	vst v63  }
0x228: {  	_ = 	snop  }
0x229: {  	[tilespmem:s25], [sflag:$0x2] =	stream.indirect_vreg.gather [hbm4b:s5+s4], $0x80, v3, vm0, $0xb8;
	[tilespmem:$0x18800] =	vst v63  }
0x22a: {  	_ = 	snop  }
0x22b: {  	[tilespmem:s3], [sflag:$0x2] =	stream.indirect_vreg.gather [hbm4b:s6+s4], $0x80, v3, vm0, $0xb8;
	[tilespmem:$0x18800] =	vst v63  }
0x22c: {  	s25 =	simm.s32 $0xC000  }
0x22d: {  	[tilespmem:s25], [sflag:$0x2] =	stream.indirect_vreg.gather [hbm4b:s7+s4], $0x80, v3, vm0, $0xb8;
	[tilespmem:$0x18800] =	vst v63  }
0x22e: {  	v3 =	vld [tilespmem:$0x510];
	_ =	sdelay $0x4  }
0x22f: {  	v21 =	vshll.u32 v3, $0x3  }
0x230: {  	v3 =	vand.u32 $0x7, v3;
	v4 =	vand.u32 $0xFFFFFFC0, v21  }
0x231: {  	v3 =	vor.u32 v3, v4  }
0x232: {  	v4 =	vperm.xlane v3, v0;
	_ =	sdelay $0x1  }
0x233: {  	v4 =	vadd.s32 v1, v4;
	_ =	sdelay $0x3  }
0x234: {  	s11 =	simm.s32 $0xC800  }
0x235: {  	[tilespmem:s11], [sflag:$0x2] =	stream.indirect_vreg.gather [hbm4b:s1+s4], $0x80, v4, vm0, $0xb8;
	[tilespmem:$0x18800] =	vst v63  }
0x236: {  	s12 =	simm.s32 $0xD000;
	v3 =	vperm.xlane v3, v2  }
0x237: {  	[tilespmem:s12], [sflag:$0x2] =	stream.indirect_vreg.gather [hbm4b:s5+s4], $0x80, v4, vm0, $0xb8;
	[tilespmem:$0x18800] =	vst v63  }
0x238: {  	v3 =	vadd.s32 v1, v3  }
0x239: {  	[tilespmem:s17], [sflag:$0x2] =	stream.indirect_vreg.gather [hbm4b:s6+s4], $0x80, v4, vm0, $0xb8;
	[tilespmem:$0x18800] =	vst v63  }
0x23a: {  	_ = 	snop  }
0x23b: {  	[tilespmem:s19], [sflag:$0x2] =	stream.indirect_vreg.gather [hbm4b:s7+s4], $0x80, v4, vm0, $0xb8;
	[tilespmem:$0x18800] =	vst v63  }
0x23c: {  	s14 =	simm.s32 $0xE800  }
0x23d: {  	[tilespmem:s14], [sflag:$0x2] =	stream.indirect_vreg.gather [hbm4b:s1+s4], $0x80, v3, vm0, $0xb8;
	[tilespmem:$0x18800] =	vst v63  }
0x23e: {  	s17 =	simm.s32 $0xF000  }
0x23f: {  	[tilespmem:s17], [sflag:$0x2] =	stream.indirect_vreg.gather [hbm4b:s5+s4], $0x80, v3, vm0, $0xb8;
	[tilespmem:$0x18800] =	vst v63  }
0x240: {  	s19 =	simm.s32 $0xF800  }
0x241: {  	[tilespmem:s19], [sflag:$0x2] =	stream.indirect_vreg.gather [hbm4b:s6+s4], $0x80, v3, vm0, $0xb8;
	[tilespmem:$0x18800] =	vst v63  }
0x242: {  	s21 =	simm.s32 $0x10000  }
0x243: {  	[tilespmem:s21], [sflag:$0x2] =	stream.indirect_vreg.gather [hbm4b:s7+s4], $0x80, v3, vm0, $0xb8;
	[tilespmem:$0x18800] =	vst v63  }
0x244: {  	_ =	swait.ge [sflag:s18], $0x8000  }
0x245: {  	[sflag:s18] =	ssyncset.done $0x0  }
0x246: {  	s25 =	simm.s32 $0x10800;
	s22 =	rddreg [dreg:$0xf];
	[sflag:s18] =	ssyncadd.s32 $0xFFFF8000  }
0x247: {  	[hbm4b:s22+s4] =	stream.linear.scatter [tilespmem:s25], [sflag:$0x6], $0x8000, $0x38;
	[tilespmem:$0x18800] =	vst v63  }
0x248: {  	_ =	swait.ge [sflag:s0], $0x8000  }
0x249: {  	[sflag:s0] =	ssyncset.done $0x0  }
0x24a: {  	[sflag:s0] =	ssyncadd.s32 $0xFFFF8000  }
0x24b: {  	v3 =	vld [tilespmem:$0x580];
	_ =	sdelay $0x4  }
0x24c: {  	v22 =	vshll.u32 v3, $0x3  }
0x24d: {  	v3 =	vand.u32 $0x7, v3;
	v4 =	vand.u32 $0xFFFFFFC0, v22  }
0x24e: {  	v3 =	vor.u32 v3, v4  }
0x24f: {  	v4 =	vperm.xlane v3, v0;
	_ =	sdelay $0x1  }
0x250: {  	v4 =	vadd.s32 v1, v4;
	_ =	sdelay $0x4  }
0x251: {  	[tilespmem:s25], [sflag:$0x3] =	stream.indirect_vreg.gather [hbm4b:s1+s4], $0x80, v4, vm0, $0xb8;
	[tilespmem:$0x18800] =	vst v63  }
0x252: {  	s11 =	simm.s32 $0x11000;
	v3 =	vperm.xlane v3, v2  }
0x253: {  	[tilespmem:s11], [sflag:$0x3] =	stream.indirect_vreg.gather [hbm4b:s5+s4], $0x80, v4, vm0, $0xb8;
	[tilespmem:$0x18800] =	vst v63  }
0x254: {  	s12 =	simm.s32 $0x11800;
	v3 =	vadd.s32 v1, v3  }
0x255: {  	[tilespmem:s12], [sflag:$0x3] =	stream.indirect_vreg.gather [hbm4b:s6+s4], $0x80, v4, vm0, $0xb8;
	[tilespmem:$0x18800] =	vst v63  }
0x256: {  	s19 =	simm.s32 $0x12000  }
0x257: {  	[tilespmem:s19], [sflag:$0x3] =	stream.indirect_vreg.gather [hbm4b:s7+s4], $0x80, v4, vm0, $0xb8;
	[tilespmem:$0x18800] =	vst v63  }
0x258: {  	s21 =	simm.s32 $0x12800  }
0x259: {  	[tilespmem:s21], [sflag:$0x3] =	stream.indirect_vreg.gather [hbm4b:s1+s4], $0x80, v3, vm0, $0xb8;
	[tilespmem:$0x18800] =	vst v63  }
0x25a: {  	s22 =	simm.s32 $0x13000  }
0x25b: {  	[tilespmem:s22], [sflag:$0x3] =	stream.indirect_vreg.gather [hbm4b:s5+s4], $0x80, v3, vm0, $0xb8;
	[tilespmem:$0x18800] =	vst v63  }
0x25c: {  	_ = 	snop  }
0x25d: {  	[tilespmem:s13], [sflag:$0x3] =	stream.indirect_vreg.gather [hbm4b:s6+s4], $0x80, v3, vm0, $0xb8;
	[tilespmem:$0x18800] =	vst v63  }
0x25e: {  	s11 =	simm.s32 $0x14000  }
0x25f: {  	[tilespmem:s11], [sflag:$0x3] =	stream.indirect_vreg.gather [hbm4b:s7+s4], $0x80, v3, vm0, $0xb8;
	[tilespmem:$0x18800] =	vst v63  }
0x260: {  	v3 =	vld [tilespmem:$0x590];
	_ =	sdelay $0x4  }
0x261: {  	v23 =	vshll.u32 v3, $0x3  }
0x262: {  	v3 =	vand.u32 $0x7, v3;
	v4 =	vand.u32 $0xFFFFFFC0, v23  }
0x263: {  	v3 =	vor.u32 v3, v4  }
0x264: {  	v4 =	vperm.xlane v3, v0;
	_ =	sdelay $0x1  }
0x265: {  	v4 =	vadd.s32 v1, v4;
	_ =	sdelay $0x3  }
0x266: {  	s14 =	simm.s32 $0x14800  }
0x267: {  	[tilespmem:s14], [sflag:$0x3] =	stream.indirect_vreg.gather [hbm4b:s1+s4], $0x80, v4, vm0, $0xb8;
	[tilespmem:$0x18800] =	vst v63  }
0x268: {  	s17 =	simm.s32 $0x15000;
	v3 =	vperm.xlane v3, v2  }
0x269: {  	[tilespmem:s17], [sflag:$0x3] =	stream.indirect_vreg.gather [hbm4b:s5+s4], $0x80, v4, vm0, $0xb8;
	[tilespmem:$0x18800] =	vst v63  }
0x26a: {  	v3 =	vadd.s32 v1, v3  }
0x26b: {  	[tilespmem:s23], [sflag:$0x3] =	stream.indirect_vreg.gather [hbm4b:s6+s4], $0x80, v4, vm0, $0xb8;
	[tilespmem:$0x18800] =	vst v63  }
0x26c: {  	_ = 	snop  }
0x26d: {  	[tilespmem:s24], [sflag:$0x3] =	stream.indirect_vreg.gather [hbm4b:s7+s4], $0x80, v4, vm0, $0xb8;
	[tilespmem:$0x18800] =	vst v63  }
0x26e: {  	_ = 	snop  }
0x26f: {  	[tilespmem:s15], [sflag:$0x3] =	stream.indirect_vreg.gather [hbm4b:s1+s4], $0x80, v3, vm0, $0xb8;
	[tilespmem:$0x18800] =	vst v63  }
0x270: {  	_ = 	snop  }
0x271: {  	[tilespmem:s16], [sflag:$0x3] =	stream.indirect_vreg.gather [hbm4b:s5+s4], $0x80, v3, vm0, $0xb8;
	[tilespmem:$0x18800] =	vst v63  }
0x272: {  	s23 =	simm.s32 $0x17800  }
0x273: {  	[tilespmem:s23], [sflag:$0x3] =	stream.indirect_vreg.gather [hbm4b:s6+s4], $0x80, v3, vm0, $0xb8;
	[tilespmem:$0x18800] =	vst v63  }
0x274: {  	s14 =	simm.s32 $0x18000  }
0x275: {  	[tilespmem:s14], [sflag:$0x3] =	stream.indirect_vreg.gather [hbm4b:s7+s4], $0x80, v3, vm0, $0xb8;
	[tilespmem:$0x18800] =	vst v63  }
0x276: {  	_ =	swait.ge [sflag:s26], $0x8000  }
0x277: {  	[sflag:s26] =	ssyncset.done $0x0  }
0x278: {  	s25 =	simm.s32 $0x800;
	s24 =	rddreg [dreg:$0x10];
	[sflag:s26] =	ssyncadd.s32 $0xFFFF8000  }
0x279: {  	[hbm4b:s24+s4] =	stream.linear.scatter [tilespmem:s25], [sflag:$0x4], $0x8000, $0x38;
	[tilespmem:$0x18800] =	vst v63  }
0x27a: {  	_ =	swait.ge [sflag:s28], $0x8000  }
0x27b: {  	[sflag:s28] =	ssyncset.done $0x0  }
0x27c: {  	[sflag:s28] =	ssyncadd.s32 $0xFFFF8000  }
0x27d: {  	v3 =	vld [tilespmem:$0x600];
	_ =	sdelay $0x4  }
0x27e: {  	v24 =	vshll.u32 v3, $0x3  }
0x27f: {  	v3 =	vand.u32 $0x7, v3;
	v4 =	vand.u32 $0xFFFFFFC0, v24  }
0x280: {  	v3 =	vor.u32 v3, v4  }
0x281: {  	v4 =	vperm.xlane v3, v0;
	_ =	sdelay $0x1  }
0x282: {  	v4 =	vadd.s32 v1, v4;
	_ =	sdelay $0x4  }
0x283: {  	[tilespmem:s25], [sflag:$0x1] =	stream.indirect_vreg.gather [hbm4b:s1+s4], $0x80, v4, vm0, $0xb8;
	[tilespmem:$0x18800] =	vst v63  }
0x284: {  	s13 =	simm.s32 $0x1000;
	v3 =	vperm.xlane v3, v2  }
0x285: {  	[tilespmem:s13], [sflag:$0x1] =	stream.indirect_vreg.gather [hbm4b:s5+s4], $0x80, v4, vm0, $0xb8;
	[tilespmem:$0x18800] =	vst v63  }
0x286: {  	s24 =	simm.s32 $0x1800;
	v3 =	vadd.s32 v1, v3  }
0x287: {  	[tilespmem:s24], [sflag:$0x1] =	stream.indirect_vreg.gather [hbm4b:s6+s4], $0x80, v4, vm0, $0xb8;
	[tilespmem:$0x18800] =	vst v63  }
0x288: {  	s3 =	simm.s32 $0x2000  }
0x289: {  	[tilespmem:s3], [sflag:$0x1] =	stream.indirect_vreg.gather [hbm4b:s7+s4], $0x80, v4, vm0, $0xb8;
	[tilespmem:$0x18800] =	vst v63  }
0x28a: {  	s15 =	simm.s32 $0x2800  }
0x28b: {  	[tilespmem:s15], [sflag:$0x1] =	stream.indirect_vreg.gather [hbm4b:s1+s4], $0x80, v3, vm0, $0xb8;
	[tilespmem:$0x18800] =	vst v63  }
0x28c: {  	_ = 	snop  }
0x28d: {  	[tilespmem:s30], [sflag:$0x1] =	stream.indirect_vreg.gather [hbm4b:s5+s4], $0x80, v3, vm0, $0xb8;
	[tilespmem:$0x18800] =	vst v63  }
0x28e: {  	s16 =	simm.s32 $0x3800  }
0x28f: {  	[tilespmem:s16], [sflag:$0x1] =	stream.indirect_vreg.gather [hbm4b:s6+s4], $0x80, v3, vm0, $0xb8;
	[tilespmem:$0x18800] =	vst v63  }
0x290: {  	s17 =	simm.s32 $0x4000  }
0x291: {  	[tilespmem:s17], [sflag:$0x1] =	stream.indirect_vreg.gather [hbm4b:s7+s4], $0x80, v3, vm0, $0xb8;
	[tilespmem:$0x18800] =	vst v63  }
0x292: {  	v3 =	vld [tilespmem:$0x610];
	_ =	sdelay $0x4  }
0x293: {  	v25 =	vshll.u32 v3, $0x3  }
0x294: {  	v3 =	vand.u32 $0x7, v3;
	v4 =	vand.u32 $0xFFFFFFC0, v25  }
0x295: {  	v3 =	vor.u32 v3, v4  }
0x296: {  	v4 =	vperm.xlane v3, v0;
	_ =	sdelay $0x1  }
0x297: {  	v4 =	vadd.s32 v1, v4;
	_ =	sdelay $0x3  }
0x298: {  	s23 =	simm.s32 $0x4800  }
0x299: {  	[tilespmem:s23], [sflag:$0x1] =	stream.indirect_vreg.gather [hbm4b:s1+s4], $0x80, v4, vm0, $0xb8;
	[tilespmem:$0x18800] =	vst v63  }
0x29a: {  	s25 =	simm.s32 $0x5000;
	v3 =	vperm.xlane v3, v2  }
0x29b: {  	[tilespmem:s25], [sflag:$0x1] =	stream.indirect_vreg.gather [hbm4b:s5+s4], $0x80, v4, vm0, $0xb8;
	[tilespmem:$0x18800] =	vst v63  }
0x29c: {  	s30 =	simm.s32 $0x5800;
	v3 =	vadd.s32 v1, v3  }
0x29d: {  	[tilespmem:s30], [sflag:$0x1] =	stream.indirect_vreg.gather [hbm4b:s6+s4], $0x80, v4, vm0, $0xb8;
	[tilespmem:$0x18800] =	vst v63  }
0x29e: {  	s13 =	simm.s32 $0x6000  }
0x29f: {  	[tilespmem:s13], [sflag:$0x1] =	stream.indirect_vreg.gather [hbm4b:s7+s4], $0x80, v4, vm0, $0xb8;
	[tilespmem:$0x18800] =	vst v63  }
0x2a0: {  	s15 =	simm.s32 $0x6800  }
0x2a1: {  	[tilespmem:s15], [sflag:$0x1] =	stream.indirect_vreg.gather [hbm4b:s1+s4], $0x80, v3, vm0, $0xb8;
	[tilespmem:$0x18800] =	vst v63  }
0x2a2: {  	s16 =	simm.s32 $0x7000  }
0x2a3: {  	[tilespmem:s16], [sflag:$0x1] =	stream.indirect_vreg.gather [hbm4b:s5+s4], $0x80, v3, vm0, $0xb8;
	[tilespmem:$0x18800] =	vst v63  }
0x2a4: {  	s17 =	simm.s32 $0x7800  }
0x2a5: {  	[tilespmem:s17], [sflag:$0x1] =	stream.indirect_vreg.gather [hbm4b:s6+s4], $0x80, v3, vm0, $0xb8;
	[tilespmem:$0x18800] =	vst v63  }
0x2a6: {  	s23 =	simm.s32 $0x8000  }
0x2a7: {  	[tilespmem:s23], [sflag:$0x1] =	stream.indirect_vreg.gather [hbm4b:s7+s4], $0x80, v3, vm0, $0xb8;
	[tilespmem:$0x18800] =	vst v63  }
0x2a8: {  	_ =	swait.ge [sflag:s29], $0x8000  }
0x2a9: {  	[sflag:s29] =	ssyncset.done $0x0  }
0x2aa: {  	s30 =	simm.s32 $0x8800;
	s25 =	rddreg [dreg:$0x11];
	[sflag:s29] =	ssyncadd.s32 $0xFFFF8000  }
0x2ab: {  	[hbm4b:s25+s4] =	stream.linear.scatter [tilespmem:s30], [sflag:$0x5], $0x8000, $0x38;
	[tilespmem:$0x18800] =	vst v63  }
0x2ac: {  	_ =	swait.ge [sflag:s31], $0x8000  }
0x2ad: {  	[sflag:s31] =	ssyncset.done $0x0  }
0x2ae: {  	[sflag:s31] =	ssyncadd.s32 $0xFFFF8000  }
0x2af: {  	v3 =	vld [tilespmem:$0x680];
	_ =	sdelay $0x4  }
0x2b0: {  	v26 =	vshll.u32 v3, $0x3  }
0x2b1: {  	v3 =	vand.u32 $0x7, v3;
	v4 =	vand.u32 $0xFFFFFFC0, v26  }
0x2b2: {  	v3 =	vor.u32 v3, v4  }
0x2b3: {  	v4 =	vperm.xlane v3, v0;
	_ =	sdelay $0x1  }
0x2b4: {  	v4 =	vadd.s32 v1, v4;
	_ =	sdelay $0x4  }
0x2b5: {  	[tilespmem:s30], [sflag:$0x2] =	stream.indirect_vreg.gather [hbm4b:s1+s4], $0x80, v4, vm0, $0xb8;
	[tilespmem:$0x18800] =	vst v63  }
0x2b6: {  	s15 =	simm.s32 $0x9000;
	v3 =	vperm.xlane v3, v2  }
0x2b7: {  	[tilespmem:s15], [sflag:$0x2] =	stream.indirect_vreg.gather [hbm4b:s5+s4], $0x80, v4, vm0, $0xb8;
	[tilespmem:$0x18800] =	vst v63  }
0x2b8: {  	s16 =	simm.s32 $0x9800;
	v3 =	vadd.s32 v1, v3  }
0x2b9: {  	[tilespmem:s16], [sflag:$0x2] =	stream.indirect_vreg.gather [hbm4b:s6+s4], $0x80, v4, vm0, $0xb8;
	[tilespmem:$0x18800] =	vst v63  }
0x2ba: {  	s23 =	simm.s32 $0xA000  }
0x2bb: {  	[tilespmem:s23], [sflag:$0x2] =	stream.indirect_vreg.gather [hbm4b:s7+s4], $0x80, v4, vm0, $0xb8;
	[tilespmem:$0x18800] =	vst v63  }
0x2bc: {  	s25 =	simm.s32 $0xA800  }
0x2bd: {  	[tilespmem:s25], [sflag:$0x2] =	stream.indirect_vreg.gather [hbm4b:s1+s4], $0x80, v3, vm0, $0xb8;
	[tilespmem:$0x18800] =	vst v63  }
0x2be: {  	s30 =	simm.s32 $0xB000  }
0x2bf: {  	[tilespmem:s30], [sflag:$0x2] =	stream.indirect_vreg.gather [hbm4b:s5+s4], $0x80, v3, vm0, $0xb8;
	[tilespmem:$0x18800] =	vst v63  }
0x2c0: {  	s15 =	simm.s32 $0xB800  }
0x2c1: {  	[tilespmem:s15], [sflag:$0x2] =	stream.indirect_vreg.gather [hbm4b:s6+s4], $0x80, v3, vm0, $0xb8;
	[tilespmem:$0x18800] =	vst v63  }
0x2c2: {  	s20 =	simm.s32 $0xC000  }
0x2c3: {  	[tilespmem:s20], [sflag:$0x2] =	stream.indirect_vreg.gather [hbm4b:s7+s4], $0x80, v3, vm0, $0xb8;
	[tilespmem:$0x18800] =	vst v63  }
0x2c4: {  	v3 =	vld [tilespmem:$0x690];
	_ =	sdelay $0x4  }
0x2c5: {  	v27 =	vshll.u32 v3, $0x3  }
0x2c6: {  	v3 =	vand.u32 $0x7, v3;
	v4 =	vand.u32 $0xFFFFFFC0, v27  }
0x2c7: {  	v3 =	vor.u32 v3, v4  }
0x2c8: {  	v4 =	vperm.xlane v3, v0;
	_ =	sdelay $0x1  }
0x2c9: {  	v4 =	vadd.s32 v1, v4;
	_ =	sdelay $0x3  }
0x2ca: {  	s17 =	simm.s32 $0xC800  }
0x2cb: {  	[tilespmem:s17], [sflag:$0x2] =	stream.indirect_vreg.gather [hbm4b:s1+s4], $0x80, v4, vm0, $0xb8;
	[tilespmem:$0x18800] =	vst v63  }
0x2cc: {  	s20 =	simm.s32 $0xD000;
	v3 =	vperm.xlane v3, v2  }
0x2cd: {  	[tilespmem:s20], [sflag:$0x2] =	stream.indirect_vreg.gather [hbm4b:s5+s4], $0x80, v4, vm0, $0xb8;
	[tilespmem:$0x18800] =	vst v63  }
0x2ce: {  	s16 =	simm.s32 $0xD800;
	v3 =	vadd.s32 v1, v3  }
0x2cf: {  	[tilespmem:s16], [sflag:$0x2] =	stream.indirect_vreg.gather [hbm4b:s6+s4], $0x80, v4, vm0, $0xb8;
	[tilespmem:$0x18800] =	vst v63  }
0x2d0: {  	s17 =	simm.s32 $0xE000  }
0x2d1: {  	[tilespmem:s17], [sflag:$0x2] =	stream.indirect_vreg.gather [hbm4b:s7+s4], $0x80, v4, vm0, $0xb8;
	[tilespmem:$0x18800] =	vst v63  }
0x2d2: {  	s20 =	simm.s32 $0xE800  }
0x2d3: {  	[tilespmem:s20], [sflag:$0x2] =	stream.indirect_vreg.gather [hbm4b:s1+s4], $0x80, v3, vm0, $0xb8;
	[tilespmem:$0x18800] =	vst v63  }
0x2d4: {  	s13 =	simm.s32 $0xF000  }
0x2d5: {  	[tilespmem:s13], [sflag:$0x2] =	stream.indirect_vreg.gather [hbm4b:s5+s4], $0x80, v3, vm0, $0xb8;
	[tilespmem:$0x18800] =	vst v63  }
0x2d6: {  	s13 =	simm.s32 $0xF800  }
0x2d7: {  	[tilespmem:s13], [sflag:$0x2] =	stream.indirect_vreg.gather [hbm4b:s6+s4], $0x80, v3, vm0, $0xb8;
	[tilespmem:$0x18800] =	vst v63  }
0x2d8: {  	s13 =	simm.s32 $0x10000  }
0x2d9: {  	[tilespmem:s13], [sflag:$0x2] =	stream.indirect_vreg.gather [hbm4b:s7+s4], $0x80, v3, vm0, $0xb8;
	[tilespmem:$0x18800] =	vst v63  }
0x2da: {  	_ =	swait.ge [sflag:s18], $0x8000  }
0x2db: {  	[sflag:s18] =	ssyncset.done $0x0  }
0x2dc: {  	s13 =	simm.s32 $0x10800;
	s12 =	rddreg [dreg:$0x12];
	[sflag:s18] =	ssyncadd.s32 $0xFFFF8000  }
0x2dd: {  	[hbm4b:s12+s4] =	stream.linear.scatter [tilespmem:s13], [sflag:$0x6], $0x8000, $0x38;
	[tilespmem:$0x18800] =	vst v63  }
0x2de: {  	_ =	swait.ge [sflag:s0], $0x8000  }
0x2df: {  	[sflag:s0] =	ssyncset.done $0x0  }
0x2e0: {  	[sflag:s0] =	ssyncadd.s32 $0xFFFF8000  }
0x2e1: {  	v3 =	vld [tilespmem:$0x700];
	_ =	sdelay $0x4  }
0x2e2: {  	v28 =	vshll.u32 v3, $0x3  }
0x2e3: {  	v3 =	vand.u32 $0x7, v3;
	v4 =	vand.u32 $0xFFFFFFC0, v28  }
0x2e4: {  	v3 =	vor.u32 v3, v4  }
0x2e5: {  	v4 =	vperm.xlane v3, v0;
	_ =	sdelay $0x1  }
0x2e6: {  	v4 =	vadd.s32 v1, v4;
	_ =	sdelay $0x4  }
0x2e7: {  	[tilespmem:s13], [sflag:$0x3] =	stream.indirect_vreg.gather [hbm4b:s1+s4], $0x80, v4, vm0, $0xb8;
	[tilespmem:$0x18800] =	vst v63  }
0x2e8: {  	v3 =	vperm.xlane v3, v2;
	s13 =	simm.s32 $0x11000  }
0x2e9: {  	[tilespmem:s13], [sflag:$0x3] =	stream.indirect_vreg.gather [hbm4b:s5+s4], $0x80, v4, vm0, $0xb8;
	[tilespmem:$0x18800] =	vst v63  }
0x2ea: {  	v3 =	vadd.s32 v1, v3;
	s13 =	simm.s32 $0x11800  }
0x2eb: {  	[tilespmem:s13], [sflag:$0x3] =	stream.indirect_vreg.gather [hbm4b:s6+s4], $0x80, v4, vm0, $0xb8;
	[tilespmem:$0x18800] =	vst v63  }
0x2ec: {  	_ = 	snop  }
0x2ed: {  	[tilespmem:s19], [sflag:$0x3] =	stream.indirect_vreg.gather [hbm4b:s7+s4], $0x80, v4, vm0, $0xb8;
	[tilespmem:$0x18800] =	vst v63  }
0x2ee: {  	_ = 	snop  }
0x2ef: {  	[tilespmem:s21], [sflag:$0x3] =	stream.indirect_vreg.gather [hbm4b:s1+s4], $0x80, v3, vm0, $0xb8;
	[tilespmem:$0x18800] =	vst v63  }
0x2f0: {  	_ = 	snop  }
0x2f1: {  	[tilespmem:s22], [sflag:$0x3] =	stream.indirect_vreg.gather [hbm4b:s5+s4], $0x80, v3, vm0, $0xb8;
	[tilespmem:$0x18800] =	vst v63  }
0x2f2: {  	s19 =	simm.s32 $0x13800  }
0x2f3: {  	[tilespmem:s19], [sflag:$0x3] =	stream.indirect_vreg.gather [hbm4b:s6+s4], $0x80, v3, vm0, $0xb8;
	[tilespmem:$0x18800] =	vst v63  }
0x2f4: {  	_ = 	snop  }
0x2f5: {  	[tilespmem:s11], [sflag:$0x3] =	stream.indirect_vreg.gather [hbm4b:s7+s4], $0x80, v3, vm0, $0xb8;
	[tilespmem:$0x18800] =	vst v63  }
0x2f6: {  	v3 =	vld [tilespmem:$0x710];
	_ =	sdelay $0x4  }
0x2f7: {  	v29 =	vshll.u32 v3, $0x3  }
0x2f8: {  	v3 =	vand.u32 $0x7, v3;
	v4 =	vand.u32 $0xFFFFFFC0, v29  }
0x2f9: {  	v3 =	vor.u32 v3, v4  }
0x2fa: {  	v4 =	vperm.xlane v3, v0;
	_ =	sdelay $0x1  }
0x2fb: {  	v4 =	vadd.s32 v1, v4;
	_ =	sdelay $0x3  }
0x2fc: {  	s21 =	simm.s32 $0x14800  }
0x2fd: {  	[tilespmem:s21], [sflag:$0x3] =	stream.indirect_vreg.gather [hbm4b:s1+s4], $0x80, v4, vm0, $0xb8;
	[tilespmem:$0x18800] =	vst v63  }
0x2fe: {  	s22 =	simm.s32 $0x15000;
	v3 =	vperm.xlane v3, v2  }
0x2ff: {  	[tilespmem:s22], [sflag:$0x3] =	stream.indirect_vreg.gather [hbm4b:s5+s4], $0x80, v4, vm0, $0xb8;
	[tilespmem:$0x18800] =	vst v63  }
0x300: {  	s12 =	simm.s32 $0x15800;
	v3 =	vadd.s32 v1, v3  }
0x301: {  	[tilespmem:s12], [sflag:$0x3] =	stream.indirect_vreg.gather [hbm4b:s6+s4], $0x80, v4, vm0, $0xb8;
	[tilespmem:$0x18800] =	vst v63  }
0x302: {  	s19 =	simm.s32 $0x16000  }
0x303: {  	[tilespmem:s19], [sflag:$0x3] =	stream.indirect_vreg.gather [hbm4b:s7+s4], $0x80, v4, vm0, $0xb8;
	[tilespmem:$0x18800] =	vst v63  }
0x304: {  	s21 =	simm.s32 $0x16800  }
0x305: {  	[tilespmem:s21], [sflag:$0x3] =	stream.indirect_vreg.gather [hbm4b:s1+s4], $0x80, v3, vm0, $0xb8;
	[tilespmem:$0x18800] =	vst v63  }
0x306: {  	s22 =	simm.s32 $0x17000  }
0x307: {  	[tilespmem:s22], [sflag:$0x3] =	stream.indirect_vreg.gather [hbm4b:s5+s4], $0x80, v3, vm0, $0xb8;
	[tilespmem:$0x18800] =	vst v63  }
0x308: {  	s12 =	simm.s32 $0x17800  }
0x309: {  	[tilespmem:s12], [sflag:$0x3] =	stream.indirect_vreg.gather [hbm4b:s6+s4], $0x80, v3, vm0, $0xb8;
	[tilespmem:$0x18800] =	vst v63  }
0x30a: {  	_ = 	snop  }
0x30b: {  	[tilespmem:s14], [sflag:$0x3] =	stream.indirect_vreg.gather [hbm4b:s7+s4], $0x80, v3, vm0, $0xb8;
	[tilespmem:$0x18800] =	vst v63  }
0x30c: {  	_ =	swait.ge [sflag:s26], $0x8000  }
0x30d: {  	[sflag:s26] =	ssyncset.done $0x0  }
0x30e: {  	s21 =	simm.s32 $0x800;
	s19 =	rddreg [dreg:$0x13];
	[sflag:s26] =	ssyncadd.s32 $0xFFFF8000  }
0x30f: {  	[hbm4b:s19+s4] =	stream.linear.scatter [tilespmem:s21], [sflag:$0x4], $0x8000, $0x38;
	[tilespmem:$0x18800] =	vst v63  }
0x310: {  	_ =	swait.ge [sflag:s28], $0x8000  }
0x311: {  	[sflag:s28] =	ssyncset.done $0x0  }
0x312: {  	[sflag:s28] =	ssyncadd.s32 $0xFFFF8000  }
0x313: {  	v3 =	vld [tilespmem:$0x780];
	_ =	sdelay $0x4  }
0x314: {  	v30 =	vshll.u32 v3, $0x3  }
0x315: {  	v3 =	vand.u32 $0x7, v3;
	v4 =	vand.u32 $0xFFFFFFC0, v30  }
0x316: {  	v3 =	vor.u32 v3, v4  }
0x317: {  	v4 =	vperm.xlane v3, v0;
	_ =	sdelay $0x1  }
0x318: {  	v4 =	vadd.s32 v1, v4;
	_ =	sdelay $0x4  }
0x319: {  	[tilespmem:s21], [sflag:$0x1] =	stream.indirect_vreg.gather [hbm4b:s1+s4], $0x80, v4, vm0, $0xb8;
	[tilespmem:$0x18800] =	vst v63  }
0x31a: {  	s14 =	simm.s32 $0x1000;
	v3 =	vperm.xlane v3, v2  }
0x31b: {  	[tilespmem:s14], [sflag:$0x1] =	stream.indirect_vreg.gather [hbm4b:s5+s4], $0x80, v4, vm0, $0xb8;
	[tilespmem:$0x18800] =	vst v63  }
0x31c: {  	v3 =	vadd.s32 v1, v3  }
0x31d: {  	[tilespmem:s24], [sflag:$0x1] =	stream.indirect_vreg.gather [hbm4b:s6+s4], $0x80, v4, vm0, $0xb8;
	[tilespmem:$0x18800] =	vst v63  }
0x31e: {  	_ = 	snop  }
0x31f: {  	[tilespmem:s3], [sflag:$0x1] =	stream.indirect_vreg.gather [hbm4b:s7+s4], $0x80, v4, vm0, $0xb8;
	[tilespmem:$0x18800] =	vst v63  }
0x320: {  	s22 =	simm.s32 $0x2800  }
0x321: {  	[tilespmem:s22], [sflag:$0x1] =	stream.indirect_vreg.gather [hbm4b:s1+s4], $0x80, v3, vm0, $0xb8;
	[tilespmem:$0x18800] =	vst v63  }
0x322: {  	s24 =	simm.s32 $0x3000  }
0x323: {  	[tilespmem:s24], [sflag:$0x1] =	stream.indirect_vreg.gather [hbm4b:s5+s4], $0x80, v3, vm0, $0xb8;
	[tilespmem:$0x18800] =	vst v63  }
0x324: {  	s11 =	simm.s32 $0x3800  }
0x325: {  	[tilespmem:s11], [sflag:$0x1] =	stream.indirect_vreg.gather [hbm4b:s6+s4], $0x80, v3, vm0, $0xb8;
	[tilespmem:$0x18800] =	vst v63  }
0x326: {  	s24 =	simm.s32 $0x4000  }
0x327: {  	[tilespmem:s24], [sflag:$0x1] =	stream.indirect_vreg.gather [hbm4b:s7+s4], $0x80, v3, vm0, $0xb8;
	[tilespmem:$0x18800] =	vst v63  }
0x328: {  	v3 =	vld [tilespmem:$0x790];
	_ =	sdelay $0x4  }
0x329: {  	v31 =	vshll.u32 v3, $0x3  }
0x32a: {  	v3 =	vand.u32 $0x7, v3;
	v4 =	vand.u32 $0xFFFFFFC0, v31  }
0x32b: {  	v3 =	vor.u32 v3, v4  }
0x32c: {  	v4 =	vperm.xlane v3, v0;
	_ =	sdelay $0x1  }
0x32d: {  	v4 =	vadd.s32 v1, v4;
	_ =	sdelay $0x3  }
0x32e: {  	s11 =	simm.s32 $0x4800  }
0x32f: {  	[tilespmem:s11], [sflag:$0x1] =	stream.indirect_vreg.gather [hbm4b:s1+s4], $0x80, v4, vm0, $0xb8;
	[tilespmem:$0x18800] =	vst v63  }
0x330: {  	s19 =	simm.s32 $0x5000;
	v3 =	vperm.xlane v3, v2  }
0x331: {  	[tilespmem:s19], [sflag:$0x1] =	stream.indirect_vreg.gather [hbm4b:s5+s4], $0x80, v4, vm0, $0xb8;
	[tilespmem:$0x18800] =	vst v63  }
0x332: {  	s12 =	simm.s32 $0x5800;
	v3 =	vadd.s32 v1, v3  }
0x333: {  	[tilespmem:s12], [sflag:$0x1] =	stream.indirect_vreg.gather [hbm4b:s6+s4], $0x80, v4, vm0, $0xb8;
	[tilespmem:$0x18800] =	vst v63  }
0x334: {  	s21 =	simm.s32 $0x6000  }
0x335: {  	[tilespmem:s21], [sflag:$0x1] =	stream.indirect_vreg.gather [hbm4b:s7+s4], $0x80, v4, vm0, $0xb8;
	[tilespmem:$0x18800] =	vst v63  }
0x336: {  	s22 =	simm.s32 $0x6800  }
0x337: {  	[tilespmem:s22], [sflag:$0x1] =	stream.indirect_vreg.gather [hbm4b:s1+s4], $0x80, v3, vm0, $0xb8;
	[tilespmem:$0x18800] =	vst v63  }
0x338: {  	s12 =	simm.s32 $0x7000  }
0x339: {  	[tilespmem:s12], [sflag:$0x1] =	stream.indirect_vreg.gather [hbm4b:s5+s4], $0x80, v3, vm0, $0xb8;
	[tilespmem:$0x18800] =	vst v63  }
0x33a: {  	s21 =	simm.s32 $0x7800  }
0x33b: {  	[tilespmem:s21], [sflag:$0x1] =	stream.indirect_vreg.gather [hbm4b:s6+s4], $0x80, v3, vm0, $0xb8;
	[tilespmem:$0x18800] =	vst v63  }
0x33c: {  	s21 =	simm.s32 $0x8000  }
0x33d: {  	[tilespmem:s21], [sflag:$0x1] =	stream.indirect_vreg.gather [hbm4b:s7+s4], $0x80, v3, vm0, $0xb8;
	[tilespmem:$0x18800] =	vst v63  }
0x33e: {  	_ =	swait.ge [sflag:s29], $0x8000  }
0x33f: {  	[sflag:s29] =	ssyncset.done $0x0  }
0x340: {  	s3 =	simm.s32 $0x8800;
	s22 =	rddreg [dreg:$0x14];
	[sflag:s29] =	ssyncadd.s32 $0xFFFF8000  }
0x341: {  	[hbm4b:s22+s4] =	stream.linear.scatter [tilespmem:s3], [sflag:$0x5], $0x8000, $0x38;
	[tilespmem:$0x18800] =	vst v63  }
0x342: {  	_ =	swait.ge [sflag:s31], $0x8000  }
0x343: {  	[sflag:s31] =	ssyncset.done $0x0  }
0x344: {  	[sflag:s31] =	ssyncadd.s32 $0xFFFF8000  }
0x345: {  	v3 =	vld [tilespmem:$0x0];
	_ =	sdelay $0x4  }
0x346: {  	v32 =	vshll.u32 v3, $0x3  }
0x347: {  	v3 =	vand.u32 $0x7, v3;
	v4 =	vand.u32 $0xFFFFFFC0, v32  }
0x348: {  	v3 =	vor.u32 v3, v4  }
0x349: {  	v4 =	vperm.xlane v3, v0;
	_ =	sdelay $0x1  }
0x34a: {  	v4 =	vadd.s32 v1, v4;
	_ =	sdelay $0x4  }
0x34b: {  	[tilespmem:s3], [sflag:$0x2] =	stream.indirect_vreg.gather [hbm4b:s2+s4], $0x80, v4, vm0, $0xb8;
	[tilespmem:$0x18800] =	vst v63  }
0x34c: {  	s12 =	simm.s32 $0x9000;
	v3 =	vperm.xlane v3, v2  }
0x34d: {  	[tilespmem:s12], [sflag:$0x2] =	stream.indirect_vreg.gather [hbm4b:s8+s4], $0x80, v4, vm0, $0xb8;
	[tilespmem:$0x18800] =	vst v63  }
0x34e: {  	s22 =	simm.s32 $0x9800;
	v3 =	vadd.s32 v1, v3  }
0x34f: {  	[tilespmem:s22], [sflag:$0x2] =	stream.indirect_vreg.gather [hbm4b:s9+s4], $0x80, v4, vm0, $0xb8;
	[tilespmem:$0x18800] =	vst v63  }
0x350: {  	_ = 	snop  }
0x351: {  	[tilespmem:s23], [sflag:$0x2] =	stream.indirect_vreg.gather [hbm4b:s10+s4], $0x80, v4, vm0, $0xb8;
	[tilespmem:$0x18800] =	vst v63  }
0x352: {  	_ = 	snop  }
0x353: {  	[tilespmem:s25], [sflag:$0x2] =	stream.indirect_vreg.gather [hbm4b:s2+s4], $0x80, v3, vm0, $0xb8;
	[tilespmem:$0x18800] =	vst v63  }
0x354: {  	_ = 	snop  }
0x355: {  	[tilespmem:s30], [sflag:$0x2] =	stream.indirect_vreg.gather [hbm4b:s8+s4], $0x80, v3, vm0, $0xb8;
	[tilespmem:$0x18800] =	vst v63  }
0x356: {  	_ = 	snop  }
0x357: {  	[tilespmem:s15], [sflag:$0x2] =	stream.indirect_vreg.gather [hbm4b:s9+s4], $0x80, v3, vm0, $0xb8;
	[tilespmem:$0x18800] =	vst v63  }
0x358: {  	s3 =	simm.s32 $0xC000  }
0x359: {  	[tilespmem:s3], [sflag:$0x2] =	stream.indirect_vreg.gather [hbm4b:s10+s4], $0x80, v3, vm0, $0xb8;
	[tilespmem:$0x18800] =	vst v63  }
0x35a: {  	v3 =	vld [tilespmem:$0x10];
	_ =	sdelay $0x4  }
0x35b: {  	v33 =	vshll.u32 v3, $0x3  }
0x35c: {  	v3 =	vand.u32 $0x7, v3;
	v4 =	vand.u32 $0xFFFFFFC0, v33  }
0x35d: {  	v3 =	vor.u32 v3, v4  }
0x35e: {  	v4 =	vperm.xlane v3, v0;
	_ =	sdelay $0x1  }
0x35f: {  	v4 =	vadd.s32 v1, v4;
	_ =	sdelay $0x3  }
0x360: {  	s30 =	simm.s32 $0xC800  }
0x361: {  	[tilespmem:s30], [sflag:$0x2] =	stream.indirect_vreg.gather [hbm4b:s2+s4], $0x80, v4, vm0, $0xb8;
	[tilespmem:$0x18800] =	vst v63  }
0x362: {  	s15 =	simm.s32 $0xD000;
	v3 =	vperm.xlane v3, v2  }
0x363: {  	[tilespmem:s15], [sflag:$0x2] =	stream.indirect_vreg.gather [hbm4b:s8+s4], $0x80, v4, vm0, $0xb8;
	[tilespmem:$0x18800] =	vst v63  }
0x364: {  	v3 =	vadd.s32 v1, v3  }
0x365: {  	[tilespmem:s16], [sflag:$0x2] =	stream.indirect_vreg.gather [hbm4b:s9+s4], $0x80, v4, vm0, $0xb8;
	[tilespmem:$0x18800] =	vst v63  }
0x366: {  	_ = 	snop  }
0x367: {  	[tilespmem:s17], [sflag:$0x2] =	stream.indirect_vreg.gather [hbm4b:s10+s4], $0x80, v4, vm0, $0xb8;
	[tilespmem:$0x18800] =	vst v63  }
0x368: {  	_ = 	snop  }
0x369: {  	[tilespmem:s20], [sflag:$0x2] =	stream.indirect_vreg.gather [hbm4b:s2+s4], $0x80, v3, vm0, $0xb8;
	[tilespmem:$0x18800] =	vst v63  }
0x36a: {  	s17 =	simm.s32 $0xF000  }
0x36b: {  	[tilespmem:s17], [sflag:$0x2] =	stream.indirect_vreg.gather [hbm4b:s8+s4], $0x80, v3, vm0, $0xb8;
	[tilespmem:$0x18800] =	vst v63  }
0x36c: {  	s20 =	simm.s32 $0xF800  }
0x36d: {  	[tilespmem:s20], [sflag:$0x2] =	stream.indirect_vreg.gather [hbm4b:s9+s4], $0x80, v3, vm0, $0xb8;
	[tilespmem:$0x18800] =	vst v63  }
0x36e: {  	s22 =	simm.s32 $0x10000  }
0x36f: {  	[tilespmem:s22], [sflag:$0x2] =	stream.indirect_vreg.gather [hbm4b:s10+s4], $0x80, v3, vm0, $0xb8;
	[tilespmem:$0x18800] =	vst v63  }
0x370: {  	_ =	swait.ge [sflag:s18], $0x8000  }
0x371: {  	[sflag:s18] =	ssyncset.done $0x0  }
0x372: {  	s25 =	simm.s32 $0x10800;
	s23 =	rddreg [dreg:$0x15];
	[sflag:s18] =	ssyncadd.s32 $0xFFFF8000  }
0x373: {  	[hbm4b:s23+s4] =	stream.linear.scatter [tilespmem:s25], [sflag:$0x6], $0x8000, $0x38;
	[tilespmem:$0x18800] =	vst v63  }
0x374: {  	_ =	swait.ge [sflag:s0], $0x8000  }
0x375: {  	[sflag:s0] =	ssyncset.done $0x0  }
0x376: {  	[sflag:s0] =	ssyncadd.s32 $0xFFFF8000  }
0x377: {  	v3 =	vld [tilespmem:$0x80];
	_ =	sdelay $0x4  }
0x378: {  	v34 =	vshll.u32 v3, $0x3  }
0x379: {  	v3 =	vand.u32 $0x7, v3;
	v4 =	vand.u32 $0xFFFFFFC0, v34  }
0x37a: {  	v3 =	vor.u32 v3, v4  }
0x37b: {  	v4 =	vperm.xlane v3, v0;
	_ =	sdelay $0x1  }
0x37c: {  	v4 =	vadd.s32 v1, v4;
	_ =	sdelay $0x4  }
0x37d: {  	[tilespmem:s25], [sflag:$0x3] =	stream.indirect_vreg.gather [hbm4b:s2+s4], $0x80, v4, vm0, $0xb8;
	[tilespmem:$0x18800] =	vst v63  }
0x37e: {  	s30 =	simm.s32 $0x11000;
	v3 =	vperm.xlane v3, v2  }
0x37f: {  	[tilespmem:s30], [sflag:$0x3] =	stream.indirect_vreg.gather [hbm4b:s8+s4], $0x80, v4, vm0, $0xb8;
	[tilespmem:$0x18800] =	vst v63  }
0x380: {  	v3 =	vadd.s32 v1, v3  }
0x381: {  	[tilespmem:s13], [sflag:$0x3] =	stream.indirect_vreg.gather [hbm4b:s9+s4], $0x80, v4, vm0, $0xb8;
	[tilespmem:$0x18800] =	vst v63  }
0x382: {  	s13 =	simm.s32 $0x12000  }
0x383: {  	[tilespmem:s13], [sflag:$0x3] =	stream.indirect_vreg.gather [hbm4b:s10+s4], $0x80, v4, vm0, $0xb8;
	[tilespmem:$0x18800] =	vst v63  }
0x384: {  	s15 =	simm.s32 $0x12800  }
0x385: {  	[tilespmem:s15], [sflag:$0x3] =	stream.indirect_vreg.gather [hbm4b:s2+s4], $0x80, v3, vm0, $0xb8;
	[tilespmem:$0x18800] =	vst v63  }
0x386: {  	s16 =	simm.s32 $0x13000  }
0x387: {  	[tilespmem:s16], [sflag:$0x3] =	stream.indirect_vreg.gather [hbm4b:s8+s4], $0x80, v3, vm0, $0xb8;
	[tilespmem:$0x18800] =	vst v63  }
0x388: {  	s13 =	simm.s32 $0x13800  }
0x389: {  	[tilespmem:s13], [sflag:$0x3] =	stream.indirect_vreg.gather [hbm4b:s9+s4], $0x80, v3, vm0, $0xb8;
	[tilespmem:$0x18800] =	vst v63  }
0x38a: {  	s17 =	simm.s32 $0x14000  }
0x38b: {  	[tilespmem:s17], [sflag:$0x3] =	stream.indirect_vreg.gather [hbm4b:s10+s4], $0x80, v3, vm0, $0xb8;
	[tilespmem:$0x18800] =	vst v63  }
0x38c: {  	v3 =	vld [tilespmem:$0x90];
	_ =	sdelay $0x4  }
0x38d: {  	v35 =	vshll.u32 v3, $0x3  }
0x38e: {  	v3 =	vand.u32 $0x7, v3;
	v4 =	vand.u32 $0xFFFFFFC0, v35  }
0x38f: {  	v3 =	vor.u32 v3, v4  }
0x390: {  	v4 =	vperm.xlane v3, v0;
	_ =	sdelay $0x1  }
0x391: {  	v4 =	vadd.s32 v1, v4;
	_ =	sdelay $0x3  }
0x392: {  	s20 =	simm.s32 $0x14800  }
0x393: {  	[tilespmem:s20], [sflag:$0x3] =	stream.indirect_vreg.gather [hbm4b:s2+s4], $0x80, v4, vm0, $0xb8;
	[tilespmem:$0x18800] =	vst v63  }
0x394: {  	s22 =	simm.s32 $0x15000;
	v3 =	vperm.xlane v3, v2  }
0x395: {  	[tilespmem:s22], [sflag:$0x3] =	stream.indirect_vreg.gather [hbm4b:s8+s4], $0x80, v4, vm0, $0xb8;
	[tilespmem:$0x18800] =	vst v63  }
0x396: {  	s15 =	simm.s32 $0x15800;
	v3 =	vadd.s32 v1, v3  }
0x397: {  	[tilespmem:s15], [sflag:$0x3] =	stream.indirect_vreg.gather [hbm4b:s9+s4], $0x80, v4, vm0, $0xb8;
	[tilespmem:$0x18800] =	vst v63  }
0x398: {  	s16 =	simm.s32 $0x16000  }
0x399: {  	[tilespmem:s16], [sflag:$0x3] =	stream.indirect_vreg.gather [hbm4b:s10+s4], $0x80, v4, vm0, $0xb8;
	[tilespmem:$0x18800] =	vst v63  }
0x39a: {  	s17 =	simm.s32 $0x16800  }
0x39b: {  	[tilespmem:s17], [sflag:$0x3] =	stream.indirect_vreg.gather [hbm4b:s2+s4], $0x80, v3, vm0, $0xb8;
	[tilespmem:$0x18800] =	vst v63  }
0x39c: {  	s20 =	simm.s32 $0x17000  }
0x39d: {  	[tilespmem:s20], [sflag:$0x3] =	stream.indirect_vreg.gather [hbm4b:s8+s4], $0x80, v3, vm0, $0xb8;
	[tilespmem:$0x18800] =	vst v63  }
0x39e: {  	s22 =	simm.s32 $0x17800  }
0x39f: {  	[tilespmem:s22], [sflag:$0x3] =	stream.indirect_vreg.gather [hbm4b:s9+s4], $0x80, v3, vm0, $0xb8;
	[tilespmem:$0x18800] =	vst v63  }
0x3a0: {  	s23 =	simm.s32 $0x18000  }
0x3a1: {  	[tilespmem:s23], [sflag:$0x3] =	stream.indirect_vreg.gather [hbm4b:s10+s4], $0x80, v3, vm0, $0xb8;
	[tilespmem:$0x18800] =	vst v63  }
0x3a2: {  	_ =	swait.ge [sflag:s26], $0x8000  }
0x3a3: {  	[sflag:s26] =	ssyncset.done $0x0  }
0x3a4: {  	s30 =	simm.s32 $0x800;
	s25 =	rddreg [dreg:$0x16];
	[sflag:s26] =	ssyncadd.s32 $0xFFFF8000  }
0x3a5: {  	[hbm4b:s25+s4] =	stream.linear.scatter [tilespmem:s30], [sflag:$0x4], $0x8000, $0x38;
	[tilespmem:$0x18800] =	vst v63  }
0x3a6: {  	_ =	swait.ge [sflag:s28], $0x8000  }
0x3a7: {  	[sflag:s28] =	ssyncset.done $0x0  }
0x3a8: {  	[sflag:s28] =	ssyncadd.s32 $0xFFFF8000  }
0x3a9: {  	v3 =	vld [tilespmem:$0x100];
	_ =	sdelay $0x4  }
0x3aa: {  	v36 =	vshll.u32 v3, $0x3  }
0x3ab: {  	v3 =	vand.u32 $0x7, v3;
	v4 =	vand.u32 $0xFFFFFFC0, v36  }
0x3ac: {  	v3 =	vor.u32 v3, v4  }
0x3ad: {  	v4 =	vperm.xlane v3, v0;
	_ =	sdelay $0x1  }
0x3ae: {  	v4 =	vadd.s32 v1, v4;
	_ =	sdelay $0x4  }
0x3af: {  	[tilespmem:s30], [sflag:$0x1] =	stream.indirect_vreg.gather [hbm4b:s2+s4], $0x80, v4, vm0, $0xb8;
	[tilespmem:$0x18800] =	vst v63  }
0x3b0: {  	v3 =	vperm.xlane v3, v2  }
0x3b1: {  	[tilespmem:s14], [sflag:$0x1] =	stream.indirect_vreg.gather [hbm4b:s8+s4], $0x80, v4, vm0, $0xb8;
	[tilespmem:$0x18800] =	vst v63  }
0x3b2: {  	s25 =	simm.s32 $0x1800;
	v3 =	vadd.s32 v1, v3  }
0x3b3: {  	[tilespmem:s25], [sflag:$0x1] =	stream.indirect_vreg.gather [hbm4b:s9+s4], $0x80, v4, vm0, $0xb8;
	[tilespmem:$0x18800] =	vst v63  }
0x3b4: {  	s30 =	simm.s32 $0x2000  }
0x3b5: {  	[tilespmem:s30], [sflag:$0x1] =	stream.indirect_vreg.gather [hbm4b:s10+s4], $0x80, v4, vm0, $0xb8;
	[tilespmem:$0x18800] =	vst v63  }
0x3b6: {  	s14 =	simm.s32 $0x2800  }
0x3b7: {  	[tilespmem:s14], [sflag:$0x1] =	stream.indirect_vreg.gather [hbm4b:s2+s4], $0x80, v3, vm0, $0xb8;
	[tilespmem:$0x18800] =	vst v63  }
0x3b8: {  	s14 =	simm.s32 $0x3000  }
0x3b9: {  	[tilespmem:s14], [sflag:$0x1] =	stream.indirect_vreg.gather [hbm4b:s8+s4], $0x80, v3, vm0, $0xb8;
	[tilespmem:$0x18800] =	vst v63  }
0x3ba: {  	s23 =	simm.s32 $0x3800  }
0x3bb: {  	[tilespmem:s23], [sflag:$0x1] =	stream.indirect_vreg.gather [hbm4b:s9+s4], $0x80, v3, vm0, $0xb8;
	[tilespmem:$0x18800] =	vst v63  }
0x3bc: {  	_ = 	snop  }
0x3bd: {  	[tilespmem:s24], [sflag:$0x1] =	stream.indirect_vreg.gather [hbm4b:s10+s4], $0x80, v3, vm0, $0xb8;
	[tilespmem:$0x18800] =	vst v63  }
0x3be: {  	v3 =	vld [tilespmem:$0x110];
	_ =	sdelay $0x4  }
0x3bf: {  	v37 =	vshll.u32 v3, $0x3  }
0x3c0: {  	v3 =	vand.u32 $0x7, v3;
	v4 =	vand.u32 $0xFFFFFFC0, v37  }
0x3c1: {  	v3 =	vor.u32 v3, v4  }
0x3c2: {  	v4 =	vperm.xlane v3, v0;
	_ =	sdelay $0x1  }
0x3c3: {  	v4 =	vadd.s32 v1, v4;
	_ =	sdelay $0x4  }
0x3c4: {  	[tilespmem:s11], [sflag:$0x1] =	stream.indirect_vreg.gather [hbm4b:s2+s4], $0x80, v4, vm0, $0xb8;
	[tilespmem:$0x18800] =	vst v63  }
0x3c5: {  	v3 =	vperm.xlane v3, v2  }
0x3c6: {  	[tilespmem:s19], [sflag:$0x1] =	stream.indirect_vreg.gather [hbm4b:s8+s4], $0x80, v4, vm0, $0xb8;
	[tilespmem:$0x18800] =	vst v63  }
0x3c7: {  	s30 =	simm.s32 $0x5800;
	v3 =	vadd.s32 v1, v3  }
0x3c8: {  	[tilespmem:s30], [sflag:$0x1] =	stream.indirect_vreg.gather [hbm4b:s9+s4], $0x80, v4, vm0, $0xb8;
	[tilespmem:$0x18800] =	vst v63  }
0x3c9: {  	s19 =	simm.s32 $0x6000  }
0x3ca: {  	[tilespmem:s19], [sflag:$0x1] =	stream.indirect_vreg.gather [hbm4b:s10+s4], $0x80, v4, vm0, $0xb8;
	[tilespmem:$0x18800] =	vst v63  }
0x3cb: {  	s19 =	simm.s32 $0x6800  }
0x3cc: {  	[tilespmem:s19], [sflag:$0x1] =	stream.indirect_vreg.gather [hbm4b:s2+s4], $0x80, v3, vm0, $0xb8;
	[tilespmem:$0x18800] =	vst v63  }
0x3cd: {  	s24 =	simm.s32 $0x7000  }
0x3ce: {  	[tilespmem:s24], [sflag:$0x1] =	stream.indirect_vreg.gather [hbm4b:s8+s4], $0x80, v3, vm0, $0xb8;
	[tilespmem:$0x18800] =	vst v63  }
0x3cf: {  	s25 =	simm.s32 $0x7800  }
0x3d0: {  	[tilespmem:s25], [sflag:$0x1] =	stream.indirect_vreg.gather [hbm4b:s9+s4], $0x80, v3, vm0, $0xb8;
	[tilespmem:$0x18800] =	vst v63  }
0x3d1: {  	_ = 	snop  }
0x3d2: {  	[tilespmem:s21], [sflag:$0x1] =	stream.indirect_vreg.gather [hbm4b:s10+s4], $0x80, v3, vm0, $0xb8;
	[tilespmem:$0x18800] =	vst v63  }
0x3d3: {  	_ =	swait.ge [sflag:s29], $0x8000  }
0x3d4: {  	[sflag:s29] =	ssyncset.done $0x0  }
0x3d5: {  	s11 =	simm.s32 $0x8800;
	s21 =	rddreg [dreg:$0x17];
	[sflag:s29] =	ssyncadd.s32 $0xFFFF8000  }
0x3d6: {  	[hbm4b:s21+s4] =	stream.linear.scatter [tilespmem:s11], [sflag:$0x5], $0x8000, $0x38;
	[tilespmem:$0x18800] =	vst v63  }
0x3d7: {  	_ =	swait.ge [sflag:s31], $0x8000  }
0x3d8: {  	[sflag:s31] =	ssyncset.done $0x0  }
0x3d9: {  	[sflag:s31] =	ssyncadd.s32 $0xFFFF8000  }
0x3da: {  	v3 =	vld [tilespmem:$0x180];
	_ =	sdelay $0x4  }
0x3db: {  	v38 =	vshll.u32 v3, $0x3  }
0x3dc: {  	v3 =	vand.u32 $0x7, v3;
	v4 =	vand.u32 $0xFFFFFFC0, v38  }
0x3dd: {  	v3 =	vor.u32 v3, v4  }
0x3de: {  	v4 =	vperm.xlane v3, v0;
	_ =	sdelay $0x1  }
0x3df: {  	v4 =	vadd.s32 v1, v4;
	_ =	sdelay $0x4  }
0x3e0: {  	[tilespmem:s11], [sflag:$0x2] =	stream.indirect_vreg.gather [hbm4b:s2+s4], $0x80, v4, vm0, $0xb8;
	[tilespmem:$0x18800] =	vst v63  }
0x3e1: {  	s21 =	simm.s32 $0x9000;
	v3 =	vperm.xlane v3, v2  }
0x3e2: {  	[tilespmem:s21], [sflag:$0x2] =	stream.indirect_vreg.gather [hbm4b:s8+s4], $0x80, v4, vm0, $0xb8;
	[tilespmem:$0x18800] =	vst v63  }
0x3e3: {  	s12 =	simm.s32 $0x9800;
	v3 =	vadd.s32 v1, v3  }
0x3e4: {  	[tilespmem:s12], [sflag:$0x2] =	stream.indirect_vreg.gather [hbm4b:s9+s4], $0x80, v4, vm0, $0xb8;
	[tilespmem:$0x18800] =	vst v63  }
0x3e5: {  	s11 =	simm.s32 $0xA000  }
0x3e6: {  	[tilespmem:s11], [sflag:$0x2] =	stream.indirect_vreg.gather [hbm4b:s10+s4], $0x80, v4, vm0, $0xb8;
	[tilespmem:$0x18800] =	vst v63  }
0x3e7: {  	s21 =	simm.s32 $0xA800  }
0x3e8: {  	[tilespmem:s21], [sflag:$0x2] =	stream.indirect_vreg.gather [hbm4b:s2+s4], $0x80, v3, vm0, $0xb8;
	[tilespmem:$0x18800] =	vst v63  }
0x3e9: {  	s21 =	simm.s32 $0xB000  }
0x3ea: {  	[tilespmem:s21], [sflag:$0x2] =	stream.indirect_vreg.gather [hbm4b:s8+s4], $0x80, v3, vm0, $0xb8;
	[tilespmem:$0x18800] =	vst v63  }
0x3eb: {  	s21 =	simm.s32 $0xB800  }
0x3ec: {  	[tilespmem:s21], [sflag:$0x2] =	stream.indirect_vreg.gather [hbm4b:s9+s4], $0x80, v3, vm0, $0xb8;
	[tilespmem:$0x18800] =	vst v63  }
0x3ed: {  	_ = 	snop  }
0x3ee: {  	[tilespmem:s3], [sflag:$0x2] =	stream.indirect_vreg.gather [hbm4b:s10+s4], $0x80, v3, vm0, $0xb8;
	[tilespmem:$0x18800] =	vst v63  }
0x3ef: {  	v3 =	vld [tilespmem:$0x190];
	_ =	sdelay $0x4  }
0x3f0: {  	v39 =	vshll.u32 v3, $0x3  }
0x3f1: {  	v3 =	vand.u32 $0x7, v3;
	v4 =	vand.u32 $0xFFFFFFC0, v39  }
0x3f2: {  	v3 =	vor.u32 v3, v4  }
0x3f3: {  	v4 =	vperm.xlane v3, v0;
	_ =	sdelay $0x1  }
0x3f4: {  	v4 =	vadd.s32 v1, v4;
	_ =	sdelay $0x3  }
0x3f5: {  	s12 =	simm.s32 $0xC800  }
0x3f6: {  	[tilespmem:s12], [sflag:$0x2] =	stream.indirect_vreg.gather [hbm4b:s2+s4], $0x80, v4, vm0, $0xb8;
	[tilespmem:$0x18800] =	vst v63  }
0x3f7: {  	s21 =	simm.s32 $0xD000;
	v3 =	vperm.xlane v3, v2  }
0x3f8: {  	[tilespmem:s21], [sflag:$0x2] =	stream.indirect_vreg.gather [hbm4b:s8+s4], $0x80, v4, vm0, $0xb8;
	[tilespmem:$0x18800] =	vst v63  }
0x3f9: {  	v3 =	vadd.s32 v1, v3;
	s12 =	simm.s32 $0xD800  }
0x3fa: {  	[tilespmem:s12], [sflag:$0x2] =	stream.indirect_vreg.gather [hbm4b:s9+s4], $0x80, v4, vm0, $0xb8;
	[tilespmem:$0x18800] =	vst v63  }
0x3fb: {  	s21 =	simm.s32 $0xE000  }
0x3fc: {  	[tilespmem:s21], [sflag:$0x2] =	stream.indirect_vreg.gather [hbm4b:s10+s4], $0x80, v4, vm0, $0xb8;
	[tilespmem:$0x18800] =	vst v63  }
0x3fd: {  	s12 =	simm.s32 $0xE800  }
0x3fe: {  	[tilespmem:s12], [sflag:$0x2] =	stream.indirect_vreg.gather [hbm4b:s2+s4], $0x80, v3, vm0, $0xb8;
	[tilespmem:$0x18800] =	vst v63  }
0x3ff: {  	s21 =	simm.s32 $0xF000  }
0x400: {  	[tilespmem:s21], [sflag:$0x2] =	stream.indirect_vreg.gather [hbm4b:s8+s4], $0x80, v3, vm0, $0xb8;
	[tilespmem:$0x18800] =	vst v63  }
0x401: {  	s12 =	simm.s32 $0xF800  }
0x402: {  	[tilespmem:s12], [sflag:$0x2] =	stream.indirect_vreg.gather [hbm4b:s9+s4], $0x80, v3, vm0, $0xb8;
	[tilespmem:$0x18800] =	vst v63  }
0x403: {  	s21 =	simm.s32 $0x10000  }
0x404: {  	[tilespmem:s21], [sflag:$0x2] =	stream.indirect_vreg.gather [hbm4b:s10+s4], $0x80, v3, vm0, $0xb8;
	[tilespmem:$0x18800] =	vst v63  }
0x405: {  	_ =	swait.ge [sflag:s18], $0x8000  }
0x406: {  	[sflag:s18] =	ssyncset.done $0x0  }
0x407: {  	s21 =	simm.s32 $0x10800;
	s3 =	rddreg [dreg:$0x18];
	[sflag:s18] =	ssyncadd.s32 $0xFFFF8000  }
0x408: {  	[hbm4b:s3+s4] =	stream.linear.scatter [tilespmem:s21], [sflag:$0x6], $0x8000, $0x38;
	[tilespmem:$0x18800] =	vst v63  }
0x409: {  	_ =	swait.ge [sflag:s0], $0x8000  }
0x40a: {  	[sflag:s0] =	ssyncset.done $0x0  }
0x40b: {  	[sflag:s0] =	ssyncadd.s32 $0xFFFF8000  }
0x40c: {  	v3 =	vld [tilespmem:$0x200];
	_ =	sdelay $0x4  }
0x40d: {  	v40 =	vshll.u32 v3, $0x3  }
0x40e: {  	v3 =	vand.u32 $0x7, v3;
	v4 =	vand.u32 $0xFFFFFFC0, v40  }
0x40f: {  	v3 =	vor.u32 v3, v4  }
0x410: {  	v4 =	vperm.xlane v3, v0;
	_ =	sdelay $0x1  }
0x411: {  	v4 =	vadd.s32 v1, v4;
	_ =	sdelay $0x4  }
0x412: {  	[tilespmem:s21], [sflag:$0x3] =	stream.indirect_vreg.gather [hbm4b:s2+s4], $0x80, v4, vm0, $0xb8;
	[tilespmem:$0x18800] =	vst v63  }
0x413: {  	v3 =	vperm.xlane v3, v2;
	s21 =	simm.s32 $0x11000  }
0x414: {  	[tilespmem:s21], [sflag:$0x3] =	stream.indirect_vreg.gather [hbm4b:s8+s4], $0x80, v4, vm0, $0xb8;
	[tilespmem:$0x18800] =	vst v63  }
0x415: {  	s12 =	simm.s32 $0x11800;
	v3 =	vadd.s32 v1, v3  }
0x416: {  	[tilespmem:s12], [sflag:$0x3] =	stream.indirect_vreg.gather [hbm4b:s9+s4], $0x80, v4, vm0, $0xb8;
	[tilespmem:$0x18800] =	vst v63  }
0x417: {  	s12 =	simm.s32 $0x12000  }
0x418: {  	[tilespmem:s12], [sflag:$0x3] =	stream.indirect_vreg.gather [hbm4b:s10+s4], $0x80, v4, vm0, $0xb8;
	[tilespmem:$0x18800] =	vst v63  }
0x419: {  	s12 =	simm.s32 $0x12800  }
0x41a: {  	[tilespmem:s12], [sflag:$0x3] =	stream.indirect_vreg.gather [hbm4b:s2+s4], $0x80, v3, vm0, $0xb8;
	[tilespmem:$0x18800] =	vst v63  }
0x41b: {  	s12 =	simm.s32 $0x13000  }
0x41c: {  	[tilespmem:s12], [sflag:$0x3] =	stream.indirect_vreg.gather [hbm4b:s8+s4], $0x80, v3, vm0, $0xb8;
	[tilespmem:$0x18800] =	vst v63  }
0x41d: {  	_ = 	snop  }
0x41e: {  	[tilespmem:s13], [sflag:$0x3] =	stream.indirect_vreg.gather [hbm4b:s9+s4], $0x80, v3, vm0, $0xb8;
	[tilespmem:$0x18800] =	vst v63  }
0x41f: {  	s3 =	simm.s32 $0x14000  }
0x420: {  	[tilespmem:s3], [sflag:$0x3] =	stream.indirect_vreg.gather [hbm4b:s10+s4], $0x80, v3, vm0, $0xb8;
	[tilespmem:$0x18800] =	vst v63  }
0x421: {  	v3 =	vld [tilespmem:$0x210];
	_ =	sdelay $0x4  }
0x422: {  	v41 =	vshll.u32 v3, $0x3  }
0x423: {  	v3 =	vand.u32 $0x7, v3;
	v4 =	vand.u32 $0xFFFFFFC0, v41  }
0x424: {  	v3 =	vor.u32 v3, v4  }
0x425: {  	v4 =	vperm.xlane v3, v0;
	_ =	sdelay $0x1  }
0x426: {  	v4 =	vadd.s32 v1, v4;
	_ =	sdelay $0x3  }
0x427: {  	s13 =	simm.s32 $0x14800  }
0x428: {  	[tilespmem:s13], [sflag:$0x3] =	stream.indirect_vreg.gather [hbm4b:s2+s4], $0x80, v4, vm0, $0xb8;
	[tilespmem:$0x18800] =	vst v63  }
0x429: {  	v3 =	vperm.xlane v3, v2;
	s13 =	simm.s32 $0x15000  }
0x42a: {  	[tilespmem:s13], [sflag:$0x3] =	stream.indirect_vreg.gather [hbm4b:s8+s4], $0x80, v4, vm0, $0xb8;
	[tilespmem:$0x18800] =	vst v63  }
0x42b: {  	v3 =	vadd.s32 v1, v3  }
0x42c: {  	[tilespmem:s15], [sflag:$0x3] =	stream.indirect_vreg.gather [hbm4b:s9+s4], $0x80, v4, vm0, $0xb8;
	[tilespmem:$0x18800] =	vst v63  }
0x42d: {  	_ = 	snop  }
0x42e: {  	[tilespmem:s16], [sflag:$0x3] =	stream.indirect_vreg.gather [hbm4b:s10+s4], $0x80, v4, vm0, $0xb8;
	[tilespmem:$0x18800] =	vst v63  }
0x42f: {  	_ = 	snop  }
0x430: {  	[tilespmem:s17], [sflag:$0x3] =	stream.indirect_vreg.gather [hbm4b:s2+s4], $0x80, v3, vm0, $0xb8;
	[tilespmem:$0x18800] =	vst v63  }
0x431: {  	_ = 	snop  }
0x432: {  	[tilespmem:s20], [sflag:$0x3] =	stream.indirect_vreg.gather [hbm4b:s8+s4], $0x80, v3, vm0, $0xb8;
	[tilespmem:$0x18800] =	vst v63  }
0x433: {  	_ = 	snop  }
0x434: {  	[tilespmem:s22], [sflag:$0x3] =	stream.indirect_vreg.gather [hbm4b:s9+s4], $0x80, v3, vm0, $0xb8;
	[tilespmem:$0x18800] =	vst v63  }
0x435: {  	s16 =	simm.s32 $0x18000  }
0x436: {  	[tilespmem:s16], [sflag:$0x3] =	stream.indirect_vreg.gather [hbm4b:s10+s4], $0x80, v3, vm0, $0xb8;
	[tilespmem:$0x18800] =	vst v63  }
0x437: {  	_ =	swait.ge [sflag:s26], $0x8000  }
0x438: {  	[sflag:s26] =	ssyncset.done $0x0  }
0x439: {  	s20 =	simm.s32 $0x800;
	s17 =	rddreg [dreg:$0x19];
	[sflag:s26] =	ssyncadd.s32 $0xFFFF8000  }
0x43a: {  	[hbm4b:s17+s4] =	stream.linear.scatter [tilespmem:s20], [sflag:$0x4], $0x8000, $0x38;
	[tilespmem:$0x18800] =	vst v63  }
0x43b: {  	_ =	swait.ge [sflag:s28], $0x8000  }
0x43c: {  	[sflag:s28] =	ssyncset.done $0x0  }
0x43d: {  	[sflag:s28] =	ssyncadd.s32 $0xFFFF8000  }
0x43e: {  	v3 =	vld [tilespmem:$0x280];
	_ =	sdelay $0x4  }
0x43f: {  	v42 =	vshll.u32 v3, $0x3  }
0x440: {  	v3 =	vand.u32 $0x7, v3;
	v4 =	vand.u32 $0xFFFFFFC0, v42  }
0x441: {  	v3 =	vor.u32 v3, v4  }
0x442: {  	v4 =	vperm.xlane v3, v0;
	_ =	sdelay $0x1  }
0x443: {  	v4 =	vadd.s32 v1, v4;
	_ =	sdelay $0x4  }
0x444: {  	[tilespmem:s20], [sflag:$0x1] =	stream.indirect_vreg.gather [hbm4b:s2+s4], $0x80, v4, vm0, $0xb8;
	[tilespmem:$0x18800] =	vst v63  }
0x445: {  	s22 =	simm.s32 $0x1000;
	v3 =	vperm.xlane v3, v2  }
0x446: {  	[tilespmem:s22], [sflag:$0x1] =	stream.indirect_vreg.gather [hbm4b:s8+s4], $0x80, v4, vm0, $0xb8;
	[tilespmem:$0x18800] =	vst v63  }
0x447: {  	s13 =	simm.s32 $0x1800;
	v3 =	vadd.s32 v1, v3  }
0x448: {  	[tilespmem:s13], [sflag:$0x1] =	stream.indirect_vreg.gather [hbm4b:s9+s4], $0x80, v4, vm0, $0xb8;
	[tilespmem:$0x18800] =	vst v63  }
0x449: {  	s17 =	simm.s32 $0x2000  }
0x44a: {  	[tilespmem:s17], [sflag:$0x1] =	stream.indirect_vreg.gather [hbm4b:s10+s4], $0x80, v4, vm0, $0xb8;
	[tilespmem:$0x18800] =	vst v63  }
0x44b: {  	s15 =	simm.s32 $0x2800  }
0x44c: {  	[tilespmem:s15], [sflag:$0x1] =	stream.indirect_vreg.gather [hbm4b:s2+s4], $0x80, v3, vm0, $0xb8;
	[tilespmem:$0x18800] =	vst v63  }
0x44d: {  	_ = 	snop  }
0x44e: {  	[tilespmem:s14], [sflag:$0x1] =	stream.indirect_vreg.gather [hbm4b:s8+s4], $0x80, v3, vm0, $0xb8;
	[tilespmem:$0x18800] =	vst v63  }
0x44f: {  	_ = 	snop  }
0x450: {  	[tilespmem:s23], [sflag:$0x1] =	stream.indirect_vreg.gather [hbm4b:s9+s4], $0x80, v3, vm0, $0xb8;
	[tilespmem:$0x18800] =	vst v63  }
0x451: {  	s14 =	simm.s32 $0x4000  }
0x452: {  	[tilespmem:s14], [sflag:$0x1] =	stream.indirect_vreg.gather [hbm4b:s10+s4], $0x80, v3, vm0, $0xb8;
	[tilespmem:$0x18800] =	vst v63  }
0x453: {  	v3 =	vld [tilespmem:$0x290];
	_ =	sdelay $0x4  }
0x454: {  	v43 =	vshll.u32 v3, $0x3  }
0x455: {  	v3 =	vand.u32 $0x7, v3;
	v4 =	vand.u32 $0xFFFFFFC0, v43  }
0x456: {  	v3 =	vor.u32 v3, v4  }
0x457: {  	v4 =	vperm.xlane v3, v0;
	_ =	sdelay $0x1  }
0x458: {  	v4 =	vadd.s32 v1, v4;
	_ =	sdelay $0x3  }
0x459: {  	s20 =	simm.s32 $0x4800  }
0x45a: {  	[tilespmem:s20], [sflag:$0x1] =	stream.indirect_vreg.gather [hbm4b:s2+s4], $0x80, v4, vm0, $0xb8;
	[tilespmem:$0x18800] =	vst v63  }
0x45b: {  	s22 =	simm.s32 $0x5000;
	v3 =	vperm.xlane v3, v2  }
0x45c: {  	[tilespmem:s22], [sflag:$0x1] =	stream.indirect_vreg.gather [hbm4b:s8+s4], $0x80, v4, vm0, $0xb8;
	[tilespmem:$0x18800] =	vst v63  }
0x45d: {  	v3 =	vadd.s32 v1, v3  }
0x45e: {  	[tilespmem:s30], [sflag:$0x1] =	stream.indirect_vreg.gather [hbm4b:s9+s4], $0x80, v4, vm0, $0xb8;
	[tilespmem:$0x18800] =	vst v63  }
0x45f: {  	s23 =	simm.s32 $0x6000  }
0x460: {  	[tilespmem:s23], [sflag:$0x1] =	stream.indirect_vreg.gather [hbm4b:s10+s4], $0x80, v4, vm0, $0xb8;
	[tilespmem:$0x18800] =	vst v63  }
0x461: {  	_ = 	snop  }
0x462: {  	[tilespmem:s19], [sflag:$0x1] =	stream.indirect_vreg.gather [hbm4b:s2+s4], $0x80, v3, vm0, $0xb8;
	[tilespmem:$0x18800] =	vst v63  }
0x463: {  	_ = 	snop  }
0x464: {  	[tilespmem:s24], [sflag:$0x1] =	stream.indirect_vreg.gather [hbm4b:s8+s4], $0x80, v3, vm0, $0xb8;
	[tilespmem:$0x18800] =	vst v63  }
0x465: {  	_ = 	snop  }
0x466: {  	[tilespmem:s25], [sflag:$0x1] =	stream.indirect_vreg.gather [hbm4b:s9+s4], $0x80, v3, vm0, $0xb8;
	[tilespmem:$0x18800] =	vst v63  }
0x467: {  	s24 =	simm.s32 $0x8000  }
0x468: {  	[tilespmem:s24], [sflag:$0x1] =	stream.indirect_vreg.gather [hbm4b:s10+s4], $0x80, v3, vm0, $0xb8;
	[tilespmem:$0x18800] =	vst v63  }
0x469: {  	_ =	swait.ge [sflag:s29], $0x8000  }
0x46a: {  	[sflag:s29] =	ssyncset.done $0x0  }
0x46b: {  	s30 =	simm.s32 $0x8800;
	s25 =	rddreg [dreg:$0x1a];
	[sflag:s29] =	ssyncadd.s32 $0xFFFF8000  }
0x46c: {  	[hbm4b:s25+s4] =	stream.linear.scatter [tilespmem:s30], [sflag:$0x5], $0x8000, $0x38;
	[tilespmem:$0x18800] =	vst v63  }
0x46d: {  	_ =	swait.ge [sflag:s31], $0x8000  }
0x46e: {  	[sflag:s31] =	ssyncset.done $0x0  }
0x46f: {  	[sflag:s31] =	ssyncadd.s32 $0xFFFF8000  }
0x470: {  	v3 =	vld [tilespmem:$0x300];
	_ =	sdelay $0x4  }
0x471: {  	v44 =	vshll.u32 v3, $0x3  }
0x472: {  	v3 =	vand.u32 $0x7, v3;
	v4 =	vand.u32 $0xFFFFFFC0, v44  }
0x473: {  	v3 =	vor.u32 v3, v4  }
0x474: {  	v4 =	vperm.xlane v3, v0;
	_ =	sdelay $0x1  }
0x475: {  	v4 =	vadd.s32 v1, v4;
	_ =	sdelay $0x4  }
0x476: {  	[tilespmem:s30], [sflag:$0x2] =	stream.indirect_vreg.gather [hbm4b:s2+s4], $0x80, v4, vm0, $0xb8;
	[tilespmem:$0x18800] =	vst v63  }
0x477: {  	s13 =	simm.s32 $0x9000;
	v3 =	vperm.xlane v3, v2  }
0x478: {  	[tilespmem:s13], [sflag:$0x2] =	stream.indirect_vreg.gather [hbm4b:s8+s4], $0x80, v4, vm0, $0xb8;
	[tilespmem:$0x18800] =	vst v63  }
0x479: {  	s14 =	simm.s32 $0x9800;
	v3 =	vadd.s32 v1, v3  }
0x47a: {  	[tilespmem:s14], [sflag:$0x2] =	stream.indirect_vreg.gather [hbm4b:s9+s4], $0x80, v4, vm0, $0xb8;
	[tilespmem:$0x18800] =	vst v63  }
0x47b: {  	_ = 	snop  }
0x47c: {  	[tilespmem:s11], [sflag:$0x2] =	stream.indirect_vreg.gather [hbm4b:s10+s4], $0x80, v4, vm0, $0xb8;
	[tilespmem:$0x18800] =	vst v63  }
0x47d: {  	s19 =	simm.s32 $0xA800  }
0x47e: {  	[tilespmem:s19], [sflag:$0x2] =	stream.indirect_vreg.gather [hbm4b:s2+s4], $0x80, v3, vm0, $0xb8;
	[tilespmem:$0x18800] =	vst v63  }
0x47f: {  	s20 =	simm.s32 $0xB000  }
0x480: {  	[tilespmem:s20], [sflag:$0x2] =	stream.indirect_vreg.gather [hbm4b:s8+s4], $0x80, v3, vm0, $0xb8;
	[tilespmem:$0x18800] =	vst v63  }
0x481: {  	s22 =	simm.s32 $0xB800  }
0x482: {  	[tilespmem:s22], [sflag:$0x2] =	stream.indirect_vreg.gather [hbm4b:s9+s4], $0x80, v3, vm0, $0xb8;
	[tilespmem:$0x18800] =	vst v63  }
0x483: {  	s11 =	simm.s32 $0xC000  }
0x484: {  	[tilespmem:s11], [sflag:$0x2] =	stream.indirect_vreg.gather [hbm4b:s10+s4], $0x80, v3, vm0, $0xb8;
	[tilespmem:$0x18800] =	vst v63  }
0x485: {  	v3 =	vld [tilespmem:$0x310];
	_ =	sdelay $0x4  }
0x486: {  	v45 =	vshll.u32 v3, $0x3  }
0x487: {  	v3 =	vand.u32 $0x7, v3;
	v4 =	vand.u32 $0xFFFFFFC0, v45  }
0x488: {  	v3 =	vor.u32 v3, v4  }
0x489: {  	v4 =	vperm.xlane v3, v0;
	_ =	sdelay $0x1  }
0x48a: {  	v4 =	vadd.s32 v1, v4;
	_ =	sdelay $0x3  }
0x48b: {  	s23 =	simm.s32 $0xC800  }
0x48c: {  	[tilespmem:s23], [sflag:$0x2] =	stream.indirect_vreg.gather [hbm4b:s2+s4], $0x80, v4, vm0, $0xb8;
	[tilespmem:$0x18800] =	vst v63  }
0x48d: {  	s24 =	simm.s32 $0xD000;
	v3 =	vperm.xlane v3, v2  }
0x48e: {  	[tilespmem:s24], [sflag:$0x2] =	stream.indirect_vreg.gather [hbm4b:s8+s4], $0x80, v4, vm0, $0xb8;
	[tilespmem:$0x18800] =	vst v63  }
0x48f: {  	s25 =	simm.s32 $0xD800;
	v3 =	vadd.s32 v1, v3  }
0x490: {  	[tilespmem:s25], [sflag:$0x2] =	stream.indirect_vreg.gather [hbm4b:s9+s4], $0x80, v4, vm0, $0xb8;
	[tilespmem:$0x18800] =	vst v63  }
0x491: {  	s30 =	simm.s32 $0xE000  }
0x492: {  	[tilespmem:s30], [sflag:$0x2] =	stream.indirect_vreg.gather [hbm4b:s10+s4], $0x80, v4, vm0, $0xb8;
	[tilespmem:$0x18800] =	vst v63  }
0x493: {  	s13 =	simm.s32 $0xE800  }
0x494: {  	[tilespmem:s13], [sflag:$0x2] =	stream.indirect_vreg.gather [hbm4b:s2+s4], $0x80, v3, vm0, $0xb8;
	[tilespmem:$0x18800] =	vst v63  }
0x495: {  	s14 =	simm.s32 $0xF000  }
0x496: {  	[tilespmem:s14], [sflag:$0x2] =	stream.indirect_vreg.gather [hbm4b:s8+s4], $0x80, v3, vm0, $0xb8;
	[tilespmem:$0x18800] =	vst v63  }
0x497: {  	s19 =	simm.s32 $0xF800  }
0x498: {  	[tilespmem:s19], [sflag:$0x2] =	stream.indirect_vreg.gather [hbm4b:s9+s4], $0x80, v3, vm0, $0xb8;
	[tilespmem:$0x18800] =	vst v63  }
0x499: {  	s20 =	simm.s32 $0x10000  }
0x49a: {  	[tilespmem:s20], [sflag:$0x2] =	stream.indirect_vreg.gather [hbm4b:s10+s4], $0x80, v3, vm0, $0xb8;
	[tilespmem:$0x18800] =	vst v63  }
0x49b: {  	_ =	swait.ge [sflag:s18], $0x8000  }
0x49c: {  	[sflag:s18] =	ssyncset.done $0x0  }
0x49d: {  	s23 =	simm.s32 $0x10800;
	s22 =	rddreg [dreg:$0x1b];
	[sflag:s18] =	ssyncadd.s32 $0xFFFF8000  }
0x49e: {  	[hbm4b:s22+s4] =	stream.linear.scatter [tilespmem:s23], [sflag:$0x6], $0x8000, $0x38;
	[tilespmem:$0x18800] =	vst v63  }
0x49f: {  	_ =	swait.ge [sflag:s0], $0x8000  }
0x4a0: {  	[sflag:s0] =	ssyncset.done $0x0  }
0x4a1: {  	[sflag:s0] =	ssyncadd.s32 $0xFFFF8000  }
0x4a2: {  	v3 =	vld [tilespmem:$0x380];
	_ =	sdelay $0x4  }
0x4a3: {  	v46 =	vshll.u32 v3, $0x3  }
0x4a4: {  	v3 =	vand.u32 $0x7, v3;
	v4 =	vand.u32 $0xFFFFFFC0, v46  }
0x4a5: {  	v3 =	vor.u32 v3, v4  }
0x4a6: {  	v4 =	vperm.xlane v3, v0;
	_ =	sdelay $0x1  }
0x4a7: {  	v4 =	vadd.s32 v1, v4;
	_ =	sdelay $0x4  }
0x4a8: {  	[tilespmem:s23], [sflag:$0x3] =	stream.indirect_vreg.gather [hbm4b:s2+s4], $0x80, v4, vm0, $0xb8;
	[tilespmem:$0x18800] =	vst v63  }
0x4a9: {  	v3 =	vperm.xlane v3, v2  }
0x4aa: {  	[tilespmem:s21], [sflag:$0x3] =	stream.indirect_vreg.gather [hbm4b:s8+s4], $0x80, v4, vm0, $0xb8;
	[tilespmem:$0x18800] =	vst v63  }
0x4ab: {  	s20 =	simm.s32 $0x11800;
	v3 =	vadd.s32 v1, v3  }
0x4ac: {  	[tilespmem:s20], [sflag:$0x3] =	stream.indirect_vreg.gather [hbm4b:s9+s4], $0x80, v4, vm0, $0xb8;
	[tilespmem:$0x18800] =	vst v63  }
0x4ad: {  	s24 =	simm.s32 $0x12000  }
0x4ae: {  	[tilespmem:s24], [sflag:$0x3] =	stream.indirect_vreg.gather [hbm4b:s10+s4], $0x80, v4, vm0, $0xb8;
	[tilespmem:$0x18800] =	vst v63  }
0x4af: {  	s25 =	simm.s32 $0x12800  }
0x4b0: {  	[tilespmem:s25], [sflag:$0x3] =	stream.indirect_vreg.gather [hbm4b:s2+s4], $0x80, v3, vm0, $0xb8;
	[tilespmem:$0x18800] =	vst v63  }
0x4b1: {  	s30 =	simm.s32 $0x13000  }
0x4b2: {  	[tilespmem:s30], [sflag:$0x3] =	stream.indirect_vreg.gather [hbm4b:s8+s4], $0x80, v3, vm0, $0xb8;
	[tilespmem:$0x18800] =	vst v63  }
0x4b3: {  	s19 =	simm.s32 $0x13800  }
0x4b4: {  	[tilespmem:s19], [sflag:$0x3] =	stream.indirect_vreg.gather [hbm4b:s9+s4], $0x80, v3, vm0, $0xb8;
	[tilespmem:$0x18800] =	vst v63  }
0x4b5: {  	_ = 	snop  }
0x4b6: {  	[tilespmem:s3], [sflag:$0x3] =	stream.indirect_vreg.gather [hbm4b:s10+s4], $0x80, v3, vm0, $0xb8;
	[tilespmem:$0x18800] =	vst v63  }
0x4b7: {  	v3 =	vld [tilespmem:$0x390];
	_ =	sdelay $0x4  }
0x4b8: {  	v47 =	vshll.u32 v3, $0x3  }
0x4b9: {  	v3 =	vand.u32 $0x7, v3;
	v4 =	vand.u32 $0xFFFFFFC0, v47  }
0x4ba: {  	v3 =	vor.u32 v3, v4  }
0x4bb: {  	v4 =	vperm.xlane v3, v0;
	_ =	sdelay $0x1  }
0x4bc: {  	v4 =	vadd.s32 v1, v4;
	_ =	sdelay $0x3  }
0x4bd: {  	s12 =	simm.s32 $0x14800  }
0x4be: {  	[tilespmem:s12], [sflag:$0x3] =	stream.indirect_vreg.gather [hbm4b:s2+s4], $0x80, v4, vm0, $0xb8;
	[tilespmem:$0x18800] =	vst v63  }
0x4bf: {  	s14 =	simm.s32 $0x15000;
	v3 =	vperm.xlane v3, v2  }
0x4c0: {  	[tilespmem:s14], [sflag:$0x3] =	stream.indirect_vreg.gather [hbm4b:s8+s4], $0x80, v4, vm0, $0xb8;
	[tilespmem:$0x18800] =	vst v63  }
0x4c1: {  	s21 =	simm.s32 $0x15800;
	v3 =	vadd.s32 v1, v3  }
0x4c2: {  	[tilespmem:s21], [sflag:$0x3] =	stream.indirect_vreg.gather [hbm4b:s9+s4], $0x80, v4, vm0, $0xb8;
	[tilespmem:$0x18800] =	vst v63  }
0x4c3: {  	s22 =	simm.s32 $0x16000  }
0x4c4: {  	[tilespmem:s22], [sflag:$0x3] =	stream.indirect_vreg.gather [hbm4b:s10+s4], $0x80, v4, vm0, $0xb8;
	[tilespmem:$0x18800] =	vst v63  }
0x4c5: {  	s23 =	simm.s32 $0x16800  }
0x4c6: {  	[tilespmem:s23], [sflag:$0x3] =	stream.indirect_vreg.gather [hbm4b:s2+s4], $0x80, v3, vm0, $0xb8;
	[tilespmem:$0x18800] =	vst v63  }
0x4c7: {  	s24 =	simm.s32 $0x17000  }
0x4c8: {  	[tilespmem:s24], [sflag:$0x3] =	stream.indirect_vreg.gather [hbm4b:s8+s4], $0x80, v3, vm0, $0xb8;
	[tilespmem:$0x18800] =	vst v63  }
0x4c9: {  	s25 =	simm.s32 $0x17800  }
0x4ca: {  	[tilespmem:s25], [sflag:$0x3] =	stream.indirect_vreg.gather [hbm4b:s9+s4], $0x80, v3, vm0, $0xb8;
	[tilespmem:$0x18800] =	vst v63  }
0x4cb: {  	_ = 	snop  }
0x4cc: {  	[tilespmem:s16], [sflag:$0x3] =	stream.indirect_vreg.gather [hbm4b:s10+s4], $0x80, v3, vm0, $0xb8;
	[tilespmem:$0x18800] =	vst v63  }
0x4cd: {  	_ =	swait.ge [sflag:s26], $0x8000  }
0x4ce: {  	[sflag:s26] =	ssyncset.done $0x0  }
0x4cf: {  	s30 =	simm.s32 $0x800;
	s16 =	rddreg [dreg:$0x1c];
	[sflag:s26] =	ssyncadd.s32 $0xFFFF8000  }
0x4d0: {  	[hbm4b:s16+s4] =	stream.linear.scatter [tilespmem:s30], [sflag:$0x4], $0x8000, $0x38;
	[tilespmem:$0x18800] =	vst v63  }
0x4d1: {  	_ =	swait.ge [sflag:s28], $0x8000  }
0x4d2: {  	[sflag:s28] =	ssyncset.done $0x0  }
0x4d3: {  	[sflag:s28] =	ssyncadd.s32 $0xFFFF8000  }
0x4d4: {  	v3 =	vld [tilespmem:$0x400];
	_ =	sdelay $0x4  }
0x4d5: {  	v48 =	vshll.u32 v3, $0x3  }
0x4d6: {  	v3 =	vand.u32 $0x7, v3;
	v4 =	vand.u32 $0xFFFFFFC0, v48  }
0x4d7: {  	v3 =	vor.u32 v3, v4  }
0x4d8: {  	v4 =	vperm.xlane v3, v0;
	_ =	sdelay $0x1  }
0x4d9: {  	v4 =	vadd.s32 v1, v4;
	_ =	sdelay $0x4  }
0x4da: {  	[tilespmem:s30], [sflag:$0x1] =	stream.indirect_vreg.gather [hbm4b:s2+s4], $0x80, v4, vm0, $0xb8;
	[tilespmem:$0x18800] =	vst v63  }
0x4db: {  	v3 =	vperm.xlane v3, v2;
	s30 =	simm.s32 $0x1000  }
0x4dc: {  	[tilespmem:s30], [sflag:$0x1] =	stream.indirect_vreg.gather [hbm4b:s8+s4], $0x80, v4, vm0, $0xb8;
	[tilespmem:$0x18800] =	vst v63  }
0x4dd: {  	s14 =	simm.s32 $0x1800;
	v3 =	vadd.s32 v1, v3  }
0x4de: {  	[tilespmem:s14], [sflag:$0x1] =	stream.indirect_vreg.gather [hbm4b:s9+s4], $0x80, v4, vm0, $0xb8;
	[tilespmem:$0x18800] =	vst v63  }
0x4df: {  	_ = 	snop  }
0x4e0: {  	[tilespmem:s17], [sflag:$0x1] =	stream.indirect_vreg.gather [hbm4b:s10+s4], $0x80, v4, vm0, $0xb8;
	[tilespmem:$0x18800] =	vst v63  }
0x4e1: {  	_ = 	snop  }
0x4e2: {  	[tilespmem:s15], [sflag:$0x1] =	stream.indirect_vreg.gather [hbm4b:s2+s4], $0x80, v3, vm0, $0xb8;
	[tilespmem:$0x18800] =	vst v63  }
0x4e3: {  	s16 =	simm.s32 $0x3000  }
0x4e4: {  	[tilespmem:s16], [sflag:$0x1] =	stream.indirect_vreg.gather [hbm4b:s8+s4], $0x80, v3, vm0, $0xb8;
	[tilespmem:$0x18800] =	vst v63  }
0x4e5: {  	s15 =	simm.s32 $0x3800  }
0x4e6: {  	[tilespmem:s15], [sflag:$0x1] =	stream.indirect_vreg.gather [hbm4b:s9+s4], $0x80, v3, vm0, $0xb8;
	[tilespmem:$0x18800] =	vst v63  }
0x4e7: {  	s17 =	simm.s32 $0x4000  }
0x4e8: {  	[tilespmem:s17], [sflag:$0x1] =	stream.indirect_vreg.gather [hbm4b:s10+s4], $0x80, v3, vm0, $0xb8;
	[tilespmem:$0x18800] =	vst v63  }
0x4e9: {  	v3 =	vld [tilespmem:$0x410];
	_ =	sdelay $0x4  }
0x4ea: {  	v49 =	vshll.u32 v3, $0x3  }
0x4eb: {  	v3 =	vand.u32 $0x7, v3;
	v4 =	vand.u32 $0xFFFFFFC0, v49  }
0x4ec: {  	v3 =	vor.u32 v3, v4  }
0x4ed: {  	v4 =	vperm.xlane v3, v0;
	_ =	sdelay $0x1  }
0x4ee: {  	v4 =	vadd.s32 v1, v4;
	_ =	sdelay $0x3  }
0x4ef: {  	s14 =	simm.s32 $0x4800  }
0x4f0: {  	[tilespmem:s14], [sflag:$0x1] =	stream.indirect_vreg.gather [hbm4b:s2+s4], $0x80, v4, vm0, $0xb8;
	[tilespmem:$0x18800] =	vst v63  }
0x4f1: {  	s15 =	simm.s32 $0x5000;
	v3 =	vperm.xlane v3, v2  }
0x4f2: {  	[tilespmem:s15], [sflag:$0x1] =	stream.indirect_vreg.gather [hbm4b:s8+s4], $0x80, v4, vm0, $0xb8;
	[tilespmem:$0x18800] =	vst v63  }
0x4f3: {  	s17 =	simm.s32 $0x5800;
	v3 =	vadd.s32 v1, v3  }
0x4f4: {  	[tilespmem:s17], [sflag:$0x1] =	stream.indirect_vreg.gather [hbm4b:s9+s4], $0x80, v4, vm0, $0xb8;
	[tilespmem:$0x18800] =	vst v63  }
0x4f5: {  	s14 =	simm.s32 $0x6000  }
0x4f6: {  	[tilespmem:s14], [sflag:$0x1] =	stream.indirect_vreg.gather [hbm4b:s10+s4], $0x80, v4, vm0, $0xb8;
	[tilespmem:$0x18800] =	vst v63  }
0x4f7: {  	s15 =	simm.s32 $0x6800  }
0x4f8: {  	[tilespmem:s15], [sflag:$0x1] =	stream.indirect_vreg.gather [hbm4b:s2+s4], $0x80, v3, vm0, $0xb8;
	[tilespmem:$0x18800] =	vst v63  }
0x4f9: {  	s17 =	simm.s32 $0x7000  }
0x4fa: {  	[tilespmem:s17], [sflag:$0x1] =	stream.indirect_vreg.gather [hbm4b:s8+s4], $0x80, v3, vm0, $0xb8;
	[tilespmem:$0x18800] =	vst v63  }
0x4fb: {  	s14 =	simm.s32 $0x7800  }
0x4fc: {  	[tilespmem:s14], [sflag:$0x1] =	stream.indirect_vreg.gather [hbm4b:s9+s4], $0x80, v3, vm0, $0xb8;
	[tilespmem:$0x18800] =	vst v63  }
0x4fd: {  	s15 =	simm.s32 $0x8000  }
0x4fe: {  	[tilespmem:s15], [sflag:$0x1] =	stream.indirect_vreg.gather [hbm4b:s10+s4], $0x80, v3, vm0, $0xb8;
	[tilespmem:$0x18800] =	vst v63  }
0x4ff: {  	_ =	swait.ge [sflag:s29], $0x8000  }
0x500: {  	[sflag:s29] =	ssyncset.done $0x0  }
0x501: {  	s14 =	simm.s32 $0x8800;
	s17 =	rddreg [dreg:$0x1d];
	[sflag:s29] =	ssyncadd.s32 $0xFFFF8000  }
0x502: {  	[hbm4b:s17+s4] =	stream.linear.scatter [tilespmem:s14], [sflag:$0x5], $0x8000, $0x38;
	[tilespmem:$0x18800] =	vst v63  }
0x503: {  	_ =	swait.ge [sflag:s31], $0x8000  }
0x504: {  	[sflag:s31] =	ssyncset.done $0x0  }
0x505: {  	[sflag:s31] =	ssyncadd.s32 $0xFFFF8000  }
0x506: {  	v3 =	vld [tilespmem:$0x480];
	_ =	sdelay $0x4  }
0x507: {  	v50 =	vshll.u32 v3, $0x3  }
0x508: {  	v3 =	vand.u32 $0x7, v3;
	v4 =	vand.u32 $0xFFFFFFC0, v50  }
0x509: {  	v3 =	vor.u32 v3, v4  }
0x50a: {  	v4 =	vperm.xlane v3, v0;
	_ =	sdelay $0x1  }
0x50b: {  	v4 =	vadd.s32 v1, v4;
	_ =	sdelay $0x4  }
0x50c: {  	[tilespmem:s14], [sflag:$0x2] =	stream.indirect_vreg.gather [hbm4b:s2+s4], $0x80, v4, vm0, $0xb8;
	[tilespmem:$0x18800] =	vst v63  }
0x50d: {  	s15 =	simm.s32 $0x9000;
	v3 =	vperm.xlane v3, v2  }
0x50e: {  	[tilespmem:s15], [sflag:$0x2] =	stream.indirect_vreg.gather [hbm4b:s8+s4], $0x80, v4, vm0, $0xb8;
	[tilespmem:$0x18800] =	vst v63  }
0x50f: {  	s17 =	simm.s32 $0x9800;
	v3 =	vadd.s32 v1, v3  }
0x510: {  	[tilespmem:s17], [sflag:$0x2] =	stream.indirect_vreg.gather [hbm4b:s9+s4], $0x80, v4, vm0, $0xb8;
	[tilespmem:$0x18800] =	vst v63  }
0x511: {  	s15 =	simm.s32 $0xA000  }
0x512: {  	[tilespmem:s15], [sflag:$0x2] =	stream.indirect_vreg.gather [hbm4b:s10+s4], $0x80, v4, vm0, $0xb8;
	[tilespmem:$0x18800] =	vst v63  }
0x513: {  	s17 =	simm.s32 $0xA800  }
0x514: {  	[tilespmem:s17], [sflag:$0x2] =	stream.indirect_vreg.gather [hbm4b:s2+s4], $0x80, v3, vm0, $0xb8;
	[tilespmem:$0x18800] =	vst v63  }
0x515: {  	s12 =	simm.s32 $0xB000  }
0x516: {  	[tilespmem:s12], [sflag:$0x2] =	stream.indirect_vreg.gather [hbm4b:s8+s4], $0x80, v3, vm0, $0xb8;
	[tilespmem:$0x18800] =	vst v63  }
0x517: {  	s12 =	simm.s32 $0xB800  }
0x518: {  	[tilespmem:s12], [sflag:$0x2] =	stream.indirect_vreg.gather [hbm4b:s9+s4], $0x80, v3, vm0, $0xb8;
	[tilespmem:$0x18800] =	vst v63  }
0x519: {  	_ = 	snop  }
0x51a: {  	[tilespmem:s11], [sflag:$0x2] =	stream.indirect_vreg.gather [hbm4b:s10+s4], $0x80, v3, vm0, $0xb8;
	[tilespmem:$0x18800] =	vst v63  }
0x51b: {  	v3 =	vld [tilespmem:$0x490];
	_ =	sdelay $0x4  }
0x51c: {  	v51 =	vshll.u32 v3, $0x3  }
0x51d: {  	v3 =	vand.u32 $0x7, v3;
	v4 =	vand.u32 $0xFFFFFFC0, v51  }
0x51e: {  	v3 =	vor.u32 v3, v4  }
0x51f: {  	v4 =	vperm.xlane v3, v0;
	_ =	sdelay $0x1  }
0x520: {  	v4 =	vadd.s32 v1, v4;
	_ =	sdelay $0x3  }
0x521: {  	s12 =	simm.s32 $0xC800  }
0x522: {  	[tilespmem:s12], [sflag:$0x2] =	stream.indirect_vreg.gather [hbm4b:s2+s4], $0x80, v4, vm0, $0xb8;
	[tilespmem:$0x18800] =	vst v63  }
0x523: {  	v3 =	vperm.xlane v3, v2;
	s12 =	simm.s32 $0xD000  }
0x524: {  	[tilespmem:s12], [sflag:$0x2] =	stream.indirect_vreg.gather [hbm4b:s8+s4], $0x80, v4, vm0, $0xb8;
	[tilespmem:$0x18800] =	vst v63  }
0x525: {  	s11 =	simm.s32 $0xD800;
	v3 =	vadd.s32 v1, v3  }
0x526: {  	[tilespmem:s11], [sflag:$0x2] =	stream.indirect_vreg.gather [hbm4b:s9+s4], $0x80, v4, vm0, $0xb8;
	[tilespmem:$0x18800] =	vst v63  }
0x527: {  	s12 =	simm.s32 $0xE000  }
0x528: {  	[tilespmem:s12], [sflag:$0x2] =	stream.indirect_vreg.gather [hbm4b:s10+s4], $0x80, v4, vm0, $0xb8;
	[tilespmem:$0x18800] =	vst v63  }
0x529: {  	s12 =	simm.s32 $0xE800  }
0x52a: {  	[tilespmem:s12], [sflag:$0x2] =	stream.indirect_vreg.gather [hbm4b:s2+s4], $0x80, v3, vm0, $0xb8;
	[tilespmem:$0x18800] =	vst v63  }
0x52b: {  	s12 =	simm.s32 $0xF000  }
0x52c: {  	[tilespmem:s12], [sflag:$0x2] =	stream.indirect_vreg.gather [hbm4b:s8+s4], $0x80, v3, vm0, $0xb8;
	[tilespmem:$0x18800] =	vst v63  }
0x52d: {  	s12 =	simm.s32 $0xF800  }
0x52e: {  	[tilespmem:s12], [sflag:$0x2] =	stream.indirect_vreg.gather [hbm4b:s9+s4], $0x80, v3, vm0, $0xb8;
	[tilespmem:$0x18800] =	vst v63  }
0x52f: {  	s12 =	simm.s32 $0x10000  }
0x530: {  	[tilespmem:s12], [sflag:$0x2] =	stream.indirect_vreg.gather [hbm4b:s10+s4], $0x80, v3, vm0, $0xb8;
	[tilespmem:$0x18800] =	vst v63  }
0x531: {  	_ =	swait.ge [sflag:s18], $0x8000  }
0x532: {  	[sflag:s18] =	ssyncset.done $0x0  }
0x533: {  	s13 =	simm.s32 $0x10800;
	s12 =	rddreg [dreg:$0x1e];
	[sflag:s18] =	ssyncadd.s32 $0xFFFF8000  }
0x534: {  	[hbm4b:s12+s4] =	stream.linear.scatter [tilespmem:s13], [sflag:$0x6], $0x8000, $0x38;
	[tilespmem:$0x18800] =	vst v63  }
0x535: {  	_ =	swait.ge [sflag:s0], $0x8000  }
0x536: {  	[sflag:s0] =	ssyncset.done $0x0  }
0x537: {  	[sflag:s0] =	ssyncadd.s32 $0xFFFF8000  }
0x538: {  	v3 =	vld [tilespmem:$0x500];
	_ =	sdelay $0x4  }
0x539: {  	v52 =	vshll.u32 v3, $0x3  }
0x53a: {  	v3 =	vand.u32 $0x7, v3;
	v4 =	vand.u32 $0xFFFFFFC0, v52  }
0x53b: {  	v3 =	vor.u32 v3, v4  }
0x53c: {  	v4 =	vperm.xlane v3, v0;
	_ =	sdelay $0x1  }
0x53d: {  	v4 =	vadd.s32 v1, v4;
	_ =	sdelay $0x4  }
0x53e: {  	[tilespmem:s13], [sflag:$0x3] =	stream.indirect_vreg.gather [hbm4b:s2+s4], $0x80, v4, vm0, $0xb8;
	[tilespmem:$0x18800] =	vst v63  }
0x53f: {  	v3 =	vperm.xlane v3, v2;
	s13 =	simm.s32 $0x11000  }
0x540: {  	[tilespmem:s13], [sflag:$0x3] =	stream.indirect_vreg.gather [hbm4b:s8+s4], $0x80, v4, vm0, $0xb8;
	[tilespmem:$0x18800] =	vst v63  }
0x541: {  	v3 =	vadd.s32 v1, v3  }
0x542: {  	[tilespmem:s20], [sflag:$0x3] =	stream.indirect_vreg.gather [hbm4b:s9+s4], $0x80, v4, vm0, $0xb8;
	[tilespmem:$0x18800] =	vst v63  }
0x543: {  	s13 =	simm.s32 $0x12000  }
0x544: {  	[tilespmem:s13], [sflag:$0x3] =	stream.indirect_vreg.gather [hbm4b:s10+s4], $0x80, v4, vm0, $0xb8;
	[tilespmem:$0x18800] =	vst v63  }
0x545: {  	s20 =	simm.s32 $0x12800  }
0x546: {  	[tilespmem:s20], [sflag:$0x3] =	stream.indirect_vreg.gather [hbm4b:s2+s4], $0x80, v3, vm0, $0xb8;
	[tilespmem:$0x18800] =	vst v63  }
0x547: {  	s13 =	simm.s32 $0x13000  }
0x548: {  	[tilespmem:s13], [sflag:$0x3] =	stream.indirect_vreg.gather [hbm4b:s8+s4], $0x80, v3, vm0, $0xb8;
	[tilespmem:$0x18800] =	vst v63  }
0x549: {  	_ = 	snop  }
0x54a: {  	[tilespmem:s19], [sflag:$0x3] =	stream.indirect_vreg.gather [hbm4b:s9+s4], $0x80, v3, vm0, $0xb8;
	[tilespmem:$0x18800] =	vst v63  }
0x54b: {  	s19 =	simm.s32 $0x14000  }
0x54c: {  	[tilespmem:s19], [sflag:$0x3] =	stream.indirect_vreg.gather [hbm4b:s10+s4], $0x80, v3, vm0, $0xb8;
	[tilespmem:$0x18800] =	vst v63  }
0x54d: {  	v3 =	vld [tilespmem:$0x510];
	_ =	sdelay $0x4  }
0x54e: {  	v53 =	vshll.u32 v3, $0x3  }
0x54f: {  	v3 =	vand.u32 $0x7, v3;
	v4 =	vand.u32 $0xFFFFFFC0, v53  }
0x550: {  	v3 =	vor.u32 v3, v4  }
0x551: {  	v4 =	vperm.xlane v3, v0;
	_ =	sdelay $0x1  }
0x552: {  	v4 =	vadd.s32 v1, v4;
	_ =	sdelay $0x3  }
0x553: {  	s13 =	simm.s32 $0x14800  }
0x554: {  	[tilespmem:s13], [sflag:$0x3] =	stream.indirect_vreg.gather [hbm4b:s2+s4], $0x80, v4, vm0, $0xb8;
	[tilespmem:$0x18800] =	vst v63  }
0x555: {  	s19 =	simm.s32 $0x15000;
	v3 =	vperm.xlane v3, v2  }
0x556: {  	[tilespmem:s19], [sflag:$0x3] =	stream.indirect_vreg.gather [hbm4b:s8+s4], $0x80, v4, vm0, $0xb8;
	[tilespmem:$0x18800] =	vst v63  }
0x557: {  	v3 =	vadd.s32 v1, v3  }
0x558: {  	[tilespmem:s21], [sflag:$0x3] =	stream.indirect_vreg.gather [hbm4b:s9+s4], $0x80, v4, vm0, $0xb8;
	[tilespmem:$0x18800] =	vst v63  }
0x559: {  	_ = 	snop  }
0x55a: {  	[tilespmem:s22], [sflag:$0x3] =	stream.indirect_vreg.gather [hbm4b:s10+s4], $0x80, v4, vm0, $0xb8;
	[tilespmem:$0x18800] =	vst v63  }
0x55b: {  	_ = 	snop  }
0x55c: {  	[tilespmem:s23], [sflag:$0x3] =	stream.indirect_vreg.gather [hbm4b:s2+s4], $0x80, v3, vm0, $0xb8;
	[tilespmem:$0x18800] =	vst v63  }
0x55d: {  	_ = 	snop  }
0x55e: {  	[tilespmem:s24], [sflag:$0x3] =	stream.indirect_vreg.gather [hbm4b:s8+s4], $0x80, v3, vm0, $0xb8;
	[tilespmem:$0x18800] =	vst v63  }
0x55f: {  	_ = 	snop  }
0x560: {  	[tilespmem:s25], [sflag:$0x3] =	stream.indirect_vreg.gather [hbm4b:s9+s4], $0x80, v3, vm0, $0xb8;
	[tilespmem:$0x18800] =	vst v63  }
0x561: {  	s13 =	simm.s32 $0x18000  }
0x562: {  	[tilespmem:s13], [sflag:$0x3] =	stream.indirect_vreg.gather [hbm4b:s10+s4], $0x80, v3, vm0, $0xb8;
	[tilespmem:$0x18800] =	vst v63  }
0x563: {  	_ =	swait.ge [sflag:s26], $0x8000  }
0x564: {  	[sflag:s26] =	ssyncset.done $0x0  }
0x565: {  	s3 =	simm.s32 $0x800;
	s19 =	rddreg [dreg:$0x1f];
	[sflag:s26] =	ssyncadd.s32 $0xFFFF8000  }
0x566: {  	[hbm4b:s19+s4] =	stream.linear.scatter [tilespmem:s3], [sflag:$0x4], $0x8000, $0x38;
	[tilespmem:$0x18800] =	vst v63  }
0x567: {  	_ =	swait.ge [sflag:s28], $0x8000  }
0x568: {  	[sflag:s28] =	ssyncset.done $0x0  }
0x569: {  	[sflag:s28] =	ssyncadd.s32 $0xFFFF8000  }
0x56a: {  	v3 =	vld [tilespmem:$0x580];
	_ =	sdelay $0x4  }
0x56b: {  	v54 =	vshll.u32 v3, $0x3  }
0x56c: {  	v3 =	vand.u32 $0x7, v3;
	v4 =	vand.u32 $0xFFFFFFC0, v54  }
0x56d: {  	v3 =	vor.u32 v3, v4  }
0x56e: {  	v4 =	vperm.xlane v3, v0;
	_ =	sdelay $0x1  }
0x56f: {  	v4 =	vadd.s32 v1, v4;
	_ =	sdelay $0x4  }
0x570: {  	[tilespmem:s3], [sflag:$0x1] =	stream.indirect_vreg.gather [hbm4b:s2+s4], $0x80, v4, vm0, $0xb8;
	[tilespmem:$0x18800] =	vst v63  }
0x571: {  	v3 =	vperm.xlane v3, v2  }
0x572: {  	[tilespmem:s30], [sflag:$0x1] =	stream.indirect_vreg.gather [hbm4b:s8+s4], $0x80, v4, vm0, $0xb8;
	[tilespmem:$0x18800] =	vst v63  }
0x573: {  	s12 =	simm.s32 $0x1800;
	v3 =	vadd.s32 v1, v3  }
0x574: {  	[tilespmem:s12], [sflag:$0x1] =	stream.indirect_vreg.gather [hbm4b:s9+s4], $0x80, v4, vm0, $0xb8;
	[tilespmem:$0x18800] =	vst v63  }
0x575: {  	s3 =	simm.s32 $0x2000  }
0x576: {  	[tilespmem:s3], [sflag:$0x1] =	stream.indirect_vreg.gather [hbm4b:s10+s4], $0x80, v4, vm0, $0xb8;
	[tilespmem:$0x18800] =	vst v63  }
0x577: {  	s13 =	simm.s32 $0x2800  }
0x578: {  	[tilespmem:s13], [sflag:$0x1] =	stream.indirect_vreg.gather [hbm4b:s2+s4], $0x80, v3, vm0, $0xb8;
	[tilespmem:$0x18800] =	vst v63  }
0x579: {  	_ = 	snop  }
0x57a: {  	[tilespmem:s16], [sflag:$0x1] =	stream.indirect_vreg.gather [hbm4b:s8+s4], $0x80, v3, vm0, $0xb8;
	[tilespmem:$0x18800] =	vst v63  }
0x57b: {  	s19 =	simm.s32 $0x3800  }
0x57c: {  	[tilespmem:s19], [sflag:$0x1] =	stream.indirect_vreg.gather [hbm4b:s9+s4], $0x80, v3, vm0, $0xb8;
	[tilespmem:$0x18800] =	vst v63  }
0x57d: {  	s13 =	simm.s32 $0x4000  }
0x57e: {  	[tilespmem:s13], [sflag:$0x1] =	stream.indirect_vreg.gather [hbm4b:s10+s4], $0x80, v3, vm0, $0xb8;
	[tilespmem:$0x18800] =	vst v63  }
0x57f: {  	v3 =	vld [tilespmem:$0x590];
	_ =	sdelay $0x4  }
0x580: {  	v55 =	vshll.u32 v3, $0x3  }
0x581: {  	v3 =	vand.u32 $0x7, v3;
	v4 =	vand.u32 $0xFFFFFFC0, v55  }
0x582: {  	v3 =	vor.u32 v3, v4  }
0x583: {  	v4 =	vperm.xlane v3, v0;
	_ =	sdelay $0x1  }
0x584: {  	v4 =	vadd.s32 v1, v4;
	_ =	sdelay $0x3  }
0x585: {  	s16 =	simm.s32 $0x4800  }
0x586: {  	[tilespmem:s16], [sflag:$0x1] =	stream.indirect_vreg.gather [hbm4b:s2+s4], $0x80, v4, vm0, $0xb8;
	[tilespmem:$0x18800] =	vst v63  }
0x587: {  	s19 =	simm.s32 $0x5000;
	v3 =	vperm.xlane v3, v2  }
0x588: {  	[tilespmem:s19], [sflag:$0x1] =	stream.indirect_vreg.gather [hbm4b:s8+s4], $0x80, v4, vm0, $0xb8;
	[tilespmem:$0x18800] =	vst v63  }
0x589: {  	s13 =	simm.s32 $0x5800;
	v3 =	vadd.s32 v1, v3  }
0x58a: {  	[tilespmem:s13], [sflag:$0x1] =	stream.indirect_vreg.gather [hbm4b:s9+s4], $0x80, v4, vm0, $0xb8;
	[tilespmem:$0x18800] =	vst v63  }
0x58b: {  	s16 =	simm.s32 $0x6000  }
0x58c: {  	[tilespmem:s16], [sflag:$0x1] =	stream.indirect_vreg.gather [hbm4b:s10+s4], $0x80, v4, vm0, $0xb8;
	[tilespmem:$0x18800] =	vst v63  }
0x58d: {  	s19 =	simm.s32 $0x6800  }
0x58e: {  	[tilespmem:s19], [sflag:$0x1] =	stream.indirect_vreg.gather [hbm4b:s2+s4], $0x80, v3, vm0, $0xb8;
	[tilespmem:$0x18800] =	vst v63  }
0x58f: {  	s13 =	simm.s32 $0x7000  }
0x590: {  	[tilespmem:s13], [sflag:$0x1] =	stream.indirect_vreg.gather [hbm4b:s8+s4], $0x80, v3, vm0, $0xb8;
	[tilespmem:$0x18800] =	vst v63  }
0x591: {  	s16 =	simm.s32 $0x7800  }
0x592: {  	[tilespmem:s16], [sflag:$0x1] =	stream.indirect_vreg.gather [hbm4b:s9+s4], $0x80, v3, vm0, $0xb8;
	[tilespmem:$0x18800] =	vst v63  }
0x593: {  	s19 =	simm.s32 $0x8000  }
0x594: {  	[tilespmem:s19], [sflag:$0x1] =	stream.indirect_vreg.gather [hbm4b:s10+s4], $0x80, v3, vm0, $0xb8;
	[tilespmem:$0x18800] =	vst v63  }
0x595: {  	_ =	swait.ge [sflag:s29], $0x8000  }
0x596: {  	s13 =	sld [smem:$0x7F7]  }
0x597: {  	[sflag:s29] =	ssyncset.done $0x0  }
0x598: {  	s14 =	simm.s32 $0x8800;
	[sflag:s29] =	ssyncadd.s32 $0xFFFF8000  }
0x599: {  	[hbm4b:s13+s4] =	stream.linear.scatter [tilespmem:s14], [sflag:$0x5], $0x8000, $0x38;
	[tilespmem:$0x18800] =	vst v63  }
0x59a: {  	_ =	swait.ge [sflag:s31], $0x8000  }
0x59b: {  	[sflag:s31] =	ssyncset.done $0x0  }
0x59c: {  	[sflag:s31] =	ssyncadd.s32 $0xFFFF8000  }
0x59d: {  	v3 =	vld [tilespmem:$0x600];
	_ =	sdelay $0x4  }
0x59e: {  	v56 =	vshll.u32 v3, $0x3  }
0x59f: {  	v3 =	vand.u32 $0x7, v3;
	v4 =	vand.u32 $0xFFFFFFC0, v56  }
0x5a0: {  	v3 =	vor.u32 v3, v4  }
0x5a1: {  	v4 =	vperm.xlane v3, v0;
	_ =	sdelay $0x1  }
0x5a2: {  	v4 =	vadd.s32 v1, v4;
	_ =	sdelay $0x4  }
0x5a3: {  	[tilespmem:s14], [sflag:$0x2] =	stream.indirect_vreg.gather [hbm4b:s2+s4], $0x80, v4, vm0, $0xb8;
	[tilespmem:$0x18800] =	vst v63  }
0x5a4: {  	v3 =	vperm.xlane v3, v2;
	s14 =	simm.s32 $0x9000  }
0x5a5: {  	[tilespmem:s14], [sflag:$0x2] =	stream.indirect_vreg.gather [hbm4b:s8+s4], $0x80, v4, vm0, $0xb8;
	[tilespmem:$0x18800] =	vst v63  }
0x5a6: {  	s16 =	simm.s32 $0x9800;
	v3 =	vadd.s32 v1, v3  }
0x5a7: {  	[tilespmem:s16], [sflag:$0x2] =	stream.indirect_vreg.gather [hbm4b:s9+s4], $0x80, v4, vm0, $0xb8;
	[tilespmem:$0x18800] =	vst v63  }
0x5a8: {  	_ = 	snop  }
0x5a9: {  	[tilespmem:s15], [sflag:$0x2] =	stream.indirect_vreg.gather [hbm4b:s10+s4], $0x80, v4, vm0, $0xb8;
	[tilespmem:$0x18800] =	vst v63  }
0x5aa: {  	_ = 	snop  }
0x5ab: {  	[tilespmem:s17], [sflag:$0x2] =	stream.indirect_vreg.gather [hbm4b:s2+s4], $0x80, v3, vm0, $0xb8;
	[tilespmem:$0x18800] =	vst v63  }
0x5ac: {  	s17 =	simm.s32 $0xB000  }
0x5ad: {  	[tilespmem:s17], [sflag:$0x2] =	stream.indirect_vreg.gather [hbm4b:s8+s4], $0x80, v3, vm0, $0xb8;
	[tilespmem:$0x18800] =	vst v63  }
0x5ae: {  	s19 =	simm.s32 $0xB800  }
0x5af: {  	[tilespmem:s19], [sflag:$0x2] =	stream.indirect_vreg.gather [hbm4b:s9+s4], $0x80, v3, vm0, $0xb8;
	[tilespmem:$0x18800] =	vst v63  }
0x5b0: {  	s15 =	simm.s32 $0xC000  }
0x5b1: {  	[tilespmem:s15], [sflag:$0x2] =	stream.indirect_vreg.gather [hbm4b:s10+s4], $0x80, v3, vm0, $0xb8;
	[tilespmem:$0x18800] =	vst v63  }
0x5b2: {  	v3 =	vld [tilespmem:$0x610];
	_ =	sdelay $0x4  }
0x5b3: {  	v57 =	vshll.u32 v3, $0x3  }
0x5b4: {  	v3 =	vand.u32 $0x7, v3;
	v4 =	vand.u32 $0xFFFFFFC0, v57  }
0x5b5: {  	v3 =	vor.u32 v3, v4  }
0x5b6: {  	v4 =	vperm.xlane v3, v0;
	_ =	sdelay $0x1  }
0x5b7: {  	v4 =	vadd.s32 v1, v4;
	_ =	sdelay $0x3  }
0x5b8: {  	s15 =	simm.s32 $0xC800  }
0x5b9: {  	[tilespmem:s15], [sflag:$0x2] =	stream.indirect_vreg.gather [hbm4b:s2+s4], $0x80, v4, vm0, $0xb8;
	[tilespmem:$0x18800] =	vst v63  }
0x5ba: {  	v3 =	vperm.xlane v3, v2;
	s15 =	simm.s32 $0xD000  }
0x5bb: {  	[tilespmem:s15], [sflag:$0x2] =	stream.indirect_vreg.gather [hbm4b:s8+s4], $0x80, v4, vm0, $0xb8;
	[tilespmem:$0x18800] =	vst v63  }
0x5bc: {  	v3 =	vadd.s32 v1, v3  }
0x5bd: {  	[tilespmem:s11], [sflag:$0x2] =	stream.indirect_vreg.gather [hbm4b:s9+s4], $0x80, v4, vm0, $0xb8;
	[tilespmem:$0x18800] =	vst v63  }
0x5be: {  	s15 =	simm.s32 $0xE000  }
0x5bf: {  	[tilespmem:s15], [sflag:$0x2] =	stream.indirect_vreg.gather [hbm4b:s10+s4], $0x80, v4, vm0, $0xb8;
	[tilespmem:$0x18800] =	vst v63  }
0x5c0: {  	s12 =	simm.s32 $0xE800  }
0x5c1: {  	[tilespmem:s12], [sflag:$0x2] =	stream.indirect_vreg.gather [hbm4b:s2+s4], $0x80, v3, vm0, $0xb8;
	[tilespmem:$0x18800] =	vst v63  }
0x5c2: {  	s15 =	simm.s32 $0xF000  }
0x5c3: {  	[tilespmem:s15], [sflag:$0x2] =	stream.indirect_vreg.gather [hbm4b:s8+s4], $0x80, v3, vm0, $0xb8;
	[tilespmem:$0x18800] =	vst v63  }
0x5c4: {  	s12 =	simm.s32 $0xF800  }
0x5c5: {  	[tilespmem:s12], [sflag:$0x2] =	stream.indirect_vreg.gather [hbm4b:s9+s4], $0x80, v3, vm0, $0xb8;
	[tilespmem:$0x18800] =	vst v63  }
0x5c6: {  	s15 =	simm.s32 $0x10000  }
0x5c7: {  	[tilespmem:s15], [sflag:$0x2] =	stream.indirect_vreg.gather [hbm4b:s10+s4], $0x80, v3, vm0, $0xb8;
	[tilespmem:$0x18800] =	vst v63  }
0x5c8: {  	_ =	swait.ge [sflag:s18], $0x8000  }
0x5c9: {  	s11 =	sld [smem:$0x7F8]  }
0x5ca: {  	[sflag:s18] =	ssyncset.done $0x0  }
0x5cb: {  	s15 =	simm.s32 $0x10800;
	[sflag:s18] =	ssyncadd.s32 $0xFFFF8000  }
0x5cc: {  	[hbm4b:s11+s4] =	stream.linear.scatter [tilespmem:s15], [sflag:$0x6], $0x8000, $0x38;
	[tilespmem:$0x18800] =	vst v63  }
0x5cd: {  	_ =	swait.ge [sflag:s0], $0x8000  }
0x5ce: {  	[sflag:s0] =	ssyncset.done $0x0  }
0x5cf: {  	[sflag:s0] =	ssyncadd.s32 $0xFFFF8000  }
0x5d0: {  	v3 =	vld [tilespmem:$0x680];
	_ =	sdelay $0x4  }
0x5d1: {  	v58 =	vshll.u32 v3, $0x3  }
0x5d2: {  	v3 =	vand.u32 $0x7, v3;
	v4 =	vand.u32 $0xFFFFFFC0, v58  }
0x5d3: {  	v3 =	vor.u32 v3, v4  }
0x5d4: {  	v4 =	vperm.xlane v3, v0;
	_ =	sdelay $0x1  }
0x5d5: {  	v4 =	vadd.s32 v1, v4;
	_ =	sdelay $0x4  }
0x5d6: {  	[tilespmem:s15], [sflag:$0x3] =	stream.indirect_vreg.gather [hbm4b:s2+s4], $0x80, v4, vm0, $0xb8;
	[tilespmem:$0x18800] =	vst v63  }
0x5d7: {  	s12 =	simm.s32 $0x11000;
	v3 =	vperm.xlane v3, v2  }
0x5d8: {  	[tilespmem:s12], [sflag:$0x3] =	stream.indirect_vreg.gather [hbm4b:s8+s4], $0x80, v4, vm0, $0xb8;
	[tilespmem:$0x18800] =	vst v63  }
0x5d9: {  	v3 =	vadd.s32 v1, v3;
	s12 =	simm.s32 $0x11800  }
0x5da: {  	[tilespmem:s12], [sflag:$0x3] =	stream.indirect_vreg.gather [hbm4b:s9+s4], $0x80, v4, vm0, $0xb8;
	[tilespmem:$0x18800] =	vst v63  }
0x5db: {  	s12 =	simm.s32 $0x12000  }
0x5dc: {  	[tilespmem:s12], [sflag:$0x3] =	stream.indirect_vreg.gather [hbm4b:s10+s4], $0x80, v4, vm0, $0xb8;
	[tilespmem:$0x18800] =	vst v63  }
0x5dd: {  	s12 =	simm.s32 $0x12800  }
0x5de: {  	[tilespmem:s12], [sflag:$0x3] =	stream.indirect_vreg.gather [hbm4b:s2+s4], $0x80, v3, vm0, $0xb8;
	[tilespmem:$0x18800] =	vst v63  }
0x5df: {  	s12 =	simm.s32 $0x13000  }
0x5e0: {  	[tilespmem:s12], [sflag:$0x3] =	stream.indirect_vreg.gather [hbm4b:s8+s4], $0x80, v3, vm0, $0xb8;
	[tilespmem:$0x18800] =	vst v63  }
0x5e1: {  	s20 =	simm.s32 $0x13800  }
0x5e2: {  	[tilespmem:s20], [sflag:$0x3] =	stream.indirect_vreg.gather [hbm4b:s9+s4], $0x80, v3, vm0, $0xb8;
	[tilespmem:$0x18800] =	vst v63  }
0x5e3: {  	s20 =	simm.s32 $0x14000  }
0x5e4: {  	[tilespmem:s20], [sflag:$0x3] =	stream.indirect_vreg.gather [hbm4b:s10+s4], $0x80, v3, vm0, $0xb8;
	[tilespmem:$0x18800] =	vst v63  }
0x5e5: {  	v3 =	vld [tilespmem:$0x690];
	_ =	sdelay $0x4  }
0x5e6: {  	v59 =	vshll.u32 v3, $0x3  }
0x5e7: {  	v3 =	vand.u32 $0x7, v3;
	v4 =	vand.u32 $0xFFFFFFC0, v59  }
0x5e8: {  	v3 =	vor.u32 v3, v4  }
0x5e9: {  	v4 =	vperm.xlane v3, v0;
	_ =	sdelay $0x1  }
0x5ea: {  	v4 =	vadd.s32 v1, v4;
	_ =	sdelay $0x3  }
0x5eb: {  	s12 =	simm.s32 $0x14800  }
0x5ec: {  	[tilespmem:s12], [sflag:$0x3] =	stream.indirect_vreg.gather [hbm4b:s2+s4], $0x80, v4, vm0, $0xb8;
	[tilespmem:$0x18800] =	vst v63  }
0x5ed: {  	s20 =	simm.s32 $0x15000;
	v3 =	vperm.xlane v3, v2  }
0x5ee: {  	[tilespmem:s20], [sflag:$0x3] =	stream.indirect_vreg.gather [hbm4b:s8+s4], $0x80, v4, vm0, $0xb8;
	[tilespmem:$0x18800] =	vst v63  }
0x5ef: {  	s21 =	simm.s32 $0x15800;
	v3 =	vadd.s32 v1, v3  }
0x5f0: {  	[tilespmem:s21], [sflag:$0x3] =	stream.indirect_vreg.gather [hbm4b:s9+s4], $0x80, v4, vm0, $0xb8;
	[tilespmem:$0x18800] =	vst v63  }
0x5f1: {  	s22 =	simm.s32 $0x16000  }
0x5f2: {  	[tilespmem:s22], [sflag:$0x3] =	stream.indirect_vreg.gather [hbm4b:s10+s4], $0x80, v4, vm0, $0xb8;
	[tilespmem:$0x18800] =	vst v63  }
0x5f3: {  	s23 =	simm.s32 $0x16800  }
0x5f4: {  	[tilespmem:s23], [sflag:$0x3] =	stream.indirect_vreg.gather [hbm4b:s2+s4], $0x80, v3, vm0, $0xb8;
	[tilespmem:$0x18800] =	vst v63  }
0x5f5: {  	s24 =	simm.s32 $0x17000  }
0x5f6: {  	[tilespmem:s24], [sflag:$0x3] =	stream.indirect_vreg.gather [hbm4b:s8+s4], $0x80, v3, vm0, $0xb8;
	[tilespmem:$0x18800] =	vst v63  }
0x5f7: {  	s25 =	simm.s32 $0x17800  }
0x5f8: {  	[tilespmem:s25], [sflag:$0x3] =	stream.indirect_vreg.gather [hbm4b:s9+s4], $0x80, v3, vm0, $0xb8;
	[tilespmem:$0x18800] =	vst v63  }
0x5f9: {  	s23 =	simm.s32 $0x18000  }
0x5fa: {  	[tilespmem:s23], [sflag:$0x3] =	stream.indirect_vreg.gather [hbm4b:s10+s4], $0x80, v3, vm0, $0xb8;
	[tilespmem:$0x18800] =	vst v63  }
0x5fb: {  	_ =	swait.ge [sflag:s26], $0x8000  }
0x5fc: {  	s24 =	sld [smem:$0x7F9]  }
0x5fd: {  	[sflag:s26] =	ssyncset.done $0x0  }
0x5fe: {  	s25 =	simm.s32 $0x800;
	[sflag:s26] =	ssyncadd.s32 $0xFFFF8000  }
0x5ff: {  	[hbm4b:s24+s4] =	stream.linear.scatter [tilespmem:s25], [sflag:$0x4], $0x8000, $0x38;
	[tilespmem:$0x18800] =	vst v63  }
0x600: {  	_ =	swait.ge [sflag:s28], $0x8000  }
0x601: {  	[sflag:s28] =	ssyncset.done $0x0  }
0x602: {  	[sflag:s28] =	ssyncadd.s32 $0xFFFF8000  }
0x603: {  	v3 =	vld [tilespmem:$0x700];
	_ =	sdelay $0x4  }
0x604: {  	v60 =	vshll.u32 v3, $0x3  }
0x605: {  	v3 =	vand.u32 $0x7, v3;
	v4 =	vand.u32 $0xFFFFFFC0, v60  }
0x606: {  	v3 =	vor.u32 v3, v4  }
0x607: {  	v4 =	vperm.xlane v3, v0;
	_ =	sdelay $0x1  }
0x608: {  	v4 =	vadd.s32 v1, v4;
	_ =	sdelay $0x4  }
0x609: {  	[tilespmem:s25], [sflag:$0x1] =	stream.indirect_vreg.gather [hbm4b:s2+s4], $0x80, v4, vm0, $0xb8;
	[tilespmem:$0x18800] =	vst v63  }
0x60a: {  	s30 =	simm.s32 $0x1000;
	v3 =	vperm.xlane v3, v2  }
0x60b: {  	[tilespmem:s30], [sflag:$0x1] =	stream.indirect_vreg.gather [hbm4b:s8+s4], $0x80, v4, vm0, $0xb8;
	[tilespmem:$0x18800] =	vst v63  }
0x60c: {  	v3 =	vadd.s32 v1, v3;
	s30 =	simm.s32 $0x1800  }
0x60d: {  	[tilespmem:s30], [sflag:$0x1] =	stream.indirect_vreg.gather [hbm4b:s9+s4], $0x80, v4, vm0, $0xb8;
	[tilespmem:$0x18800] =	vst v63  }
0x60e: {  	_ = 	snop  }
0x60f: {  	[tilespmem:s3], [sflag:$0x1] =	stream.indirect_vreg.gather [hbm4b:s10+s4], $0x80, v4, vm0, $0xb8;
	[tilespmem:$0x18800] =	vst v63  }
0x610: {  	s11 =	simm.s32 $0x2800  }
0x611: {  	[tilespmem:s11], [sflag:$0x1] =	stream.indirect_vreg.gather [hbm4b:s2+s4], $0x80, v3, vm0, $0xb8;
	[tilespmem:$0x18800] =	vst v63  }
0x612: {  	s12 =	simm.s32 $0x3000  }
0x613: {  	[tilespmem:s12], [sflag:$0x1] =	stream.indirect_vreg.gather [hbm4b:s8+s4], $0x80, v3, vm0, $0xb8;
	[tilespmem:$0x18800] =	vst v63  }
0x614: {  	s21 =	simm.s32 $0x3800  }
0x615: {  	[tilespmem:s21], [sflag:$0x1] =	stream.indirect_vreg.gather [hbm4b:s9+s4], $0x80, v3, vm0, $0xb8;
	[tilespmem:$0x18800] =	vst v63  }
0x616: {  	s22 =	simm.s32 $0x4000  }
0x617: {  	[tilespmem:s22], [sflag:$0x1] =	stream.indirect_vreg.gather [hbm4b:s10+s4], $0x80, v3, vm0, $0xb8;
	[tilespmem:$0x18800] =	vst v63  }
0x618: {  	v3 =	vld [tilespmem:$0x710];
	_ =	sdelay $0x4  }
0x619: {  	v61 =	vshll.u32 v3, $0x3  }
0x61a: {  	v3 =	vand.u32 $0x7, v3;
	v4 =	vand.u32 $0xFFFFFFC0, v61  }
0x61b: {  	v3 =	vor.u32 v3, v4  }
0x61c: {  	v4 =	vperm.xlane v3, v0;
	_ =	sdelay $0x1  }
0x61d: {  	v4 =	vadd.s32 v1, v4;
	_ =	sdelay $0x3  }
0x61e: {  	s23 =	simm.s32 $0x4800  }
0x61f: {  	[tilespmem:s23], [sflag:$0x1] =	stream.indirect_vreg.gather [hbm4b:s2+s4], $0x80, v4, vm0, $0xb8;
	[tilespmem:$0x18800] =	vst v63  }
0x620: {  	s24 =	simm.s32 $0x5000;
	v3 =	vperm.xlane v3, v2  }
0x621: {  	[tilespmem:s24], [sflag:$0x1] =	stream.indirect_vreg.gather [hbm4b:s8+s4], $0x80, v4, vm0, $0xb8;
	[tilespmem:$0x18800] =	vst v63  }
0x622: {  	s25 =	simm.s32 $0x5800;
	v3 =	vadd.s32 v1, v3  }
0x623: {  	[tilespmem:s25], [sflag:$0x1] =	stream.indirect_vreg.gather [hbm4b:s9+s4], $0x80, v4, vm0, $0xb8;
	[tilespmem:$0x18800] =	vst v63  }
0x624: {  	s30 =	simm.s32 $0x6000  }
0x625: {  	[tilespmem:s30], [sflag:$0x1] =	stream.indirect_vreg.gather [hbm4b:s10+s4], $0x80, v4, vm0, $0xb8;
	[tilespmem:$0x18800] =	vst v63  }
0x626: {  	s11 =	simm.s32 $0x6800  }
0x627: {  	[tilespmem:s11], [sflag:$0x1] =	stream.indirect_vreg.gather [hbm4b:s2+s4], $0x80, v3, vm0, $0xb8;
	[tilespmem:$0x18800] =	vst v63  }
0x628: {  	s12 =	simm.s32 $0x7000  }
0x629: {  	[tilespmem:s12], [sflag:$0x1] =	stream.indirect_vreg.gather [hbm4b:s8+s4], $0x80, v3, vm0, $0xb8;
	[tilespmem:$0x18800] =	vst v63  }
0x62a: {  	s21 =	simm.s32 $0x7800  }
0x62b: {  	[tilespmem:s21], [sflag:$0x1] =	stream.indirect_vreg.gather [hbm4b:s9+s4], $0x80, v3, vm0, $0xb8;
	[tilespmem:$0x18800] =	vst v63  }
0x62c: {  	s22 =	simm.s32 $0x8000  }
0x62d: {  	[tilespmem:s22], [sflag:$0x1] =	stream.indirect_vreg.gather [hbm4b:s10+s4], $0x80, v3, vm0, $0xb8;
	[tilespmem:$0x18800] =	vst v63  }
0x62e: {  	_ =	swait.ge [sflag:s29], $0x8000  }
0x62f: {  	s23 =	sld [smem:$0x7FA]  }
0x630: {  	[sflag:s29] =	ssyncset.done $0x0  }
0x631: {  	s24 =	simm.s32 $0x8800;
	[sflag:s29] =	ssyncadd.s32 $0xFFFF8000  }
0x632: {  	[hbm4b:s23+s4] =	stream.linear.scatter [tilespmem:s24], [sflag:$0x5], $0x8000, $0x38;
	[tilespmem:$0x18800] =	vst v63  }
0x633: {  	_ =	swait.ge [sflag:s31], $0x8000  }
0x634: {  	[sflag:s31] =	ssyncset.done $0x0  }
0x635: {  	[sflag:s31] =	ssyncadd.s32 $0xFFFF8000  }
0x636: {  	v3 =	vld [tilespmem:$0x780];
	_ =	sdelay $0x4  }
0x637: {  	v62 =	vshll.u32 v3, $0x3  }
0x638: {  	v3 =	vand.u32 $0x7, v3;
	v4 =	vand.u32 $0xFFFFFFC0, v62  }
0x639: {  	v3 =	vor.u32 v3, v4  }
0x63a: {  	v4 =	vperm.xlane v3, v0;
	_ =	sdelay $0x1  }
0x63b: {  	v4 =	vadd.s32 v1, v4;
	_ =	sdelay $0x4  }
0x63c: {  	[tilespmem:s24], [sflag:$0x2] =	stream.indirect_vreg.gather [hbm4b:s2+s4], $0x80, v4, vm0, $0xb8;
	[tilespmem:$0x18800] =	vst v63  }
0x63d: {  	s25 =	simm.s32 $0x9000;
	v3 =	vperm.xlane v3, v2  }
0x63e: {  	[tilespmem:s25], [sflag:$0x2] =	stream.indirect_vreg.gather [hbm4b:s8+s4], $0x80, v4, vm0, $0xb8;
	[tilespmem:$0x18800] =	vst v63  }
0x63f: {  	s14 =	simm.s32 $0x9800;
	v3 =	vadd.s32 v1, v3  }
0x640: {  	[tilespmem:s14], [sflag:$0x2] =	stream.indirect_vreg.gather [hbm4b:s9+s4], $0x80, v4, vm0, $0xb8;
	[tilespmem:$0x18800] =	vst v63  }
0x641: {  	s13 =	simm.s32 $0xA000  }
0x642: {  	[tilespmem:s13], [sflag:$0x2] =	stream.indirect_vreg.gather [hbm4b:s10+s4], $0x80, v4, vm0, $0xb8;
	[tilespmem:$0x18800] =	vst v63  }
0x643: {  	s16 =	simm.s32 $0xA800  }
0x644: {  	[tilespmem:s16], [sflag:$0x2] =	stream.indirect_vreg.gather [hbm4b:s2+s4], $0x80, v3, vm0, $0xb8;
	[tilespmem:$0x18800] =	vst v63  }
0x645: {  	s17 =	simm.s32 $0xB000  }
0x646: {  	[tilespmem:s17], [sflag:$0x2] =	stream.indirect_vreg.gather [hbm4b:s8+s4], $0x80, v3, vm0, $0xb8;
	[tilespmem:$0x18800] =	vst v63  }
0x647: {  	s19 =	simm.s32 $0xB800  }
0x648: {  	[tilespmem:s19], [sflag:$0x2] =	stream.indirect_vreg.gather [hbm4b:s9+s4], $0x80, v3, vm0, $0xb8;
	[tilespmem:$0x18800] =	vst v63  }
0x649: {  	s30 =	simm.s32 $0xC000  }
0x64a: {  	[tilespmem:s30], [sflag:$0x2] =	stream.indirect_vreg.gather [hbm4b:s10+s4], $0x80, v3, vm0, $0xb8;
	[tilespmem:$0x18800] =	vst v63  }
0x64b: {  	v3 =	vld [tilespmem:$0x790];
	_ =	sdelay $0x4  }
0x64c: {  	v63 =	vshll.u32 v3, $0x3  }
0x64d: {  	v3 =	vand.u32 $0x7, v3;
	v4 =	vand.u32 $0xFFFFFFC0, v63  }
0x64e: {  	v3 =	vor.u32 v3, v4  }
0x64f: {  	v4 =	vperm.xlane v3, v0;
	_ =	sdelay $0x1  }
0x650: {  	v4 =	vadd.s32 v1, v4;
	_ =	sdelay $0x3  }
0x651: {  	s13 =	simm.s32 $0xC800  }
0x652: {  	[tilespmem:s13], [sflag:$0x2] =	stream.indirect_vreg.gather [hbm4b:s2+s4], $0x80, v4, vm0, $0xb8;
	[tilespmem:$0x18800] =	vst v63  }
0x653: {  	s14 =	simm.s32 $0xD000;
	v3 =	vperm.xlane v3, v2  }
0x654: {  	[tilespmem:s14], [sflag:$0x2] =	stream.indirect_vreg.gather [hbm4b:s8+s4], $0x80, v4, vm0, $0xb8;
	[tilespmem:$0x18800] =	vst v63  }
0x655: {  	s16 =	simm.s32 $0xD800;
	v3 =	vadd.s32 v1, v3  }
0x656: {  	[tilespmem:s16], [sflag:$0x2] =	stream.indirect_vreg.gather [hbm4b:s9+s4], $0x80, v4, vm0, $0xb8;
	[tilespmem:$0x18800] =	vst v63  }
0x657: {  	s17 =	simm.s32 $0xE000  }
0x658: {  	[tilespmem:s17], [sflag:$0x2] =	stream.indirect_vreg.gather [hbm4b:s10+s4], $0x80, v4, vm0, $0xb8;
	[tilespmem:$0x18800] =	vst v63  }
0x659: {  	s19 =	simm.s32 $0xE800  }
0x65a: {  	[tilespmem:s19], [sflag:$0x2] =	stream.indirect_vreg.gather [hbm4b:s2+s4], $0x80, v3, vm0, $0xb8;
	[tilespmem:$0x18800] =	vst v63  }
0x65b: {  	s21 =	simm.s32 $0xF000  }
0x65c: {  	[tilespmem:s21], [sflag:$0x2] =	stream.indirect_vreg.gather [hbm4b:s8+s4], $0x80, v3, vm0, $0xb8;
	[tilespmem:$0x18800] =	vst v63  }
0x65d: {  	s22 =	simm.s32 $0xF800  }
0x65e: {  	[tilespmem:s22], [sflag:$0x2] =	stream.indirect_vreg.gather [hbm4b:s9+s4], $0x80, v3, vm0, $0xb8;
	[tilespmem:$0x18800] =	vst v63  }
0x65f: {  	s23 =	simm.s32 $0x10000  }
0x660: {  	[tilespmem:s23], [sflag:$0x2] =	stream.indirect_vreg.gather [hbm4b:s10+s4], $0x80, v3, vm0, $0xb8;
	[tilespmem:$0x18800] =	vst v63  }
0x661: {  	s11 =	sld [smem:$0x7F6];
	_ =	swait.ge [sflag:s18], $0x8000  }
0x662: {  	s24 =	sld [smem:$0x7FB]  }
0x663: {  	[sflag:s18] =	ssyncset.done $0x0  }
0x664: {  	s15 =	simm.s32 $0x10800;
	[sflag:s18] =	ssyncadd.s32 $0xFFFF8000  }
0x665: {  	[hbm4b:s24+s4] =	stream.linear.scatter [tilespmem:s15], [sflag:$0x6], $0x8000, $0x38;
	[tilespmem:$0x18800] =	vst v63  }
0x666: {  	_ =	swait.ge [sflag:s26], $0x8000  }
0x667: {  	s25 =	sld [smem:$0x7FC]  }
0x668: {  	[sflag:s26] =	ssyncset.done $0x0  }
0x669: {  	s20 =	simm.s32 $0x800;
	[sflag:s26] =	ssyncadd.s32 $0xFFFF8000  }
0x66a: {  	[hbm4b:s25+s4] =	stream.linear.scatter [tilespmem:s20], [sflag:$0x4], $0x8000, $0x38;
	[tilespmem:$0x18800] =	vst v63  }
0x66b: {  	_ =	swait.ge [sflag:s29], $0x8000  }
0x66c: {  	s30 =	sld [smem:$0x7FD]  }
0x66d: {  	[sflag:s29] =	ssyncset.done $0x0  }
0x66e: {  	s3 =	simm.s32 $0x8800;
	[sflag:s29] =	ssyncadd.s32 $0xFFFF8000  }
0x66f: {  	[hbm4b:s30+s4] =	stream.linear.scatter [tilespmem:s3], [sflag:$0x5], $0x8000, $0x38;
	[tilespmem:$0x18800] =	vst v63  }
0x670: {  	_ =	swait.ge [sflag:s0], $0x8000  }
0x671: {  	[sflag:s0] =	ssyncset.done $0x0  }
0x672: {  	[sflag:s0] =	ssyncadd.s32 $0xFFFF8000  }
0x673: {  	p0 =	sne.s32 s11, $0x1;
	_ =	swait.ge [sflag:s28], $0x8000  }
.Ltmp0:
0x674: {  	[sflag:s28] =	ssyncset.done $0x0;
	(pc) =	sbr.rel @p0 .LBB2_1-.Ltmp0, $4  }
0x675: {  	[sflag:s28] =	ssyncadd.s32 $0xFFFF8000  }
0x676: {  	_ =	swait.ge [sflag:s31], $0x8000  }
0x677: {  	[sflag:s31] =	ssyncset.done $0x0  }
0x678: {  	s11 =	sadd.s32 $0xFFFFFFFF, s11;
	[sflag:s31] =	ssyncadd.s32 $0xFFFF8000  }
0x679: {  	_ =	sfence.sel $0x180000  }
0x67a: {  	[bflag:$0x0] =	sbarrier.arrive $0xFFFF  }
0x67b: {  	_ =	strace $0x90000047  }
0x67c: {  	s0 =	stileid.u32;
	[bflag:$0x2] =	sbarrier.arrive $0xFFFF  }
0x67d: {  	p0 =	sne.s32 s0, $0x0;
	s0 =	rddreg [dreg:$0x5]  }
0x67e: {  	s0 =	sadd.s32 @!p0 $0x100000, s0  }
0x67f: {  	[sflag:s0] =	ssyncadd.tile.s32 @!p0 $0x1;
	_ =	shalt  }
.Lfunc_end2:
_tile_overlayer_lowered:
.L_overlay_start_2:
0x680: {  	(tag) =	ssettag $0x2  }
0x681: {  	s0 =	rddreg [dreg:$0x0];
	s2 =	stileid.u32  }
0x682: {  	s1 =	rddreg [dreg:$0x1];
	p0 =	sne.s32 s2, $0x0  }
0x683: {  	s3 =	rddreg [dreg:$0x2];
	[bflag:$0x3] =	sbarrier.arrive $0xFFFF;
	s2 =	simm.s32 @!p0 $0x1C07  }
0x684: {  	[timem:s3], [sflag:s2] =	dma.local @!p0 [hbm:s0], s1  }
0x685: {  	s0 =	simm.s32 @!p0 $0x7  }
0x686: {  	_ =	swait.ge @!p0 [sflag:s0], s1  }
0x687: {  	s1 =	ssub.s32 @!p0 $0x0, s1;
	[sflag:s0] =	ssyncset.done @!p0 $0x0  }
0x688: {  	[sflag:s0] =	ssyncadd.s32 @!p0 s1  }
0x689: {  	[bflag:$0x3] =	sbarrier.arrive $0xFFFF  }
0x68a: {  	_ =	shalt  }

// kernel: _run.7.cloned.1.call-start
scs
__scs_entry_jumppad:
0x0: {  	(pc) =	sbr.rel $0x88, $3  }
0x1: {  	(tag) =	ssettag $0x0;
	lr =	simm.s32 $0x1  }
0x2: {  	[smem:$0x3F9D] =	sst lr;
	_ =	strace $0xD0000000  }
0x3: {  	_ = 	snop  }
0x4: {  	_ = 	snop  }
0x5: {  	_ = 	snop  }
0x6: {  	_ = 	snop  }
0x7: {  	_ = 	snop  }
__scs_overlays_trampoline_lowered:
0x8: {  	[smem:$0x3FAC] =	sst s0  }
0x9: {  	[smem:$0x3FAD] =	sst s1  }
0xa: {  	[smem:$0x3FAE] =	sst s2  }
0xb: {  	[smem:$0x3FAF] =	sst s3  }
0xc: {  	[smem:$0x3FB0] =	sst s4  }
0xd: {  	[smem:$0x3FB1] =	sst s5  }
0xe: {  	[smem:$0x3FB2] =	sst s6  }
0xf: {  	[smem:$0x3FB3] =	sst s7  }
0x10: {  	[smem:$0x3FB4] =	sst s8  }
0x11: {  	[smem:$0x3FB5] =	sst s9;
	s0 =	simm.s32 @!p0 $0x0  }
0x12: {  	s1 =	sld [smem:$0x3F9B];
	s0 =	simm.s32 @p0 $0x1  }
0x13: {  	[smem:$0x3FB6] =	sst s0;
	s0 =	simm.s32 @!p1 $0x0  }
0x14: {  	s2 =	sld [smem:$0x3F9A];
	s0 =	simm.s32 @p1 $0x1  }
0x15: {  	[smem:$0x3FB7] =	sst s0;
	s0 =	simm.s32 @!p2 $0x0  }
0x16: {  	s3 =	sld [smem:$0x3FDB];
	s0 =	simm.s32 @p2 $0x1  }
0x17: {  	s4 =	simm.s32 $0x1BF5;
	[smem:$0x3FB9] =	sst s0  }
0x18: {  	s0 =	sld [smem:$0x3F9C];
	_ =	swait.ge [sflag:s4], $0x0  }
0x19: {  	s7 =	sld [smem:$0x3F9D]  }
0x1a: {  	s8 =	sadd.s32 $0xFFFFE003, lr  }
0x1b: {  	s9 =	sadd.s32 $0xFFFFFEF7, lr;
	s5 =	simm.s32 $0xFFFFFFFF;
	p2 =	slt.u32 s8, $0xFFFFF086  }
0x1c: {  	p1 =	slt.u32 s9, $0xF7A;
	s5 =	simm.s32 @!p2 $0x0  }
0x1d: {  	s5 =	simm.s32 @p1 $0x1;
	p0 =	seq.s32 s7, s2  }
0x1e: {  	s7 =	smul.u32 @!p0 $0xF7A, s2;
	p2 =	seq.s32 @!p0 s5, $0x0  }
0x1f: {  	s9 =	smul.u32 $0xF7A, s1;
	s8 =	simm.s32 @!p0 $0x1BF5;
	p2 =	por !p2, p0  }
0x20: {  	[sflag:s8] =	ssyncset.s32 @!p0 $0xFFFFF086;
	s6 =	sadd.s32 @!p0 s3, s7;
	s7 =	simm.s32 @!p0 $0x108  }
0x21: {  	s3 =	sadd.s32 s3, s9;
	s6 =	sadd.s32 @!p0 $0x88, s6;
	s7 =	simm.s32 @p2 $0x1082  }
0x22: {  	[simem:s7], [sflag:s8] =	dma.local @!p0 [hbm:s6], $0xF7A  }
0x23: {  	s9 =	sor.u32 $0xD0000000, s2;
	s6 =	simm.s32 $0x108;
	_ =	swait.ge @!p0 [sflag:s8], $0x0  }
0x24: {  	s3 =	sadd.s32 $0x88, s3;
	s6 =	simm.s32 @!p1 $0x1082;
	[sflag:s4] =	ssyncset.s32 $0xFFFFF086  }
0x25: {  	[simem:s6], [sflag:s4] =	dma.local [hbm:s3], $0xF7A  }
0x26: {  	[smem:$0x3F9D] =	sst s1;
	(tag) =	ssettag s2;
	_ =	strace s9  }
0x27: {  	s1 =	sld [smem:$0x3FAD]  }
0x28: {  	s2 =	sld [smem:$0x3FAE]  }
0x29: {  	s4 =	sld [smem:$0x3FB0]  }
0x2a: {  	p0 =	seq.s32 s5, $0x0;
	s5 =	sld [smem:$0x3FB1]  }
0x2b: {  	s6 =	sld [smem:$0x3FB2]  }
0x2c: {  	s7 =	sld [smem:$0x3FB3]  }
0x2d: {  	s3 =	simm.s32 $0x108;
	s8 =	sld [smem:$0x3FB4]  }
0x2e: {  	s3 =	simm.s32 @!p0 $0x1082;
	s9 =	sld [smem:$0x3FB5]  }
0x2f: {  	lr =	sadd.s32 s0, s3;
	s0 =	sld [smem:$0x3FAC]  }
0x30: {  	s3 =	sld [smem:$0x3FAF]  }
0x31: {  	[smem:$0x3FB8] =	sst s10  }
0x32: {  	s10 =	sld [smem:$0x3FB6];
	_ =	sdelay $0x3  }
0x33: {  	p0 =	seq.s32 s10, $0x1;
	s10 =	sld [smem:$0x3FB8];
	_ =	sdelay $0x3  }
0x34: {  	[smem:$0x3FB8] =	sst s10  }
0x35: {  	s10 =	sld [smem:$0x3FB7];
	_ =	sdelay $0x3  }
0x36: {  	p1 =	seq.s32 s10, $0x1;
	s10 =	sld [smem:$0x3FB8];
	_ =	sdelay $0x3  }
0x37: {  	[smem:$0x3FB8] =	sst s10  }
0x38: {  	s10 =	sld [smem:$0x3FB9]  }
0x39: {  	_ = 	snop;
	(pc) =	sbr.ind lr, $3  }
0x3a: {  	_ = 	snop  }
0x3b: {  	_ = 	snop  }
0x3c: {  	p2 =	seq.s32 s10, $0x1;
	s10 =	sld [smem:$0x3FB8]  }
0x3d: {  	_ =	shalt  }
0x3e: {  	_ =	shalt  }
0x3f: {  	_ =	shalt  }
0x40: {  	_ =	shalt  }
0x41: {  	_ =	shalt  }
0x42: {  	_ =	shalt  }
0x43: {  	_ =	shalt  }
0x44: {  	_ =	shalt  }
0x45: {  	_ =	shalt  }
0x46: {  	_ =	shalt  }
0x47: {  	_ =	shalt  }
0x48: {  	_ =	shalt  }
0x49: {  	_ =	shalt  }
0x4a: {  	_ =	shalt  }
0x4b: {  	_ =	shalt  }
0x4c: {  	_ =	shalt  }
0x4d: {  	_ =	shalt  }
0x4e: {  	_ =	shalt  }
0x4f: {  	_ =	shalt  }
0x50: {  	_ =	shalt  }
0x51: {  	_ =	shalt  }
0x52: {  	_ =	shalt  }
0x53: {  	_ =	shalt  }
0x54: {  	_ =	shalt  }
0x55: {  	_ =	shalt  }
0x56: {  	_ =	shalt  }
0x57: {  	_ =	shalt  }
0x58: {  	_ =	shalt  }
0x59: {  	_ =	shalt  }
0x5a: {  	_ =	shalt  }
0x5b: {  	_ =	shalt  }
0x5c: {  	_ =	shalt  }
0x5d: {  	_ =	shalt  }
0x5e: {  	_ =	shalt  }
0x5f: {  	_ =	shalt  }
0x60: {  	_ =	shalt  }
0x61: {  	_ =	shalt  }
0x62: {  	_ =	shalt  }
0x63: {  	_ =	shalt  }
0x64: {  	_ =	shalt  }
0x65: {  	_ =	shalt  }
0x66: {  	_ =	shalt  }
0x67: {  	_ =	shalt  }
0x68: {  	_ =	shalt  }
0x69: {  	_ =	shalt  }
0x6a: {  	_ =	shalt  }
0x6b: {  	_ =	shalt  }
0x6c: {  	_ =	shalt  }
0x6d: {  	_ =	shalt  }
0x6e: {  	_ =	shalt  }
0x6f: {  	_ =	shalt  }
0x70: {  	_ =	shalt  }
0x71: {  	_ =	shalt  }
0x72: {  	_ =	shalt  }
0x73: {  	_ =	shalt  }
0x74: {  	_ =	shalt  }
0x75: {  	_ =	shalt  }
0x76: {  	_ =	shalt  }
0x77: {  	_ =	shalt  }
0x78: {  	_ =	shalt  }
0x79: {  	_ =	shalt  }
0x7a: {  	_ =	shalt  }
0x7b: {  	_ =	shalt  }
0x7c: {  	_ =	shalt  }
0x7d: {  	_ =	shalt  }
0x7e: {  	_ =	shalt  }
0x7f: {  	_ =	shalt  }
0x80: {  	_ =	shalt  }
0x81: {  	_ =	shalt  }
0x82: {  	_ =	shalt  }
0x83: {  	_ =	shalt  }
0x84: {  	_ =	shalt  }
0x85: {  	_ =	shalt  }
0x86: {  	_ =	shalt  }
0x87: {  	_ =	shalt  }
.Lfunc_end0:
.L_simem_size_0:
called_computation.1_lowered:
.L_overlay_start_0:
0x88: {  	s2 =	sld [smem:$0x3FD9]  }
0x89: {  	s3 =	sld [smem:$0x3FFE];
	_ =	sdelay $0x1  }
0x8a: {  	s1 =	srdreg.scid  }
0x8b: {  	s0 =	sand.u32 $0x1, s1  }
0x8c: {  	s14 =	sshll.u32 s0, $0xA;
	s2 =	sadd.s32 s3, s2  }
0x8d: {  	s2 =	sadd.s32 s2, s14  }
0x8e: {  	[smem:$0x3FC4] =	sst s2  }
0x8f: {  	_ = 	snop  }
0x90: {  	s2 =	sld [smem:$0x3FD0];
	_ =	sdelay $0x2  }
0x91: {  	s15 =	simm.s32 $0xA;
	s4 =	simm.s32 $0x10  }
0x92: {  	[smem:s4], [sflag:s15] =	dma.local [hbm:s2], $0x1  }
0x93: {  	_ =	swait.eq [sflag:s15], $0x1  }
0x94: {  	[sflag:s15] =	ssyncset.done $0x0  }
0x95: {  	[sflag:s15] =	ssyncadd.s32 $0xFFFFFFFF  }
0x96: {  	s16 =	sld [smem:$0x12];
	(tm) =	ssettm $0x1  }
0x97: {  	s17 =	sld [smem:$0x3FFB];
	_ =	sdelay $0x3  }
0x98: {  	_ =	strace s17  }
0x99: {  	s3 =	sld [smem:$0x3FFC];
	_ =	sdelay $0x3  }
0x9a: {  	_ =	strace s3  }
0x9b: {  	s3 =	sld [smem:$0x3FFD];
	_ =	sdelay $0x3  }
0x9c: {  	_ =	strace s3  }
0x9d: {  	_ =	strace $0x8FFFFFFF  }
0x9e: {  	s18 =	sld [smem:$0x3FDB];
	_ =	sdelay $0x1  }
0x9f: {  	s19 =	simm.s32 $_scs_section_size  }
0xa0: {  	s5 =	simm.s32 $_size__tile_overlayer_lowered;
	s6 =	simm.s32 $_tile_overlayer_lowered  }
0xa1: {  	s22 =	simm.s32 $0x1BFF;
	s21 =	sshll.u32 s6, $0x1;
	s3 =	sadd.s32 s19, s18  }
0xa2: {  	s7 =	simm.s32 $0x0;
	s20 =	sshll.u32 s5, $0x1;
	s5 =	sadd.s32 s21, s3  }
0xa3: {  	[timem:s7], [sflag:s22] =	dma.local [hbm:s5], s20  }
0xa4: {  	_ =	swait.ge [sflag:s22], s20  }
0xa5: {  	s4 =	ssub.s32 $0x0, s20;
	[sflag:s22] =	ssyncset.done $0x0  }
0xa6: {  	[sflag:s22] =	ssyncadd.s32 s4;
	_ =	sdelay $0x1  }
0xa7: {  	s23 =	simm.s32 $0x1B8B  }
0xa8: {  	_ =	swait.ge [sflag:s23], $0x1  }
0xa9: {  	[sflag:s23] =	ssyncset.done $0x0  }
0xaa: {  	s25 =	simm.s32 $0x1B8E;
	s24 =	sld [smem:$0x3FFE];
	[sflag:s23] =	ssyncadd.s32 $0xFFFFFFFF  }
0xab: {  	s26 =	simm.s32 $execute0_lowered;
	[smem:$0x3FD2] =	sst s25  }
0xac: {  	s5 =	sshll.u32 s26, $0x1;
	_ =	strace $0x80000049;
	[dreg:$0x1] =	wrdreg $0xFFFFFFFF  }
0xad: {  	s28 =	simm.s32 $_size_execute0_lowered;
	s3 =	sadd.s32 s3, s5;
	[dreg:$0x0] =	wrdreg $0x0  }
0xae: {  	s5 =	sshll.u32 s28, $0x1;
	[dreg:$0x2] =	wrdreg s3  }
0xaf: {  	[dreg:$0x3] =	wrdreg s5  }
0xb0: {  	[dreg:$0x4] =	wrdreg $0xC0  }
0xb1: {  	_ =	task [dreg:s7], $0x5FFFF  }
0xb2: {  	[dreg:$0x1] =	wrdreg $0xFFFFFFFF  }
0xb3: {  	[dreg:$0x0] =	wrdreg $0x60  }
0xb4: {  	[dreg:$0x2] =	wrdreg s16  }
0xb5: {  	[dreg:$0x3] =	wrdreg s24  }
0xb6: {  	[dreg:$0x4] =	wrdreg $0x9  }
0xb7: {  	_ =	task.clear_ibuf [dreg:s7], $0x5FFFF;
	_ =	strace $0x90000049  }
0xb8: {  	s29 =	simm.s32 $0x9;
	_ =	strace $0x8000004B  }
0xb9: {  	_ =	swait.ge [sflag:s29], $0x1  }
0xba: {  	[sflag:s29] =	ssyncadd.s32 $0xFFFFFFFF  }
0xbb: {  	_ =	strace $0x9000004B  }
0xbc: {  	_ =	sfence  }
0xbd: {  	s30 =	sld [smem:$0x0];
	_ =	sdelay $0x2  }
0xbe: {  	s31 =	sshll.u32 s1, $0xD;
	s1 =	sshrl.u32 s1, $0x2  }
0xbf: {  	s3 =	sand.u32 $0x4000, s31;
	s1 =	sadd.s32 s1, s30  }
0xc0: {  	s0 =	sor.u32 s3, s0;
	s1 =	sshll.u32 s1, $0x11  }
0xc1: {  	s0 =	sor.u32 s1, s0  }
0xc2: {  	s0 =	sadd.s32 $0x8F2B, s0  }
0xc3: {  	[sflag:s0] =	ssyncadd.remote.s32 $0x1  }
0xc4: {  	_ =	sfence.sel $0xFFFF  }
0xc5: {  	[dreg:$0x0] =	wrdreg $0xFFFFFFFF;
	(pc) =	sbr.abs _section_cstart, $3  }
0xc6: {  	[dreg:$0x1] =	wrdreg $0xFFFFFFFF  }
0xc7: {  	_ =	task.clear_ibuf [dreg:s7], $0x2FFFF;
	_ =	strace $0x9FFFFFFF  }
0xc8: {  	(tm) =	ssettm $0x7FFFFFFF  }
0xc9: {  	_ =	shalt  }
tec
execute0_lowered:
.L_overlay_start_1:
0x0: {  	(tag) =	ssettag $0x1  }
0x1: {  	s1 =	rddreg [dreg:$0x0]  }
0x2: {  	s3 =	rddreg [dreg:$0x1];
	s0 =	srdreg.scid  }
0x3: {  	s5 =	stileid.u32;
	s2 =	simm.s32 $0x0;
	s22 =	simm.s32 $0x280  }
0x4: {  	s23 =	simm.s32 $0x300;
	s24 =	simm.s32 $0x380;
	[smem:$0x7FF] =	sst s2  }
0x5: {  	s6 =	simm.s32 $0x480;
	_ =	strace $0x8000004A;
	[dreg:$0x5] =	wrdreg s22  }
0x6: {  	s7 =	simm.s32 $0x500;
	s8 =	simm.s32 $0x580;
	[dreg:$0x6] =	wrdreg s23  }
0x7: {  	s9 =	simm.s32 $0x680;
	s10 =	simm.s32 $0x700;
	[dreg:$0x7] =	wrdreg s24  }
0x8: {  	s11 =	simm.s32 $0x780;
	s12 =	simm.s32 $0x880;
	[dreg:$0x8] =	wrdreg s6  }
0x9: {  	s13 =	simm.s32 $0x900;
	s14 =	simm.s32 $0x980;
	[dreg:$0x9] =	wrdreg s7  }
0xa: {  	s15 =	simm.s32 $0xA80;
	s16 =	simm.s32 $0xB00;
	[dreg:$0xa] =	wrdreg s8  }
0xb: {  	s17 =	simm.s32 $0xB80;
	s18 =	simm.s32 $0xC80;
	[dreg:$0xb] =	wrdreg s9  }
0xc: {  	s29 =	simm.s32 $0x80;
	s30 =	simm.s32 $0x100;
	[dreg:$0xc] =	wrdreg s10  }
0xd: {  	s31 =	simm.s32 $0x180;
	p0 =	por $0x0, $0x0;
	[dreg:$0xd] =	wrdreg s11  }
0xe: {  	s4 =	sand.u32 $0x1, s0;
	s19 =	sshll.u32 s5, $0x7;
	[dreg:$0xe] =	wrdreg s12  }
0xf: {  	s25 =	sadd.s32 $0x1200, s3;
	s28 =	sadd.s32 $0x2A6A, s3;
	[dreg:$0xf] =	wrdreg s13  }
0x10: {  	s20 =	sshll.u32 s4, $0x6;
	s4 =	ssub.s32 $0x2, s4;
	[dreg:$0x10] =	wrdreg s14  }
0x11: {  	s24 =	sadd.s32 $0x5B3E, s3;
	s23 =	sadd.s32 $0x73A8, s3;
	[dreg:$0x11] =	wrdreg s15  }
0x12: {  	s22 =	sadd.s32 $0x8C12, s3;
	s6 =	sadd.s32 $0xE600, s3;
	[dreg:$0x12] =	wrdreg s16  }
0x13: {  	s7 =	sadd.s32 $0xEE00, s3;
	s8 =	sadd.s32 $0xF600, s3;
	[dreg:$0x13] =	wrdreg s17  }
0x14: {  	s9 =	sadd.s32 $0xFE00, s3;
	[dreg:$0x14] =	wrdreg s18;
	s10 =	simm.s32 $0xD80  }
0x15: {  	s12 =	sadd.s32 $0x10600, s3;
	s11 =	simm.s32 $0xE80;
	[dreg:$0x16] =	wrdreg s10  }
0x16: {  	s15 =	sadd.s32 $0x10E00, s3;
	s13 =	simm.s32 $0xF00;
	[dreg:$0x17] =	wrdreg s11  }
0x17: {  	s14 =	simm.s32 $0xF80;
	s16 =	simm.s32 $0x1080;
	[dreg:$0x18] =	wrdreg s13  }
0x18: {  	s17 =	simm.s32 $0x1100;
	s0 =	sor.u32 s20, s19;
	[dreg:$0x19] =	wrdreg s14  }
0x19: {  	s26 =	sshrl.u32 s4, $0x1;
	s20 =	sadd.s32 $0xBCE6, s3;
	[dreg:$0x1a] =	wrdreg s16  }
0x1a: {  	s19 =	simm.s32 $0xD00;
	s11 =	simm.s32 $0x200;
	[dreg:$0x1b] =	wrdreg s17  }
0x1b: {  	s14 =	simm.s32 $0x400;
	s17 =	simm.s32 $0x600;
	s5 =	sadd.s32 s0, s3  }
0x1c: {  	s1 =	sadd.s32 s1, s0;
	s4 =	ssub.s32 s4, s26;
	s26 =	sadd.s32 $0x42D4, s3  }
0x1d: {  	[dreg:$0x15] =	wrdreg s19;
	s19 =	simm.s32 $0x1180;
	s13 =	sadd.s32 s0, s6  }
0x1e: {  	s10 =	sadd.s32 s0, s7;
	s8 =	sadd.s32 s0, s8;
	s6 =	sadd.s32 s0, s9  }
0x1f: {  	s9 =	simm.s32 $0xE00;
	s7 =	simm.s32 $0x1000;
	s18 =	smax.u32 s4, $0x1  }
0x20: {  	[dreg:$0x3] =	wrdreg s1;
	s21 =	sadd.s32 $0xD600, s5;
	p1 =	sne.s32 s18, $0x1  }
.Ltmp0:
0x21: {  	s5 =	sadd.s32 $0xDE00, s3;
	[dreg:$0x1c] =	wrdreg s19;
	(pc) =	sbr.rel @!p1 .LBB2_3-.Ltmp0, $4  }
0x22: {  	s4 =	sadd.s32 s0, s15;
	s15 =	simm.s32 $0xA00;
	s19 =	simm.s32 $0x1  }
0x23: {  	[dreg:$0x4] =	wrdreg s21;
	s21 =	sadd.s32 $0xA47C, s3;
	s3 =	simm.s32 $0x2  }
0x24: {  	s16 =	sadd.s32 s0, s5;
	s5 =	sadd.s32 s0, s12;
	s0 =	sadd.s32 $0xFFFFFFFF, s18  }
0x25: {  	s18 =	simm.s32 $0x800;
	s12 =	simm.s32 $0xC00;
	s1 =	rddreg [dreg:$0x3]  }
0x26: {  	[tilespmem:s2], [sflag:$0x2] =	stream.linear.gather [hbm4b:s1+s2], $0x200, $0x38;
	[tilespmem:$0x1200] =	vst v63  }
0x27: {  	_ =	swait.ge [sflag:s3], $0x200  }
0x28: {  	[sflag:s3] =	ssyncset.done $0x0  }
0x29: {  	[dreg:$0x1d] =	wrdreg s0;
	[sflag:s3] =	ssyncadd.s32 $0xFFFFFE00  }
0x2a: {  	[tilespmem:s11], [sflag:$0x1] =	stream.indirect.gather [hbm4b:s25+s29], $0x1, s2, s29, $0xb8;
	[tilespmem:$0x1200] =	vst v63  }
0x2b: {  	s1 =	rddreg [dreg:$0x5]  }
0x2c: {  	[tilespmem:s1], [sflag:$0x1] =	stream.indirect.gather [hbm4b:s25+s29], $0x1, s29, s29, $0xb8;
	[tilespmem:$0x1200] =	vst v63  }
0x2d: {  	s0 =	rddreg [dreg:$0x6]  }
0x2e: {  	[tilespmem:s0], [sflag:$0x1] =	stream.indirect.gather [hbm4b:s25+s29], $0x1, s30, s29, $0xb8;
	[tilespmem:$0x1200] =	vst v63  }
0x2f: {  	s1 =	rddreg [dreg:$0x7]  }
0x30: {  	[tilespmem:s1], [sflag:$0x1] =	stream.indirect.gather [hbm4b:s25+s29], $0x1, s31, s29, $0xb8;
	[tilespmem:$0x1200] =	vst v63  }
0x31: {  	_ = 	snop  }
0x32: {  	[tilespmem:s14], [sflag:$0x1] =	stream.indirect.gather [hbm4b:s28+s29], $0x1, s2, s29, $0xb8;
	[tilespmem:$0x1200] =	vst v63  }
0x33: {  	s0 =	rddreg [dreg:$0x8]  }
0x34: {  	[tilespmem:s0], [sflag:$0x1] =	stream.indirect.gather [hbm4b:s28+s29], $0x1, s29, s29, $0xb8;
	[tilespmem:$0x1200] =	vst v63  }
0x35: {  	s1 =	rddreg [dreg:$0x9]  }
0x36: {  	[tilespmem:s1], [sflag:$0x1] =	stream.indirect.gather [hbm4b:s28+s29], $0x1, s30, s29, $0xb8;
	[tilespmem:$0x1200] =	vst v63  }
0x37: {  	s0 =	rddreg [dreg:$0xa]  }
0x38: {  	[tilespmem:s0], [sflag:$0x1] =	stream.indirect.gather [hbm4b:s28+s29], $0x1, s31, s29, $0xb8;
	[tilespmem:$0x1200] =	vst v63  }
0x39: {  	_ = 	snop  }
0x3a: {  	[tilespmem:s17], [sflag:$0x1] =	stream.indirect.gather [hbm4b:s26+s29], $0x1, s2, s29, $0xb8;
	[tilespmem:$0x1200] =	vst v63  }
0x3b: {  	s0 =	rddreg [dreg:$0xb]  }
0x3c: {  	[tilespmem:s0], [sflag:$0x1] =	stream.indirect.gather [hbm4b:s26+s29], $0x1, s29, s29, $0xb8;
	[tilespmem:$0x1200] =	vst v63  }
0x3d: {  	s1 =	rddreg [dreg:$0xc]  }
0x3e: {  	[tilespmem:s1], [sflag:$0x1] =	stream.indirect.gather [hbm4b:s26+s29], $0x1, s30, s29, $0xb8;
	[tilespmem:$0x1200] =	vst v63  }
0x3f: {  	s0 =	rddreg [dreg:$0xd]  }
0x40: {  	[tilespmem:s0], [sflag:$0x1] =	stream.indirect.gather [hbm4b:s26+s29], $0x1, s31, s29, $0xb8;
	[tilespmem:$0x1200] =	vst v63  }
0x41: {  	_ = 	snop  }
0x42: {  	[tilespmem:s18], [sflag:$0x1] =	stream.indirect.gather [hbm4b:s24+s29], $0x1, s2, s29, $0xb8;
	[tilespmem:$0x1200] =	vst v63  }
0x43: {  	s0 =	rddreg [dreg:$0xe]  }
0x44: {  	[tilespmem:s0], [sflag:$0x1] =	stream.indirect.gather [hbm4b:s24+s29], $0x1, s29, s29, $0xb8;
	[tilespmem:$0x1200] =	vst v63  }
0x45: {  	s1 =	rddreg [dreg:$0xf]  }
0x46: {  	[tilespmem:s1], [sflag:$0x1] =	stream.indirect.gather [hbm4b:s24+s29], $0x1, s30, s29, $0xb8;
	[tilespmem:$0x1200] =	vst v63  }
0x47: {  	s0 =	rddreg [dreg:$0x10]  }
0x48: {  	[tilespmem:s0], [sflag:$0x1] =	stream.indirect.gather [hbm4b:s24+s29], $0x1, s31, s29, $0xb8;
	[tilespmem:$0x1200] =	vst v63  }
0x49: {  	_ = 	snop  }
0x4a: {  	[tilespmem:s15], [sflag:$0x1] =	stream.indirect.gather [hbm4b:s23+s29], $0x1, s2, s29, $0xb8;
	[tilespmem:$0x1200] =	vst v63  }
0x4b: {  	s0 =	rddreg [dreg:$0x11]  }
0x4c: {  	[tilespmem:s0], [sflag:$0x1] =	stream.indirect.gather [hbm4b:s23+s29], $0x1, s29, s29, $0xb8;
	[tilespmem:$0x1200] =	vst v63  }
0x4d: {  	s1 =	rddreg [dreg:$0x12]  }
0x4e: {  	[tilespmem:s1], [sflag:$0x1] =	stream.indirect.gather [hbm4b:s23+s29], $0x1, s30, s29, $0xb8;
	[tilespmem:$0x1200] =	vst v63  }
0x4f: {  	s0 =	rddreg [dreg:$0x13]  }
0x50: {  	[tilespmem:s0], [sflag:$0x1] =	stream.indirect.gather [hbm4b:s23+s29], $0x1, s31, s29, $0xb8;
	[tilespmem:$0x1200] =	vst v63  }
0x51: {  	_ = 	snop  }
0x52: {  	[tilespmem:s12], [sflag:$0x1] =	stream.indirect.gather [hbm4b:s22+s29], $0x1, s2, s29, $0xb8;
	[tilespmem:$0x1200] =	vst v63  }
0x53: {  	s0 =	rddreg [dreg:$0x14]  }
0x54: {  	[tilespmem:s0], [sflag:$0x1] =	stream.indirect.gather [hbm4b:s22+s29], $0x1, s29, s29, $0xb8;
	[tilespmem:$0x1200] =	vst v63  }
0x55: {  	s1 =	rddreg [dreg:$0x15]  }
0x56: {  	[tilespmem:s1], [sflag:$0x1] =	stream.indirect.gather [hbm4b:s22+s29], $0x1, s30, s29, $0xb8;
	[tilespmem:$0x1200] =	vst v63  }
0x57: {  	s0 =	rddreg [dreg:$0x16]  }
0x58: {  	[tilespmem:s0], [sflag:$0x1] =	stream.indirect.gather [hbm4b:s22+s29], $0x1, s31, s29, $0xb8;
	[tilespmem:$0x1200] =	vst v63  }
0x59: {  	_ = 	snop  }
0x5a: {  	[tilespmem:s9], [sflag:$0x1] =	stream.indirect.gather [hbm4b:s21+s29], $0x1, s2, s29, $0xb8;
	[tilespmem:$0x1200] =	vst v63  }
0x5b: {  	s0 =	rddreg [dreg:$0x17]  }
0x5c: {  	[tilespmem:s0], [sflag:$0x1] =	stream.indirect.gather [hbm4b:s21+s29], $0x1, s29, s29, $0xb8;
	[tilespmem:$0x1200] =	vst v63  }
0x5d: {  	s1 =	rddreg [dreg:$0x18]  }
0x5e: {  	[tilespmem:s1], [sflag:$0x1] =	stream.indirect.gather [hbm4b:s21+s29], $0x1, s30, s29, $0xb8;
	[tilespmem:$0x1200] =	vst v63  }
0x5f: {  	s0 =	rddreg [dreg:$0x19]  }
0x60: {  	[tilespmem:s0], [sflag:$0x1] =	stream.indirect.gather [hbm4b:s21+s29], $0x1, s31, s29, $0xb8;
	[tilespmem:$0x1200] =	vst v63  }
0x61: {  	_ = 	snop  }
0x62: {  	[tilespmem:s7], [sflag:$0x1] =	stream.indirect.gather [hbm4b:s20+s29], $0x1, s2, s29, $0xb8;
	[tilespmem:$0x1200] =	vst v63  }
0x63: {  	s0 =	rddreg [dreg:$0x1a]  }
0x64: {  	[tilespmem:s0], [sflag:$0x1] =	stream.indirect.gather [hbm4b:s20+s29], $0x1, s29, s29, $0xb8;
	[tilespmem:$0x1200] =	vst v63  }
0x65: {  	s1 =	rddreg [dreg:$0x1b]  }
0x66: {  	[tilespmem:s1], [sflag:$0x1] =	stream.indirect.gather [hbm4b:s20+s29], $0x1, s30, s29, $0xb8;
	[tilespmem:$0x1200] =	vst v63  }
0x67: {  	s0 =	rddreg [dreg:$0x1c]  }
0x68: {  	[tilespmem:s0], [sflag:$0x1] =	stream.indirect.gather [hbm4b:s20+s29], $0x1, s31, s29, $0xb8;
	[tilespmem:$0x1200] =	vst v63  }
0x69: {  	_ =	swait.ge [sflag:s19], $0x80  }
0x6a: {  	[sflag:s19] =	ssyncset.done $0x0  }
0x6b: {  	[sflag:s19] =	ssyncadd.s32 $0xFFFFFF80  }
0x6c: {  	_ =	swait.ge [sflag:s19], $0x80  }
0x6d: {  	[sflag:s19] =	ssyncset.done $0x0  }
0x6e: {  	[sflag:s19] =	ssyncadd.s32 $0xFFFFFF80  }
0x6f: {  	_ =	swait.ge [sflag:s19], $0x80  }
0x70: {  	[sflag:s19] =	ssyncset.done $0x0  }
0x71: {  	[sflag:s19] =	ssyncadd.s32 $0xFFFFFF80  }
0x72: {  	_ =	swait.ge [sflag:s19], $0x80  }
0x73: {  	[sflag:s19] =	ssyncset.done $0x0  }
0x74: {  	[sflag:s19] =	ssyncadd.s32 $0xFFFFFF80  }
0x75: {  	_ =	swait.ge [sflag:s19], $0x80  }
0x76: {  	[sflag:s19] =	ssyncset.done $0x0  }
0x77: {  	[sflag:s19] =	ssyncadd.s32 $0xFFFFFF80  }
0x78: {  	_ =	swait.ge [sflag:s19], $0x80  }
0x79: {  	[sflag:s19] =	ssyncset.done $0x0  }
0x7a: {  	[sflag:s19] =	ssyncadd.s32 $0xFFFFFF80  }
0x7b: {  	_ =	swait.ge [sflag:s19], $0x80  }
0x7c: {  	[sflag:s19] =	ssyncset.done $0x0  }
0x7d: {  	[sflag:s19] =	ssyncadd.s32 $0xFFFFFF80  }
0x7e: {  	_ =	swait.ge [sflag:s19], $0x80  }
0x7f: {  	[sflag:s19] =	ssyncset.done $0x0  }
0x80: {  	[sflag:s19] =	ssyncadd.s32 $0xFFFFFF80  }
0x81: {  	_ =	swait.ge [sflag:s19], $0x80  }
0x82: {  	[sflag:s19] =	ssyncset.done $0x0  }
0x83: {  	[sflag:s19] =	ssyncadd.s32 $0xFFFFFF80  }
0x84: {  	_ =	swait.ge [sflag:s19], $0x80  }
0x85: {  	[sflag:s19] =	ssyncset.done $0x0  }
0x86: {  	[sflag:s19] =	ssyncadd.s32 $0xFFFFFF80  }
0x87: {  	_ =	swait.ge [sflag:s19], $0x80  }
0x88: {  	[sflag:s19] =	ssyncset.done $0x0  }
0x89: {  	[sflag:s19] =	ssyncadd.s32 $0xFFFFFF80  }
0x8a: {  	_ =	swait.ge [sflag:s19], $0x80  }
0x8b: {  	[sflag:s19] =	ssyncset.done $0x0  }
0x8c: {  	[sflag:s19] =	ssyncadd.s32 $0xFFFFFF80  }
0x8d: {  	_ =	swait.ge [sflag:s19], $0x80  }
0x8e: {  	[sflag:s19] =	ssyncset.done $0x0  }
0x8f: {  	[sflag:s19] =	ssyncadd.s32 $0xFFFFFF80  }
0x90: {  	_ =	swait.ge [sflag:s19], $0x80  }
0x91: {  	[sflag:s19] =	ssyncset.done $0x0  }
0x92: {  	[sflag:s19] =	ssyncadd.s32 $0xFFFFFF80  }
0x93: {  	_ =	swait.ge [sflag:s19], $0x80  }
0x94: {  	[sflag:s19] =	ssyncset.done $0x0  }
0x95: {  	[sflag:s19] =	ssyncadd.s32 $0xFFFFFF80  }
0x96: {  	_ =	swait.ge [sflag:s19], $0x80  }
0x97: {  	[sflag:s19] =	ssyncset.done $0x0  }
0x98: {  	[sflag:s19] =	ssyncadd.s32 $0xFFFFFF80  }
0x99: {  	_ =	swait.ge [sflag:s19], $0x80  }
0x9a: {  	[sflag:s19] =	ssyncset.done $0x0  }
0x9b: {  	[sflag:s19] =	ssyncadd.s32 $0xFFFFFF80  }
0x9c: {  	_ =	swait.ge [sflag:s19], $0x80  }
0x9d: {  	[sflag:s19] =	ssyncset.done $0x0  }
0x9e: {  	[sflag:s19] =	ssyncadd.s32 $0xFFFFFF80  }
0x9f: {  	_ =	swait.ge [sflag:s19], $0x80  }
0xa0: {  	[sflag:s19] =	ssyncset.done $0x0  }
0xa1: {  	[sflag:s19] =	ssyncadd.s32 $0xFFFFFF80  }
0xa2: {  	_ =	swait.ge [sflag:s19], $0x80  }
0xa3: {  	[sflag:s19] =	ssyncset.done $0x0  }
0xa4: {  	[sflag:s19] =	ssyncadd.s32 $0xFFFFFF80  }
0xa5: {  	_ =	swait.ge [sflag:s19], $0x80  }
0xa6: {  	[sflag:s19] =	ssyncset.done $0x0  }
0xa7: {  	[sflag:s19] =	ssyncadd.s32 $0xFFFFFF80  }
0xa8: {  	_ =	swait.ge [sflag:s19], $0x80  }
0xa9: {  	[sflag:s19] =	ssyncset.done $0x0  }
0xaa: {  	[sflag:s19] =	ssyncadd.s32 $0xFFFFFF80  }
0xab: {  	_ =	swait.ge [sflag:s19], $0x80  }
0xac: {  	[sflag:s19] =	ssyncset.done $0x0  }
0xad: {  	[sflag:s19] =	ssyncadd.s32 $0xFFFFFF80  }
0xae: {  	_ =	swait.ge [sflag:s19], $0x80  }
0xaf: {  	[sflag:s19] =	ssyncset.done $0x0  }
0xb0: {  	[sflag:s19] =	ssyncadd.s32 $0xFFFFFF80  }
0xb1: {  	_ =	swait.ge [sflag:s19], $0x80  }
0xb2: {  	[sflag:s19] =	ssyncset.done $0x0  }
0xb3: {  	[sflag:s19] =	ssyncadd.s32 $0xFFFFFF80  }
0xb4: {  	_ =	swait.ge [sflag:s19], $0x80  }
0xb5: {  	[sflag:s19] =	ssyncset.done $0x0  }
0xb6: {  	[sflag:s19] =	ssyncadd.s32 $0xFFFFFF80  }
0xb7: {  	_ =	swait.ge [sflag:s19], $0x80  }
0xb8: {  	[sflag:s19] =	ssyncset.done $0x0  }
0xb9: {  	[sflag:s19] =	ssyncadd.s32 $0xFFFFFF80  }
0xba: {  	_ =	swait.ge [sflag:s19], $0x80  }
0xbb: {  	[sflag:s19] =	ssyncset.done $0x0  }
0xbc: {  	[sflag:s19] =	ssyncadd.s32 $0xFFFFFF80  }
0xbd: {  	_ =	swait.ge [sflag:s19], $0x80  }
0xbe: {  	[sflag:s19] =	ssyncset.done $0x0  }
0xbf: {  	[sflag:s19] =	ssyncadd.s32 $0xFFFFFF80  }
0xc0: {  	_ =	swait.ge [sflag:s19], $0x80  }
0xc1: {  	[sflag:s19] =	ssyncset.done $0x0  }
0xc2: {  	[sflag:s19] =	ssyncadd.s32 $0xFFFFFF80  }
0xc3: {  	_ =	swait.ge [sflag:s19], $0x80  }
0xc4: {  	[sflag:s19] =	ssyncset.done $0x0  }
0xc5: {  	[sflag:s19] =	ssyncadd.s32 $0xFFFFFF80  }
0xc6: {  	_ =	swait.ge [sflag:s19], $0x80  }
0xc7: {  	[sflag:s19] =	ssyncset.done $0x0  }
0xc8: {  	s1 =	rddreg [dreg:$0x4];
	[sflag:s19] =	ssyncadd.s32 $0xFFFFFF80  }
0xc9: {  	[hbm4b:s1+s2] =	stream.linear.scatter [tilespmem:s11], [sflag:$0x2], $0x200, $0x38;
	[tilespmem:$0x1200] =	vst v63  }
0xca: {  	_ =	swait.ge [sflag:s3], $0x200  }
0xcb: {  	[sflag:s3] =	ssyncset.done $0x0  }
0xcc: {  	[sflag:s3] =	ssyncadd.s32 $0xFFFFFE00  }
0xcd: {  	[hbm4b:s16+s2] =	stream.linear.scatter [tilespmem:s14], [sflag:$0x2], $0x200, $0x38;
	[tilespmem:$0x1200] =	vst v63  }
0xce: {  	_ =	swait.ge [sflag:s3], $0x200  }
0xcf: {  	[sflag:s3] =	ssyncset.done $0x0  }
0xd0: {  	[sflag:s3] =	ssyncadd.s32 $0xFFFFFE00  }
0xd1: {  	[hbm4b:s13+s2] =	stream.linear.scatter [tilespmem:s17], [sflag:$0x2], $0x200, $0x38;
	[tilespmem:$0x1200] =	vst v63  }
0xd2: {  	_ =	swait.ge [sflag:s3], $0x200  }
0xd3: {  	[sflag:s3] =	ssyncset.done $0x0  }
0xd4: {  	[sflag:s3] =	ssyncadd.s32 $0xFFFFFE00  }
0xd5: {  	[hbm4b:s10+s2] =	stream.linear.scatter [tilespmem:s18], [sflag:$0x2], $0x200, $0x38;
	[tilespmem:$0x1200] =	vst v63  }
0xd6: {  	_ =	swait.ge [sflag:s3], $0x200  }
0xd7: {  	[sflag:s3] =	ssyncset.done $0x0  }
0xd8: {  	[sflag:s3] =	ssyncadd.s32 $0xFFFFFE00  }
0xd9: {  	[hbm4b:s8+s2] =	stream.linear.scatter [tilespmem:s15], [sflag:$0x2], $0x200, $0x38;
	[tilespmem:$0x1200] =	vst v63  }
0xda: {  	_ =	swait.ge [sflag:s3], $0x200  }
0xdb: {  	[sflag:s3] =	ssyncset.done $0x0  }
0xdc: {  	[sflag:s3] =	ssyncadd.s32 $0xFFFFFE00  }
0xdd: {  	[hbm4b:s6+s2] =	stream.linear.scatter [tilespmem:s12], [sflag:$0x2], $0x200, $0x38;
	[tilespmem:$0x1200] =	vst v63  }
0xde: {  	_ =	swait.ge [sflag:s3], $0x200  }
0xdf: {  	[sflag:s3] =	ssyncset.done $0x0  }
0xe0: {  	[sflag:s3] =	ssyncadd.s32 $0xFFFFFE00  }
0xe1: {  	[hbm4b:s5+s2] =	stream.linear.scatter [tilespmem:s9], [sflag:$0x2], $0x200, $0x38;
	[tilespmem:$0x1200] =	vst v63  }
0xe2: {  	_ =	swait.ge [sflag:s3], $0x200  }
0xe3: {  	s1 =	rddreg [dreg:$0x1d]  }
0xe4: {  	p1 =	sne.s32 s1, $0x1  }
.Ltmp1:
0xe5: {  	[sflag:s3] =	ssyncset.done $0x0;
	(pc) =	sbr.rel @!p1 .LBB2_3-.Ltmp1, $4  }
0xe6: {  	[sflag:s3] =	ssyncadd.s32 $0xFFFFFE00  }
0xe7: {  	[hbm4b:s4+s2] =	stream.linear.scatter [tilespmem:s7], [sflag:$0x2], $0x200, $0x38;
	[tilespmem:$0x1200] =	vst v63  }
0xe8: {  	p0 =	por $0x1, $0x1;
	_ =	swait.ge [sflag:s3], $0x200  }
0xe9: {  	s0 =	sadd.s32 $0xFFFFFFFF, s1;
	s1 =	rddreg [dreg:$0x3];
	[sflag:s3] =	ssyncset.done $0x0  }
.LBB2_2:
0xea: {  	[sflag:s3] =	ssyncadd.s32 $0xFFFFFE00  }
0xeb: {  	[tilespmem:s2], [sflag:$0x2] =	stream.linear.gather [hbm4b:s1+s2], $0x200, $0x38;
	[tilespmem:$0x1200] =	vst v63  }
0xec: {  	_ =	swait.ge [sflag:s3], $0x200  }
0xed: {  	[sflag:s3] =	ssyncset.done $0x0  }
0xee: {  	[sflag:s3] =	ssyncadd.s32 $0xFFFFFE00  }
0xef: {  	[tilespmem:s11], [sflag:$0x1] =	stream.indirect.gather [hbm4b:s25+s29], $0x1, s2, s29, $0xb8;
	[tilespmem:$0x1200] =	vst v63  }
0xf0: {  	s7 =	smov.u32 s6;
	s1 =	rddreg [dreg:$0x5]  }
0xf1: {  	[tilespmem:s1], [sflag:$0x1] =	stream.indirect.gather [hbm4b:s25+s29], $0x1, s29, s29, $0xb8;
	[tilespmem:$0x1200] =	vst v63  }
0xf2: {  	s6 =	smov.u32 s5;
	s5 =	smov.u32 s4;
	s4 =	rddreg [dreg:$0x6]  }
0xf3: {  	[tilespmem:s4], [sflag:$0x1] =	stream.indirect.gather [hbm4b:s25+s29], $0x1, s30, s29, $0xb8;
	[tilespmem:$0x1200] =	vst v63  }
0xf4: {  	s1 =	rddreg [dreg:$0x7]  }
0xf5: {  	[tilespmem:s1], [sflag:$0x1] =	stream.indirect.gather [hbm4b:s25+s29], $0x1, s31, s29, $0xb8;
	[tilespmem:$0x1200] =	vst v63  }
0xf6: {  	_ = 	snop  }
0xf7: {  	[tilespmem:s14], [sflag:$0x1] =	stream.indirect.gather [hbm4b:s28+s29], $0x1, s2, s29, $0xb8;
	[tilespmem:$0x1200] =	vst v63  }
0xf8: {  	s1 =	rddreg [dreg:$0x8]  }
0xf9: {  	[tilespmem:s1], [sflag:$0x1] =	stream.indirect.gather [hbm4b:s28+s29], $0x1, s29, s29, $0xb8;
	[tilespmem:$0x1200] =	vst v63  }
0xfa: {  	s4 =	rddreg [dreg:$0x9]  }
0xfb: {  	[tilespmem:s4], [sflag:$0x1] =	stream.indirect.gather [hbm4b:s28+s29], $0x1, s30, s29, $0xb8;
	[tilespmem:$0x1200] =	vst v63  }
0xfc: {  	s1 =	rddreg [dreg:$0xa]  }
0xfd: {  	[tilespmem:s1], [sflag:$0x1] =	stream.indirect.gather [hbm4b:s28+s29], $0x1, s31, s29, $0xb8;
	[tilespmem:$0x1200] =	vst v63  }
0xfe: {  	_ = 	snop  }
0xff: {  	[tilespmem:s17], [sflag:$0x1] =	stream.indirect.gather [hbm4b:s26+s29], $0x1, s2, s29, $0xb8;
	[tilespmem:$0x1200] =	vst v63  }
0x100: {  	s1 =	rddreg [dreg:$0xb]  }
0x101: {  	[tilespmem:s1], [sflag:$0x1] =	stream.indirect.gather [hbm4b:s26+s29], $0x1, s29, s29, $0xb8;
	[tilespmem:$0x1200] =	vst v63  }
0x102: {  	s4 =	rddreg [dreg:$0xc]  }
0x103: {  	[tilespmem:s4], [sflag:$0x1] =	stream.indirect.gather [hbm4b:s26+s29], $0x1, s30, s29, $0xb8;
	[tilespmem:$0x1200] =	vst v63  }
0x104: {  	s1 =	rddreg [dreg:$0xd]  }
0x105: {  	[tilespmem:s1], [sflag:$0x1] =	stream.indirect.gather [hbm4b:s26+s29], $0x1, s31, s29, $0xb8;
	[tilespmem:$0x1200] =	vst v63  }
0x106: {  	_ = 	snop  }
0x107: {  	[tilespmem:s18], [sflag:$0x1] =	stream.indirect.gather [hbm4b:s24+s29], $0x1, s2, s29, $0xb8;
	[tilespmem:$0x1200] =	vst v63  }
0x108: {  	s1 =	rddreg [dreg:$0xe]  }
0x109: {  	[tilespmem:s1], [sflag:$0x1] =	stream.indirect.gather [hbm4b:s24+s29], $0x1, s29, s29, $0xb8;
	[tilespmem:$0x1200] =	vst v63  }
0x10a: {  	s4 =	rddreg [dreg:$0xf]  }
0x10b: {  	[tilespmem:s4], [sflag:$0x1] =	stream.indirect.gather [hbm4b:s24+s29], $0x1, s30, s29, $0xb8;
	[tilespmem:$0x1200] =	vst v63  }
0x10c: {  	s1 =	rddreg [dreg:$0x10]  }
0x10d: {  	[tilespmem:s1], [sflag:$0x1] =	stream.indirect.gather [hbm4b:s24+s29], $0x1, s31, s29, $0xb8;
	[tilespmem:$0x1200] =	vst v63  }
0x10e: {  	_ = 	snop  }
0x10f: {  	[tilespmem:s15], [sflag:$0x1] =	stream.indirect.gather [hbm4b:s23+s29], $0x1, s2, s29, $0xb8;
	[tilespmem:$0x1200] =	vst v63  }
0x110: {  	s1 =	rddreg [dreg:$0x11]  }
0x111: {  	[tilespmem:s1], [sflag:$0x1] =	stream.indirect.gather [hbm4b:s23+s29], $0x1, s29, s29, $0xb8;
	[tilespmem:$0x1200] =	vst v63  }
0x112: {  	s4 =	rddreg [dreg:$0x12]  }
0x113: {  	[tilespmem:s4], [sflag:$0x1] =	stream.indirect.gather [hbm4b:s23+s29], $0x1, s30, s29, $0xb8;
	[tilespmem:$0x1200] =	vst v63  }
0x114: {  	s1 =	rddreg [dreg:$0x13]  }
0x115: {  	[tilespmem:s1], [sflag:$0x1] =	stream.indirect.gather [hbm4b:s23+s29], $0x1, s31, s29, $0xb8;
	[tilespmem:$0x1200] =	vst v63  }
0x116: {  	_ = 	snop  }
0x117: {  	[tilespmem:s12], [sflag:$0x1] =	stream.indirect.gather [hbm4b:s22+s29], $0x1, s2, s29, $0xb8;
	[tilespmem:$0x1200] =	vst v63  }
0x118: {  	s1 =	rddreg [dreg:$0x14]  }
0x119: {  	[tilespmem:s1], [sflag:$0x1] =	stream.indirect.gather [hbm4b:s22+s29], $0x1, s29, s29, $0xb8;
	[tilespmem:$0x1200] =	vst v63  }
0x11a: {  	s4 =	rddreg [dreg:$0x15]  }
0x11b: {  	[tilespmem:s4], [sflag:$0x1] =	stream.indirect.gather [hbm4b:s22+s29], $0x1, s30, s29, $0xb8;
	[tilespmem:$0x1200] =	vst v63  }
0x11c: {  	s1 =	rddreg [dreg:$0x16]  }
0x11d: {  	[tilespmem:s1], [sflag:$0x1] =	stream.indirect.gather [hbm4b:s22+s29], $0x1, s31, s29, $0xb8;
	[tilespmem:$0x1200] =	vst v63  }
0x11e: {  	s11 =	simm.s32 $0xE00  }
0x11f: {  	[tilespmem:s11], [sflag:$0x1] =	stream.indirect.gather [hbm4b:s21+s29], $0x1, s2, s29, $0xb8;
	[tilespmem:$0x1200] =	vst v63  }
0x120: {  	s1 =	rddreg [dreg:$0x17]  }
0x121: {  	[tilespmem:s1], [sflag:$0x1] =	stream.indirect.gather [hbm4b:s21+s29], $0x1, s29, s29, $0xb8;
	[tilespmem:$0x1200] =	vst v63  }
0x122: {  	s4 =	rddreg [dreg:$0x18]  }
0x123: {  	[tilespmem:s4], [sflag:$0x1] =	stream.indirect.gather [hbm4b:s21+s29], $0x1, s30, s29, $0xb8;
	[tilespmem:$0x1200] =	vst v63  }
0x124: {  	s1 =	rddreg [dreg:$0x19]  }
0x125: {  	[tilespmem:s1], [sflag:$0x1] =	stream.indirect.gather [hbm4b:s21+s29], $0x1, s31, s29, $0xb8;
	[tilespmem:$0x1200] =	vst v63  }
0x126: {  	s9 =	simm.s32 $0x1000  }
0x127: {  	[tilespmem:s9], [sflag:$0x1] =	stream.indirect.gather [hbm4b:s20+s29], $0x1, s2, s29, $0xb8;
	[tilespmem:$0x1200] =	vst v63  }
0x128: {  	s1 =	rddreg [dreg:$0x1a]  }
0x129: {  	[tilespmem:s1], [sflag:$0x1] =	stream.indirect.gather [hbm4b:s20+s29], $0x1, s29, s29, $0xb8;
	[tilespmem:$0x1200] =	vst v63  }
0x12a: {  	s4 =	rddreg [dreg:$0x1b]  }
0x12b: {  	[tilespmem:s4], [sflag:$0x1] =	stream.indirect.gather [hbm4b:s20+s29], $0x1, s30, s29, $0xb8;
	[tilespmem:$0x1200] =	vst v63  }
0x12c: {  	s1 =	rddreg [dreg:$0x1c]  }
0x12d: {  	[tilespmem:s1], [sflag:$0x1] =	stream.indirect.gather [hbm4b:s20+s29], $0x1, s31, s29, $0xb8;
	[tilespmem:$0x1200] =	vst v63  }
0x12e: {  	_ =	swait.ge [sflag:s19], $0x80  }
0x12f: {  	[sflag:s19] =	ssyncset.done $0x0  }
0x130: {  	[sflag:s19] =	ssyncadd.s32 $0xFFFFFF80  }
0x131: {  	_ =	swait.ge [sflag:s19], $0x80  }
0x132: {  	[sflag:s19] =	ssyncset.done $0x0  }
0x133: {  	[sflag:s19] =	ssyncadd.s32 $0xFFFFFF80  }
0x134: {  	_ =	swait.ge [sflag:s19], $0x80  }
0x135: {  	[sflag:s19] =	ssyncset.done $0x0  }
0x136: {  	[sflag:s19] =	ssyncadd.s32 $0xFFFFFF80  }
0x137: {  	_ =	swait.ge [sflag:s19], $0x80  }
0x138: {  	[sflag:s19] =	ssyncset.done $0x0  }
0x139: {  	[sflag:s19] =	ssyncadd.s32 $0xFFFFFF80  }
0x13a: {  	_ =	swait.ge [sflag:s19], $0x80  }
0x13b: {  	[sflag:s19] =	ssyncset.done $0x0  }
0x13c: {  	[sflag:s19] =	ssyncadd.s32 $0xFFFFFF80  }
0x13d: {  	_ =	swait.ge [sflag:s19], $0x80  }
0x13e: {  	[sflag:s19] =	ssyncset.done $0x0  }
0x13f: {  	[sflag:s19] =	ssyncadd.s32 $0xFFFFFF80  }
0x140: {  	_ =	swait.ge [sflag:s19], $0x80  }
0x141: {  	[sflag:s19] =	ssyncset.done $0x0  }
0x142: {  	[sflag:s19] =	ssyncadd.s32 $0xFFFFFF80  }
0x143: {  	_ =	swait.ge [sflag:s19], $0x80  }
0x144: {  	[sflag:s19] =	ssyncset.done $0x0  }
0x145: {  	[sflag:s19] =	ssyncadd.s32 $0xFFFFFF80  }
0x146: {  	_ =	swait.ge [sflag:s19], $0x80  }
0x147: {  	[sflag:s19] =	ssyncset.done $0x0  }
0x148: {  	[sflag:s19] =	ssyncadd.s32 $0xFFFFFF80  }
0x149: {  	_ =	swait.ge [sflag:s19], $0x80  }
0x14a: {  	[sflag:s19] =	ssyncset.done $0x0  }
0x14b: {  	[sflag:s19] =	ssyncadd.s32 $0xFFFFFF80  }
0x14c: {  	_ =	swait.ge [sflag:s19], $0x80  }
0x14d: {  	[sflag:s19] =	ssyncset.done $0x0  }
0x14e: {  	[sflag:s19] =	ssyncadd.s32 $0xFFFFFF80  }
0x14f: {  	_ =	swait.ge [sflag:s19], $0x80  }
0x150: {  	[sflag:s19] =	ssyncset.done $0x0  }
0x151: {  	[sflag:s19] =	ssyncadd.s32 $0xFFFFFF80  }
0x152: {  	_ =	swait.ge [sflag:s19], $0x80  }
0x153: {  	[sflag:s19] =	ssyncset.done $0x0  }
0x154: {  	[sflag:s19] =	ssyncadd.s32 $0xFFFFFF80  }
0x155: {  	_ =	swait.ge [sflag:s19], $0x80  }
0x156: {  	[sflag:s19] =	ssyncset.done $0x0  }
0x157: {  	[sflag:s19] =	ssyncadd.s32 $0xFFFFFF80  }
0x158: {  	_ =	swait.ge [sflag:s19], $0x80  }
0x159: {  	[sflag:s19] =	ssyncset.done $0x0  }
0x15a: {  	[sflag:s19] =	ssyncadd.s32 $0xFFFFFF80  }
0x15b: {  	_ =	swait.ge [sflag:s19], $0x80  }
0x15c: {  	[sflag:s19] =	ssyncset.done $0x0  }
0x15d: {  	[sflag:s19] =	ssyncadd.s32 $0xFFFFFF80  }
0x15e: {  	_ =	swait.ge [sflag:s19], $0x80  }
0x15f: {  	[sflag:s19] =	ssyncset.done $0x0  }
0x160: {  	[sflag:s19] =	ssyncadd.s32 $0xFFFFFF80  }
0x161: {  	_ =	swait.ge [sflag:s19], $0x80  }
0x162: {  	[sflag:s19] =	ssyncset.done $0x0  }
0x163: {  	[sflag:s19] =	ssyncadd.s32 $0xFFFFFF80  }
0x164: {  	_ =	swait.ge [sflag:s19], $0x80  }
0x165: {  	[sflag:s19] =	ssyncset.done $0x0  }
0x166: {  	[sflag:s19] =	ssyncadd.s32 $0xFFFFFF80  }
0x167: {  	_ =	swait.ge [sflag:s19], $0x80  }
0x168: {  	[sflag:s19] =	ssyncset.done $0x0  }
0x169: {  	[sflag:s19] =	ssyncadd.s32 $0xFFFFFF80  }
0x16a: {  	_ =	swait.ge [sflag:s19], $0x80  }
0x16b: {  	[sflag:s19] =	ssyncset.done $0x0  }
0x16c: {  	[sflag:s19] =	ssyncadd.s32 $0xFFFFFF80  }
0x16d: {  	_ =	swait.ge [sflag:s19], $0x80  }
0x16e: {  	[sflag:s19] =	ssyncset.done $0x0  }
0x16f: {  	[sflag:s19] =	ssyncadd.s32 $0xFFFFFF80  }
0x170: {  	_ =	swait.ge [sflag:s19], $0x80  }
0x171: {  	[sflag:s19] =	ssyncset.done $0x0  }
0x172: {  	[sflag:s19] =	ssyncadd.s32 $0xFFFFFF80  }
0x173: {  	_ =	swait.ge [sflag:s19], $0x80  }
0x174: {  	[sflag:s19] =	ssyncset.done $0x0  }
0x175: {  	[sflag:s19] =	ssyncadd.s32 $0xFFFFFF80  }
0x176: {  	_ =	swait.ge [sflag:s19], $0x80  }
0x177: {  	[sflag:s19] =	ssyncset.done $0x0  }
0x178: {  	[sflag:s19] =	ssyncadd.s32 $0xFFFFFF80  }
0x179: {  	_ =	swait.ge [sflag:s19], $0x80  }
0x17a: {  	[sflag:s19] =	ssyncset.done $0x0  }
0x17b: {  	[sflag:s19] =	ssyncadd.s32 $0xFFFFFF80  }
0x17c: {  	_ =	swait.ge [sflag:s19], $0x80  }
0x17d: {  	[sflag:s19] =	ssyncset.done $0x0  }
0x17e: {  	[sflag:s19] =	ssyncadd.s32 $0xFFFFFF80  }
0x17f: {  	_ =	swait.ge [sflag:s19], $0x80  }
0x180: {  	[sflag:s19] =	ssyncset.done $0x0  }
0x181: {  	[sflag:s19] =	ssyncadd.s32 $0xFFFFFF80  }
0x182: {  	_ =	swait.ge [sflag:s19], $0x80  }
0x183: {  	[sflag:s19] =	ssyncset.done $0x0  }
0x184: {  	[sflag:s19] =	ssyncadd.s32 $0xFFFFFF80  }
0x185: {  	_ =	swait.ge [sflag:s19], $0x80  }
0x186: {  	[sflag:s19] =	ssyncset.done $0x0  }
0x187: {  	[sflag:s19] =	ssyncadd.s32 $0xFFFFFF80  }
0x188: {  	_ =	swait.ge [sflag:s19], $0x80  }
0x189: {  	[sflag:s19] =	ssyncset.done $0x0  }
0x18a: {  	[sflag:s19] =	ssyncadd.s32 $0xFFFFFF80  }
0x18b: {  	_ =	swait.ge [sflag:s19], $0x80  }
0x18c: {  	[sflag:s19] =	ssyncset.done $0x0  }
0x18d: {  	s11 =	simm.s32 $0x200;
	s1 =	rddreg [dreg:$0x4];
	[sflag:s19] =	ssyncadd.s32 $0xFFFFFF80  }
0x18e: {  	[hbm4b:s1+s2] =	stream.linear.scatter [tilespmem:s11], [sflag:$0x2], $0x200, $0x38;
	[tilespmem:$0x1200] =	vst v63  }
0x18f: {  	_ =	swait.ge [sflag:s3], $0x200  }
0x190: {  	[sflag:s3] =	ssyncset.done $0x0  }
0x191: {  	[sflag:s3] =	ssyncadd.s32 $0xFFFFFE00  }
0x192: {  	[hbm4b:s16+s2] =	stream.linear.scatter [tilespmem:s14], [sflag:$0x2], $0x200, $0x38;
	[tilespmem:$0x1200] =	vst v63  }
0x193: {  	_ =	swait.ge [sflag:s3], $0x200  }
0x194: {  	[sflag:s3] =	ssyncset.done $0x0  }
0x195: {  	[sflag:s3] =	ssyncadd.s32 $0xFFFFFE00  }
0x196: {  	[hbm4b:s13+s2] =	stream.linear.scatter [tilespmem:s17], [sflag:$0x2], $0x200, $0x38;
	[tilespmem:$0x1200] =	vst v63  }
0x197: {  	_ =	swait.ge [sflag:s3], $0x200  }
0x198: {  	[sflag:s3] =	ssyncset.done $0x0  }
0x199: {  	[sflag:s3] =	ssyncadd.s32 $0xFFFFFE00  }
0x19a: {  	[hbm4b:s10+s2] =	stream.linear.scatter [tilespmem:s18], [sflag:$0x2], $0x200, $0x38;
	[tilespmem:$0x1200] =	vst v63  }
0x19b: {  	_ =	swait.ge [sflag:s3], $0x200  }
0x19c: {  	[sflag:s3] =	ssyncset.done $0x0  }
0x19d: {  	[sflag:s3] =	ssyncadd.s32 $0xFFFFFE00  }
0x19e: {  	[hbm4b:s8+s2] =	stream.linear.scatter [tilespmem:s15], [sflag:$0x2], $0x200, $0x38;
	[tilespmem:$0x1200] =	vst v63  }
0x19f: {  	_ =	swait.ge [sflag:s3], $0x200  }
0x1a0: {  	s4 =	smov.u32 s5;
	[sflag:s3] =	ssyncset.done $0x0  }
0x1a1: {  	s5 =	smov.u32 s6;
	s6 =	smov.u32 s7;
	[sflag:s3] =	ssyncadd.s32 $0xFFFFFE00  }
0x1a2: {  	[hbm4b:s6+s2] =	stream.linear.scatter [tilespmem:s12], [sflag:$0x2], $0x200, $0x38;
	[tilespmem:$0x1200] =	vst v63  }
0x1a3: {  	_ =	swait.ge [sflag:s3], $0x200  }
0x1a4: {  	[sflag:s3] =	ssyncset.done $0x0  }
0x1a5: {  	s9 =	simm.s32 $0xE00;
	[sflag:s3] =	ssyncadd.s32 $0xFFFFFE00  }
0x1a6: {  	[hbm4b:s5+s2] =	stream.linear.scatter [tilespmem:s9], [sflag:$0x2], $0x200, $0x38;
	[tilespmem:$0x1200] =	vst v63  }
0x1a7: {  	p1 =	sne.s32 s0, $0x1;
	_ =	swait.ge [sflag:s3], $0x200  }
.Ltmp2:
0x1a8: {  	[sflag:s3] =	ssyncset.done $0x0;
	(pc) =	sbr.rel @p1 .LBB2_2-.Ltmp2, $4  }
0x1a9: {  	s7 =	simm.s32 $0x1000;
	[sflag:s3] =	ssyncadd.s32 $0xFFFFFE00  }
0x1aa: {  	[hbm4b:s4+s2] =	stream.linear.scatter [tilespmem:s7], [sflag:$0x2], $0x200, $0x38;
	[tilespmem:$0x1200] =	vst v63  }
0x1ab: {  	_ =	swait.ge [sflag:s3], $0x200  }
0x1ac: {  	s0 =	sadd.s32 $0xFFFFFFFF, s0;
	s1 =	rddreg [dreg:$0x3];
	[sflag:s3] =	ssyncset.done $0x0  }
.LBB2_3:
0x1ad: {  	[sflag:s3] =	ssyncadd.s32 @p0 $0xFFFFFE00  }
0x1ae: {  	[tilespmem:s2], [sflag:$0x2] =	stream.linear.gather [hbm4b:s1+s2], $0x200, $0x38;
	[tilespmem:$0x1200] =	vst v63  }
0x1af: {  	_ =	swait.ge [sflag:s3], $0x200  }
0x1b0: {  	[sflag:s3] =	ssyncset.done $0x0  }
0x1b1: {  	[sflag:s3] =	ssyncadd.s32 $0xFFFFFE00  }
0x1b2: {  	[tilespmem:s11], [sflag:$0x1] =	stream.indirect.gather [hbm4b:s25+s29], $0x1, s2, s29, $0xb8;
	[tilespmem:$0x1200] =	vst v63  }
0x1b3: {  	s0 =	rddreg [dreg:$0x5]  }
0x1b4: {  	[tilespmem:s0], [sflag:$0x1] =	stream.indirect.gather [hbm4b:s25+s29], $0x1, s29, s29, $0xb8;
	[tilespmem:$0x1200] =	vst v63  }
0x1b5: {  	s1 =	rddreg [dreg:$0x6]  }
0x1b6: {  	[tilespmem:s1], [sflag:$0x1] =	stream.indirect.gather [hbm4b:s25+s29], $0x1, s30, s29, $0xb8;
	[tilespmem:$0x1200] =	vst v63  }
0x1b7: {  	s0 =	rddreg [dreg:$0x7]  }
0x1b8: {  	[tilespmem:s0], [sflag:$0x1] =	stream.indirect.gather [hbm4b:s25+s29], $0x1, s31, s29, $0xb8;
	[tilespmem:$0x1200] =	vst v63  }
0x1b9: {  	_ = 	snop  }
0x1ba: {  	[tilespmem:s14], [sflag:$0x1] =	stream.indirect.gather [hbm4b:s28+s29], $0x1, s2, s29, $0xb8;
	[tilespmem:$0x1200] =	vst v63  }
0x1bb: {  	s25 =	rddreg [dreg:$0x8]  }
0x1bc: {  	[tilespmem:s25], [sflag:$0x1] =	stream.indirect.gather [hbm4b:s28+s29], $0x1, s29, s29, $0xb8;
	[tilespmem:$0x1200] =	vst v63  }
0x1bd: {  	s1 =	rddreg [dreg:$0x9]  }
0x1be: {  	[tilespmem:s1], [sflag:$0x1] =	stream.indirect.gather [hbm4b:s28+s29], $0x1, s30, s29, $0xb8;
	[tilespmem:$0x1200] =	vst v63  }
0x1bf: {  	s25 =	rddreg [dreg:$0xa]  }
0x1c0: {  	[tilespmem:s25], [sflag:$0x1] =	stream.indirect.gather [hbm4b:s28+s29], $0x1, s31, s29, $0xb8;
	[tilespmem:$0x1200] =	vst v63  }
0x1c1: {  	_ = 	snop  }
0x1c2: {  	[tilespmem:s17], [sflag:$0x1] =	stream.indirect.gather [hbm4b:s26+s29], $0x1, s2, s29, $0xb8;
	[tilespmem:$0x1200] =	vst v63  }
0x1c3: {  	s25 =	rddreg [dreg:$0xb]  }
0x1c4: {  	[tilespmem:s25], [sflag:$0x1] =	stream.indirect.gather [hbm4b:s26+s29], $0x1, s29, s29, $0xb8;
	[tilespmem:$0x1200] =	vst v63  }
0x1c5: {  	s28 =	rddreg [dreg:$0xc]  }
0x1c6: {  	[tilespmem:s28], [sflag:$0x1] =	stream.indirect.gather [hbm4b:s26+s29], $0x1, s30, s29, $0xb8;
	[tilespmem:$0x1200] =	vst v63  }
0x1c7: {  	s25 =	rddreg [dreg:$0xd]  }
0x1c8: {  	[tilespmem:s25], [sflag:$0x1] =	stream.indirect.gather [hbm4b:s26+s29], $0x1, s31, s29, $0xb8;
	[tilespmem:$0x1200] =	vst v63  }
0x1c9: {  	_ = 	snop  }
0x1ca: {  	[tilespmem:s18], [sflag:$0x1] =	stream.indirect.gather [hbm4b:s24+s29], $0x1, s2, s29, $0xb8;
	[tilespmem:$0x1200] =	vst v63  }
0x1cb: {  	s26 =	rddreg [dreg:$0xe]  }
0x1cc: {  	[tilespmem:s26], [sflag:$0x1] =	stream.indirect.gather [hbm4b:s24+s29], $0x1, s29, s29, $0xb8;
	[tilespmem:$0x1200] =	vst v63  }
0x1cd: {  	s28 =	rddreg [dreg:$0xf]  }
0x1ce: {  	[tilespmem:s28], [sflag:$0x1] =	stream.indirect.gather [hbm4b:s24+s29], $0x1, s30, s29, $0xb8;
	[tilespmem:$0x1200] =	vst v63  }
0x1cf: {  	s25 =	rddreg [dreg:$0x10]  }
0x1d0: {  	[tilespmem:s25], [sflag:$0x1] =	stream.indirect.gather [hbm4b:s24+s29], $0x1, s31, s29, $0xb8;
	[tilespmem:$0x1200] =	vst v63  }
0x1d1: {  	_ = 	snop  }
0x1d2: {  	[tilespmem:s15], [sflag:$0x1] =	stream.indirect.gather [hbm4b:s23+s29], $0x1, s2, s29, $0xb8;
	[tilespmem:$0x1200] =	vst v63  }
0x1d3: {  	s26 =	rddreg [dreg:$0x11]  }
0x1d4: {  	[tilespmem:s26], [sflag:$0x1] =	stream.indirect.gather [hbm4b:s23+s29], $0x1, s29, s29, $0xb8;
	[tilespmem:$0x1200] =	vst v63  }
0x1d5: {  	s28 =	rddreg [dreg:$0x12]  }
0x1d6: {  	[tilespmem:s28], [sflag:$0x1] =	stream.indirect.gather [hbm4b:s23+s29], $0x1, s30, s29, $0xb8;
	[tilespmem:$0x1200] =	vst v63  }
0x1d7: {  	s24 =	rddreg [dreg:$0x13]  }
0x1d8: {  	[tilespmem:s24], [sflag:$0x1] =	stream.indirect.gather [hbm4b:s23+s29], $0x1, s31, s29, $0xb8;
	[tilespmem:$0x1200] =	vst v63  }
0x1d9: {  	_ = 	snop  }
0x1da: {  	[tilespmem:s12], [sflag:$0x1] =	stream.indirect.gather [hbm4b:s22+s29], $0x1, s2, s29, $0xb8;
	[tilespmem:$0x1200] =	vst v63  }
0x1db: {  	s25 =	rddreg [dreg:$0x14]  }
0x1dc: {  	[tilespmem:s25], [sflag:$0x1] =	stream.indirect.gather [hbm4b:s22+s29], $0x1, s29, s29, $0xb8;
	[tilespmem:$0x1200] =	vst v63  }
0x1dd: {  	s26 =	rddreg [dreg:$0x15]  }
0x1de: {  	[tilespmem:s26], [sflag:$0x1] =	stream.indirect.gather [hbm4b:s22+s29], $0x1, s30, s29, $0xb8;
	[tilespmem:$0x1200] =	vst v63  }
0x1df: {  	s28 =	rddreg [dreg:$0x16]  }
0x1e0: {  	[tilespmem:s28], [sflag:$0x1] =	stream.indirect.gather [hbm4b:s22+s29], $0x1, s31, s29, $0xb8;
	[tilespmem:$0x1200] =	vst v63  }
0x1e1: {  	_ = 	snop  }
0x1e2: {  	[tilespmem:s9], [sflag:$0x1] =	stream.indirect.gather [hbm4b:s21+s29], $0x1, s2, s29, $0xb8;
	[tilespmem:$0x1200] =	vst v63  }
0x1e3: {  	s22 =	rddreg [dreg:$0x17]  }
0x1e4: {  	[tilespmem:s22], [sflag:$0x1] =	stream.indirect.gather [hbm4b:s21+s29], $0x1, s29, s29, $0xb8;
	[tilespmem:$0x1200] =	vst v63  }
0x1e5: {  	s23 =	rddreg [dreg:$0x18]  }
0x1e6: {  	[tilespmem:s23], [sflag:$0x1] =	stream.indirect.gather [hbm4b:s21+s29], $0x1, s30, s29, $0xb8;
	[tilespmem:$0x1200] =	vst v63  }
0x1e7: {  	s24 =	rddreg [dreg:$0x19]  }
0x1e8: {  	[tilespmem:s24], [sflag:$0x1] =	stream.indirect.gather [hbm4b:s21+s29], $0x1, s31, s29, $0xb8;
	[tilespmem:$0x1200] =	vst v63  }
0x1e9: {  	_ = 	snop  }
0x1ea: {  	[tilespmem:s7], [sflag:$0x1] =	stream.indirect.gather [hbm4b:s20+s29], $0x1, s2, s29, $0xb8;
	[tilespmem:$0x1200] =	vst v63  }
0x1eb: {  	s25 =	rddreg [dreg:$0x1a]  }
0x1ec: {  	[tilespmem:s25], [sflag:$0x1] =	stream.indirect.gather [hbm4b:s20+s29], $0x1, s29, s29, $0xb8;
	[tilespmem:$0x1200] =	vst v63  }
0x1ed: {  	s26 =	rddreg [dreg:$0x1b]  }
0x1ee: {  	[tilespmem:s26], [sflag:$0x1] =	stream.indirect.gather [hbm4b:s20+s29], $0x1, s30, s29, $0xb8;
	[tilespmem:$0x1200] =	vst v63  }
0x1ef: {  	s28 =	rddreg [dreg:$0x1c]  }
0x1f0: {  	[tilespmem:s28], [sflag:$0x1] =	stream.indirect.gather [hbm4b:s20+s29], $0x1, s31, s29, $0xb8;
	[tilespmem:$0x1200] =	vst v63  }
0x1f1: {  	_ =	swait.ge [sflag:s19], $0x80  }
0x1f2: {  	[sflag:s19] =	ssyncset.done $0x0  }
0x1f3: {  	[sflag:s19] =	ssyncadd.s32 $0xFFFFFF80  }
0x1f4: {  	_ =	swait.ge [sflag:s19], $0x80  }
0x1f5: {  	[sflag:s19] =	ssyncset.done $0x0  }
0x1f6: {  	[sflag:s19] =	ssyncadd.s32 $0xFFFFFF80  }
0x1f7: {  	_ =	swait.ge [sflag:s19], $0x80  }
0x1f8: {  	[sflag:s19] =	ssyncset.done $0x0  }
0x1f9: {  	[sflag:s19] =	ssyncadd.s32 $0xFFFFFF80  }
0x1fa: {  	_ =	swait.ge [sflag:s19], $0x80  }
0x1fb: {  	[sflag:s19] =	ssyncset.done $0x0  }
0x1fc: {  	[sflag:s19] =	ssyncadd.s32 $0xFFFFFF80  }
0x1fd: {  	_ =	swait.ge [sflag:s19], $0x80  }
0x1fe: {  	[sflag:s19] =	ssyncset.done $0x0  }
0x1ff: {  	[sflag:s19] =	ssyncadd.s32 $0xFFFFFF80  }
0x200: {  	_ =	swait.ge [sflag:s19], $0x80  }
0x201: {  	[sflag:s19] =	ssyncset.done $0x0  }
0x202: {  	[sflag:s19] =	ssyncadd.s32 $0xFFFFFF80  }
0x203: {  	_ =	swait.ge [sflag:s19], $0x80  }
0x204: {  	[sflag:s19] =	ssyncset.done $0x0  }
0x205: {  	[sflag:s19] =	ssyncadd.s32 $0xFFFFFF80  }
0x206: {  	_ =	swait.ge [sflag:s19], $0x80  }
0x207: {  	[sflag:s19] =	ssyncset.done $0x0  }
0x208: {  	[sflag:s19] =	ssyncadd.s32 $0xFFFFFF80  }
0x209: {  	_ =	swait.ge [sflag:s19], $0x80  }
0x20a: {  	[sflag:s19] =	ssyncset.done $0x0  }
0x20b: {  	[sflag:s19] =	ssyncadd.s32 $0xFFFFFF80  }
0x20c: {  	_ =	swait.ge [sflag:s19], $0x80  }
0x20d: {  	[sflag:s19] =	ssyncset.done $0x0  }
0x20e: {  	[sflag:s19] =	ssyncadd.s32 $0xFFFFFF80  }
0x20f: {  	_ =	swait.ge [sflag:s19], $0x80  }
0x210: {  	[sflag:s19] =	ssyncset.done $0x0  }
0x211: {  	[sflag:s19] =	ssyncadd.s32 $0xFFFFFF80  }
0x212: {  	_ =	swait.ge [sflag:s19], $0x80  }
0x213: {  	[sflag:s19] =	ssyncset.done $0x0  }
0x214: {  	[sflag:s19] =	ssyncadd.s32 $0xFFFFFF80  }
0x215: {  	_ =	swait.ge [sflag:s19], $0x80  }
0x216: {  	[sflag:s19] =	ssyncset.done $0x0  }
0x217: {  	[sflag:s19] =	ssyncadd.s32 $0xFFFFFF80  }
0x218: {  	_ =	swait.ge [sflag:s19], $0x80  }
0x219: {  	[sflag:s19] =	ssyncset.done $0x0  }
0x21a: {  	[sflag:s19] =	ssyncadd.s32 $0xFFFFFF80  }
0x21b: {  	_ =	swait.ge [sflag:s19], $0x80  }
0x21c: {  	[sflag:s19] =	ssyncset.done $0x0  }
0x21d: {  	[sflag:s19] =	ssyncadd.s32 $0xFFFFFF80  }
0x21e: {  	_ =	swait.ge [sflag:s19], $0x80  }
0x21f: {  	[sflag:s19] =	ssyncset.done $0x0  }
0x220: {  	[sflag:s19] =	ssyncadd.s32 $0xFFFFFF80  }
0x221: {  	_ =	swait.ge [sflag:s19], $0x80  }
0x222: {  	[sflag:s19] =	ssyncset.done $0x0  }
0x223: {  	[sflag:s19] =	ssyncadd.s32 $0xFFFFFF80  }
0x224: {  	_ =	swait.ge [sflag:s19], $0x80  }
0x225: {  	[sflag:s19] =	ssyncset.done $0x0  }
0x226: {  	[sflag:s19] =	ssyncadd.s32 $0xFFFFFF80  }
0x227: {  	_ =	swait.ge [sflag:s19], $0x80  }
0x228: {  	[sflag:s19] =	ssyncset.done $0x0  }
0x229: {  	[sflag:s19] =	ssyncadd.s32 $0xFFFFFF80  }
0x22a: {  	_ =	swait.ge [sflag:s19], $0x80  }
0x22b: {  	[sflag:s19] =	ssyncset.done $0x0  }
0x22c: {  	[sflag:s19] =	ssyncadd.s32 $0xFFFFFF80  }
0x22d: {  	_ =	swait.ge [sflag:s19], $0x80  }
0x22e: {  	[sflag:s19] =	ssyncset.done $0x0  }
0x22f: {  	[sflag:s19] =	ssyncadd.s32 $0xFFFFFF80  }
0x230: {  	_ =	swait.ge [sflag:s19], $0x80  }
0x231: {  	[sflag:s19] =	ssyncset.done $0x0  }
0x232: {  	[sflag:s19] =	ssyncadd.s32 $0xFFFFFF80  }
0x233: {  	_ =	swait.ge [sflag:s19], $0x80  }
0x234: {  	[sflag:s19] =	ssyncset.done $0x0  }
0x235: {  	[sflag:s19] =	ssyncadd.s32 $0xFFFFFF80  }
0x236: {  	_ =	swait.ge [sflag:s19], $0x80  }
0x237: {  	[sflag:s19] =	ssyncset.done $0x0  }
0x238: {  	[sflag:s19] =	ssyncadd.s32 $0xFFFFFF80  }
0x239: {  	_ =	swait.ge [sflag:s19], $0x80  }
0x23a: {  	[sflag:s19] =	ssyncset.done $0x0  }
0x23b: {  	[sflag:s19] =	ssyncadd.s32 $0xFFFFFF80  }
0x23c: {  	_ =	swait.ge [sflag:s19], $0x80  }
0x23d: {  	[sflag:s19] =	ssyncset.done $0x0  }
0x23e: {  	[sflag:s19] =	ssyncadd.s32 $0xFFFFFF80  }
0x23f: {  	_ =	swait.ge [sflag:s19], $0x80  }
0x240: {  	[sflag:s19] =	ssyncset.done $0x0  }
0x241: {  	[sflag:s19] =	ssyncadd.s32 $0xFFFFFF80  }
0x242: {  	_ =	swait.ge [sflag:s19], $0x80  }
0x243: {  	[sflag:s19] =	ssyncset.done $0x0  }
0x244: {  	[sflag:s19] =	ssyncadd.s32 $0xFFFFFF80  }
0x245: {  	_ =	swait.ge [sflag:s19], $0x80  }
0x246: {  	[sflag:s19] =	ssyncset.done $0x0  }
0x247: {  	[sflag:s19] =	ssyncadd.s32 $0xFFFFFF80  }
0x248: {  	_ =	swait.ge [sflag:s19], $0x80  }
0x249: {  	[sflag:s19] =	ssyncset.done $0x0  }
0x24a: {  	[sflag:s19] =	ssyncadd.s32 $0xFFFFFF80  }
0x24b: {  	_ =	swait.ge [sflag:s19], $0x80  }
0x24c: {  	[sflag:s19] =	ssyncset.done $0x0  }
0x24d: {  	[sflag:s19] =	ssyncadd.s32 $0xFFFFFF80  }
0x24e: {  	_ =	swait.ge [sflag:s19], $0x80  }
0x24f: {  	[sflag:s19] =	ssyncset.done $0x0  }
0x250: {  	s30 =	rddreg [dreg:$0x4];
	[sflag:s19] =	ssyncadd.s32 $0xFFFFFF80  }
0x251: {  	[hbm4b:s30+s2] =	stream.linear.scatter [tilespmem:s11], [sflag:$0x2], $0x200, $0x38;
	[tilespmem:$0x1200] =	vst v63  }
0x252: {  	_ =	swait.ge [sflag:s3], $0x200  }
0x253: {  	[sflag:s3] =	ssyncset.done $0x0  }
0x254: {  	[sflag:s3] =	ssyncadd.s32 $0xFFFFFE00  }
0x255: {  	[hbm4b:s16+s2] =	stream.linear.scatter [tilespmem:s14], [sflag:$0x2], $0x200, $0x38;
	[tilespmem:$0x1200] =	vst v63  }
0x256: {  	_ =	swait.ge [sflag:s3], $0x200  }
0x257: {  	[sflag:s3] =	ssyncset.done $0x0  }
0x258: {  	[sflag:s3] =	ssyncadd.s32 $0xFFFFFE00  }
0x259: {  	[hbm4b:s13+s2] =	stream.linear.scatter [tilespmem:s17], [sflag:$0x2], $0x200, $0x38;
	[tilespmem:$0x1200] =	vst v63  }
0x25a: {  	_ =	swait.ge [sflag:s3], $0x200  }
0x25b: {  	[sflag:s3] =	ssyncset.done $0x0  }
0x25c: {  	[sflag:s3] =	ssyncadd.s32 $0xFFFFFE00  }
0x25d: {  	[hbm4b:s10+s2] =	stream.linear.scatter [tilespmem:s18], [sflag:$0x2], $0x200, $0x38;
	[tilespmem:$0x1200] =	vst v63  }
0x25e: {  	_ =	swait.ge [sflag:s3], $0x200  }
0x25f: {  	[sflag:s3] =	ssyncset.done $0x0  }
0x260: {  	[sflag:s3] =	ssyncadd.s32 $0xFFFFFE00  }
0x261: {  	[hbm4b:s8+s2] =	stream.linear.scatter [tilespmem:s15], [sflag:$0x2], $0x200, $0x38;
	[tilespmem:$0x1200] =	vst v63  }
0x262: {  	_ =	swait.ge [sflag:s3], $0x200  }
0x263: {  	[sflag:s3] =	ssyncset.done $0x0  }
0x264: {  	[sflag:s3] =	ssyncadd.s32 $0xFFFFFE00  }
0x265: {  	[hbm4b:s6+s2] =	stream.linear.scatter [tilespmem:s12], [sflag:$0x2], $0x200, $0x38;
	[tilespmem:$0x1200] =	vst v63  }
0x266: {  	_ =	swait.ge [sflag:s3], $0x200  }
0x267: {  	[sflag:s3] =	ssyncset.done $0x0  }
0x268: {  	[sflag:s3] =	ssyncadd.s32 $0xFFFFFE00  }
0x269: {  	[hbm4b:s5+s2] =	stream.linear.scatter [tilespmem:s9], [sflag:$0x2], $0x200, $0x38;
	[tilespmem:$0x1200] =	vst v63  }
0x26a: {  	_ =	swait.ge [sflag:s3], $0x200  }
0x26b: {  	[sflag:s3] =	ssyncset.done $0x0  }
0x26c: {  	[sflag:s3] =	ssyncadd.s32 $0xFFFFFE00  }
0x26d: {  	[hbm4b:s4+s2] =	stream.linear.scatter [tilespmem:s7], [sflag:$0x2], $0x200, $0x38;
	[tilespmem:$0x1200] =	vst v63  }
0x26e: {  	_ =	swait.ge [sflag:s3], $0x200  }
0x26f: {  	[sflag:s3] =	ssyncset.done $0x0  }
0x270: {  	[sflag:s3] =	ssyncadd.s32 $0xFFFFFE00  }
0x271: {  	_ =	sfence.sel $0x180000  }
0x272: {  	[bflag:$0x0] =	sbarrier.arrive $0xFFFF  }
0x273: {  	_ =	strace $0x9000004A  }
0x274: {  	s31 =	stileid.u32;
	[bflag:$0x2] =	sbarrier.arrive $0xFFFF  }
0x275: {  	p0 =	sne.s32 s31, $0x0;
	s0 =	rddreg [dreg:$0x2]  }
0x276: {  	s0 =	sadd.s32 @!p0 $0x100000, s0  }
0x277: {  	[sflag:s0] =	ssyncadd.tile.s32 @!p0 $0x1;
	_ =	shalt  }
.Lfunc_end2:
_tile_overlayer_lowered:
.L_overlay_start_2:
0x278: {  	(tag) =	ssettag $0x2  }
0x279: {  	s0 =	rddreg [dreg:$0x0];
	s2 =	stileid.u32  }
0x27a: {  	s1 =	rddreg [dreg:$0x1];
	p0 =	sne.s32 s2, $0x0  }
0x27b: {  	s3 =	rddreg [dreg:$0x2];
	[bflag:$0x3] =	sbarrier.arrive $0xFFFF;
	s2 =	simm.s32 @!p0 $0x1C02  }
0x27c: {  	[timem:s3], [sflag:s2] =	dma.local @!p0 [hbm:s0], s1  }
0x27d: {  	s0 =	simm.s32 @!p0 $0x2  }
0x27e: {  	_ =	swait.ge @!p0 [sflag:s0], s1  }
0x27f: {  	s1 =	ssub.s32 @!p0 $0x0, s1;
	[sflag:s0] =	ssyncset.done @!p0 $0x0  }
0x280: {  	[sflag:s0] =	ssyncadd.s32 @!p0 s1  }
0x281: {  	[bflag:$0x3] =	sbarrier.arrive $0xFFFF  }
0x282: {  	_ =	shalt  }

</sc_bundles>
